<compile_context>
chip_gen: v7x
topology: tpu7x:2x2x1
jax: 0.10.2.dev20260603
libtpu: 0.0.44.dev20260713+nightly
codegen_flags: <defaults>
</compile_context>

<pallas_src>
import functools

import jax
import jax.numpy as jnp
from jax import lax
from jax.experimental import pallas as pl
from jax.experimental.pallas import tpu as pltpu
from jax.experimental.pallas import tpu_sc as plsc

DIM = 64
BATCH = 16384
HIST = 50

B = BATCH * HIST
NW = 32
CHUNK = 128
N_CHUNKS = B // CHUNK
C_PER_W = N_CHUNKS // NW
N_PAIRS = C_PER_W // 2
BT = BATCH // CHUNK


def _make_gather():
    mesh = plsc.VectorSubcoreMesh(core_axis_name="c", subcore_axis_name="s")

    @functools.partial(
        pl.kernel,
        mesh=mesh,
        out_type=jax.ShapeDtypeStruct((HIST, DIM // 8, BT, 1024),
                                      jnp.float32),
        scratch_types=[
            pltpu.VMEM((C_PER_W, CHUNK), jnp.int32),
            [pltpu.VMEM((CHUNK, DIM), jnp.float32) for _ in range(2)],
            [pltpu.VMEM((8 * 1024,), jnp.float32) for _ in range(2)],
            [pltpu.SemaphoreType.DMA for _ in range(2)],
            [pltpu.SemaphoreType.DMA for _ in range(2)],
        ],
        compiler_params=pltpu.CompilerParams(use_tc_tiling_on_sc=False,
                                             needs_layout_passes=False),
    )
    def gather_kernel(table_hbm, idx_hbm, out_hbm, idx_v, rows, tbuf,
                      gsem, wsem):
        wid = lax.axis_index("s") * 2 + lax.axis_index("c")
        chunk0 = wid * C_PER_W
        pltpu.sync_copy(idx_hbm.at[pl.ds(chunk0, C_PER_W)], idx_v)

        lane = lax.broadcasted_iota(jnp.int32, (16,), 0)
        rotidx = (lane + 1) % 16

        def fire(c, p):
            pltpu.async_copy(table_hbm.at[idx_v.at[c]], rows[p], gsem[p])

        def drain(c, p):
            pltpu.make_async_copy(table_hbm.at[idx_v.at[c]], rows[p],
                                  gsem[p]).wait()

        def wait_out(h, tc, p):
            for tr in range(8):
                pltpu.make_async_copy(tbuf[p].at[pl.ds(tr * 1024, 1024)],
                                      out_hbm.at[h, tr, tc],
                                      wsem[p]).wait()

        fire(0, 0)

        def pair_body(c2, _):
            for p in range(2):
                c = 2 * c2 + p
                cg = chunk0 + c
                h = cg // BT
                tc = cg % BT
                drain(c, p)

                @pl.when(c + 1 < C_PER_W)
                def _():
                    fire(c + 1, 1 - p)

                @pl.when(c2 >= 1)
                def _():
                    wait_out(h, tc, p)

                def bloop(bg, _, p=p):
                    b0 = bg * 16
                    bvec = b0 + lane
                    for d0 in range(0, DIM, 16):
                        sb2 = bvec + d0 * CHUNK
                        jm = lane
                        for r in range(16):
                            v = plsc.load_gather(
                                rows[p], [bvec, jm + d0])
                            plsc.store_scatter(
                                tbuf[p], [(jm * CHUNK) + sb2], v)
                            if r < 15:
                                jm = jm[rotidx]
                    return 0

                lax.fori_loop(0, CHUNK // 16, bloop, 0)

                for tr in range(8):
                    pltpu.async_copy(tbuf[p].at[pl.ds(tr * 1024, 1024)],
                                     out_hbm.at[h, tr, tc], wsem[p])
            return 0

        lax.fori_loop(0, N_PAIRS, pair_body, 0)

        for c in (C_PER_W - 2, C_PER_W - 1):
            cg = chunk0 + c
            wait_out(cg // BT, cg % BT, c & 1)

    return gather_kernel


_gather = _make_gather()


def kernel(data, ivectors, ovectors):
    idx = data.T.reshape(N_CHUNKS, CHUNK).astype(jnp.int32)
    o5 = _gather(ivectors, idx)
    out = (o5.reshape(HIST, DIM // 8, BT, 8, CHUNK)
           .transpose(2, 4, 0, 1, 3)
           .reshape(BATCH, HIST, DIM))
    return out

# --- scband reference (transcript-rebuilt; emitter-appended) ---
"""Pipeline reference for scband-word2-vec-87806311399851 (READ-ONLY COPY).

The authoritative reference and input builder live on the scoring server;
editing this copy changes nothing except your own understanding.
"""

import jax, jax.numpy as jnp
import numpy as np

N_NODES = 1000000
DIM = 64
BATCH = 16384
HIST = 50

def setup_inputs(seed: int = 0) -> dict:
    key = jax.random.key(seed)
    k_idx, k_iv, k_ov = jax.random.split(key, 3)
    data = jax.random.randint(k_idx, (BATCH, HIST), 0, N_NODES, dtype=jnp.int64 if jax.config.jax_enable_x64 else jnp.int32)
    # Embedding tables: row 0 is zeros, rows 1..n_nodes uniform(-0.5/dim, 0.5/dim)
    ivectors = jnp.concatenate([
        jnp.zeros((1, DIM), dtype=jnp.float32),
        jax.random.uniform(k_iv, (N_NODES, DIM), dtype=jnp.float32, minval=-0.5 / DIM, maxval=0.5 / DIM),
    ], axis=0)
    ovectors = jnp.concatenate([
        jnp.zeros((1, DIM), dtype=jnp.float32),
        jax.random.uniform(k_ov, (N_NODES, DIM), dtype=jnp.float32, minval=-0.5 / DIM, maxval=0.5 / DIM),
    ], axis=0)
    return {"data": data, "ivectors": ivectors, "ovectors": ovectors}

def reference(data, ivectors, ovectors):
    # forward(data) = self.ivectors(data); training mode returns the tensor directly.
    x = jnp.take(ivectors, data, axis=0)
    return x

if __name__ == "__main__":
    import jax
    _d = setup_inputs()
    print(jax.jit(kernel)(*tuple(_d.values())))

</pallas_src>

<mosaic_0001>
#map = affine_map<(d0, d1) -> (0, 0)>
#map1 = affine_map<(d0, d1) -> (0, 0, 0, 0)>
module attributes {stable_mosaic.version = 14 : i64} {
  func.func @gather_kernel(%arg0: i32, %arg1: i32, %arg2: memref<1000001x64xf32, #tpu.memory_space<hbm>>, %arg3: memref<6400x128xi32, #tpu.memory_space<hbm>>, %arg4: memref<50x8x128x1024xf32, #tpu.memory_space<hbm>>, %arg5: memref<200x128xi32, #tpu.memory_space<vmem>>, %arg6: memref<128x64xf32, #tpu.memory_space<vmem>>, %arg7: memref<128x64xf32, #tpu.memory_space<vmem>>, %arg8: memref<8192xf32, #tpu.memory_space<vmem>>, %arg9: memref<8192xf32, #tpu.memory_space<vmem>>, %arg10: memref<!tpu.dma_semaphore, #tpu.memory_space<semaphore_mem>>, %arg11: memref<!tpu.dma_semaphore, #tpu.memory_space<semaphore_mem>>, %arg12: memref<!tpu.dma_semaphore, #tpu.memory_space<semaphore_mem>>, %arg13: memref<!tpu.dma_semaphore, #tpu.memory_space<semaphore_mem>>) attributes {dimension_semantics = [#tpu.dimension_semantics<core_parallel>, #tpu.dimension_semantics<subcore_parallel>], iteration_bounds = array<i64: 2, 16>, scalar_prefetch = 0 : i64, scratch_operands = 9 : i64, tpu.core_type = #tpu.core_type<sc_vector_subcore>, window_params = [{transform_indices = #map}, {transform_indices = #map}, {transform_indices = #map1}]} {
    %mul3A = arith.constant 2 : i32
    %mul3A_0 = arith.muli %arg1, %mul3A : i32
    %add3A = arith.addi %mul3A_0, %arg0 : i32
    %mul3A_1 = arith.constant 200 : i32
    %mul3A_2 = arith.muli %add3A, %mul3A_1 : i32
    "tpu.region"() ({
      %run_scoped3A = tpu.sem_alloc : memref<!tpu.dma_semaphore, #tpu.memory_space<semaphore_mem>>
      %dma_start3A_289 = arith.constant 0 : i32
      %dma_start3A_290 = tpu.memref_slice %arg3[%mul3A_2, %dma_start3A_289] : memref<6400x128xi32, #tpu.memory_space<hbm>> -> memref<200x128xi32, #tpu.memory_space<hbm>>
      %dma_start3A_291 = arith.constant 0 : i32
      %dma_start3A_292 = tpu.memref_slice %arg3[%mul3A_2, %dma_start3A_291] : memref<6400x128xi32, #tpu.memory_space<hbm>> -> memref<200x128xi32, #tpu.memory_space<hbm>>
      tpu.enqueue_dma source(%dma_start3A_292 : memref<200x128xi32, #tpu.memory_space<hbm>>) target(%arg5 : memref<200x128xi32, #tpu.memory_space<vmem>>) target_semaphore(%run_scoped3A : memref<!tpu.dma_semaphore, #tpu.memory_space<semaphore_mem>>)
      %dma_wait3A_293 = arith.constant 0 : i32
      %dma_wait3A_294 = tpu.memref_slice %arg3[%mul3A_2, %dma_wait3A_293] : memref<6400x128xi32, #tpu.memory_space<hbm>> -> memref<200x128xi32, #tpu.memory_space<hbm>>
      %dma_wait3A_295 = arith.constant 0 : i32
      %dma_wait3A_296 = tpu.memref_slice %arg3[%mul3A_2, %dma_wait3A_295] : memref<6400x128xi32, #tpu.memory_space<hbm>> -> memref<200x128xi32, #tpu.memory_space<hbm>>
      tpu.wait_dma2 semaphore(%run_scoped3A : memref<!tpu.dma_semaphore, #tpu.memory_space<semaphore_mem>>) src(%dma_wait3A_296 : memref<200x128xi32, #tpu.memory_space<hbm>>) dst(%arg5 : memref<200x128xi32, #tpu.memory_space<vmem>>)
      tpu.yield
    }) : () -> ()
    %iota3A = tpu.iota {dimensions = array<i32: 0>} : vector<16xi32>
    %add3A_3 = arith.constant 1 : i32
    %add3A_4 = vector.broadcast %add3A_3 : i32 to vector<16xi32>
    %add3A_5 = arith.addi %iota3A, %add3A_4 : vector<16xi32>
    %jit3A = arith.constant 16 : i32
    %eq3A = arith.constant 0 : i32
    %eq3A_6 = arith.cmpi eq, %jit3A, %eq3A : i32
    %jit3A_7 = arith.constant 1 : i32
    %select_n3A = arith.select %eq3A_6, %jit3A_7, %jit3A : i32
    %rem3A = vector.broadcast %select_n3A : i32 to vector<16xi32>
    %rem3A_8 = arith.remsi %add3A_5, %rem3A : vector<16xi32>
    %ne3A = arith.constant 0 : i32
    %ne3A_9 = vector.broadcast %ne3A : i32 to vector<16xi32>
    %ne3A_10 = arith.cmpi ne, %rem3A_8, %ne3A_9 : vector<16xi32>
    %lt3A = arith.constant 0 : i32
    %lt3A_11 = vector.broadcast %lt3A : i32 to vector<16xi32>
    %lt3A_12 = arith.cmpi slt, %rem3A_8, %lt3A_11 : vector<16xi32>
    %lt3A_13 = arith.constant 0 : i32
    %lt3A_14 = arith.cmpi slt, %select_n3A, %lt3A_13 : i32
    %ne3A_15 = vector.broadcast %lt3A_14 : i1 to vector<16xi1>
    %ne3A_16 = vector.broadcast %ne3A_15 : vector<16xi1> to vector<16xi1>
    %ne3A_17 = arith.xori %lt3A_12, %ne3A_16 : vector<16xi1>
    %and3A = arith.andi %ne3A_17, %ne3A_10 : vector<16xi1>
    %add3A_18 = vector.broadcast %select_n3A : i32 to vector<16xi32>
    %add3A_19 = arith.addi %rem3A_8, %add3A_18 : vector<16xi32>
    %select_n3A_20 = arith.select %and3A, %add3A_19, %rem3A_8 : vector<16xi1>, vector<16xi32>
    %dma_start3A = arith.constant 0 : i32
    %dma_start3A_21 = arith.constant 0 : i32
    %dma_start3A_22 = tpu.memref_slice %arg5[%dma_start3A, %dma_start3A_21] : memref<200x128xi32, #tpu.memory_space<vmem>> -> memref<1x128xi32, #tpu.memory_space<vmem>>
    %dma_start3A_23 = tpu.memref_squeeze %dma_start3A_22 : memref<1x128xi32, #tpu.memory_space<vmem>> -> memref<128xi32, #tpu.memory_space<vmem>>
    %dma_start3A_24 = arith.constant 0 : i32
    %dma_start3A_25 = arith.constant 0 : i32
    %dma_start3A_26 = tpu.memref_slice %arg2[%dma_start3A_24, %dma_start3A_25] : memref<1000001x64xf32, #tpu.memory_space<hbm>> -> memref<1000001x64xf32, #tpu.memory_space<hbm>>
    tpu.enqueue_indirect_dma source(%dma_start3A_26 : memref<1000001x64xf32, #tpu.memory_space<hbm>>) target(%arg6 : memref<128x64xf32, #tpu.memory_space<vmem>>) offsets(%dma_start3A_23 : memref<128xi32, #tpu.memory_space<vmem>>) semaphore(%arg10 : memref<!tpu.dma_semaphore, #tpu.memory_space<semaphore_mem>>)
    %scan3A = arith.constant 0 : i32
    %scan3A_27 = arith.constant 0 : i32
    %scan3A_28 = arith.constant 100 : i32
    %scan3A_29 = arith.addi %scan3A_27, %scan3A_28 : i32
    %scan3A_30 = arith.constant 1 : i32
    %scan3A_31 = scf.for %scan3A_289 = %scan3A_27 to %scan3A_29 step %scan3A_30 iter_args(%scan3A_290 = %scan3A) -> (i32)  : i32 {
      %mul3A_291 = arith.constant 2 : i32
      %mul3A_292 = arith.muli %mul3A_291, %scan3A_289 : i32
      %add3A_293 = arith.constant 0 : i32
      %add3A_294 = arith.addi %mul3A_292, %add3A_293 : i32
      %add3A_295 = arith.addi %mul3A_2, %add3A_294 : i32
      %jit3A_296 = arith.constant 128 : i32
      %div3A_297 = arith.divsi %add3A_295, %jit3A_296 : i32
      %sign3A_298 = arith.constant 0 : i32
      %sign3A_299 = arith.cmpi sgt, %add3A_295, %sign3A_298 : i32
      %sign3A_300 = arith.extui %sign3A_299 : i1 to i32
      %sign3A_301 = arith.constant 0 : i32
      %sign3A_302 = arith.cmpi slt, %add3A_295, %sign3A_301 : i32
      %sign3A_303 = arith.extui %sign3A_302 : i1 to i32
      %sign3A_304 = arith.subi %sign3A_300, %sign3A_303 : i32
      %sign3A_305 = arith.constant 0 : i32
      %sign3A_306 = arith.cmpi sgt, %jit3A_296, %sign3A_305 : i32
      %sign3A_307 = arith.extui %sign3A_306 : i1 to i32
      %sign3A_308 = arith.constant 0 : i32
      %sign3A_309 = arith.cmpi slt, %jit3A_296, %sign3A_308 : i32
      %sign3A_310 = arith.extui %sign3A_309 : i1 to i32
      %sign3A_311 = arith.subi %sign3A_307, %sign3A_310 : i32
      %ne3A_312 = arith.cmpi ne, %sign3A_304, %sign3A_311 : i32
      %rem3A_313 = arith.remsi %add3A_295, %jit3A_296 : i32
      %ne3A_314 = arith.constant 0 : i32
      %ne3A_315 = arith.cmpi ne, %rem3A_313, %ne3A_314 : i32
      %and3A_316 = arith.andi %ne3A_312, %ne3A_315 : i1
      %sub3A_317 = arith.constant 1 : i32
      %sub3A_318 = arith.subi %div3A_297, %sub3A_317 : i32
      %select_n3A_319 = arith.select %and3A_316, %sub3A_318, %div3A_297 : i32
      %jit3A_320 = arith.constant 128 : i32
      %eq3A_321 = arith.constant 0 : i32
      %eq3A_322 = arith.cmpi eq, %jit3A_320, %eq3A_321 : i32
      %jit3A_323 = arith.constant 1 : i32
      %select_n3A_324 = arith.select %eq3A_322, %jit3A_323, %jit3A_320 : i32
      %rem3A_325 = arith.remsi %add3A_295, %select_n3A_324 : i32
      %ne3A_326 = arith.constant 0 : i32
      %ne3A_327 = arith.cmpi ne, %rem3A_325, %ne3A_326 : i32
      %lt3A_328 = arith.constant 0 : i32
      %lt3A_329 = arith.cmpi slt, %rem3A_325, %lt3A_328 : i32
      %lt3A_330 = arith.constant 0 : i32
      %lt3A_331 = arith.cmpi slt, %select_n3A_324, %lt3A_330 : i32
      %ne3A_332 = arith.xori %lt3A_329, %lt3A_331 : i1
      %and3A_333 = arith.andi %ne3A_332, %ne3A_327 : i1
      %add3A_334 = arith.addi %rem3A_325, %select_n3A_324 : i32
      %select_n3A_335 = arith.select %and3A_333, %add3A_334, %rem3A_325 : i32
      %dma_wait3A_336 = arith.constant 0 : i32
      %dma_wait3A_337 = tpu.memref_slice %arg5[%add3A_294, %dma_wait3A_336] : memref<200x128xi32, #tpu.memory_space<vmem>> -> memref<1x128xi32, #tpu.memory_space<vmem>>
      %dma_wait3A_338 = tpu.memref_squeeze %dma_wait3A_337 : memref<1x128xi32, #tpu.memory_space<vmem>> -> memref<128xi32, #tpu.memory_space<vmem>>
      %dma_wait3A_339 = arith.constant 0 : i32
      %dma_wait3A_340 = arith.constant 0 : i32
      %dma_wait3A_341 = tpu.memref_slice %arg2[%dma_wait3A_339, %dma_wait3A_340] : memref<1000001x64xf32, #tpu.memory_space<hbm>> -> memref<1000001x64xf32, #tpu.memory_space<hbm>>
      tpu.wait_indirect_dma semaphore(%arg10 : memref<!tpu.dma_semaphore, #tpu.memory_space<semaphore_mem>>) src(%dma_wait3A_341 : memref<1000001x64xf32, #tpu.memory_space<hbm>>) dst(%arg6 : memref<128x64xf32, #tpu.memory_space<vmem>>)
      %add3A_342 = arith.constant 1 : i32
      %add3A_343 = arith.addi %add3A_294, %add3A_342 : i32
      %lt3A_344 = arith.constant 200 : i32
      %lt3A_345 = arith.cmpi slt, %add3A_343, %lt3A_344 : i32
      %convert_element_type3A = arith.extui %lt3A_345 : i1 to i32
      %cond3A = arith.constant 0 : i32
      %cond3A_346 = arith.cmpi ne, %convert_element_type3A, %cond3A : i32
      scf.if %cond3A_346 {
        %add3A_605 = arith.constant 1 : i32
        %add3A_606 = arith.addi %add3A_294, %add3A_605 : i32
        %dma_start3A_607 = arith.constant 0 : i32
        %dma_start3A_608 = tpu.memref_slice %arg5[%add3A_606, %dma_start3A_607] : memref<200x128xi32, #tpu.memory_space<vmem>> -> memref<1x128xi32, #tpu.memory_space<vmem>>
        %dma_start3A_609 = tpu.memref_squeeze %dma_start3A_608 : memref<1x128xi32, #tpu.memory_space<vmem>> -> memref<128xi32, #tpu.memory_space<vmem>>
        %dma_start3A_610 = arith.constant 0 : i32
        %dma_start3A_611 = arith.constant 0 : i32
        %dma_start3A_612 = tpu.memref_slice %arg2[%dma_start3A_610, %dma_start3A_611] : memref<1000001x64xf32, #tpu.memory_space<hbm>> -> memref<1000001x64xf32, #tpu.memory_space<hbm>>
        tpu.enqueue_indirect_dma source(%dma_start3A_612 : memref<1000001x64xf32, #tpu.memory_space<hbm>>) target(%arg7 : memref<128x64xf32, #tpu.memory_space<vmem>>) offsets(%dma_start3A_609 : memref<128xi32, #tpu.memory_space<vmem>>) semaphore(%arg11 : memref<!tpu.dma_semaphore, #tpu.memory_space<semaphore_mem>>)
      } else {
      }
      %ge3A = arith.constant 1 : i32
      %ge3A_347 = arith.cmpi sge, %scan3A_289, %ge3A : i32
      %convert_element_type3A_348 = arith.extui %ge3A_347 : i1 to i32
      %cond3A_349 = arith.constant 0 : i32
      %cond3A_350 = arith.cmpi ne, %convert_element_type3A_348, %cond3A_349 : i32
      scf.if %cond3A_350 {
        %dma_wait3A_605 = arith.constant 0 : i32
        %dma_wait3A_606 = arith.constant 0 : i32
        %dma_wait3A_607 = tpu.memref_slice %arg8[%dma_wait3A_606] : memref<8192xf32, #tpu.memory_space<vmem>> -> memref<1024xf32, #tpu.memory_space<vmem>>
        %dma_wait3A_608 = arith.constant 0 : i32
        %dma_wait3A_609 = tpu.memref_slice %arg4[%select_n3A_319, %dma_wait3A_605, %select_n3A_335, %dma_wait3A_608] : memref<50x8x128x1024xf32, #tpu.memory_space<hbm>> -> memref<1x1x1x1024xf32, #tpu.memory_space<hbm>>
        %dma_wait3A_610 = tpu.memref_squeeze %dma_wait3A_609 : memref<1x1x1x1024xf32, #tpu.memory_space<hbm>> -> memref<1024xf32, #tpu.memory_space<hbm>>
        %dma_wait3A_611 = arith.constant 0 : i32
        %dma_wait3A_612 = tpu.memref_slice %arg4[%select_n3A_319, %dma_wait3A_605, %select_n3A_335, %dma_wait3A_611] : memref<50x8x128x1024xf32, #tpu.memory_space<hbm>> -> memref<1x1x1x1024xf32, #tpu.memory_space<hbm>>
        %dma_wait3A_613 = tpu.memref_squeeze %dma_wait3A_612 : memref<1x1x1x1024xf32, #tpu.memory_space<hbm>> -> memref<1024xf32, #tpu.memory_space<hbm>>
        %dma_wait3A_614 = arith.constant 0 : i32
        %dma_wait3A_615 = tpu.memref_slice %arg8[%dma_wait3A_614] : memref<8192xf32, #tpu.memory_space<vmem>> -> memref<1024xf32, #tpu.memory_space<vmem>>
        tpu.wait_dma2 semaphore(%arg12 : memref<!tpu.dma_semaphore, #tpu.memory_space<semaphore_mem>>) src(%dma_wait3A_615 : memref<1024xf32, #tpu.memory_space<vmem>>) dst(%dma_wait3A_613 : memref<1024xf32, #tpu.memory_space<hbm>>)
        %dma_wait3A_616 = arith.constant 1 : i32
        %dma_wait3A_617 = arith.constant 1024 : i32
        %dma_wait3A_618 = tpu.memref_slice %arg8[%dma_wait3A_617] : memref<8192xf32, #tpu.memory_space<vmem>> -> memref<1024xf32, #tpu.memory_space<vmem>>
        %dma_wait3A_619 = arith.constant 0 : i32
        %dma_wait3A_620 = tpu.memref_slice %arg4[%select_n3A_319, %dma_wait3A_616, %select_n3A_335, %dma_wait3A_619] : memref<50x8x128x1024xf32, #tpu.memory_space<hbm>> -> memref<1x1x1x1024xf32, #tpu.memory_space<hbm>>
        %dma_wait3A_621 = tpu.memref_squeeze %dma_wait3A_620 : memref<1x1x1x1024xf32, #tpu.memory_space<hbm>> -> memref<1024xf32, #tpu.memory_space<hbm>>
        %dma_wait3A_622 = arith.constant 0 : i32
        %dma_wait3A_623 = tpu.memref_slice %arg4[%select_n3A_319, %dma_wait3A_616, %select_n3A_335, %dma_wait3A_622] : memref<50x8x128x1024xf32, #tpu.memory_space<hbm>> -> memref<1x1x1x1024xf32, #tpu.memory_space<hbm>>
        %dma_wait3A_624 = tpu.memref_squeeze %dma_wait3A_623 : memref<1x1x1x1024xf32, #tpu.memory_space<hbm>> -> memref<1024xf32, #tpu.memory_space<hbm>>
        %dma_wait3A_625 = arith.constant 1024 : i32
        %dma_wait3A_626 = tpu.memref_slice %arg8[%dma_wait3A_625] : memref<8192xf32, #tpu.memory_space<vmem>> -> memref<1024xf32, #tpu.memory_space<vmem>>
        tpu.wait_dma2 semaphore(%arg12 : memref<!tpu.dma_semaphore, #tpu.memory_space<semaphore_mem>>) src(%dma_wait3A_626 : memref<1024xf32, #tpu.memory_space<vmem>>) dst(%dma_wait3A_624 : memref<1024xf32, #tpu.memory_space<hbm>>)
        %dma_wait3A_627 = arith.constant 2 : i32
        %dma_wait3A_628 = arith.constant 2048 : i32
        %dma_wait3A_629 = tpu.memref_slice %arg8[%dma_wait3A_628] : memref<8192xf32, #tpu.memory_space<vmem>> -> memref<1024xf32, #tpu.memory_space<vmem>>
        %dma_wait3A_630 = arith.constant 0 : i32
        %dma_wait3A_631 = tpu.memref_slice %arg4[%select_n3A_319, %dma_wait3A_627, %select_n3A_335, %dma_wait3A_630] : memref<50x8x128x1024xf32, #tpu.memory_space<hbm>> -> memref<1x1x1x1024xf32, #tpu.memory_space<hbm>>
        %dma_wait3A_632 = tpu.memref_squeeze %dma_wait3A_631 : memref<1x1x1x1024xf32, #tpu.memory_space<hbm>> -> memref<1024xf32, #tpu.memory_space<hbm>>
        %dma_wait3A_633 = arith.constant 0 : i32
        %dma_wait3A_634 = tpu.memref_slice %arg4[%select_n3A_319, %dma_wait3A_627, %select_n3A_335, %dma_wait3A_633] : memref<50x8x128x1024xf32, #tpu.memory_space<hbm>> -> memref<1x1x1x1024xf32, #tpu.memory_space<hbm>>
        %dma_wait3A_635 = tpu.memref_squeeze %dma_wait3A_634 : memref<1x1x1x1024xf32, #tpu.memory_space<hbm>> -> memref<1024xf32, #tpu.memory_space<hbm>>
        %dma_wait3A_636 = arith.constant 2048 : i32
        %dma_wait3A_637 = tpu.memref_slice %arg8[%dma_wait3A_636] : memref<8192xf32, #tpu.memory_space<vmem>> -> memref<1024xf32, #tpu.memory_space<vmem>>
        tpu.wait_dma2 semaphore(%arg12 : memref<!tpu.dma_semaphore, #tpu.memory_space<semaphore_mem>>) src(%dma_wait3A_637 : memref<1024xf32, #tpu.memory_space<vmem>>) dst(%dma_wait3A_635 : memref<1024xf32, #tpu.memory_space<hbm>>)
        %dma_wait3A_638 = arith.constant 3 : i32
        %dma_wait3A_639 = arith.constant 3072 : i32
        %dma_wait3A_640 = tpu.memref_slice %arg8[%dma_wait3A_639] : memref<8192xf32, #tpu.memory_space<vmem>> -> memref<1024xf32, #tpu.memory_space<vmem>>
        %dma_wait3A_641 = arith.constant 0 : i32
        %dma_wait3A_642 = tpu.memref_slice %arg4[%select_n3A_319, %dma_wait3A_638, %select_n3A_335, %dma_wait3A_641] : memref<50x8x128x1024xf32, #tpu.memory_space<hbm>> -> memref<1x1x1x1024xf32, #tpu.memory_space<hbm>>
        %dma_wait3A_643 = tpu.memref_squeeze %dma_wait3A_642 : memref<1x1x1x1024xf32, #tpu.memory_space<hbm>> -> memref<1024xf32, #tpu.memory_space<hbm>>
        %dma_wait3A_644 = arith.constant 0 : i32
        %dma_wait3A_645 = tpu.memref_slice %arg4[%select_n3A_319, %dma_wait3A_638, %select_n3A_335, %dma_wait3A_644] : memref<50x8x128x1024xf32, #tpu.memory_space<hbm>> -> memref<1x1x1x1024xf32, #tpu.memory_space<hbm>>
        %dma_wait3A_646 = tpu.memref_squeeze %dma_wait3A_645 : memref<1x1x1x1024xf32, #tpu.memory_space<hbm>> -> memref<1024xf32, #tpu.memory_space<hbm>>
        %dma_wait3A_647 = arith.constant 3072 : i32
        %dma_wait3A_648 = tpu.memref_slice %arg8[%dma_wait3A_647] : memref<8192xf32, #tpu.memory_space<vmem>> -> memref<1024xf32, #tpu.memory_space<vmem>>
        tpu.wait_dma2 semaphore(%arg12 : memref<!tpu.dma_semaphore, #tpu.memory_space<semaphore_mem>>) src(%dma_wait3A_648 : memref<1024xf32, #tpu.memory_space<vmem>>) dst(%dma_wait3A_646 : memref<1024xf32, #tpu.memory_space<hbm>>)
        %dma_wait3A_649 = arith.constant 4 : i32
        %dma_wait3A_650 = arith.constant 4096 : i32
        %dma_wait3A_651 = tpu.memref_slice %arg8[%dma_wait3A_650] : memref<8192xf32, #tpu.memory_space<vmem>> -> memref<1024xf32, #tpu.memory_space<vmem>>
        %dma_wait3A_652 = arith.constant 0 : i32
        %dma_wait3A_653 = tpu.memref_slice %arg4[%select_n3A_319, %dma_wait3A_649, %select_n3A_335, %dma_wait3A_652] : memref<50x8x128x1024xf32, #tpu.memory_space<hbm>> -> memref<1x1x1x1024xf32, #tpu.memory_space<hbm>>
        %dma_wait3A_654 = tpu.memref_squeeze %dma_wait3A_653 : memref<1x1x1x1024xf32, #tpu.memory_space<hbm>> -> memref<1024xf32, #tpu.memory_space<hbm>>
        %dma_wait3A_655 = arith.constant 0 : i32
        %dma_wait3A_656 = tpu.memref_slice %arg4[%select_n3A_319, %dma_wait3A_649, %select_n3A_335, %dma_wait3A_655] : memref<50x8x128x1024xf32, #tpu.memory_space<hbm>> -> memref<1x1x1x1024xf32, #tpu.memory_space<hbm>>
        %dma_wait3A_657 = tpu.memref_squeeze %dma_wait3A_656 : memref<1x1x1x1024xf32, #tpu.memory_space<hbm>> -> memref<1024xf32, #tpu.memory_space<hbm>>
        %dma_wait3A_658 = arith.constant 4096 : i32
        %dma_wait3A_659 = tpu.memref_slice %arg8[%dma_wait3A_658] : memref<8192xf32, #tpu.memory_space<vmem>> -> memref<1024xf32, #tpu.memory_space<vmem>>
        tpu.wait_dma2 semaphore(%arg12 : memref<!tpu.dma_semaphore, #tpu.memory_space<semaphore_mem>>) src(%dma_wait3A_659 : memref<1024xf32, #tpu.memory_space<vmem>>) dst(%dma_wait3A_657 : memref<1024xf32, #tpu.memory_space<hbm>>)
        %dma_wait3A_660 = arith.constant 5 : i32
        %dma_wait3A_661 = arith.constant 5120 : i32
        %dma_wait3A_662 = tpu.memref_slice %arg8[%dma_wait3A_661] : memref<8192xf32, #tpu.memory_space<vmem>> -> memref<1024xf32, #tpu.memory_space<vmem>>
        %dma_wait3A_663 = arith.constant 0 : i32
        %dma_wait3A_664 = tpu.memref_slice %arg4[%select_n3A_319, %dma_wait3A_660, %select_n3A_335, %dma_wait3A_663] : memref<50x8x128x1024xf32, #tpu.memory_space<hbm>> -> memref<1x1x1x1024xf32, #tpu.memory_space<hbm>>
        %dma_wait3A_665 = tpu.memref_squeeze %dma_wait3A_664 : memref<1x1x1x1024xf32, #tpu.memory_space<hbm>> -> memref<1024xf32, #tpu.memory_space<hbm>>
        %dma_wait3A_666 = arith.constant 0 : i32
        %dma_wait3A_667 = tpu.memref_slice %arg4[%select_n3A_319, %dma_wait3A_660, %select_n3A_335, %dma_wait3A_666] : memref<50x8x128x1024xf32, #tpu.memory_space<hbm>> -> memref<1x1x1x1024xf32, #tpu.memory_space<hbm>>
        %dma_wait3A_668 = tpu.memref_squeeze %dma_wait3A_667 : memref<1x1x1x1024xf32, #tpu.memory_space<hbm>> -> memref<1024xf32, #tpu.memory_space<hbm>>
        %dma_wait3A_669 = arith.constant 5120 : i32
        %dma_wait3A_670 = tpu.memref_slice %arg8[%dma_wait3A_669] : memref<8192xf32, #tpu.memory_space<vmem>> -> memref<1024xf32, #tpu.memory_space<vmem>>
        tpu.wait_dma2 semaphore(%arg12 : memref<!tpu.dma_semaphore, #tpu.memory_space<semaphore_mem>>) src(%dma_wait3A_670 : memref<1024xf32, #tpu.memory_space<vmem>>) dst(%dma_wait3A_668 : memref<1024xf32, #tpu.memory_space<hbm>>)
        %dma_wait3A_671 = arith.constant 6 : i32
        %dma_wait3A_672 = arith.constant 6144 : i32
        %dma_wait3A_673 = tpu.memref_slice %arg8[%dma_wait3A_672] : memref<8192xf32, #tpu.memory_space<vmem>> -> memref<1024xf32, #tpu.memory_space<vmem>>
        %dma_wait3A_674 = arith.constant 0 : i32
        %dma_wait3A_675 = tpu.memref_slice %arg4[%select_n3A_319, %dma_wait3A_671, %select_n3A_335, %dma_wait3A_674] : memref<50x8x128x1024xf32, #tpu.memory_space<hbm>> -> memref<1x1x1x1024xf32, #tpu.memory_space<hbm>>
        %dma_wait3A_676 = tpu.memref_squeeze %dma_wait3A_675 : memref<1x1x1x1024xf32, #tpu.memory_space<hbm>> -> memref<1024xf32, #tpu.memory_space<hbm>>
        %dma_wait3A_677 = arith.constant 0 : i32
        %dma_wait3A_678 = tpu.memref_slice %arg4[%select_n3A_319, %dma_wait3A_671, %select_n3A_335, %dma_wait3A_677] : memref<50x8x128x1024xf32, #tpu.memory_space<hbm>> -> memref<1x1x1x1024xf32, #tpu.memory_space<hbm>>
        %dma_wait3A_679 = tpu.memref_squeeze %dma_wait3A_678 : memref<1x1x1x1024xf32, #tpu.memory_space<hbm>> -> memref<1024xf32, #tpu.memory_space<hbm>>
        %dma_wait3A_680 = arith.constant 6144 : i32
        %dma_wait3A_681 = tpu.memref_slice %arg8[%dma_wait3A_680] : memref<8192xf32, #tpu.memory_space<vmem>> -> memref<1024xf32, #tpu.memory_space<vmem>>
        tpu.wait_dma2 semaphore(%arg12 : memref<!tpu.dma_semaphore, #tpu.memory_space<semaphore_mem>>) src(%dma_wait3A_681 : memref<1024xf32, #tpu.memory_space<vmem>>) dst(%dma_wait3A_679 : memref<1024xf32, #tpu.memory_space<hbm>>)
        %dma_wait3A_682 = arith.constant 7 : i32
        %dma_wait3A_683 = arith.constant 7168 : i32
        %dma_wait3A_684 = tpu.memref_slice %arg8[%dma_wait3A_683] : memref<8192xf32, #tpu.memory_space<vmem>> -> memref<1024xf32, #tpu.memory_space<vmem>>
        %dma_wait3A_685 = arith.constant 0 : i32
        %dma_wait3A_686 = tpu.memref_slice %arg4[%select_n3A_319, %dma_wait3A_682, %select_n3A_335, %dma_wait3A_685] : memref<50x8x128x1024xf32, #tpu.memory_space<hbm>> -> memref<1x1x1x1024xf32, #tpu.memory_space<hbm>>
        %dma_wait3A_687 = tpu.memref_squeeze %dma_wait3A_686 : memref<1x1x1x1024xf32, #tpu.memory_space<hbm>> -> memref<1024xf32, #tpu.memory_space<hbm>>
        %dma_wait3A_688 = arith.constant 0 : i32
        %dma_wait3A_689 = tpu.memref_slice %arg4[%select_n3A_319, %dma_wait3A_682, %select_n3A_335, %dma_wait3A_688] : memref<50x8x128x1024xf32, #tpu.memory_space<hbm>> -> memref<1x1x1x1024xf32, #tpu.memory_space<hbm>>
        %dma_wait3A_690 = tpu.memref_squeeze %dma_wait3A_689 : memref<1x1x1x1024xf32, #tpu.memory_space<hbm>> -> memref<1024xf32, #tpu.memory_space<hbm>>
        %dma_wait3A_691 = arith.constant 7168 : i32
        %dma_wait3A_692 = tpu.memref_slice %arg8[%dma_wait3A_691] : memref<8192xf32, #tpu.memory_space<vmem>> -> memref<1024xf32, #tpu.memory_space<vmem>>
        tpu.wait_dma2 semaphore(%arg12 : memref<!tpu.dma_semaphore, #tpu.memory_space<semaphore_mem>>) src(%dma_wait3A_692 : memref<1024xf32, #tpu.memory_space<vmem>>) dst(%dma_wait3A_690 : memref<1024xf32, #tpu.memory_space<hbm>>)
      } else {
      }
      %scan3A_351 = arith.constant 0 : i32
      %scan3A_352 = arith.constant 0 : i32
      %scan3A_353 = arith.constant 8 : i32
      %scan3A_354 = arith.addi %scan3A_352, %scan3A_353 : i32
      %scan3A_355 = arith.constant 1 : i32
      %scan3A_356 = scf.for %scan3A_605 = %scan3A_352 to %scan3A_354 step %scan3A_355 iter_args(%scan3A_606 = %scan3A_351) -> (i32)  : i32 {
        %mul3A_607 = arith.constant 16 : i32
        %mul3A_608 = arith.muli %scan3A_605, %mul3A_607 : i32
        %add3A_609 = vector.broadcast %mul3A_608 : i32 to vector<16xi32>
        %add3A_610 = arith.addi %add3A_609, %iota3A : vector<16xi32>
        %add3A_611 = arith.constant 0 : i32
        %add3A_612 = vector.broadcast %add3A_611 : i32 to vector<16xi32>
        %add3A_613 = arith.addi %add3A_610, %add3A_612 : vector<16xi32>
        %add3A_614 = arith.constant 0 : i32
        %add3A_615 = vector.broadcast %add3A_614 : i32 to vector<16xi32>
        %add3A_616 = arith.addi %iota3A, %add3A_615 : vector<16xi32>
        %gather3A = tpu.vector_load_idx %arg6[%add3A_610, %add3A_616] : memref<128x64xf32, #tpu.memory_space<vmem>>[vector<16xi32>, vector<16xi32>], vector<16xf32>,
        %mul3A_617 = arith.constant 128 : i32
        %mul3A_618 = vector.broadcast %mul3A_617 : i32 to vector<16xi32>
        %mul3A_619 = arith.muli %iota3A, %mul3A_618 : vector<16xi32>
        %add3A_620 = arith.addi %mul3A_619, %add3A_613 : vector<16xi32>
        tpu.vector_store_idx %arg8[%add3A_620], %gather3A : memref<8192xf32, #tpu.memory_space<vmem>>[vector<16xi32>], vector<16xf32>,
        %lt3A_621 = arith.constant 0 : i32
        %lt3A_622 = vector.broadcast %lt3A_621 : i32 to vector<16xi32>
        %lt3A_623 = arith.cmpi slt, %select_n3A_20, %lt3A_622 : vector<16xi32>
        %add3A_624 = arith.constant 16 : i32
        %add3A_625 = vector.broadcast %add3A_624 : i32 to vector<16xi32>
        %add3A_626 = arith.addi %select_n3A_20, %add3A_625 : vector<16xi32>
        %select_n3A_627 = arith.select %lt3A_623, %add3A_626, %select_n3A_20 : vector<16xi1>, vector<16xi32>
        %broadcast_in_dim3A = vector.shape_cast %select_n3A_627 : vector<16xi32> to vector<16x1xi32>
        %gather3A_628 = vector.shape_cast %broadcast_in_dim3A : vector<16x1xi32> to vector<16xi32>
        %gather3A_629 = tpu.dynamic_gather %iota3A[%gather3A_628] in [0] : vector<16xi32>, vector<16xi32> -> vector<16xi32>
        %add3A_630 = arith.constant 0 : i32
        %add3A_631 = vector.broadcast %add3A_630 : i32 to vector<16xi32>
        %add3A_632 = arith.addi %gather3A_629, %add3A_631 : vector<16xi32>
        %gather3A_633 = tpu.vector_load_idx %arg6[%add3A_610, %add3A_632] : memref<128x64xf32, #tpu.memory_space<vmem>>[vector<16xi32>, vector<16xi32>], vector<16xf32>,
        %mul3A_634 = arith.constant 128 : i32
        %mul3A_635 = vector.broadcast %mul3A_634 : i32 to vector<16xi32>
        %mul3A_636 = arith.muli %gather3A_629, %mul3A_635 : vector<16xi32>
        %add3A_637 = arith.addi %mul3A_636, %add3A_613 : vector<16xi32>
        tpu.vector_store_idx %arg8[%add3A_637], %gather3A_633 : memref<8192xf32, #tpu.memory_space<vmem>>[vector<16xi32>], vector<16xf32>,
        %lt3A_638 = arith.constant 0 : i32
        %lt3A_639 = vector.broadcast %lt3A_638 : i32 to vector<16xi32>
        %lt3A_640 = arith.cmpi slt, %select_n3A_20, %lt3A_639 : vector<16xi32>
        %add3A_641 = arith.constant 16 : i32
        %add3A_642 = vector.broadcast %add3A_641 : i32 to vector<16xi32>
        %add3A_643 = arith.addi %select_n3A_20, %add3A_642 : vector<16xi32>
        %select_n3A_644 = arith.select %lt3A_640, %add3A_643, %select_n3A_20 : vector<16xi1>, vector<16xi32>
        %broadcast_in_dim3A_645 = vector.shape_cast %select_n3A_644 : vector<16xi32> to vector<16x1xi32>
        %gather3A_646 = vector.shape_cast %broadcast_in_dim3A_645 : vector<16x1xi32> to vector<16xi32>
        %gather3A_647 = tpu.dynamic_gather %gather3A_629[%gather3A_646] in [0] : vector<16xi32>, vector<16xi32> -> vector<16xi32>
        %add3A_648 = arith.constant 0 : i32
        %add3A_649 = vector.broadcast %add3A_648 : i32 to vector<16xi32>
        %add3A_650 = arith.addi %gather3A_647, %add3A_649 : vector<16xi32>
        %gather3A_651 = tpu.vector_load_idx %arg6[%add3A_610, %add3A_650] : memref<128x64xf32, #tpu.memory_space<vmem>>[vector<16xi32>, vector<16xi32>], vector<16xf32>,
        %mul3A_652 = arith.constant 128 : i32
        %mul3A_653 = vector.broadcast %mul3A_652 : i32 to vector<16xi32>
        %mul3A_654 = arith.muli %gather3A_647, %mul3A_653 : vector<16xi32>
        %add3A_655 = arith.addi %mul3A_654, %add3A_613 : vector<16xi32>
        tpu.vector_store_idx %arg8[%add3A_655], %gather3A_651 : memref<8192xf32, #tpu.memory_space<vmem>>[vector<16xi32>], vector<16xf32>,
        %lt3A_656 = arith.constant 0 : i32
        %lt3A_657 = vector.broadcast %lt3A_656 : i32 to vector<16xi32>
        %lt3A_658 = arith.cmpi slt, %select_n3A_20, %lt3A_657 : vector<16xi32>
        %add3A_659 = arith.constant 16 : i32
        %add3A_660 = vector.broadcast %add3A_659 : i32 to vector<16xi32>
        %add3A_661 = arith.addi %select_n3A_20, %add3A_660 : vector<16xi32>
        %select_n3A_662 = arith.select %lt3A_658, %add3A_661, %select_n3A_20 : vector<16xi1>, vector<16xi32>
        %broadcast_in_dim3A_663 = vector.shape_cast %select_n3A_662 : vector<16xi32> to vector<16x1xi32>
        %gather3A_664 = vector.shape_cast %broadcast_in_dim3A_663 : vector<16x1xi32> to vector<16xi32>
        %gather3A_665 = tpu.dynamic_gather %gather3A_647[%gather3A_664] in [0] : vector<16xi32>, vector<16xi32> -> vector<16xi32>
        %add3A_666 = arith.constant 0 : i32
        %add3A_667 = vector.broadcast %add3A_666 : i32 to vector<16xi32>
        %add3A_668 = arith.addi %gather3A_665, %add3A_667 : vector<16xi32>
        %gather3A_669 = tpu.vector_load_idx %arg6[%add3A_610, %add3A_668] : memref<128x64xf32, #tpu.memory_space<vmem>>[vector<16xi32>, vector<16xi32>], vector<16xf32>,
        %mul3A_670 = arith.constant 128 : i32
        %mul3A_671 = vector.broadcast %mul3A_670 : i32 to vector<16xi32>
        %mul3A_672 = arith.muli %gather3A_665, %mul3A_671 : vector<16xi32>
        %add3A_673 = arith.addi %mul3A_672, %add3A_613 : vector<16xi32>
        tpu.vector_store_idx %arg8[%add3A_673], %gather3A_669 : memref<8192xf32, #tpu.memory_space<vmem>>[vector<16xi32>], vector<16xf32>,
        %lt3A_674 = arith.constant 0 : i32
        %lt3A_675 = vector.broadcast %lt3A_674 : i32 to vector<16xi32>
        %lt3A_676 = arith.cmpi slt, %select_n3A_20, %lt3A_675 : vector<16xi32>
        %add3A_677 = arith.constant 16 : i32
        %add3A_678 = vector.broadcast %add3A_677 : i32 to vector<16xi32>
        %add3A_679 = arith.addi %select_n3A_20, %add3A_678 : vector<16xi32>
        %select_n3A_680 = arith.select %lt3A_676, %add3A_679, %select_n3A_20 : vector<16xi1>, vector<16xi32>
        %broadcast_in_dim3A_681 = vector.shape_cast %select_n3A_680 : vector<16xi32> to vector<16x1xi32>
        %gather3A_682 = vector.shape_cast %broadcast_in_dim3A_681 : vector<16x1xi32> to vector<16xi32>
        %gather3A_683 = tpu.dynamic_gather %gather3A_665[%gather3A_682] in [0] : vector<16xi32>, vector<16xi32> -> vector<16xi32>
        %add3A_684 = arith.constant 0 : i32
        %add3A_685 = vector.broadcast %add3A_684 : i32 to vector<16xi32>
        %add3A_686 = arith.addi %gather3A_683, %add3A_685 : vector<16xi32>
        %gather3A_687 = tpu.vector_load_idx %arg6[%add3A_610, %add3A_686] : memref<128x64xf32, #tpu.memory_space<vmem>>[vector<16xi32>, vector<16xi32>], vector<16xf32>,
        %mul3A_688 = arith.constant 128 : i32
        %mul3A_689 = vector.broadcast %mul3A_688 : i32 to vector<16xi32>
        %mul3A_690 = arith.muli %gather3A_683, %mul3A_689 : vector<16xi32>
        %add3A_691 = arith.addi %mul3A_690, %add3A_613 : vector<16xi32>
        tpu.vector_store_idx %arg8[%add3A_691], %gather3A_687 : memref<8192xf32, #tpu.memory_space<vmem>>[vector<16xi32>], vector<16xf32>,
        %lt3A_692 = arith.constant 0 : i32
        %lt3A_693 = vector.broadcast %lt3A_692 : i32 to vector<16xi32>
        %lt3A_694 = arith.cmpi slt, %select_n3A_20, %lt3A_693 : vector<16xi32>
        %add3A_695 = arith.constant 16 : i32
        %add3A_696 = vector.broadcast %add3A_695 : i32 to vector<16xi32>
        %add3A_697 = arith.addi %select_n3A_20, %add3A_696 : vector<16xi32>
        %select_n3A_698 = arith.select %lt3A_694, %add3A_697, %select_n3A_20 : vector<16xi1>, vector<16xi32>
        %broadcast_in_dim3A_699 = vector.shape_cast %select_n3A_698 : vector<16xi32> to vector<16x1xi32>
        %gather3A_700 = vector.shape_cast %broadcast_in_dim3A_699 : vector<16x1xi32> to vector<16xi32>
        %gather3A_701 = tpu.dynamic_gather %gather3A_683[%gather3A_700] in [0] : vector<16xi32>, vector<16xi32> -> vector<16xi32>
        %add3A_702 = arith.constant 0 : i32
        %add3A_703 = vector.broadcast %add3A_702 : i32 to vector<16xi32>
        %add3A_704 = arith.addi %gather3A_701, %add3A_703 : vector<16xi32>
        %gather3A_705 = tpu.vector_load_idx %arg6[%add3A_610, %add3A_704] : memref<128x64xf32, #tpu.memory_space<vmem>>[vector<16xi32>, vector<16xi32>], vector<16xf32>,
        %mul3A_706 = arith.constant 128 : i32
        %mul3A_707 = vector.broadcast %mul3A_706 : i32 to vector<16xi32>
        %mul3A_708 = arith.muli %gather3A_701, %mul3A_707 : vector<16xi32>
        %add3A_709 = arith.addi %mul3A_708, %add3A_613 : vector<16xi32>
        tpu.vector_store_idx %arg8[%add3A_709], %gather3A_705 : memref<8192xf32, #tpu.memory_space<vmem>>[vector<16xi32>], vector<16xf32>,
        %lt3A_710 = arith.constant 0 : i32
        %lt3A_711 = vector.broadcast %lt3A_710 : i32 to vector<16xi32>
        %lt3A_712 = arith.cmpi slt, %select_n3A_20, %lt3A_711 : vector<16xi32>
        %add3A_713 = arith.constant 16 : i32
        %add3A_714 = vector.broadcast %add3A_713 : i32 to vector<16xi32>
        %add3A_715 = arith.addi %select_n3A_20, %add3A_714 : vector<16xi32>
        %select_n3A_716 = arith.select %lt3A_712, %add3A_715, %select_n3A_20 : vector<16xi1>, vector<16xi32>
        %broadcast_in_dim3A_717 = vector.shape_cast %select_n3A_716 : vector<16xi32> to vector<16x1xi32>
        %gather3A_718 = vector.shape_cast %broadcast_in_dim3A_717 : vector<16x1xi32> to vector<16xi32>
        %gather3A_719 = tpu.dynamic_gather %gather3A_701[%gather3A_718] in [0] : vector<16xi32>, vector<16xi32> -> vector<16xi32>
        %add3A_720 = arith.constant 0 : i32
        %add3A_721 = vector.broadcast %add3A_720 : i32 to vector<16xi32>
        %add3A_722 = arith.addi %gather3A_719, %add3A_721 : vector<16xi32>
        %gather3A_723 = tpu.vector_load_idx %arg6[%add3A_610, %add3A_722] : memref<128x64xf32, #tpu.memory_space<vmem>>[vector<16xi32>, vector<16xi32>], vector<16xf32>,
        %mul3A_724 = arith.constant 128 : i32
        %mul3A_725 = vector.broadcast %mul3A_724 : i32 to vector<16xi32>
        %mul3A_726 = arith.muli %gather3A_719, %mul3A_725 : vector<16xi32>
        %add3A_727 = arith.addi %mul3A_726, %add3A_613 : vector<16xi32>
        tpu.vector_store_idx %arg8[%add3A_727], %gather3A_723 : memref<8192xf32, #tpu.memory_space<vmem>>[vector<16xi32>], vector<16xf32>,
        %lt3A_728 = arith.constant 0 : i32
        %lt3A_729 = vector.broadcast %lt3A_728 : i32 to vector<16xi32>
        %lt3A_730 = arith.cmpi slt, %select_n3A_20, %lt3A_729 : vector<16xi32>
        %add3A_731 = arith.constant 16 : i32
        %add3A_732 = vector.broadcast %add3A_731 : i32 to vector<16xi32>
        %add3A_733 = arith.addi %select_n3A_20, %add3A_732 : vector<16xi32>
        %select_n3A_734 = arith.select %lt3A_730, %add3A_733, %select_n3A_20 : vector<16xi1>, vector<16xi32>
        %broadcast_in_dim3A_735 = vector.shape_cast %select_n3A_734 : vector<16xi32> to vector<16x1xi32>
        %gather3A_736 = vector.shape_cast %broadcast_in_dim3A_735 : vector<16x1xi32> to vector<16xi32>
        %gather3A_737 = tpu.dynamic_gather %gather3A_719[%gather3A_736] in [0] : vector<16xi32>, vector<16xi32> -> vector<16xi32>
        %add3A_738 = arith.constant 0 : i32
        %add3A_739 = vector.broadcast %add3A_738 : i32 to vector<16xi32>
        %add3A_740 = arith.addi %gather3A_737, %add3A_739 : vector<16xi32>
        %gather3A_741 = tpu.vector_load_idx %arg6[%add3A_610, %add3A_740] : memref<128x64xf32, #tpu.memory_space<vmem>>[vector<16xi32>, vector<16xi32>], vector<16xf32>,
        %mul3A_742 = arith.constant 128 : i32
        %mul3A_743 = vector.broadcast %mul3A_742 : i32 to vector<16xi32>
        %mul3A_744 = arith.muli %gather3A_737, %mul3A_743 : vector<16xi32>
        %add3A_745 = arith.addi %mul3A_744, %add3A_613 : vector<16xi32>
        tpu.vector_store_idx %arg8[%add3A_745], %gather3A_741 : memref<8192xf32, #tpu.memory_space<vmem>>[vector<16xi32>], vector<16xf32>,
        %lt3A_746 = arith.constant 0 : i32
        %lt3A_747 = vector.broadcast %lt3A_746 : i32 to vector<16xi32>
        %lt3A_748 = arith.cmpi slt, %select_n3A_20, %lt3A_747 : vector<16xi32>
        %add3A_749 = arith.constant 16 : i32
        %add3A_750 = vector.broadcast %add3A_749 : i32 to vector<16xi32>
        %add3A_751 = arith.addi %select_n3A_20, %add3A_750 : vector<16xi32>
        %select_n3A_752 = arith.select %lt3A_748, %add3A_751, %select_n3A_20 : vector<16xi1>, vector<16xi32>
        %broadcast_in_dim3A_753 = vector.shape_cast %select_n3A_752 : vector<16xi32> to vector<16x1xi32>
        %gather3A_754 = vector.shape_cast %broadcast_in_dim3A_753 : vector<16x1xi32> to vector<16xi32>
        %gather3A_755 = tpu.dynamic_gather %gather3A_737[%gather3A_754] in [0] : vector<16xi32>, vector<16xi32> -> vector<16xi32>
        %add3A_756 = arith.constant 0 : i32
        %add3A_757 = vector.broadcast %add3A_756 : i32 to vector<16xi32>
        %add3A_758 = arith.addi %gather3A_755, %add3A_757 : vector<16xi32>
        %gather3A_759 = tpu.vector_load_idx %arg6[%add3A_610, %add3A_758] : memref<128x64xf32, #tpu.memory_space<vmem>>[vector<16xi32>, vector<16xi32>], vector<16xf32>,
        %mul3A_760 = arith.constant 128 : i32
        %mul3A_761 = vector.broadcast %mul3A_760 : i32 to vector<16xi32>
        %mul3A_762 = arith.muli %gather3A_755, %mul3A_761 : vector<16xi32>
        %add3A_763 = arith.addi %mul3A_762, %add3A_613 : vector<16xi32>
        tpu.vector_store_idx %arg8[%add3A_763], %gather3A_759 : memref<8192xf32, #tpu.memory_space<vmem>>[vector<16xi32>], vector<16xf32>,
        %lt3A_764 = arith.constant 0 : i32
        %lt3A_765 = vector.broadcast %lt3A_764 : i32 to vector<16xi32>
        %lt3A_766 = arith.cmpi slt, %select_n3A_20, %lt3A_765 : vector<16xi32>
        %add3A_767 = arith.constant 16 : i32
        %add3A_768 = vector.broadcast %add3A_767 : i32 to vector<16xi32>
        %add3A_769 = arith.addi %select_n3A_20, %add3A_768 : vector<16xi32>
        %select_n3A_770 = arith.select %lt3A_766, %add3A_769, %select_n3A_20 : vector<16xi1>, vector<16xi32>
        %broadcast_in_dim3A_771 = vector.shape_cast %select_n3A_770 : vector<16xi32> to vector<16x1xi32>
        %gather3A_772 = vector.shape_cast %broadcast_in_dim3A_771 : vector<16x1xi32> to vector<16xi32>
        %gather3A_773 = tpu.dynamic_gather %gather3A_755[%gather3A_772] in [0] : vector<16xi32>, vector<16xi32> -> vector<16xi32>
        %add3A_774 = arith.constant 0 : i32
        %add3A_775 = vector.broadcast %add3A_774 : i32 to vector<16xi32>
        %add3A_776 = arith.addi %gather3A_773, %add3A_775 : vector<16xi32>
        %gather3A_777 = tpu.vector_load_idx %arg6[%add3A_610, %add3A_776] : memref<128x64xf32, #tpu.memory_space<vmem>>[vector<16xi32>, vector<16xi32>], vector<16xf32>,
        %mul3A_778 = arith.constant 128 : i32
        %mul3A_779 = vector.broadcast %mul3A_778 : i32 to vector<16xi32>
        %mul3A_780 = arith.muli %gather3A_773, %mul3A_779 : vector<16xi32>
        %add3A_781 = arith.addi %mul3A_780, %add3A_613 : vector<16xi32>
        tpu.vector_store_idx %arg8[%add3A_781], %gather3A_777 : memref<8192xf32, #tpu.memory_space<vmem>>[vector<16xi32>], vector<16xf32>,
        %lt3A_782 = arith.constant 0 : i32
        %lt3A_783 = vector.broadcast %lt3A_782 : i32 to vector<16xi32>
        %lt3A_784 = arith.cmpi slt, %select_n3A_20, %lt3A_783 : vector<16xi32>
        %add3A_785 = arith.constant 16 : i32
        %add3A_786 = vector.broadcast %add3A_785 : i32 to vector<16xi32>
        %add3A_787 = arith.addi %select_n3A_20, %add3A_786 : vector<16xi32>
        %select_n3A_788 = arith.select %lt3A_784, %add3A_787, %select_n3A_20 : vector<16xi1>, vector<16xi32>
        %broadcast_in_dim3A_789 = vector.shape_cast %select_n3A_788 : vector<16xi32> to vector<16x1xi32>
        %gather3A_790 = vector.shape_cast %broadcast_in_dim3A_789 : vector<16x1xi32> to vector<16xi32>
        %gather3A_791 = tpu.dynamic_gather %gather3A_773[%gather3A_790] in [0] : vector<16xi32>, vector<16xi32> -> vector<16xi32>
        %add3A_792 = arith.constant 0 : i32
        %add3A_793 = vector.broadcast %add3A_792 : i32 to vector<16xi32>
        %add3A_794 = arith.addi %gather3A_791, %add3A_793 : vector<16xi32>
        %gather3A_795 = tpu.vector_load_idx %arg6[%add3A_610, %add3A_794] : memref<128x64xf32, #tpu.memory_space<vmem>>[vector<16xi32>, vector<16xi32>], vector<16xf32>,
        %mul3A_796 = arith.constant 128 : i32
        %mul3A_797 = vector.broadcast %mul3A_796 : i32 to vector<16xi32>
        %mul3A_798 = arith.muli %gather3A_791, %mul3A_797 : vector<16xi32>
        %add3A_799 = arith.addi %mul3A_798, %add3A_613 : vector<16xi32>
        tpu.vector_store_idx %arg8[%add3A_799], %gather3A_795 : memref<8192xf32, #tpu.memory_space<vmem>>[vector<16xi32>], vector<16xf32>,
        %lt3A_800 = arith.constant 0 : i32
        %lt3A_801 = vector.broadcast %lt3A_800 : i32 to vector<16xi32>
        %lt3A_802 = arith.cmpi slt, %select_n3A_20, %lt3A_801 : vector<16xi32>
        %add3A_803 = arith.constant 16 : i32
        %add3A_804 = vector.broadcast %add3A_803 : i32 to vector<16xi32>
        %add3A_805 = arith.addi %select_n3A_20, %add3A_804 : vector<16xi32>
        %select_n3A_806 = arith.select %lt3A_802, %add3A_805, %select_n3A_20 : vector<16xi1>, vector<16xi32>
        %broadcast_in_dim3A_807 = vector.shape_cast %select_n3A_806 : vector<16xi32> to vector<16x1xi32>
        %gather3A_808 = vector.shape_cast %broadcast_in_dim3A_807 : vector<16x1xi32> to vector<16xi32>
        %gather3A_809 = tpu.dynamic_gather %gather3A_791[%gather3A_808] in [0] : vector<16xi32>, vector<16xi32> -> vector<16xi32>
        %add3A_810 = arith.constant 0 : i32
        %add3A_811 = vector.broadcast %add3A_810 : i32 to vector<16xi32>
        %add3A_812 = arith.addi %gather3A_809, %add3A_811 : vector<16xi32>
        %gather3A_813 = tpu.vector_load_idx %arg6[%add3A_610, %add3A_812] : memref<128x64xf32, #tpu.memory_space<vmem>>[vector<16xi32>, vector<16xi32>], vector<16xf32>,
        %mul3A_814 = arith.constant 128 : i32
        %mul3A_815 = vector.broadcast %mul3A_814 : i32 to vector<16xi32>
        %mul3A_816 = arith.muli %gather3A_809, %mul3A_815 : vector<16xi32>
        %add3A_817 = arith.addi %mul3A_816, %add3A_613 : vector<16xi32>
        tpu.vector_store_idx %arg8[%add3A_817], %gather3A_813 : memref<8192xf32, #tpu.memory_space<vmem>>[vector<16xi32>], vector<16xf32>,
        %lt3A_818 = arith.constant 0 : i32
        %lt3A_819 = vector.broadcast %lt3A_818 : i32 to vector<16xi32>
        %lt3A_820 = arith.cmpi slt, %select_n3A_20, %lt3A_819 : vector<16xi32>
        %add3A_821 = arith.constant 16 : i32
        %add3A_822 = vector.broadcast %add3A_821 : i32 to vector<16xi32>
        %add3A_823 = arith.addi %select_n3A_20, %add3A_822 : vector<16xi32>
        %select_n3A_824 = arith.select %lt3A_820, %add3A_823, %select_n3A_20 : vector<16xi1>, vector<16xi32>
        %broadcast_in_dim3A_825 = vector.shape_cast %select_n3A_824 : vector<16xi32> to vector<16x1xi32>
        %gather3A_826 = vector.shape_cast %broadcast_in_dim3A_825 : vector<16x1xi32> to vector<16xi32>
        %gather3A_827 = tpu.dynamic_gather %gather3A_809[%gather3A_826] in [0] : vector<16xi32>, vector<16xi32> -> vector<16xi32>
        %add3A_828 = arith.constant 0 : i32
        %add3A_829 = vector.broadcast %add3A_828 : i32 to vector<16xi32>
        %add3A_830 = arith.addi %gather3A_827, %add3A_829 : vector<16xi32>
        %gather3A_831 = tpu.vector_load_idx %arg6[%add3A_610, %add3A_830] : memref<128x64xf32, #tpu.memory_space<vmem>>[vector<16xi32>, vector<16xi32>], vector<16xf32>,
        %mul3A_832 = arith.constant 128 : i32
        %mul3A_833 = vector.broadcast %mul3A_832 : i32 to vector<16xi32>
        %mul3A_834 = arith.muli %gather3A_827, %mul3A_833 : vector<16xi32>
        %add3A_835 = arith.addi %mul3A_834, %add3A_613 : vector<16xi32>
        tpu.vector_store_idx %arg8[%add3A_835], %gather3A_831 : memref<8192xf32, #tpu.memory_space<vmem>>[vector<16xi32>], vector<16xf32>,
        %lt3A_836 = arith.constant 0 : i32
        %lt3A_837 = vector.broadcast %lt3A_836 : i32 to vector<16xi32>
        %lt3A_838 = arith.cmpi slt, %select_n3A_20, %lt3A_837 : vector<16xi32>
        %add3A_839 = arith.constant 16 : i32
        %add3A_840 = vector.broadcast %add3A_839 : i32 to vector<16xi32>
        %add3A_841 = arith.addi %select_n3A_20, %add3A_840 : vector<16xi32>
        %select_n3A_842 = arith.select %lt3A_838, %add3A_841, %select_n3A_20 : vector<16xi1>, vector<16xi32>
        %broadcast_in_dim3A_843 = vector.shape_cast %select_n3A_842 : vector<16xi32> to vector<16x1xi32>
        %gather3A_844 = vector.shape_cast %broadcast_in_dim3A_843 : vector<16x1xi32> to vector<16xi32>
        %gather3A_845 = tpu.dynamic_gather %gather3A_827[%gather3A_844] in [0] : vector<16xi32>, vector<16xi32> -> vector<16xi32>
        %add3A_846 = arith.constant 0 : i32
        %add3A_847 = vector.broadcast %add3A_846 : i32 to vector<16xi32>
        %add3A_848 = arith.addi %gather3A_845, %add3A_847 : vector<16xi32>
        %gather3A_849 = tpu.vector_load_idx %arg6[%add3A_610, %add3A_848] : memref<128x64xf32, #tpu.memory_space<vmem>>[vector<16xi32>, vector<16xi32>], vector<16xf32>,
        %mul3A_850 = arith.constant 128 : i32
        %mul3A_851 = vector.broadcast %mul3A_850 : i32 to vector<16xi32>
        %mul3A_852 = arith.muli %gather3A_845, %mul3A_851 : vector<16xi32>
        %add3A_853 = arith.addi %mul3A_852, %add3A_613 : vector<16xi32>
        tpu.vector_store_idx %arg8[%add3A_853], %gather3A_849 : memref<8192xf32, #tpu.memory_space<vmem>>[vector<16xi32>], vector<16xf32>,
        %lt3A_854 = arith.constant 0 : i32
        %lt3A_855 = vector.broadcast %lt3A_854 : i32 to vector<16xi32>
        %lt3A_856 = arith.cmpi slt, %select_n3A_20, %lt3A_855 : vector<16xi32>
        %add3A_857 = arith.constant 16 : i32
        %add3A_858 = vector.broadcast %add3A_857 : i32 to vector<16xi32>
        %add3A_859 = arith.addi %select_n3A_20, %add3A_858 : vector<16xi32>
        %select_n3A_860 = arith.select %lt3A_856, %add3A_859, %select_n3A_20 : vector<16xi1>, vector<16xi32>
        %broadcast_in_dim3A_861 = vector.shape_cast %select_n3A_860 : vector<16xi32> to vector<16x1xi32>
        %gather3A_862 = vector.shape_cast %broadcast_in_dim3A_861 : vector<16x1xi32> to vector<16xi32>
        %gather3A_863 = tpu.dynamic_gather %gather3A_845[%gather3A_862] in [0] : vector<16xi32>, vector<16xi32> -> vector<16xi32>
        %add3A_864 = arith.constant 0 : i32
        %add3A_865 = vector.broadcast %add3A_864 : i32 to vector<16xi32>
        %add3A_866 = arith.addi %gather3A_863, %add3A_865 : vector<16xi32>
        %gather3A_867 = tpu.vector_load_idx %arg6[%add3A_610, %add3A_866] : memref<128x64xf32, #tpu.memory_space<vmem>>[vector<16xi32>, vector<16xi32>], vector<16xf32>,
        %mul3A_868 = arith.constant 128 : i32
        %mul3A_869 = vector.broadcast %mul3A_868 : i32 to vector<16xi32>
        %mul3A_870 = arith.muli %gather3A_863, %mul3A_869 : vector<16xi32>
        %add3A_871 = arith.addi %mul3A_870, %add3A_613 : vector<16xi32>
        tpu.vector_store_idx %arg8[%add3A_871], %gather3A_867 : memref<8192xf32, #tpu.memory_space<vmem>>[vector<16xi32>], vector<16xf32>,
        %lt3A_872 = arith.constant 0 : i32
        %lt3A_873 = vector.broadcast %lt3A_872 : i32 to vector<16xi32>
        %lt3A_874 = arith.cmpi slt, %select_n3A_20, %lt3A_873 : vector<16xi32>
        %add3A_875 = arith.constant 16 : i32
        %add3A_876 = vector.broadcast %add3A_875 : i32 to vector<16xi32>
        %add3A_877 = arith.addi %select_n3A_20, %add3A_876 : vector<16xi32>
        %select_n3A_878 = arith.select %lt3A_874, %add3A_877, %select_n3A_20 : vector<16xi1>, vector<16xi32>
        %broadcast_in_dim3A_879 = vector.shape_cast %select_n3A_878 : vector<16xi32> to vector<16x1xi32>
        %gather3A_880 = vector.shape_cast %broadcast_in_dim3A_879 : vector<16x1xi32> to vector<16xi32>
        %gather3A_881 = tpu.dynamic_gather %gather3A_863[%gather3A_880] in [0] : vector<16xi32>, vector<16xi32> -> vector<16xi32>
        %add3A_882 = arith.constant 0 : i32
        %add3A_883 = vector.broadcast %add3A_882 : i32 to vector<16xi32>
        %add3A_884 = arith.addi %gather3A_881, %add3A_883 : vector<16xi32>
        %gather3A_885 = tpu.vector_load_idx %arg6[%add3A_610, %add3A_884] : memref<128x64xf32, #tpu.memory_space<vmem>>[vector<16xi32>, vector<16xi32>], vector<16xf32>,
        %mul3A_886 = arith.constant 128 : i32
        %mul3A_887 = vector.broadcast %mul3A_886 : i32 to vector<16xi32>
        %mul3A_888 = arith.muli %gather3A_881, %mul3A_887 : vector<16xi32>
        %add3A_889 = arith.addi %mul3A_888, %add3A_613 : vector<16xi32>
        tpu.vector_store_idx %arg8[%add3A_889], %gather3A_885 : memref<8192xf32, #tpu.memory_space<vmem>>[vector<16xi32>], vector<16xf32>,
        %add3A_890 = arith.constant 2048 : i32
        %add3A_891 = vector.broadcast %add3A_890 : i32 to vector<16xi32>
        %add3A_892 = arith.addi %add3A_610, %add3A_891 : vector<16xi32>
        %add3A_893 = arith.constant 16 : i32
        %add3A_894 = vector.broadcast %add3A_893 : i32 to vector<16xi32>
        %add3A_895 = arith.addi %iota3A, %add3A_894 : vector<16xi32>
        %gather3A_896 = tpu.vector_load_idx %arg6[%add3A_610, %add3A_895] : memref<128x64xf32, #tpu.memory_space<vmem>>[vector<16xi32>, vector<16xi32>], vector<16xf32>,
        %mul3A_897 = arith.constant 128 : i32
        %mul3A_898 = vector.broadcast %mul3A_897 : i32 to vector<16xi32>
        %mul3A_899 = arith.muli %iota3A, %mul3A_898 : vector<16xi32>
        %add3A_900 = arith.addi %mul3A_899, %add3A_892 : vector<16xi32>
        tpu.vector_store_idx %arg8[%add3A_900], %gather3A_896 : memref<8192xf32, #tpu.memory_space<vmem>>[vector<16xi32>], vector<16xf32>,
        %lt3A_901 = arith.constant 0 : i32
        %lt3A_902 = vector.broadcast %lt3A_901 : i32 to vector<16xi32>
        %lt3A_903 = arith.cmpi slt, %select_n3A_20, %lt3A_902 : vector<16xi32>
        %add3A_904 = arith.constant 16 : i32
        %add3A_905 = vector.broadcast %add3A_904 : i32 to vector<16xi32>
        %add3A_906 = arith.addi %select_n3A_20, %add3A_905 : vector<16xi32>
        %select_n3A_907 = arith.select %lt3A_903, %add3A_906, %select_n3A_20 : vector<16xi1>, vector<16xi32>
        %broadcast_in_dim3A_908 = vector.shape_cast %select_n3A_907 : vector<16xi32> to vector<16x1xi32>
        %gather3A_909 = vector.shape_cast %broadcast_in_dim3A_908 : vector<16x1xi32> to vector<16xi32>
        %gather3A_910 = tpu.dynamic_gather %iota3A[%gather3A_909] in [0] : vector<16xi32>, vector<16xi32> -> vector<16xi32>
        %add3A_911 = arith.constant 16 : i32
        %add3A_912 = vector.broadcast %add3A_911 : i32 to vector<16xi32>
        %add3A_913 = arith.addi %gather3A_910, %add3A_912 : vector<16xi32>
        %gather3A_914 = tpu.vector_load_idx %arg6[%add3A_610, %add3A_913] : memref<128x64xf32, #tpu.memory_space<vmem>>[vector<16xi32>, vector<16xi32>], vector<16xf32>,
        %mul3A_915 = arith.constant 128 : i32
        %mul3A_916 = vector.broadcast %mul3A_915 : i32 to vector<16xi32>
        %mul3A_917 = arith.muli %gather3A_910, %mul3A_916 : vector<16xi32>
        %add3A_918 = arith.addi %mul3A_917, %add3A_892 : vector<16xi32>
        tpu.vector_store_idx %arg8[%add3A_918], %gather3A_914 : memref<8192xf32, #tpu.memory_space<vmem>>[vector<16xi32>], vector<16xf32>,
        %lt3A_919 = arith.constant 0 : i32
        %lt3A_920 = vector.broadcast %lt3A_919 : i32 to vector<16xi32>
        %lt3A_921 = arith.cmpi slt, %select_n3A_20, %lt3A_920 : vector<16xi32>
        %add3A_922 = arith.constant 16 : i32
        %add3A_923 = vector.broadcast %add3A_922 : i32 to vector<16xi32>
        %add3A_924 = arith.addi %select_n3A_20, %add3A_923 : vector<16xi32>
        %select_n3A_925 = arith.select %lt3A_921, %add3A_924, %select_n3A_20 : vector<16xi1>, vector<16xi32>
        %broadcast_in_dim3A_926 = vector.shape_cast %select_n3A_925 : vector<16xi32> to vector<16x1xi32>
        %gather3A_927 = vector.shape_cast %broadcast_in_dim3A_926 : vector<16x1xi32> to vector<16xi32>
        %gather3A_928 = tpu.dynamic_gather %gather3A_910[%gather3A_927] in [0] : vector<16xi32>, vector<16xi32> -> vector<16xi32>
        %add3A_929 = arith.constant 16 : i32
        %add3A_930 = vector.broadcast %add3A_929 : i32 to vector<16xi32>
        %add3A_931 = arith.addi %gather3A_928, %add3A_930 : vector<16xi32>
        %gather3A_932 = tpu.vector_load_idx %arg6[%add3A_610, %add3A_931] : memref<128x64xf32, #tpu.memory_space<vmem>>[vector<16xi32>, vector<16xi32>], vector<16xf32>,
        %mul3A_933 = arith.constant 128 : i32
        %mul3A_934 = vector.broadcast %mul3A_933 : i32 to vector<16xi32>
        %mul3A_935 = arith.muli %gather3A_928, %mul3A_934 : vector<16xi32>
        %add3A_936 = arith.addi %mul3A_935, %add3A_892 : vector<16xi32>
        tpu.vector_store_idx %arg8[%add3A_936], %gather3A_932 : memref<8192xf32, #tpu.memory_space<vmem>>[vector<16xi32>], vector<16xf32>,
        %lt3A_937 = arith.constant 0 : i32
        %lt3A_938 = vector.broadcast %lt3A_937 : i32 to vector<16xi32>
        %lt3A_939 = arith.cmpi slt, %select_n3A_20, %lt3A_938 : vector<16xi32>
        %add3A_940 = arith.constant 16 : i32
        %add3A_941 = vector.broadcast %add3A_940 : i32 to vector<16xi32>
        %add3A_942 = arith.addi %select_n3A_20, %add3A_941 : vector<16xi32>
        %select_n3A_943 = arith.select %lt3A_939, %add3A_942, %select_n3A_20 : vector<16xi1>, vector<16xi32>
        %broadcast_in_dim3A_944 = vector.shape_cast %select_n3A_943 : vector<16xi32> to vector<16x1xi32>
        %gather3A_945 = vector.shape_cast %broadcast_in_dim3A_944 : vector<16x1xi32> to vector<16xi32>
        %gather3A_946 = tpu.dynamic_gather %gather3A_928[%gather3A_945] in [0] : vector<16xi32>, vector<16xi32> -> vector<16xi32>
        %add3A_947 = arith.constant 16 : i32
        %add3A_948 = vector.broadcast %add3A_947 : i32 to vector<16xi32>
        %add3A_949 = arith.addi %gather3A_946, %add3A_948 : vector<16xi32>
        %gather3A_950 = tpu.vector_load_idx %arg6[%add3A_610, %add3A_949] : memref<128x64xf32, #tpu.memory_space<vmem>>[vector<16xi32>, vector<16xi32>], vector<16xf32>,
        %mul3A_951 = arith.constant 128 : i32
        %mul3A_952 = vector.broadcast %mul3A_951 : i32 to vector<16xi32>
        %mul3A_953 = arith.muli %gather3A_946, %mul3A_952 : vector<16xi32>
        %add3A_954 = arith.addi %mul3A_953, %add3A_892 : vector<16xi32>
        tpu.vector_store_idx %arg8[%add3A_954], %gather3A_950 : memref<8192xf32, #tpu.memory_space<vmem>>[vector<16xi32>], vector<16xf32>,
        %lt3A_955 = arith.constant 0 : i32
        %lt3A_956 = vector.broadcast %lt3A_955 : i32 to vector<16xi32>
        %lt3A_957 = arith.cmpi slt, %select_n3A_20, %lt3A_956 : vector<16xi32>
        %add3A_958 = arith.constant 16 : i32
        %add3A_959 = vector.broadcast %add3A_958 : i32 to vector<16xi32>
        %add3A_960 = arith.addi %select_n3A_20, %add3A_959 : vector<16xi32>
        %select_n3A_961 = arith.select %lt3A_957, %add3A_960, %select_n3A_20 : vector<16xi1>, vector<16xi32>
        %broadcast_in_dim3A_962 = vector.shape_cast %select_n3A_961 : vector<16xi32> to vector<16x1xi32>
        %gather3A_963 = vector.shape_cast %broadcast_in_dim3A_962 : vector<16x1xi32> to vector<16xi32>
        %gather3A_964 = tpu.dynamic_gather %gather3A_946[%gather3A_963] in [0] : vector<16xi32>, vector<16xi32> -> vector<16xi32>
        %add3A_965 = arith.constant 16 : i32
        %add3A_966 = vector.broadcast %add3A_965 : i32 to vector<16xi32>
        %add3A_967 = arith.addi %gather3A_964, %add3A_966 : vector<16xi32>
        %gather3A_968 = tpu.vector_load_idx %arg6[%add3A_610, %add3A_967] : memref<128x64xf32, #tpu.memory_space<vmem>>[vector<16xi32>, vector<16xi32>], vector<16xf32>,
        %mul3A_969 = arith.constant 128 : i32
        %mul3A_970 = vector.broadcast %mul3A_969 : i32 to vector<16xi32>
        %mul3A_971 = arith.muli %gather3A_964, %mul3A_970 : vector<16xi32>
        %add3A_972 = arith.addi %mul3A_971, %add3A_892 : vector<16xi32>
        tpu.vector_store_idx %arg8[%add3A_972], %gather3A_968 : memref<8192xf32, #tpu.memory_space<vmem>>[vector<16xi32>], vector<16xf32>,
        %lt3A_973 = arith.constant 0 : i32
        %lt3A_974 = vector.broadcast %lt3A_973 : i32 to vector<16xi32>
        %lt3A_975 = arith.cmpi slt, %select_n3A_20, %lt3A_974 : vector<16xi32>
        %add3A_976 = arith.constant 16 : i32
        %add3A_977 = vector.broadcast %add3A_976 : i32 to vector<16xi32>
        %add3A_978 = arith.addi %select_n3A_20, %add3A_977 : vector<16xi32>
        %select_n3A_979 = arith.select %lt3A_975, %add3A_978, %select_n3A_20 : vector<16xi1>, vector<16xi32>
        %broadcast_in_dim3A_980 = vector.shape_cast %select_n3A_979 : vector<16xi32> to vector<16x1xi32>
        %gather3A_981 = vector.shape_cast %broadcast_in_dim3A_980 : vector<16x1xi32> to vector<16xi32>
        %gather3A_982 = tpu.dynamic_gather %gather3A_964[%gather3A_981] in [0] : vector<16xi32>, vector<16xi32> -> vector<16xi32>
        %add3A_983 = arith.constant 16 : i32
        %add3A_984 = vector.broadcast %add3A_983 : i32 to vector<16xi32>
        %add3A_985 = arith.addi %gather3A_982, %add3A_984 : vector<16xi32>
        %gather3A_986 = tpu.vector_load_idx %arg6[%add3A_610, %add3A_985] : memref<128x64xf32, #tpu.memory_space<vmem>>[vector<16xi32>, vector<16xi32>], vector<16xf32>,
        %mul3A_987 = arith.constant 128 : i32
        %mul3A_988 = vector.broadcast %mul3A_987 : i32 to vector<16xi32>
        %mul3A_989 = arith.muli %gather3A_982, %mul3A_988 : vector<16xi32>
        %add3A_990 = arith.addi %mul3A_989, %add3A_892 : vector<16xi32>
        tpu.vector_store_idx %arg8[%add3A_990], %gather3A_986 : memref<8192xf32, #tpu.memory_space<vmem>>[vector<16xi32>], vector<16xf32>,
        %lt3A_991 = arith.constant 0 : i32
        %lt3A_992 = vector.broadcast %lt3A_991 : i32 to vector<16xi32>
        %lt3A_993 = arith.cmpi slt, %select_n3A_20, %lt3A_992 : vector<16xi32>
        %add3A_994 = arith.constant 16 : i32
        %add3A_995 = vector.broadcast %add3A_994 : i32 to vector<16xi32>
        %add3A_996 = arith.addi %select_n3A_20, %add3A_995 : vector<16xi32>
        %select_n3A_997 = arith.select %lt3A_993, %add3A_996, %select_n3A_20 : vector<16xi1>, vector<16xi32>
        %broadcast_in_dim3A_998 = vector.shape_cast %select_n3A_997 : vector<16xi32> to vector<16x1xi32>
        %gather3A_999 = vector.shape_cast %broadcast_in_dim3A_998 : vector<16x1xi32> to vector<16xi32>
        %gather3A_1000 = tpu.dynamic_gather %gather3A_982[%gather3A_999] in [0] : vector<16xi32>, vector<16xi32> -> vector<16xi32>
        %add3A_1001 = arith.constant 16 : i32
        %add3A_1002 = vector.broadcast %add3A_1001 : i32 to vector<16xi32>
        %add3A_1003 = arith.addi %gather3A_1000, %add3A_1002 : vector<16xi32>
        %gather3A_1004 = tpu.vector_load_idx %arg6[%add3A_610, %add3A_1003] : memref<128x64xf32, #tpu.memory_space<vmem>>[vector<16xi32>, vector<16xi32>], vector<16xf32>,
        %mul3A_1005 = arith.constant 128 : i32
        %mul3A_1006 = vector.broadcast %mul3A_1005 : i32 to vector<16xi32>
        %mul3A_1007 = arith.muli %gather3A_1000, %mul3A_1006 : vector<16xi32>
        %add3A_1008 = arith.addi %mul3A_1007, %add3A_892 : vector<16xi32>
        tpu.vector_store_idx %arg8[%add3A_1008], %gather3A_1004 : memref<8192xf32, #tpu.memory_space<vmem>>[vector<16xi32>], vector<16xf32>,
        %lt3A_1009 = arith.constant 0 : i32
        %lt3A_1010 = vector.broadcast %lt3A_1009 : i32 to vector<16xi32>
        %lt3A_1011 = arith.cmpi slt, %select_n3A_20, %lt3A_1010 : vector<16xi32>
        %add3A_1012 = arith.constant 16 : i32
        %add3A_1013 = vector.broadcast %add3A_1012 : i32 to vector<16xi32>
        %add3A_1014 = arith.addi %select_n3A_20, %add3A_1013 : vector<16xi32>
        %select_n3A_1015 = arith.select %lt3A_1011, %add3A_1014, %select_n3A_20 : vector<16xi1>, vector<16xi32>
        %broadcast_in_dim3A_1016 = vector.shape_cast %select_n3A_1015 : vector<16xi32> to vector<16x1xi32>
        %gather3A_1017 = vector.shape_cast %broadcast_in_dim3A_1016 : vector<16x1xi32> to vector<16xi32>
        %gather3A_1018 = tpu.dynamic_gather %gather3A_1000[%gather3A_1017] in [0] : vector<16xi32>, vector<16xi32> -> vector<16xi32>
        %add3A_1019 = arith.constant 16 : i32
        %add3A_1020 = vector.broadcast %add3A_1019 : i32 to vector<16xi32>
        %add3A_1021 = arith.addi %gather3A_1018, %add3A_1020 : vector<16xi32>
        %gather3A_1022 = tpu.vector_load_idx %arg6[%add3A_610, %add3A_1021] : memref<128x64xf32, #tpu.memory_space<vmem>>[vector<16xi32>, vector<16xi32>], vector<16xf32>,
        %mul3A_1023 = arith.constant 128 : i32
        %mul3A_1024 = vector.broadcast %mul3A_1023 : i32 to vector<16xi32>
        %mul3A_1025 = arith.muli %gather3A_1018, %mul3A_1024 : vector<16xi32>
        %add3A_1026 = arith.addi %mul3A_1025, %add3A_892 : vector<16xi32>
        tpu.vector_store_idx %arg8[%add3A_1026], %gather3A_1022 : memref<8192xf32, #tpu.memory_space<vmem>>[vector<16xi32>], vector<16xf32>,
        %lt3A_1027 = arith.constant 0 : i32
        %lt3A_1028 = vector.broadcast %lt3A_1027 : i32 to vector<16xi32>
        %lt3A_1029 = arith.cmpi slt, %select_n3A_20, %lt3A_1028 : vector<16xi32>
        %add3A_1030 = arith.constant 16 : i32
        %add3A_1031 = vector.broadcast %add3A_1030 : i32 to vector<16xi32>
        %add3A_1032 = arith.addi %select_n3A_20, %add3A_1031 : vector<16xi32>
        %select_n3A_1033 = arith.select %lt3A_1029, %add3A_1032, %select_n3A_20 : vector<16xi1>, vector<16xi32>
        %broadcast_in_dim3A_1034 = vector.shape_cast %select_n3A_1033 : vector<16xi32> to vector<16x1xi32>
        %gather3A_1035 = vector.shape_cast %broadcast_in_dim3A_1034 : vector<16x1xi32> to vector<16xi32>
        %gather3A_1036 = tpu.dynamic_gather %gather3A_1018[%gather3A_1035] in [0] : vector<16xi32>, vector<16xi32> -> vector<16xi32>
        %add3A_1037 = arith.constant 16 : i32
        %add3A_1038 = vector.broadcast %add3A_1037 : i32 to vector<16xi32>
        %add3A_1039 = arith.addi %gather3A_1036, %add3A_1038 : vector<16xi32>
        %gather3A_1040 = tpu.vector_load_idx %arg6[%add3A_610, %add3A_1039] : memref<128x64xf32, #tpu.memory_space<vmem>>[vector<16xi32>, vector<16xi32>], vector<16xf32>,
        %mul3A_1041 = arith.constant 128 : i32
        %mul3A_1042 = vector.broadcast %mul3A_1041 : i32 to vector<16xi32>
        %mul3A_1043 = arith.muli %gather3A_1036, %mul3A_1042 : vector<16xi32>
        %add3A_1044 = arith.addi %mul3A_1043, %add3A_892 : vector<16xi32>
        tpu.vector_store_idx %arg8[%add3A_1044], %gather3A_1040 : memref<8192xf32, #tpu.memory_space<vmem>>[vector<16xi32>], vector<16xf32>,
        %lt3A_1045 = arith.constant 0 : i32
        %lt3A_1046 = vector.broadcast %lt3A_1045 : i32 to vector<16xi32>
        %lt3A_1047 = arith.cmpi slt, %select_n3A_20, %lt3A_1046 : vector<16xi32>
        %add3A_1048 = arith.constant 16 : i32
        %add3A_1049 = vector.broadcast %add3A_1048 : i32 to vector<16xi32>
        %add3A_1050 = arith.addi %select_n3A_20, %add3A_1049 : vector<16xi32>
        %select_n3A_1051 = arith.select %lt3A_1047, %add3A_1050, %select_n3A_20 : vector<16xi1>, vector<16xi32>
        %broadcast_in_dim3A_1052 = vector.shape_cast %select_n3A_1051 : vector<16xi32> to vector<16x1xi32>
        %gather3A_1053 = vector.shape_cast %broadcast_in_dim3A_1052 : vector<16x1xi32> to vector<16xi32>
        %gather3A_1054 = tpu.dynamic_gather %gather3A_1036[%gather3A_1053] in [0] : vector<16xi32>, vector<16xi32> -> vector<16xi32>
        %add3A_1055 = arith.constant 16 : i32
        %add3A_1056 = vector.broadcast %add3A_1055 : i32 to vector<16xi32>
        %add3A_1057 = arith.addi %gather3A_1054, %add3A_1056 : vector<16xi32>
        %gather3A_1058 = tpu.vector_load_idx %arg6[%add3A_610, %add3A_1057] : memref<128x64xf32, #tpu.memory_space<vmem>>[vector<16xi32>, vector<16xi32>], vector<16xf32>,
        %mul3A_1059 = arith.constant 128 : i32
        %mul3A_1060 = vector.broadcast %mul3A_1059 : i32 to vector<16xi32>
        %mul3A_1061 = arith.muli %gather3A_1054, %mul3A_1060 : vector<16xi32>
        %add3A_1062 = arith.addi %mul3A_1061, %add3A_892 : vector<16xi32>
        tpu.vector_store_idx %arg8[%add3A_1062], %gather3A_1058 : memref<8192xf32, #tpu.memory_space<vmem>>[vector<16xi32>], vector<16xf32>,
        %lt3A_1063 = arith.constant 0 : i32
        %lt3A_1064 = vector.broadcast %lt3A_1063 : i32 to vector<16xi32>
        %lt3A_1065 = arith.cmpi slt, %select_n3A_20, %lt3A_1064 : vector<16xi32>
        %add3A_1066 = arith.constant 16 : i32
        %add3A_1067 = vector.broadcast %add3A_1066 : i32 to vector<16xi32>
        %add3A_1068 = arith.addi %select_n3A_20, %add3A_1067 : vector<16xi32>
        %select_n3A_1069 = arith.select %lt3A_1065, %add3A_1068, %select_n3A_20 : vector<16xi1>, vector<16xi32>
        %broadcast_in_dim3A_1070 = vector.shape_cast %select_n3A_1069 : vector<16xi32> to vector<16x1xi32>
        %gather3A_1071 = vector.shape_cast %broadcast_in_dim3A_1070 : vector<16x1xi32> to vector<16xi32>
        %gather3A_1072 = tpu.dynamic_gather %gather3A_1054[%gather3A_1071] in [0] : vector<16xi32>, vector<16xi32> -> vector<16xi32>
        %add3A_1073 = arith.constant 16 : i32
        %add3A_1074 = vector.broadcast %add3A_1073 : i32 to vector<16xi32>
        %add3A_1075 = arith.addi %gather3A_1072, %add3A_1074 : vector<16xi32>
        %gather3A_1076 = tpu.vector_load_idx %arg6[%add3A_610, %add3A_1075] : memref<128x64xf32, #tpu.memory_space<vmem>>[vector<16xi32>, vector<16xi32>], vector<16xf32>,
        %mul3A_1077 = arith.constant 128 : i32
        %mul3A_1078 = vector.broadcast %mul3A_1077 : i32 to vector<16xi32>
        %mul3A_1079 = arith.muli %gather3A_1072, %mul3A_1078 : vector<16xi32>
        %add3A_1080 = arith.addi %mul3A_1079, %add3A_892 : vector<16xi32>
        tpu.vector_store_idx %arg8[%add3A_1080], %gather3A_1076 : memref<8192xf32, #tpu.memory_space<vmem>>[vector<16xi32>], vector<16xf32>,
        %lt3A_1081 = arith.constant 0 : i32
        %lt3A_1082 = vector.broadcast %lt3A_1081 : i32 to vector<16xi32>
        %lt3A_1083 = arith.cmpi slt, %select_n3A_20, %lt3A_1082 : vector<16xi32>
        %add3A_1084 = arith.constant 16 : i32
        %add3A_1085 = vector.broadcast %add3A_1084 : i32 to vector<16xi32>
        %add3A_1086 = arith.addi %select_n3A_20, %add3A_1085 : vector<16xi32>
        %select_n3A_1087 = arith.select %lt3A_1083, %add3A_1086, %select_n3A_20 : vector<16xi1>, vector<16xi32>
        %broadcast_in_dim3A_1088 = vector.shape_cast %select_n3A_1087 : vector<16xi32> to vector<16x1xi32>
        %gather3A_1089 = vector.shape_cast %broadcast_in_dim3A_1088 : vector<16x1xi32> to vector<16xi32>
        %gather3A_1090 = tpu.dynamic_gather %gather3A_1072[%gather3A_1089] in [0] : vector<16xi32>, vector<16xi32> -> vector<16xi32>
        %add3A_1091 = arith.constant 16 : i32
        %add3A_1092 = vector.broadcast %add3A_1091 : i32 to vector<16xi32>
        %add3A_1093 = arith.addi %gather3A_1090, %add3A_1092 : vector<16xi32>
        %gather3A_1094 = tpu.vector_load_idx %arg6[%add3A_610, %add3A_1093] : memref<128x64xf32, #tpu.memory_space<vmem>>[vector<16xi32>, vector<16xi32>], vector<16xf32>,
        %mul3A_1095 = arith.constant 128 : i32
        %mul3A_1096 = vector.broadcast %mul3A_1095 : i32 to vector<16xi32>
        %mul3A_1097 = arith.muli %gather3A_1090, %mul3A_1096 : vector<16xi32>
        %add3A_1098 = arith.addi %mul3A_1097, %add3A_892 : vector<16xi32>
        tpu.vector_store_idx %arg8[%add3A_1098], %gather3A_1094 : memref<8192xf32, #tpu.memory_space<vmem>>[vector<16xi32>], vector<16xf32>,
        %lt3A_1099 = arith.constant 0 : i32
        %lt3A_1100 = vector.broadcast %lt3A_1099 : i32 to vector<16xi32>
        %lt3A_1101 = arith.cmpi slt, %select_n3A_20, %lt3A_1100 : vector<16xi32>
        %add3A_1102 = arith.constant 16 : i32
        %add3A_1103 = vector.broadcast %add3A_1102 : i32 to vector<16xi32>
        %add3A_1104 = arith.addi %select_n3A_20, %add3A_1103 : vector<16xi32>
        %select_n3A_1105 = arith.select %lt3A_1101, %add3A_1104, %select_n3A_20 : vector<16xi1>, vector<16xi32>
        %broadcast_in_dim3A_1106 = vector.shape_cast %select_n3A_1105 : vector<16xi32> to vector<16x1xi32>
        %gather3A_1107 = vector.shape_cast %broadcast_in_dim3A_1106 : vector<16x1xi32> to vector<16xi32>
        %gather3A_1108 = tpu.dynamic_gather %gather3A_1090[%gather3A_1107] in [0] : vector<16xi32>, vector<16xi32> -> vector<16xi32>
        %add3A_1109 = arith.constant 16 : i32
        %add3A_1110 = vector.broadcast %add3A_1109 : i32 to vector<16xi32>
        %add3A_1111 = arith.addi %gather3A_1108, %add3A_1110 : vector<16xi32>
        %gather3A_1112 = tpu.vector_load_idx %arg6[%add3A_610, %add3A_1111] : memref<128x64xf32, #tpu.memory_space<vmem>>[vector<16xi32>, vector<16xi32>], vector<16xf32>,
        %mul3A_1113 = arith.constant 128 : i32
        %mul3A_1114 = vector.broadcast %mul3A_1113 : i32 to vector<16xi32>
        %mul3A_1115 = arith.muli %gather3A_1108, %mul3A_1114 : vector<16xi32>
        %add3A_1116 = arith.addi %mul3A_1115, %add3A_892 : vector<16xi32>
        tpu.vector_store_idx %arg8[%add3A_1116], %gather3A_1112 : memref<8192xf32, #tpu.memory_space<vmem>>[vector<16xi32>], vector<16xf32>,
        %lt3A_1117 = arith.constant 0 : i32
        %lt3A_1118 = vector.broadcast %lt3A_1117 : i32 to vector<16xi32>
        %lt3A_1119 = arith.cmpi slt, %select_n3A_20, %lt3A_1118 : vector<16xi32>
        %add3A_1120 = arith.constant 16 : i32
        %add3A_1121 = vector.broadcast %add3A_1120 : i32 to vector<16xi32>
        %add3A_1122 = arith.addi %select_n3A_20, %add3A_1121 : vector<16xi32>
        %select_n3A_1123 = arith.select %lt3A_1119, %add3A_1122, %select_n3A_20 : vector<16xi1>, vector<16xi32>
        %broadcast_in_dim3A_1124 = vector.shape_cast %select_n3A_1123 : vector<16xi32> to vector<16x1xi32>
        %gather3A_1125 = vector.shape_cast %broadcast_in_dim3A_1124 : vector<16x1xi32> to vector<16xi32>
        %gather3A_1126 = tpu.dynamic_gather %gather3A_1108[%gather3A_1125] in [0] : vector<16xi32>, vector<16xi32> -> vector<16xi32>
        %add3A_1127 = arith.constant 16 : i32
        %add3A_1128 = vector.broadcast %add3A_1127 : i32 to vector<16xi32>
        %add3A_1129 = arith.addi %gather3A_1126, %add3A_1128 : vector<16xi32>
        %gather3A_1130 = tpu.vector_load_idx %arg6[%add3A_610, %add3A_1129] : memref<128x64xf32, #tpu.memory_space<vmem>>[vector<16xi32>, vector<16xi32>], vector<16xf32>,
        %mul3A_1131 = arith.constant 128 : i32
        %mul3A_1132 = vector.broadcast %mul3A_1131 : i32 to vector<16xi32>
        %mul3A_1133 = arith.muli %gather3A_1126, %mul3A_1132 : vector<16xi32>
        %add3A_1134 = arith.addi %mul3A_1133, %add3A_892 : vector<16xi32>
        tpu.vector_store_idx %arg8[%add3A_1134], %gather3A_1130 : memref<8192xf32, #tpu.memory_space<vmem>>[vector<16xi32>], vector<16xf32>,
        %lt3A_1135 = arith.constant 0 : i32
        %lt3A_1136 = vector.broadcast %lt3A_1135 : i32 to vector<16xi32>
        %lt3A_1137 = arith.cmpi slt, %select_n3A_20, %lt3A_1136 : vector<16xi32>
        %add3A_1138 = arith.constant 16 : i32
        %add3A_1139 = vector.broadcast %add3A_1138 : i32 to vector<16xi32>
        %add3A_1140 = arith.addi %select_n3A_20, %add3A_1139 : vector<16xi32>
        %select_n3A_1141 = arith.select %lt3A_1137, %add3A_1140, %select_n3A_20 : vector<16xi1>, vector<16xi32>
        %broadcast_in_dim3A_1142 = vector.shape_cast %select_n3A_1141 : vector<16xi32> to vector<16x1xi32>
        %gather3A_1143 = vector.shape_cast %broadcast_in_dim3A_1142 : vector<16x1xi32> to vector<16xi32>
        %gather3A_1144 = tpu.dynamic_gather %gather3A_1126[%gather3A_1143] in [0] : vector<16xi32>, vector<16xi32> -> vector<16xi32>
        %add3A_1145 = arith.constant 16 : i32
        %add3A_1146 = vector.broadcast %add3A_1145 : i32 to vector<16xi32>
        %add3A_1147 = arith.addi %gather3A_1144, %add3A_1146 : vector<16xi32>
        %gather3A_1148 = tpu.vector_load_idx %arg6[%add3A_610, %add3A_1147] : memref<128x64xf32, #tpu.memory_space<vmem>>[vector<16xi32>, vector<16xi32>], vector<16xf32>,
        %mul3A_1149 = arith.constant 128 : i32
        %mul3A_1150 = vector.broadcast %mul3A_1149 : i32 to vector<16xi32>
        %mul3A_1151 = arith.muli %gather3A_1144, %mul3A_1150 : vector<16xi32>
        %add3A_1152 = arith.addi %mul3A_1151, %add3A_892 : vector<16xi32>
        tpu.vector_store_idx %arg8[%add3A_1152], %gather3A_1148 : memref<8192xf32, #tpu.memory_space<vmem>>[vector<16xi32>], vector<16xf32>,
        %lt3A_1153 = arith.constant 0 : i32
        %lt3A_1154 = vector.broadcast %lt3A_1153 : i32 to vector<16xi32>
        %lt3A_1155 = arith.cmpi slt, %select_n3A_20, %lt3A_1154 : vector<16xi32>
        %add3A_1156 = arith.constant 16 : i32
        %add3A_1157 = vector.broadcast %add3A_1156 : i32 to vector<16xi32>
        %add3A_1158 = arith.addi %select_n3A_20, %add3A_1157 : vector<16xi32>
        %select_n3A_1159 = arith.select %lt3A_1155, %add3A_1158, %select_n3A_20 : vector<16xi1>, vector<16xi32>
        %broadcast_in_dim3A_1160 = vector.shape_cast %select_n3A_1159 : vector<16xi32> to vector<16x1xi32>
        %gather3A_1161 = vector.shape_cast %broadcast_in_dim3A_1160 : vector<16x1xi32> to vector<16xi32>
        %gather3A_1162 = tpu.dynamic_gather %gather3A_1144[%gather3A_1161] in [0] : vector<16xi32>, vector<16xi32> -> vector<16xi32>
        %add3A_1163 = arith.constant 16 : i32
        %add3A_1164 = vector.broadcast %add3A_1163 : i32 to vector<16xi32>
        %add3A_1165 = arith.addi %gather3A_1162, %add3A_1164 : vector<16xi32>
        %gather3A_1166 = tpu.vector_load_idx %arg6[%add3A_610, %add3A_1165] : memref<128x64xf32, #tpu.memory_space<vmem>>[vector<16xi32>, vector<16xi32>], vector<16xf32>,
        %mul3A_1167 = arith.constant 128 : i32
        %mul3A_1168 = vector.broadcast %mul3A_1167 : i32 to vector<16xi32>
        %mul3A_1169 = arith.muli %gather3A_1162, %mul3A_1168 : vector<16xi32>
        %add3A_1170 = arith.addi %mul3A_1169, %add3A_892 : vector<16xi32>
        tpu.vector_store_idx %arg8[%add3A_1170], %gather3A_1166 : memref<8192xf32, #tpu.memory_space<vmem>>[vector<16xi32>], vector<16xf32>,
        %add3A_1171 = arith.constant 4096 : i32
        %add3A_1172 = vector.broadcast %add3A_1171 : i32 to vector<16xi32>
        %add3A_1173 = arith.addi %add3A_610, %add3A_1172 : vector<16xi32>
        %add3A_1174 = arith.constant 32 : i32
        %add3A_1175 = vector.broadcast %add3A_1174 : i32 to vector<16xi32>
        %add3A_1176 = arith.addi %iota3A, %add3A_1175 : vector<16xi32>
        %gather3A_1177 = tpu.vector_load_idx %arg6[%add3A_610, %add3A_1176] : memref<128x64xf32, #tpu.memory_space<vmem>>[vector<16xi32>, vector<16xi32>], vector<16xf32>,
        %mul3A_1178 = arith.constant 128 : i32
        %mul3A_1179 = vector.broadcast %mul3A_1178 : i32 to vector<16xi32>
        %mul3A_1180 = arith.muli %iota3A, %mul3A_1179 : vector<16xi32>
        %add3A_1181 = arith.addi %mul3A_1180, %add3A_1173 : vector<16xi32>
        tpu.vector_store_idx %arg8[%add3A_1181], %gather3A_1177 : memref<8192xf32, #tpu.memory_space<vmem>>[vector<16xi32>], vector<16xf32>,
        %lt3A_1182 = arith.constant 0 : i32
        %lt3A_1183 = vector.broadcast %lt3A_1182 : i32 to vector<16xi32>
        %lt3A_1184 = arith.cmpi slt, %select_n3A_20, %lt3A_1183 : vector<16xi32>
        %add3A_1185 = arith.constant 16 : i32
        %add3A_1186 = vector.broadcast %add3A_1185 : i32 to vector<16xi32>
        %add3A_1187 = arith.addi %select_n3A_20, %add3A_1186 : vector<16xi32>
        %select_n3A_1188 = arith.select %lt3A_1184, %add3A_1187, %select_n3A_20 : vector<16xi1>, vector<16xi32>
        %broadcast_in_dim3A_1189 = vector.shape_cast %select_n3A_1188 : vector<16xi32> to vector<16x1xi32>
        %gather3A_1190 = vector.shape_cast %broadcast_in_dim3A_1189 : vector<16x1xi32> to vector<16xi32>
        %gather3A_1191 = tpu.dynamic_gather %iota3A[%gather3A_1190] in [0] : vector<16xi32>, vector<16xi32> -> vector<16xi32>
        %add3A_1192 = arith.constant 32 : i32
        %add3A_1193 = vector.broadcast %add3A_1192 : i32 to vector<16xi32>
        %add3A_1194 = arith.addi %gather3A_1191, %add3A_1193 : vector<16xi32>
        %gather3A_1195 = tpu.vector_load_idx %arg6[%add3A_610, %add3A_1194] : memref<128x64xf32, #tpu.memory_space<vmem>>[vector<16xi32>, vector<16xi32>], vector<16xf32>,
        %mul3A_1196 = arith.constant 128 : i32
        %mul3A_1197 = vector.broadcast %mul3A_1196 : i32 to vector<16xi32>
        %mul3A_1198 = arith.muli %gather3A_1191, %mul3A_1197 : vector<16xi32>
        %add3A_1199 = arith.addi %mul3A_1198, %add3A_1173 : vector<16xi32>
        tpu.vector_store_idx %arg8[%add3A_1199], %gather3A_1195 : memref<8192xf32, #tpu.memory_space<vmem>>[vector<16xi32>], vector<16xf32>,
        %lt3A_1200 = arith.constant 0 : i32
        %lt3A_1201 = vector.broadcast %lt3A_1200 : i32 to vector<16xi32>
        %lt3A_1202 = arith.cmpi slt, %select_n3A_20, %lt3A_1201 : vector<16xi32>
        %add3A_1203 = arith.constant 16 : i32
        %add3A_1204 = vector.broadcast %add3A_1203 : i32 to vector<16xi32>
        %add3A_1205 = arith.addi %select_n3A_20, %add3A_1204 : vector<16xi32>
        %select_n3A_1206 = arith.select %lt3A_1202, %add3A_1205, %select_n3A_20 : vector<16xi1>, vector<16xi32>
        %broadcast_in_dim3A_1207 = vector.shape_cast %select_n3A_1206 : vector<16xi32> to vector<16x1xi32>
        %gather3A_1208 = vector.shape_cast %broadcast_in_dim3A_1207 : vector<16x1xi32> to vector<16xi32>
        %gather3A_1209 = tpu.dynamic_gather %gather3A_1191[%gather3A_1208] in [0] : vector<16xi32>, vector<16xi32> -> vector<16xi32>
        %add3A_1210 = arith.constant 32 : i32
        %add3A_1211 = vector.broadcast %add3A_1210 : i32 to vector<16xi32>
        %add3A_1212 = arith.addi %gather3A_1209, %add3A_1211 : vector<16xi32>
        %gather3A_1213 = tpu.vector_load_idx %arg6[%add3A_610, %add3A_1212] : memref<128x64xf32, #tpu.memory_space<vmem>>[vector<16xi32>, vector<16xi32>], vector<16xf32>,
        %mul3A_1214 = arith.constant 128 : i32
        %mul3A_1215 = vector.broadcast %mul3A_1214 : i32 to vector<16xi32>
        %mul3A_1216 = arith.muli %gather3A_1209, %mul3A_1215 : vector<16xi32>
        %add3A_1217 = arith.addi %mul3A_1216, %add3A_1173 : vector<16xi32>
        tpu.vector_store_idx %arg8[%add3A_1217], %gather3A_1213 : memref<8192xf32, #tpu.memory_space<vmem>>[vector<16xi32>], vector<16xf32>,
        %lt3A_1218 = arith.constant 0 : i32
        %lt3A_1219 = vector.broadcast %lt3A_1218 : i32 to vector<16xi32>
        %lt3A_1220 = arith.cmpi slt, %select_n3A_20, %lt3A_1219 : vector<16xi32>
        %add3A_1221 = arith.constant 16 : i32
        %add3A_1222 = vector.broadcast %add3A_1221 : i32 to vector<16xi32>
        %add3A_1223 = arith.addi %select_n3A_20, %add3A_1222 : vector<16xi32>
        %select_n3A_1224 = arith.select %lt3A_1220, %add3A_1223, %select_n3A_20 : vector<16xi1>, vector<16xi32>
        %broadcast_in_dim3A_1225 = vector.shape_cast %select_n3A_1224 : vector<16xi32> to vector<16x1xi32>
        %gather3A_1226 = vector.shape_cast %broadcast_in_dim3A_1225 : vector<16x1xi32> to vector<16xi32>
        %gather3A_1227 = tpu.dynamic_gather %gather3A_1209[%gather3A_1226] in [0] : vector<16xi32>, vector<16xi32> -> vector<16xi32>
        %add3A_1228 = arith.constant 32 : i32
        %add3A_1229 = vector.broadcast %add3A_1228 : i32 to vector<16xi32>
        %add3A_1230 = arith.addi %gather3A_1227, %add3A_1229 : vector<16xi32>
        %gather3A_1231 = tpu.vector_load_idx %arg6[%add3A_610, %add3A_1230] : memref<128x64xf32, #tpu.memory_space<vmem>>[vector<16xi32>, vector<16xi32>], vector<16xf32>,
        %mul3A_1232 = arith.constant 128 : i32
        %mul3A_1233 = vector.broadcast %mul3A_1232 : i32 to vector<16xi32>
        %mul3A_1234 = arith.muli %gather3A_1227, %mul3A_1233 : vector<16xi32>
        %add3A_1235 = arith.addi %mul3A_1234, %add3A_1173 : vector<16xi32>
        tpu.vector_store_idx %arg8[%add3A_1235], %gather3A_1231 : memref<8192xf32, #tpu.memory_space<vmem>>[vector<16xi32>], vector<16xf32>,
        %lt3A_1236 = arith.constant 0 : i32
        %lt3A_1237 = vector.broadcast %lt3A_1236 : i32 to vector<16xi32>
        %lt3A_1238 = arith.cmpi slt, %select_n3A_20, %lt3A_1237 : vector<16xi32>
        %add3A_1239 = arith.constant 16 : i32
        %add3A_1240 = vector.broadcast %add3A_1239 : i32 to vector<16xi32>
        %add3A_1241 = arith.addi %select_n3A_20, %add3A_1240 : vector<16xi32>
        %select_n3A_1242 = arith.select %lt3A_1238, %add3A_1241, %select_n3A_20 : vector<16xi1>, vector<16xi32>
        %broadcast_in_dim3A_1243 = vector.shape_cast %select_n3A_1242 : vector<16xi32> to vector<16x1xi32>
        %gather3A_1244 = vector.shape_cast %broadcast_in_dim3A_1243 : vector<16x1xi32> to vector<16xi32>
        %gather3A_1245 = tpu.dynamic_gather %gather3A_1227[%gather3A_1244] in [0] : vector<16xi32>, vector<16xi32> -> vector<16xi32>
        %add3A_1246 = arith.constant 32 : i32
        %add3A_1247 = vector.broadcast %add3A_1246 : i32 to vector<16xi32>
        %add3A_1248 = arith.addi %gather3A_1245, %add3A_1247 : vector<16xi32>
        %gather3A_1249 = tpu.vector_load_idx %arg6[%add3A_610, %add3A_1248] : memref<128x64xf32, #tpu.memory_space<vmem>>[vector<16xi32>, vector<16xi32>], vector<16xf32>,
        %mul3A_1250 = arith.constant 128 : i32
        %mul3A_1251 = vector.broadcast %mul3A_1250 : i32 to vector<16xi32>
        %mul3A_1252 = arith.muli %gather3A_1245, %mul3A_1251 : vector<16xi32>
        %add3A_1253 = arith.addi %mul3A_1252, %add3A_1173 : vector<16xi32>
        tpu.vector_store_idx %arg8[%add3A_1253], %gather3A_1249 : memref<8192xf32, #tpu.memory_space<vmem>>[vector<16xi32>], vector<16xf32>,
        %lt3A_1254 = arith.constant 0 : i32
        %lt3A_1255 = vector.broadcast %lt3A_1254 : i32 to vector<16xi32>
        %lt3A_1256 = arith.cmpi slt, %select_n3A_20, %lt3A_1255 : vector<16xi32>
        %add3A_1257 = arith.constant 16 : i32
        %add3A_1258 = vector.broadcast %add3A_1257 : i32 to vector<16xi32>
        %add3A_1259 = arith.addi %select_n3A_20, %add3A_1258 : vector<16xi32>
        %select_n3A_1260 = arith.select %lt3A_1256, %add3A_1259, %select_n3A_20 : vector<16xi1>, vector<16xi32>
        %broadcast_in_dim3A_1261 = vector.shape_cast %select_n3A_1260 : vector<16xi32> to vector<16x1xi32>
        %gather3A_1262 = vector.shape_cast %broadcast_in_dim3A_1261 : vector<16x1xi32> to vector<16xi32>
        %gather3A_1263 = tpu.dynamic_gather %gather3A_1245[%gather3A_1262] in [0] : vector<16xi32>, vector<16xi32> -> vector<16xi32>
        %add3A_1264 = arith.constant 32 : i32
        %add3A_1265 = vector.broadcast %add3A_1264 : i32 to vector<16xi32>
        %add3A_1266 = arith.addi %gather3A_1263, %add3A_1265 : vector<16xi32>
        %gather3A_1267 = tpu.vector_load_idx %arg6[%add3A_610, %add3A_1266] : memref<128x64xf32, #tpu.memory_space<vmem>>[vector<16xi32>, vector<16xi32>], vector<16xf32>,
        %mul3A_1268 = arith.constant 128 : i32
        %mul3A_1269 = vector.broadcast %mul3A_1268 : i32 to vector<16xi32>
        %mul3A_1270 = arith.muli %gather3A_1263, %mul3A_1269 : vector<16xi32>
        %add3A_1271 = arith.addi %mul3A_1270, %add3A_1173 : vector<16xi32>
        tpu.vector_store_idx %arg8[%add3A_1271], %gather3A_1267 : memref<8192xf32, #tpu.memory_space<vmem>>[vector<16xi32>], vector<16xf32>,
        %lt3A_1272 = arith.constant 0 : i32
        %lt3A_1273 = vector.broadcast %lt3A_1272 : i32 to vector<16xi32>
        %lt3A_1274 = arith.cmpi slt, %select_n3A_20, %lt3A_1273 : vector<16xi32>
        %add3A_1275 = arith.constant 16 : i32
        %add3A_1276 = vector.broadcast %add3A_1275 : i32 to vector<16xi32>
        %add3A_1277 = arith.addi %select_n3A_20, %add3A_1276 : vector<16xi32>
        %select_n3A_1278 = arith.select %lt3A_1274, %add3A_1277, %select_n3A_20 : vector<16xi1>, vector<16xi32>
        %broadcast_in_dim3A_1279 = vector.shape_cast %select_n3A_1278 : vector<16xi32> to vector<16x1xi32>
        %gather3A_1280 = vector.shape_cast %broadcast_in_dim3A_1279 : vector<16x1xi32> to vector<16xi32>
        %gather3A_1281 = tpu.dynamic_gather %gather3A_1263[%gather3A_1280] in [0] : vector<16xi32>, vector<16xi32> -> vector<16xi32>
        %add3A_1282 = arith.constant 32 : i32
        %add3A_1283 = vector.broadcast %add3A_1282 : i32 to vector<16xi32>
        %add3A_1284 = arith.addi %gather3A_1281, %add3A_1283 : vector<16xi32>
        %gather3A_1285 = tpu.vector_load_idx %arg6[%add3A_610, %add3A_1284] : memref<128x64xf32, #tpu.memory_space<vmem>>[vector<16xi32>, vector<16xi32>], vector<16xf32>,
        %mul3A_1286 = arith.constant 128 : i32
        %mul3A_1287 = vector.broadcast %mul3A_1286 : i32 to vector<16xi32>
        %mul3A_1288 = arith.muli %gather3A_1281, %mul3A_1287 : vector<16xi32>
        %add3A_1289 = arith.addi %mul3A_1288, %add3A_1173 : vector<16xi32>
        tpu.vector_store_idx %arg8[%add3A_1289], %gather3A_1285 : memref<8192xf32, #tpu.memory_space<vmem>>[vector<16xi32>], vector<16xf32>,
        %lt3A_1290 = arith.constant 0 : i32
        %lt3A_1291 = vector.broadcast %lt3A_1290 : i32 to vector<16xi32>
        %lt3A_1292 = arith.cmpi slt, %select_n3A_20, %lt3A_1291 : vector<16xi32>
        %add3A_1293 = arith.constant 16 : i32
        %add3A_1294 = vector.broadcast %add3A_1293 : i32 to vector<16xi32>
        %add3A_1295 = arith.addi %select_n3A_20, %add3A_1294 : vector<16xi32>
        %select_n3A_1296 = arith.select %lt3A_1292, %add3A_1295, %select_n3A_20 : vector<16xi1>, vector<16xi32>
        %broadcast_in_dim3A_1297 = vector.shape_cast %select_n3A_1296 : vector<16xi32> to vector<16x1xi32>
        %gather3A_1298 = vector.shape_cast %broadcast_in_dim3A_1297 : vector<16x1xi32> to vector<16xi32>
        %gather3A_1299 = tpu.dynamic_gather %gather3A_1281[%gather3A_1298] in [0] : vector<16xi32>, vector<16xi32> -> vector<16xi32>
        %add3A_1300 = arith.constant 32 : i32
        %add3A_1301 = vector.broadcast %add3A_1300 : i32 to vector<16xi32>
        %add3A_1302 = arith.addi %gather3A_1299, %add3A_1301 : vector<16xi32>
        %gather3A_1303 = tpu.vector_load_idx %arg6[%add3A_610, %add3A_1302] : memref<128x64xf32, #tpu.memory_space<vmem>>[vector<16xi32>, vector<16xi32>], vector<16xf32>,
        %mul3A_1304 = arith.constant 128 : i32
        %mul3A_1305 = vector.broadcast %mul3A_1304 : i32 to vector<16xi32>
        %mul3A_1306 = arith.muli %gather3A_1299, %mul3A_1305 : vector<16xi32>
        %add3A_1307 = arith.addi %mul3A_1306, %add3A_1173 : vector<16xi32>
        tpu.vector_store_idx %arg8[%add3A_1307], %gather3A_1303 : memref<8192xf32, #tpu.memory_space<vmem>>[vector<16xi32>], vector<16xf32>,
        %lt3A_1308 = arith.constant 0 : i32
        %lt3A_1309 = vector.broadcast %lt3A_1308 : i32 to vector<16xi32>
        %lt3A_1310 = arith.cmpi slt, %select_n3A_20, %lt3A_1309 : vector<16xi32>
        %add3A_1311 = arith.constant 16 : i32
        %add3A_1312 = vector.broadcast %add3A_1311 : i32 to vector<16xi32>
        %add3A_1313 = arith.addi %select_n3A_20, %add3A_1312 : vector<16xi32>
        %select_n3A_1314 = arith.select %lt3A_1310, %add3A_1313, %select_n3A_20 : vector<16xi1>, vector<16xi32>
        %broadcast_in_dim3A_1315 = vector.shape_cast %select_n3A_1314 : vector<16xi32> to vector<16x1xi32>
        %gather3A_1316 = vector.shape_cast %broadcast_in_dim3A_1315 : vector<16x1xi32> to vector<16xi32>
        %gather3A_1317 = tpu.dynamic_gather %gather3A_1299[%gather3A_1316] in [0] : vector<16xi32>, vector<16xi32> -> vector<16xi32>
        %add3A_1318 = arith.constant 32 : i32
        %add3A_1319 = vector.broadcast %add3A_1318 : i32 to vector<16xi32>
        %add3A_1320 = arith.addi %gather3A_1317, %add3A_1319 : vector<16xi32>
        %gather3A_1321 = tpu.vector_load_idx %arg6[%add3A_610, %add3A_1320] : memref<128x64xf32, #tpu.memory_space<vmem>>[vector<16xi32>, vector<16xi32>], vector<16xf32>,
        %mul3A_1322 = arith.constant 128 : i32
        %mul3A_1323 = vector.broadcast %mul3A_1322 : i32 to vector<16xi32>
        %mul3A_1324 = arith.muli %gather3A_1317, %mul3A_1323 : vector<16xi32>
        %add3A_1325 = arith.addi %mul3A_1324, %add3A_1173 : vector<16xi32>
        tpu.vector_store_idx %arg8[%add3A_1325], %gather3A_1321 : memref<8192xf32, #tpu.memory_space<vmem>>[vector<16xi32>], vector<16xf32>,
        %lt3A_1326 = arith.constant 0 : i32
        %lt3A_1327 = vector.broadcast %lt3A_1326 : i32 to vector<16xi32>
        %lt3A_1328 = arith.cmpi slt, %select_n3A_20, %lt3A_1327 : vector<16xi32>
        %add3A_1329 = arith.constant 16 : i32
        %add3A_1330 = vector.broadcast %add3A_1329 : i32 to vector<16xi32>
        %add3A_1331 = arith.addi %select_n3A_20, %add3A_1330 : vector<16xi32>
        %select_n3A_1332 = arith.select %lt3A_1328, %add3A_1331, %select_n3A_20 : vector<16xi1>, vector<16xi32>
        %broadcast_in_dim3A_1333 = vector.shape_cast %select_n3A_1332 : vector<16xi32> to vector<16x1xi32>
        %gather3A_1334 = vector.shape_cast %broadcast_in_dim3A_1333 : vector<16x1xi32> to vector<16xi32>
        %gather3A_1335 = tpu.dynamic_gather %gather3A_1317[%gather3A_1334] in [0] : vector<16xi32>, vector<16xi32> -> vector<16xi32>
        %add3A_1336 = arith.constant 32 : i32
        %add3A_1337 = vector.broadcast %add3A_1336 : i32 to vector<16xi32>
        %add3A_1338 = arith.addi %gather3A_1335, %add3A_1337 : vector<16xi32>
        %gather3A_1339 = tpu.vector_load_idx %arg6[%add3A_610, %add3A_1338] : memref<128x64xf32, #tpu.memory_space<vmem>>[vector<16xi32>, vector<16xi32>], vector<16xf32>,
        %mul3A_1340 = arith.constant 128 : i32
        %mul3A_1341 = vector.broadcast %mul3A_1340 : i32 to vector<16xi32>
        %mul3A_1342 = arith.muli %gather3A_1335, %mul3A_1341 : vector<16xi32>
        %add3A_1343 = arith.addi %mul3A_1342, %add3A_1173 : vector<16xi32>
        tpu.vector_store_idx %arg8[%add3A_1343], %gather3A_1339 : memref<8192xf32, #tpu.memory_space<vmem>>[vector<16xi32>], vector<16xf32>,
        %lt3A_1344 = arith.constant 0 : i32
        %lt3A_1345 = vector.broadcast %lt3A_1344 : i32 to vector<16xi32>
        %lt3A_1346 = arith.cmpi slt, %select_n3A_20, %lt3A_1345 : vector<16xi32>
        %add3A_1347 = arith.constant 16 : i32
        %add3A_1348 = vector.broadcast %add3A_1347 : i32 to vector<16xi32>
        %add3A_1349 = arith.addi %select_n3A_20, %add3A_1348 : vector<16xi32>
        %select_n3A_1350 = arith.select %lt3A_1346, %add3A_1349, %select_n3A_20 : vector<16xi1>, vector<16xi32>
        %broadcast_in_dim3A_1351 = vector.shape_cast %select_n3A_1350 : vector<16xi32> to vector<16x1xi32>
        %gather3A_1352 = vector.shape_cast %broadcast_in_dim3A_1351 : vector<16x1xi32> to vector<16xi32>
        %gather3A_1353 = tpu.dynamic_gather %gather3A_1335[%gather3A_1352] in [0] : vector<16xi32>, vector<16xi32> -> vector<16xi32>
        %add3A_1354 = arith.constant 32 : i32
        %add3A_1355 = vector.broadcast %add3A_1354 : i32 to vector<16xi32>
        %add3A_1356 = arith.addi %gather3A_1353, %add3A_1355 : vector<16xi32>
        %gather3A_1357 = tpu.vector_load_idx %arg6[%add3A_610, %add3A_1356] : memref<128x64xf32, #tpu.memory_space<vmem>>[vector<16xi32>, vector<16xi32>], vector<16xf32>,
        %mul3A_1358 = arith.constant 128 : i32
        %mul3A_1359 = vector.broadcast %mul3A_1358 : i32 to vector<16xi32>
        %mul3A_1360 = arith.muli %gather3A_1353, %mul3A_1359 : vector<16xi32>
        %add3A_1361 = arith.addi %mul3A_1360, %add3A_1173 : vector<16xi32>
        tpu.vector_store_idx %arg8[%add3A_1361], %gather3A_1357 : memref<8192xf32, #tpu.memory_space<vmem>>[vector<16xi32>], vector<16xf32>,
        %lt3A_1362 = arith.constant 0 : i32
        %lt3A_1363 = vector.broadcast %lt3A_1362 : i32 to vector<16xi32>
        %lt3A_1364 = arith.cmpi slt, %select_n3A_20, %lt3A_1363 : vector<16xi32>
        %add3A_1365 = arith.constant 16 : i32
        %add3A_1366 = vector.broadcast %add3A_1365 : i32 to vector<16xi32>
        %add3A_1367 = arith.addi %select_n3A_20, %add3A_1366 : vector<16xi32>
        %select_n3A_1368 = arith.select %lt3A_1364, %add3A_1367, %select_n3A_20 : vector<16xi1>, vector<16xi32>
        %broadcast_in_dim3A_1369 = vector.shape_cast %select_n3A_1368 : vector<16xi32> to vector<16x1xi32>
        %gather3A_1370 = vector.shape_cast %broadcast_in_dim3A_1369 : vector<16x1xi32> to vector<16xi32>
        %gather3A_1371 = tpu.dynamic_gather %gather3A_1353[%gather3A_1370] in [0] : vector<16xi32>, vector<16xi32> -> vector<16xi32>
        %add3A_1372 = arith.constant 32 : i32
        %add3A_1373 = vector.broadcast %add3A_1372 : i32 to vector<16xi32>
        %add3A_1374 = arith.addi %gather3A_1371, %add3A_1373 : vector<16xi32>
        %gather3A_1375 = tpu.vector_load_idx %arg6[%add3A_610, %add3A_1374] : memref<128x64xf32, #tpu.memory_space<vmem>>[vector<16xi32>, vector<16xi32>], vector<16xf32>,
        %mul3A_1376 = arith.constant 128 : i32
        %mul3A_1377 = vector.broadcast %mul3A_1376 : i32 to vector<16xi32>
        %mul3A_1378 = arith.muli %gather3A_1371, %mul3A_1377 : vector<16xi32>
        %add3A_1379 = arith.addi %mul3A_1378, %add3A_1173 : vector<16xi32>
        tpu.vector_store_idx %arg8[%add3A_1379], %gather3A_1375 : memref<8192xf32, #tpu.memory_space<vmem>>[vector<16xi32>], vector<16xf32>,
        %lt3A_1380 = arith.constant 0 : i32
        %lt3A_1381 = vector.broadcast %lt3A_1380 : i32 to vector<16xi32>
        %lt3A_1382 = arith.cmpi slt, %select_n3A_20, %lt3A_1381 : vector<16xi32>
        %add3A_1383 = arith.constant 16 : i32
        %add3A_1384 = vector.broadcast %add3A_1383 : i32 to vector<16xi32>
        %add3A_1385 = arith.addi %select_n3A_20, %add3A_1384 : vector<16xi32>
        %select_n3A_1386 = arith.select %lt3A_1382, %add3A_1385, %select_n3A_20 : vector<16xi1>, vector<16xi32>
        %broadcast_in_dim3A_1387 = vector.shape_cast %select_n3A_1386 : vector<16xi32> to vector<16x1xi32>
        %gather3A_1388 = vector.shape_cast %broadcast_in_dim3A_1387 : vector<16x1xi32> to vector<16xi32>
        %gather3A_1389 = tpu.dynamic_gather %gather3A_1371[%gather3A_1388] in [0] : vector<16xi32>, vector<16xi32> -> vector<16xi32>
        %add3A_1390 = arith.constant 32 : i32
        %add3A_1391 = vector.broadcast %add3A_1390 : i32 to vector<16xi32>
        %add3A_1392 = arith.addi %gather3A_1389, %add3A_1391 : vector<16xi32>
        %gather3A_1393 = tpu.vector_load_idx %arg6[%add3A_610, %add3A_1392] : memref<128x64xf32, #tpu.memory_space<vmem>>[vector<16xi32>, vector<16xi32>], vector<16xf32>,
        %mul3A_1394 = arith.constant 128 : i32
        %mul3A_1395 = vector.broadcast %mul3A_1394 : i32 to vector<16xi32>
        %mul3A_1396 = arith.muli %gather3A_1389, %mul3A_1395 : vector<16xi32>
        %add3A_1397 = arith.addi %mul3A_1396, %add3A_1173 : vector<16xi32>
        tpu.vector_store_idx %arg8[%add3A_1397], %gather3A_1393 : memref<8192xf32, #tpu.memory_space<vmem>>[vector<16xi32>], vector<16xf32>,
        %lt3A_1398 = arith.constant 0 : i32
        %lt3A_1399 = vector.broadcast %lt3A_1398 : i32 to vector<16xi32>
        %lt3A_1400 = arith.cmpi slt, %select_n3A_20, %lt3A_1399 : vector<16xi32>
        %add3A_1401 = arith.constant 16 : i32
        %add3A_1402 = vector.broadcast %add3A_1401 : i32 to vector<16xi32>
        %add3A_1403 = arith.addi %select_n3A_20, %add3A_1402 : vector<16xi32>
        %select_n3A_1404 = arith.select %lt3A_1400, %add3A_1403, %select_n3A_20 : vector<16xi1>, vector<16xi32>
        %broadcast_in_dim3A_1405 = vector.shape_cast %select_n3A_1404 : vector<16xi32> to vector<16x1xi32>
        %gather3A_1406 = vector.shape_cast %broadcast_in_dim3A_1405 : vector<16x1xi32> to vector<16xi32>
        %gather3A_1407 = tpu.dynamic_gather %gather3A_1389[%gather3A_1406] in [0] : vector<16xi32>, vector<16xi32> -> vector<16xi32>
        %add3A_1408 = arith.constant 32 : i32
        %add3A_1409 = vector.broadcast %add3A_1408 : i32 to vector<16xi32>
        %add3A_1410 = arith.addi %gather3A_1407, %add3A_1409 : vector<16xi32>
        %gather3A_1411 = tpu.vector_load_idx %arg6[%add3A_610, %add3A_1410] : memref<128x64xf32, #tpu.memory_space<vmem>>[vector<16xi32>, vector<16xi32>], vector<16xf32>,
        %mul3A_1412 = arith.constant 128 : i32
        %mul3A_1413 = vector.broadcast %mul3A_1412 : i32 to vector<16xi32>
        %mul3A_1414 = arith.muli %gather3A_1407, %mul3A_1413 : vector<16xi32>
        %add3A_1415 = arith.addi %mul3A_1414, %add3A_1173 : vector<16xi32>
        tpu.vector_store_idx %arg8[%add3A_1415], %gather3A_1411 : memref<8192xf32, #tpu.memory_space<vmem>>[vector<16xi32>], vector<16xf32>,
        %lt3A_1416 = arith.constant 0 : i32
        %lt3A_1417 = vector.broadcast %lt3A_1416 : i32 to vector<16xi32>
        %lt3A_1418 = arith.cmpi slt, %select_n3A_20, %lt3A_1417 : vector<16xi32>
        %add3A_1419 = arith.constant 16 : i32
        %add3A_1420 = vector.broadcast %add3A_1419 : i32 to vector<16xi32>
        %add3A_1421 = arith.addi %select_n3A_20, %add3A_1420 : vector<16xi32>
        %select_n3A_1422 = arith.select %lt3A_1418, %add3A_1421, %select_n3A_20 : vector<16xi1>, vector<16xi32>
        %broadcast_in_dim3A_1423 = vector.shape_cast %select_n3A_1422 : vector<16xi32> to vector<16x1xi32>
        %gather3A_1424 = vector.shape_cast %broadcast_in_dim3A_1423 : vector<16x1xi32> to vector<16xi32>
        %gather3A_1425 = tpu.dynamic_gather %gather3A_1407[%gather3A_1424] in [0] : vector<16xi32>, vector<16xi32> -> vector<16xi32>
        %add3A_1426 = arith.constant 32 : i32
        %add3A_1427 = vector.broadcast %add3A_1426 : i32 to vector<16xi32>
        %add3A_1428 = arith.addi %gather3A_1425, %add3A_1427 : vector<16xi32>
        %gather3A_1429 = tpu.vector_load_idx %arg6[%add3A_610, %add3A_1428] : memref<128x64xf32, #tpu.memory_space<vmem>>[vector<16xi32>, vector<16xi32>], vector<16xf32>,
        %mul3A_1430 = arith.constant 128 : i32
        %mul3A_1431 = vector.broadcast %mul3A_1430 : i32 to vector<16xi32>
        %mul3A_1432 = arith.muli %gather3A_1425, %mul3A_1431 : vector<16xi32>
        %add3A_1433 = arith.addi %mul3A_1432, %add3A_1173 : vector<16xi32>
        tpu.vector_store_idx %arg8[%add3A_1433], %gather3A_1429 : memref<8192xf32, #tpu.memory_space<vmem>>[vector<16xi32>], vector<16xf32>,
        %lt3A_1434 = arith.constant 0 : i32
        %lt3A_1435 = vector.broadcast %lt3A_1434 : i32 to vector<16xi32>
        %lt3A_1436 = arith.cmpi slt, %select_n3A_20, %lt3A_1435 : vector<16xi32>
        %add3A_1437 = arith.constant 16 : i32
        %add3A_1438 = vector.broadcast %add3A_1437 : i32 to vector<16xi32>
        %add3A_1439 = arith.addi %select_n3A_20, %add3A_1438 : vector<16xi32>
        %select_n3A_1440 = arith.select %lt3A_1436, %add3A_1439, %select_n3A_20 : vector<16xi1>, vector<16xi32>
        %broadcast_in_dim3A_1441 = vector.shape_cast %select_n3A_1440 : vector<16xi32> to vector<16x1xi32>
        %gather3A_1442 = vector.shape_cast %broadcast_in_dim3A_1441 : vector<16x1xi32> to vector<16xi32>
        %gather3A_1443 = tpu.dynamic_gather %gather3A_1425[%gather3A_1442] in [0] : vector<16xi32>, vector<16xi32> -> vector<16xi32>
        %add3A_1444 = arith.constant 32 : i32
        %add3A_1445 = vector.broadcast %add3A_1444 : i32 to vector<16xi32>
        %add3A_1446 = arith.addi %gather3A_1443, %add3A_1445 : vector<16xi32>
        %gather3A_1447 = tpu.vector_load_idx %arg6[%add3A_610, %add3A_1446] : memref<128x64xf32, #tpu.memory_space<vmem>>[vector<16xi32>, vector<16xi32>], vector<16xf32>,
        %mul3A_1448 = arith.constant 128 : i32
        %mul3A_1449 = vector.broadcast %mul3A_1448 : i32 to vector<16xi32>
        %mul3A_1450 = arith.muli %gather3A_1443, %mul3A_1449 : vector<16xi32>
        %add3A_1451 = arith.addi %mul3A_1450, %add3A_1173 : vector<16xi32>
        tpu.vector_store_idx %arg8[%add3A_1451], %gather3A_1447 : memref<8192xf32, #tpu.memory_space<vmem>>[vector<16xi32>], vector<16xf32>,
        %add3A_1452 = arith.constant 6144 : i32
        %add3A_1453 = vector.broadcast %add3A_1452 : i32 to vector<16xi32>
        %add3A_1454 = arith.addi %add3A_610, %add3A_1453 : vector<16xi32>
        %add3A_1455 = arith.constant 48 : i32
        %add3A_1456 = vector.broadcast %add3A_1455 : i32 to vector<16xi32>
        %add3A_1457 = arith.addi %iota3A, %add3A_1456 : vector<16xi32>
        %gather3A_1458 = tpu.vector_load_idx %arg6[%add3A_610, %add3A_1457] : memref<128x64xf32, #tpu.memory_space<vmem>>[vector<16xi32>, vector<16xi32>], vector<16xf32>,
        %mul3A_1459 = arith.constant 128 : i32
        %mul3A_1460 = vector.broadcast %mul3A_1459 : i32 to vector<16xi32>
        %mul3A_1461 = arith.muli %iota3A, %mul3A_1460 : vector<16xi32>
        %add3A_1462 = arith.addi %mul3A_1461, %add3A_1454 : vector<16xi32>
        tpu.vector_store_idx %arg8[%add3A_1462], %gather3A_1458 : memref<8192xf32, #tpu.memory_space<vmem>>[vector<16xi32>], vector<16xf32>,
        %lt3A_1463 = arith.constant 0 : i32
        %lt3A_1464 = vector.broadcast %lt3A_1463 : i32 to vector<16xi32>
        %lt3A_1465 = arith.cmpi slt, %select_n3A_20, %lt3A_1464 : vector<16xi32>
        %add3A_1466 = arith.constant 16 : i32
        %add3A_1467 = vector.broadcast %add3A_1466 : i32 to vector<16xi32>
        %add3A_1468 = arith.addi %select_n3A_20, %add3A_1467 : vector<16xi32>
        %select_n3A_1469 = arith.select %lt3A_1465, %add3A_1468, %select_n3A_20 : vector<16xi1>, vector<16xi32>
        %broadcast_in_dim3A_1470 = vector.shape_cast %select_n3A_1469 : vector<16xi32> to vector<16x1xi32>
        %gather3A_1471 = vector.shape_cast %broadcast_in_dim3A_1470 : vector<16x1xi32> to vector<16xi32>
        %gather3A_1472 = tpu.dynamic_gather %iota3A[%gather3A_1471] in [0] : vector<16xi32>, vector<16xi32> -> vector<16xi32>
        %add3A_1473 = arith.constant 48 : i32
        %add3A_1474 = vector.broadcast %add3A_1473 : i32 to vector<16xi32>
        %add3A_1475 = arith.addi %gather3A_1472, %add3A_1474 : vector<16xi32>
        %gather3A_1476 = tpu.vector_load_idx %arg6[%add3A_610, %add3A_1475] : memref<128x64xf32, #tpu.memory_space<vmem>>[vector<16xi32>, vector<16xi32>], vector<16xf32>,
        %mul3A_1477 = arith.constant 128 : i32
        %mul3A_1478 = vector.broadcast %mul3A_1477 : i32 to vector<16xi32>
        %mul3A_1479 = arith.muli %gather3A_1472, %mul3A_1478 : vector<16xi32>
        %add3A_1480 = arith.addi %mul3A_1479, %add3A_1454 : vector<16xi32>
        tpu.vector_store_idx %arg8[%add3A_1480], %gather3A_1476 : memref<8192xf32, #tpu.memory_space<vmem>>[vector<16xi32>], vector<16xf32>,
        %lt3A_1481 = arith.constant 0 : i32
        %lt3A_1482 = vector.broadcast %lt3A_1481 : i32 to vector<16xi32>
        %lt3A_1483 = arith.cmpi slt, %select_n3A_20, %lt3A_1482 : vector<16xi32>
        %add3A_1484 = arith.constant 16 : i32
        %add3A_1485 = vector.broadcast %add3A_1484 : i32 to vector<16xi32>
        %add3A_1486 = arith.addi %select_n3A_20, %add3A_1485 : vector<16xi32>
        %select_n3A_1487 = arith.select %lt3A_1483, %add3A_1486, %select_n3A_20 : vector<16xi1>, vector<16xi32>
        %broadcast_in_dim3A_1488 = vector.shape_cast %select_n3A_1487 : vector<16xi32> to vector<16x1xi32>
        %gather3A_1489 = vector.shape_cast %broadcast_in_dim3A_1488 : vector<16x1xi32> to vector<16xi32>
        %gather3A_1490 = tpu.dynamic_gather %gather3A_1472[%gather3A_1489] in [0] : vector<16xi32>, vector<16xi32> -> vector<16xi32>
        %add3A_1491 = arith.constant 48 : i32
        %add3A_1492 = vector.broadcast %add3A_1491 : i32 to vector<16xi32>
        %add3A_1493 = arith.addi %gather3A_1490, %add3A_1492 : vector<16xi32>
        %gather3A_1494 = tpu.vector_load_idx %arg6[%add3A_610, %add3A_1493] : memref<128x64xf32, #tpu.memory_space<vmem>>[vector<16xi32>, vector<16xi32>], vector<16xf32>,
        %mul3A_1495 = arith.constant 128 : i32
        %mul3A_1496 = vector.broadcast %mul3A_1495 : i32 to vector<16xi32>
        %mul3A_1497 = arith.muli %gather3A_1490, %mul3A_1496 : vector<16xi32>
        %add3A_1498 = arith.addi %mul3A_1497, %add3A_1454 : vector<16xi32>
        tpu.vector_store_idx %arg8[%add3A_1498], %gather3A_1494 : memref<8192xf32, #tpu.memory_space<vmem>>[vector<16xi32>], vector<16xf32>,
        %lt3A_1499 = arith.constant 0 : i32
        %lt3A_1500 = vector.broadcast %lt3A_1499 : i32 to vector<16xi32>
        %lt3A_1501 = arith.cmpi slt, %select_n3A_20, %lt3A_1500 : vector<16xi32>
        %add3A_1502 = arith.constant 16 : i32
        %add3A_1503 = vector.broadcast %add3A_1502 : i32 to vector<16xi32>
        %add3A_1504 = arith.addi %select_n3A_20, %add3A_1503 : vector<16xi32>
        %select_n3A_1505 = arith.select %lt3A_1501, %add3A_1504, %select_n3A_20 : vector<16xi1>, vector<16xi32>
        %broadcast_in_dim3A_1506 = vector.shape_cast %select_n3A_1505 : vector<16xi32> to vector<16x1xi32>
        %gather3A_1507 = vector.shape_cast %broadcast_in_dim3A_1506 : vector<16x1xi32> to vector<16xi32>
        %gather3A_1508 = tpu.dynamic_gather %gather3A_1490[%gather3A_1507] in [0] : vector<16xi32>, vector<16xi32> -> vector<16xi32>
        %add3A_1509 = arith.constant 48 : i32
        %add3A_1510 = vector.broadcast %add3A_1509 : i32 to vector<16xi32>
        %add3A_1511 = arith.addi %gather3A_1508, %add3A_1510 : vector<16xi32>
        %gather3A_1512 = tpu.vector_load_idx %arg6[%add3A_610, %add3A_1511] : memref<128x64xf32, #tpu.memory_space<vmem>>[vector<16xi32>, vector<16xi32>], vector<16xf32>,
        %mul3A_1513 = arith.constant 128 : i32
        %mul3A_1514 = vector.broadcast %mul3A_1513 : i32 to vector<16xi32>
        %mul3A_1515 = arith.muli %gather3A_1508, %mul3A_1514 : vector<16xi32>
        %add3A_1516 = arith.addi %mul3A_1515, %add3A_1454 : vector<16xi32>
        tpu.vector_store_idx %arg8[%add3A_1516], %gather3A_1512 : memref<8192xf32, #tpu.memory_space<vmem>>[vector<16xi32>], vector<16xf32>,
        %lt3A_1517 = arith.constant 0 : i32
        %lt3A_1518 = vector.broadcast %lt3A_1517 : i32 to vector<16xi32>
        %lt3A_1519 = arith.cmpi slt, %select_n3A_20, %lt3A_1518 : vector<16xi32>
        %add3A_1520 = arith.constant 16 : i32
        %add3A_1521 = vector.broadcast %add3A_1520 : i32 to vector<16xi32>
        %add3A_1522 = arith.addi %select_n3A_20, %add3A_1521 : vector<16xi32>
        %select_n3A_1523 = arith.select %lt3A_1519, %add3A_1522, %select_n3A_20 : vector<16xi1>, vector<16xi32>
        %broadcast_in_dim3A_1524 = vector.shape_cast %select_n3A_1523 : vector<16xi32> to vector<16x1xi32>
        %gather3A_1525 = vector.shape_cast %broadcast_in_dim3A_1524 : vector<16x1xi32> to vector<16xi32>
        %gather3A_1526 = tpu.dynamic_gather %gather3A_1508[%gather3A_1525] in [0] : vector<16xi32>, vector<16xi32> -> vector<16xi32>
        %add3A_1527 = arith.constant 48 : i32
        %add3A_1528 = vector.broadcast %add3A_1527 : i32 to vector<16xi32>
        %add3A_1529 = arith.addi %gather3A_1526, %add3A_1528 : vector<16xi32>
        %gather3A_1530 = tpu.vector_load_idx %arg6[%add3A_610, %add3A_1529] : memref<128x64xf32, #tpu.memory_space<vmem>>[vector<16xi32>, vector<16xi32>], vector<16xf32>,
        %mul3A_1531 = arith.constant 128 : i32
        %mul3A_1532 = vector.broadcast %mul3A_1531 : i32 to vector<16xi32>
        %mul3A_1533 = arith.muli %gather3A_1526, %mul3A_1532 : vector<16xi32>
        %add3A_1534 = arith.addi %mul3A_1533, %add3A_1454 : vector<16xi32>
        tpu.vector_store_idx %arg8[%add3A_1534], %gather3A_1530 : memref<8192xf32, #tpu.memory_space<vmem>>[vector<16xi32>], vector<16xf32>,
        %lt3A_1535 = arith.constant 0 : i32
        %lt3A_1536 = vector.broadcast %lt3A_1535 : i32 to vector<16xi32>
        %lt3A_1537 = arith.cmpi slt, %select_n3A_20, %lt3A_1536 : vector<16xi32>
        %add3A_1538 = arith.constant 16 : i32
        %add3A_1539 = vector.broadcast %add3A_1538 : i32 to vector<16xi32>
        %add3A_1540 = arith.addi %select_n3A_20, %add3A_1539 : vector<16xi32>
        %select_n3A_1541 = arith.select %lt3A_1537, %add3A_1540, %select_n3A_20 : vector<16xi1>, vector<16xi32>
        %broadcast_in_dim3A_1542 = vector.shape_cast %select_n3A_1541 : vector<16xi32> to vector<16x1xi32>
        %gather3A_1543 = vector.shape_cast %broadcast_in_dim3A_1542 : vector<16x1xi32> to vector<16xi32>
        %gather3A_1544 = tpu.dynamic_gather %gather3A_1526[%gather3A_1543] in [0] : vector<16xi32>, vector<16xi32> -> vector<16xi32>
        %add3A_1545 = arith.constant 48 : i32
        %add3A_1546 = vector.broadcast %add3A_1545 : i32 to vector<16xi32>
        %add3A_1547 = arith.addi %gather3A_1544, %add3A_1546 : vector<16xi32>
        %gather3A_1548 = tpu.vector_load_idx %arg6[%add3A_610, %add3A_1547] : memref<128x64xf32, #tpu.memory_space<vmem>>[vector<16xi32>, vector<16xi32>], vector<16xf32>,
        %mul3A_1549 = arith.constant 128 : i32
        %mul3A_1550 = vector.broadcast %mul3A_1549 : i32 to vector<16xi32>
        %mul3A_1551 = arith.muli %gather3A_1544, %mul3A_1550 : vector<16xi32>
        %add3A_1552 = arith.addi %mul3A_1551, %add3A_1454 : vector<16xi32>
        tpu.vector_store_idx %arg8[%add3A_1552], %gather3A_1548 : memref<8192xf32, #tpu.memory_space<vmem>>[vector<16xi32>], vector<16xf32>,
        %lt3A_1553 = arith.constant 0 : i32
        %lt3A_1554 = vector.broadcast %lt3A_1553 : i32 to vector<16xi32>
        %lt3A_1555 = arith.cmpi slt, %select_n3A_20, %lt3A_1554 : vector<16xi32>
        %add3A_1556 = arith.constant 16 : i32
        %add3A_1557 = vector.broadcast %add3A_1556 : i32 to vector<16xi32>
        %add3A_1558 = arith.addi %select_n3A_20, %add3A_1557 : vector<16xi32>
        %select_n3A_1559 = arith.select %lt3A_1555, %add3A_1558, %select_n3A_20 : vector<16xi1>, vector<16xi32>
        %broadcast_in_dim3A_1560 = vector.shape_cast %select_n3A_1559 : vector<16xi32> to vector<16x1xi32>
        %gather3A_1561 = vector.shape_cast %broadcast_in_dim3A_1560 : vector<16x1xi32> to vector<16xi32>
        %gather3A_1562 = tpu.dynamic_gather %gather3A_1544[%gather3A_1561] in [0] : vector<16xi32>, vector<16xi32> -> vector<16xi32>
        %add3A_1563 = arith.constant 48 : i32
        %add3A_1564 = vector.broadcast %add3A_1563 : i32 to vector<16xi32>
        %add3A_1565 = arith.addi %gather3A_1562, %add3A_1564 : vector<16xi32>
        %gather3A_1566 = tpu.vector_load_idx %arg6[%add3A_610, %add3A_1565] : memref<128x64xf32, #tpu.memory_space<vmem>>[vector<16xi32>, vector<16xi32>], vector<16xf32>,
        %mul3A_1567 = arith.constant 128 : i32
        %mul3A_1568 = vector.broadcast %mul3A_1567 : i32 to vector<16xi32>
        %mul3A_1569 = arith.muli %gather3A_1562, %mul3A_1568 : vector<16xi32>
        %add3A_1570 = arith.addi %mul3A_1569, %add3A_1454 : vector<16xi32>
        tpu.vector_store_idx %arg8[%add3A_1570], %gather3A_1566 : memref<8192xf32, #tpu.memory_space<vmem>>[vector<16xi32>], vector<16xf32>,
        %lt3A_1571 = arith.constant 0 : i32
        %lt3A_1572 = vector.broadcast %lt3A_1571 : i32 to vector<16xi32>
        %lt3A_1573 = arith.cmpi slt, %select_n3A_20, %lt3A_1572 : vector<16xi32>
        %add3A_1574 = arith.constant 16 : i32
        %add3A_1575 = vector.broadcast %add3A_1574 : i32 to vector<16xi32>
        %add3A_1576 = arith.addi %select_n3A_20, %add3A_1575 : vector<16xi32>
        %select_n3A_1577 = arith.select %lt3A_1573, %add3A_1576, %select_n3A_20 : vector<16xi1>, vector<16xi32>
        %broadcast_in_dim3A_1578 = vector.shape_cast %select_n3A_1577 : vector<16xi32> to vector<16x1xi32>
        %gather3A_1579 = vector.shape_cast %broadcast_in_dim3A_1578 : vector<16x1xi32> to vector<16xi32>
        %gather3A_1580 = tpu.dynamic_gather %gather3A_1562[%gather3A_1579] in [0] : vector<16xi32>, vector<16xi32> -> vector<16xi32>
        %add3A_1581 = arith.constant 48 : i32
        %add3A_1582 = vector.broadcast %add3A_1581 : i32 to vector<16xi32>
        %add3A_1583 = arith.addi %gather3A_1580, %add3A_1582 : vector<16xi32>
        %gather3A_1584 = tpu.vector_load_idx %arg6[%add3A_610, %add3A_1583] : memref<128x64xf32, #tpu.memory_space<vmem>>[vector<16xi32>, vector<16xi32>], vector<16xf32>,
        %mul3A_1585 = arith.constant 128 : i32
        %mul3A_1586 = vector.broadcast %mul3A_1585 : i32 to vector<16xi32>
        %mul3A_1587 = arith.muli %gather3A_1580, %mul3A_1586 : vector<16xi32>
        %add3A_1588 = arith.addi %mul3A_1587, %add3A_1454 : vector<16xi32>
        tpu.vector_store_idx %arg8[%add3A_1588], %gather3A_1584 : memref<8192xf32, #tpu.memory_space<vmem>>[vector<16xi32>], vector<16xf32>,
        %lt3A_1589 = arith.constant 0 : i32
        %lt3A_1590 = vector.broadcast %lt3A_1589 : i32 to vector<16xi32>
        %lt3A_1591 = arith.cmpi slt, %select_n3A_20, %lt3A_1590 : vector<16xi32>
        %add3A_1592 = arith.constant 16 : i32
        %add3A_1593 = vector.broadcast %add3A_1592 : i32 to vector<16xi32>
        %add3A_1594 = arith.addi %select_n3A_20, %add3A_1593 : vector<16xi32>
        %select_n3A_1595 = arith.select %lt3A_1591, %add3A_1594, %select_n3A_20 : vector<16xi1>, vector<16xi32>
        %broadcast_in_dim3A_1596 = vector.shape_cast %select_n3A_1595 : vector<16xi32> to vector<16x1xi32>
        %gather3A_1597 = vector.shape_cast %broadcast_in_dim3A_1596 : vector<16x1xi32> to vector<16xi32>
        %gather3A_1598 = tpu.dynamic_gather %gather3A_1580[%gather3A_1597] in [0] : vector<16xi32>, vector<16xi32> -> vector<16xi32>
        %add3A_1599 = arith.constant 48 : i32
        %add3A_1600 = vector.broadcast %add3A_1599 : i32 to vector<16xi32>
        %add3A_1601 = arith.addi %gather3A_1598, %add3A_1600 : vector<16xi32>
        %gather3A_1602 = tpu.vector_load_idx %arg6[%add3A_610, %add3A_1601] : memref<128x64xf32, #tpu.memory_space<vmem>>[vector<16xi32>, vector<16xi32>], vector<16xf32>,
        %mul3A_1603 = arith.constant 128 : i32
        %mul3A_1604 = vector.broadcast %mul3A_1603 : i32 to vector<16xi32>
        %mul3A_1605 = arith.muli %gather3A_1598, %mul3A_1604 : vector<16xi32>
        %add3A_1606 = arith.addi %mul3A_1605, %add3A_1454 : vector<16xi32>
        tpu.vector_store_idx %arg8[%add3A_1606], %gather3A_1602 : memref<8192xf32, #tpu.memory_space<vmem>>[vector<16xi32>], vector<16xf32>,
        %lt3A_1607 = arith.constant 0 : i32
        %lt3A_1608 = vector.broadcast %lt3A_1607 : i32 to vector<16xi32>
        %lt3A_1609 = arith.cmpi slt, %select_n3A_20, %lt3A_1608 : vector<16xi32>
        %add3A_1610 = arith.constant 16 : i32
        %add3A_1611 = vector.broadcast %add3A_1610 : i32 to vector<16xi32>
        %add3A_1612 = arith.addi %select_n3A_20, %add3A_1611 : vector<16xi32>
        %select_n3A_1613 = arith.select %lt3A_1609, %add3A_1612, %select_n3A_20 : vector<16xi1>, vector<16xi32>
        %broadcast_in_dim3A_1614 = vector.shape_cast %select_n3A_1613 : vector<16xi32> to vector<16x1xi32>
        %gather3A_1615 = vector.shape_cast %broadcast_in_dim3A_1614 : vector<16x1xi32> to vector<16xi32>
        %gather3A_1616 = tpu.dynamic_gather %gather3A_1598[%gather3A_1615] in [0] : vector<16xi32>, vector<16xi32> -> vector<16xi32>
        %add3A_1617 = arith.constant 48 : i32
        %add3A_1618 = vector.broadcast %add3A_1617 : i32 to vector<16xi32>
        %add3A_1619 = arith.addi %gather3A_1616, %add3A_1618 : vector<16xi32>
        %gather3A_1620 = tpu.vector_load_idx %arg6[%add3A_610, %add3A_1619] : memref<128x64xf32, #tpu.memory_space<vmem>>[vector<16xi32>, vector<16xi32>], vector<16xf32>,
        %mul3A_1621 = arith.constant 128 : i32
        %mul3A_1622 = vector.broadcast %mul3A_1621 : i32 to vector<16xi32>
        %mul3A_1623 = arith.muli %gather3A_1616, %mul3A_1622 : vector<16xi32>
        %add3A_1624 = arith.addi %mul3A_1623, %add3A_1454 : vector<16xi32>
        tpu.vector_store_idx %arg8[%add3A_1624], %gather3A_1620 : memref<8192xf32, #tpu.memory_space<vmem>>[vector<16xi32>], vector<16xf32>,
        %lt3A_1625 = arith.constant 0 : i32
        %lt3A_1626 = vector.broadcast %lt3A_1625 : i32 to vector<16xi32>
        %lt3A_1627 = arith.cmpi slt, %select_n3A_20, %lt3A_1626 : vector<16xi32>
        %add3A_1628 = arith.constant 16 : i32
        %add3A_1629 = vector.broadcast %add3A_1628 : i32 to vector<16xi32>
        %add3A_1630 = arith.addi %select_n3A_20, %add3A_1629 : vector<16xi32>
        %select_n3A_1631 = arith.select %lt3A_1627, %add3A_1630, %select_n3A_20 : vector<16xi1>, vector<16xi32>
        %broadcast_in_dim3A_1632 = vector.shape_cast %select_n3A_1631 : vector<16xi32> to vector<16x1xi32>
        %gather3A_1633 = vector.shape_cast %broadcast_in_dim3A_1632 : vector<16x1xi32> to vector<16xi32>
        %gather3A_1634 = tpu.dynamic_gather %gather3A_1616[%gather3A_1633] in [0] : vector<16xi32>, vector<16xi32> -> vector<16xi32>
        %add3A_1635 = arith.constant 48 : i32
        %add3A_1636 = vector.broadcast %add3A_1635 : i32 to vector<16xi32>
        %add3A_1637 = arith.addi %gather3A_1634, %add3A_1636 : vector<16xi32>
        %gather3A_1638 = tpu.vector_load_idx %arg6[%add3A_610, %add3A_1637] : memref<128x64xf32, #tpu.memory_space<vmem>>[vector<16xi32>, vector<16xi32>], vector<16xf32>,
        %mul3A_1639 = arith.constant 128 : i32
        %mul3A_1640 = vector.broadcast %mul3A_1639 : i32 to vector<16xi32>
        %mul3A_1641 = arith.muli %gather3A_1634, %mul3A_1640 : vector<16xi32>
        %add3A_1642 = arith.addi %mul3A_1641, %add3A_1454 : vector<16xi32>
        tpu.vector_store_idx %arg8[%add3A_1642], %gather3A_1638 : memref<8192xf32, #tpu.memory_space<vmem>>[vector<16xi32>], vector<16xf32>,
        %lt3A_1643 = arith.constant 0 : i32
        %lt3A_1644 = vector.broadcast %lt3A_1643 : i32 to vector<16xi32>
        %lt3A_1645 = arith.cmpi slt, %select_n3A_20, %lt3A_1644 : vector<16xi32>
        %add3A_1646 = arith.constant 16 : i32
        %add3A_1647 = vector.broadcast %add3A_1646 : i32 to vector<16xi32>
        %add3A_1648 = arith.addi %select_n3A_20, %add3A_1647 : vector<16xi32>
        %select_n3A_1649 = arith.select %lt3A_1645, %add3A_1648, %select_n3A_20 : vector<16xi1>, vector<16xi32>
        %broadcast_in_dim3A_1650 = vector.shape_cast %select_n3A_1649 : vector<16xi32> to vector<16x1xi32>
        %gather3A_1651 = vector.shape_cast %broadcast_in_dim3A_1650 : vector<16x1xi32> to vector<16xi32>
        %gather3A_1652 = tpu.dynamic_gather %gather3A_1634[%gather3A_1651] in [0] : vector<16xi32>, vector<16xi32> -> vector<16xi32>
        %add3A_1653 = arith.constant 48 : i32
        %add3A_1654 = vector.broadcast %add3A_1653 : i32 to vector<16xi32>
        %add3A_1655 = arith.addi %gather3A_1652, %add3A_1654 : vector<16xi32>
        %gather3A_1656 = tpu.vector_load_idx %arg6[%add3A_610, %add3A_1655] : memref<128x64xf32, #tpu.memory_space<vmem>>[vector<16xi32>, vector<16xi32>], vector<16xf32>,
        %mul3A_1657 = arith.constant 128 : i32
        %mul3A_1658 = vector.broadcast %mul3A_1657 : i32 to vector<16xi32>
        %mul3A_1659 = arith.muli %gather3A_1652, %mul3A_1658 : vector<16xi32>
        %add3A_1660 = arith.addi %mul3A_1659, %add3A_1454 : vector<16xi32>
        tpu.vector_store_idx %arg8[%add3A_1660], %gather3A_1656 : memref<8192xf32, #tpu.memory_space<vmem>>[vector<16xi32>], vector<16xf32>,
        %lt3A_1661 = arith.constant 0 : i32
        %lt3A_1662 = vector.broadcast %lt3A_1661 : i32 to vector<16xi32>
        %lt3A_1663 = arith.cmpi slt, %select_n3A_20, %lt3A_1662 : vector<16xi32>
        %add3A_1664 = arith.constant 16 : i32
        %add3A_1665 = vector.broadcast %add3A_1664 : i32 to vector<16xi32>
        %add3A_1666 = arith.addi %select_n3A_20, %add3A_1665 : vector<16xi32>
        %select_n3A_1667 = arith.select %lt3A_1663, %add3A_1666, %select_n3A_20 : vector<16xi1>, vector<16xi32>
        %broadcast_in_dim3A_1668 = vector.shape_cast %select_n3A_1667 : vector<16xi32> to vector<16x1xi32>
        %gather3A_1669 = vector.shape_cast %broadcast_in_dim3A_1668 : vector<16x1xi32> to vector<16xi32>
        %gather3A_1670 = tpu.dynamic_gather %gather3A_1652[%gather3A_1669] in [0] : vector<16xi32>, vector<16xi32> -> vector<16xi32>
        %add3A_1671 = arith.constant 48 : i32
        %add3A_1672 = vector.broadcast %add3A_1671 : i32 to vector<16xi32>
        %add3A_1673 = arith.addi %gather3A_1670, %add3A_1672 : vector<16xi32>
        %gather3A_1674 = tpu.vector_load_idx %arg6[%add3A_610, %add3A_1673] : memref<128x64xf32, #tpu.memory_space<vmem>>[vector<16xi32>, vector<16xi32>], vector<16xf32>,
        %mul3A_1675 = arith.constant 128 : i32
        %mul3A_1676 = vector.broadcast %mul3A_1675 : i32 to vector<16xi32>
        %mul3A_1677 = arith.muli %gather3A_1670, %mul3A_1676 : vector<16xi32>
        %add3A_1678 = arith.addi %mul3A_1677, %add3A_1454 : vector<16xi32>
        tpu.vector_store_idx %arg8[%add3A_1678], %gather3A_1674 : memref<8192xf32, #tpu.memory_space<vmem>>[vector<16xi32>], vector<16xf32>,
        %lt3A_1679 = arith.constant 0 : i32
        %lt3A_1680 = vector.broadcast %lt3A_1679 : i32 to vector<16xi32>
        %lt3A_1681 = arith.cmpi slt, %select_n3A_20, %lt3A_1680 : vector<16xi32>
        %add3A_1682 = arith.constant 16 : i32
        %add3A_1683 = vector.broadcast %add3A_1682 : i32 to vector<16xi32>
        %add3A_1684 = arith.addi %select_n3A_20, %add3A_1683 : vector<16xi32>
        %select_n3A_1685 = arith.select %lt3A_1681, %add3A_1684, %select_n3A_20 : vector<16xi1>, vector<16xi32>
        %broadcast_in_dim3A_1686 = vector.shape_cast %select_n3A_1685 : vector<16xi32> to vector<16x1xi32>
        %gather3A_1687 = vector.shape_cast %broadcast_in_dim3A_1686 : vector<16x1xi32> to vector<16xi32>
        %gather3A_1688 = tpu.dynamic_gather %gather3A_1670[%gather3A_1687] in [0] : vector<16xi32>, vector<16xi32> -> vector<16xi32>
        %add3A_1689 = arith.constant 48 : i32
        %add3A_1690 = vector.broadcast %add3A_1689 : i32 to vector<16xi32>
        %add3A_1691 = arith.addi %gather3A_1688, %add3A_1690 : vector<16xi32>
        %gather3A_1692 = tpu.vector_load_idx %arg6[%add3A_610, %add3A_1691] : memref<128x64xf32, #tpu.memory_space<vmem>>[vector<16xi32>, vector<16xi32>], vector<16xf32>,
        %mul3A_1693 = arith.constant 128 : i32
        %mul3A_1694 = vector.broadcast %mul3A_1693 : i32 to vector<16xi32>
        %mul3A_1695 = arith.muli %gather3A_1688, %mul3A_1694 : vector<16xi32>
        %add3A_1696 = arith.addi %mul3A_1695, %add3A_1454 : vector<16xi32>
        tpu.vector_store_idx %arg8[%add3A_1696], %gather3A_1692 : memref<8192xf32, #tpu.memory_space<vmem>>[vector<16xi32>], vector<16xf32>,
        %lt3A_1697 = arith.constant 0 : i32
        %lt3A_1698 = vector.broadcast %lt3A_1697 : i32 to vector<16xi32>
        %lt3A_1699 = arith.cmpi slt, %select_n3A_20, %lt3A_1698 : vector<16xi32>
        %add3A_1700 = arith.constant 16 : i32
        %add3A_1701 = vector.broadcast %add3A_1700 : i32 to vector<16xi32>
        %add3A_1702 = arith.addi %select_n3A_20, %add3A_1701 : vector<16xi32>
        %select_n3A_1703 = arith.select %lt3A_1699, %add3A_1702, %select_n3A_20 : vector<16xi1>, vector<16xi32>
        %broadcast_in_dim3A_1704 = vector.shape_cast %select_n3A_1703 : vector<16xi32> to vector<16x1xi32>
        %gather3A_1705 = vector.shape_cast %broadcast_in_dim3A_1704 : vector<16x1xi32> to vector<16xi32>
        %gather3A_1706 = tpu.dynamic_gather %gather3A_1688[%gather3A_1705] in [0] : vector<16xi32>, vector<16xi32> -> vector<16xi32>
        %add3A_1707 = arith.constant 48 : i32
        %add3A_1708 = vector.broadcast %add3A_1707 : i32 to vector<16xi32>
        %add3A_1709 = arith.addi %gather3A_1706, %add3A_1708 : vector<16xi32>
        %gather3A_1710 = tpu.vector_load_idx %arg6[%add3A_610, %add3A_1709] : memref<128x64xf32, #tpu.memory_space<vmem>>[vector<16xi32>, vector<16xi32>], vector<16xf32>,
        %mul3A_1711 = arith.constant 128 : i32
        %mul3A_1712 = vector.broadcast %mul3A_1711 : i32 to vector<16xi32>
        %mul3A_1713 = arith.muli %gather3A_1706, %mul3A_1712 : vector<16xi32>
        %add3A_1714 = arith.addi %mul3A_1713, %add3A_1454 : vector<16xi32>
        tpu.vector_store_idx %arg8[%add3A_1714], %gather3A_1710 : memref<8192xf32, #tpu.memory_space<vmem>>[vector<16xi32>], vector<16xf32>,
        %lt3A_1715 = arith.constant 0 : i32
        %lt3A_1716 = vector.broadcast %lt3A_1715 : i32 to vector<16xi32>
        %lt3A_1717 = arith.cmpi slt, %select_n3A_20, %lt3A_1716 : vector<16xi32>
        %add3A_1718 = arith.constant 16 : i32
        %add3A_1719 = vector.broadcast %add3A_1718 : i32 to vector<16xi32>
        %add3A_1720 = arith.addi %select_n3A_20, %add3A_1719 : vector<16xi32>
        %select_n3A_1721 = arith.select %lt3A_1717, %add3A_1720, %select_n3A_20 : vector<16xi1>, vector<16xi32>
        %broadcast_in_dim3A_1722 = vector.shape_cast %select_n3A_1721 : vector<16xi32> to vector<16x1xi32>
        %gather3A_1723 = vector.shape_cast %broadcast_in_dim3A_1722 : vector<16x1xi32> to vector<16xi32>
        %gather3A_1724 = tpu.dynamic_gather %gather3A_1706[%gather3A_1723] in [0] : vector<16xi32>, vector<16xi32> -> vector<16xi32>
        %add3A_1725 = arith.constant 48 : i32
        %add3A_1726 = vector.broadcast %add3A_1725 : i32 to vector<16xi32>
        %add3A_1727 = arith.addi %gather3A_1724, %add3A_1726 : vector<16xi32>
        %gather3A_1728 = tpu.vector_load_idx %arg6[%add3A_610, %add3A_1727] : memref<128x64xf32, #tpu.memory_space<vmem>>[vector<16xi32>, vector<16xi32>], vector<16xf32>,
        %mul3A_1729 = arith.constant 128 : i32
        %mul3A_1730 = vector.broadcast %mul3A_1729 : i32 to vector<16xi32>
        %mul3A_1731 = arith.muli %gather3A_1724, %mul3A_1730 : vector<16xi32>
        %add3A_1732 = arith.addi %mul3A_1731, %add3A_1454 : vector<16xi32>
        tpu.vector_store_idx %arg8[%add3A_1732], %gather3A_1728 : memref<8192xf32, #tpu.memory_space<vmem>>[vector<16xi32>], vector<16xf32>,
        %scan3A_1733 = arith.constant 0 : i32
        scf.yield %scan3A_1733 : i32
      }
      %scan3A_357 = arith.constant 8 : i32
      %dma_start3A_358 = arith.constant 0 : i32
      %dma_start3A_359 = arith.constant 0 : i32
      %dma_start3A_360 = tpu.memref_slice %arg8[%dma_start3A_359] : memref<8192xf32, #tpu.memory_space<vmem>> -> memref<1024xf32, #tpu.memory_space<vmem>>
      %dma_start3A_361 = arith.constant 0 : i32
      %dma_start3A_362 = tpu.memref_slice %arg4[%select_n3A_319, %dma_start3A_358, %select_n3A_335, %dma_start3A_361] : memref<50x8x128x1024xf32, #tpu.memory_space<hbm>> -> memref<1x1x1x1024xf32, #tpu.memory_space<hbm>>
      %dma_start3A_363 = tpu.memref_squeeze %dma_start3A_362 : memref<1x1x1x1024xf32, #tpu.memory_space<hbm>> -> memref<1024xf32, #tpu.memory_space<hbm>>
      %dma_start3A_364 = arith.constant 0 : i32
      %dma_start3A_365 = tpu.memref_slice %arg4[%select_n3A_319, %dma_start3A_358, %select_n3A_335, %dma_start3A_364] : memref<50x8x128x1024xf32, #tpu.memory_space<hbm>> -> memref<1x1x1x1024xf32, #tpu.memory_space<hbm>>
      %dma_start3A_366 = tpu.memref_squeeze %dma_start3A_365 : memref<1x1x1x1024xf32, #tpu.memory_space<hbm>> -> memref<1024xf32, #tpu.memory_space<hbm>>
      %dma_start3A_367 = arith.constant 0 : i32
      %dma_start3A_368 = tpu.memref_slice %arg8[%dma_start3A_367] : memref<8192xf32, #tpu.memory_space<vmem>> -> memref<1024xf32, #tpu.memory_space<vmem>>
      tpu.enqueue_dma source(%dma_start3A_368 : memref<1024xf32, #tpu.memory_space<vmem>>) target(%dma_start3A_366 : memref<1024xf32, #tpu.memory_space<hbm>>) target_semaphore(%arg12 : memref<!tpu.dma_semaphore, #tpu.memory_space<semaphore_mem>>)
      %dma_start3A_369 = arith.constant 1 : i32
      %dma_start3A_370 = arith.constant 1024 : i32
      %dma_start3A_371 = tpu.memref_slice %arg8[%dma_start3A_370] : memref<8192xf32, #tpu.memory_space<vmem>> -> memref<1024xf32, #tpu.memory_space<vmem>>
      %dma_start3A_372 = arith.constant 0 : i32
      %dma_start3A_373 = tpu.memref_slice %arg4[%select_n3A_319, %dma_start3A_369, %select_n3A_335, %dma_start3A_372] : memref<50x8x128x1024xf32, #tpu.memory_space<hbm>> -> memref<1x1x1x1024xf32, #tpu.memory_space<hbm>>
      %dma_start3A_374 = tpu.memref_squeeze %dma_start3A_373 : memref<1x1x1x1024xf32, #tpu.memory_space<hbm>> -> memref<1024xf32, #tpu.memory_space<hbm>>
      %dma_start3A_375 = arith.constant 0 : i32
      %dma_start3A_376 = tpu.memref_slice %arg4[%select_n3A_319, %dma_start3A_369, %select_n3A_335, %dma_start3A_375] : memref<50x8x128x1024xf32, #tpu.memory_space<hbm>> -> memref<1x1x1x1024xf32, #tpu.memory_space<hbm>>
      %dma_start3A_377 = tpu.memref_squeeze %dma_start3A_376 : memref<1x1x1x1024xf32, #tpu.memory_space<hbm>> -> memref<1024xf32, #tpu.memory_space<hbm>>
      %dma_start3A_378 = arith.constant 1024 : i32
      %dma_start3A_379 = tpu.memref_slice %arg8[%dma_start3A_378] : memref<8192xf32, #tpu.memory_space<vmem>> -> memref<1024xf32, #tpu.memory_space<vmem>>
      tpu.enqueue_dma source(%dma_start3A_379 : memref<1024xf32, #tpu.memory_space<vmem>>) target(%dma_start3A_377 : memref<1024xf32, #tpu.memory_space<hbm>>) target_semaphore(%arg12 : memref<!tpu.dma_semaphore, #tpu.memory_space<semaphore_mem>>)
      %dma_start3A_380 = arith.constant 2 : i32
      %dma_start3A_381 = arith.constant 2048 : i32
      %dma_start3A_382 = tpu.memref_slice %arg8[%dma_start3A_381] : memref<8192xf32, #tpu.memory_space<vmem>> -> memref<1024xf32, #tpu.memory_space<vmem>>
      %dma_start3A_383 = arith.constant 0 : i32
      %dma_start3A_384 = tpu.memref_slice %arg4[%select_n3A_319, %dma_start3A_380, %select_n3A_335, %dma_start3A_383] : memref<50x8x128x1024xf32, #tpu.memory_space<hbm>> -> memref<1x1x1x1024xf32, #tpu.memory_space<hbm>>
      %dma_start3A_385 = tpu.memref_squeeze %dma_start3A_384 : memref<1x1x1x1024xf32, #tpu.memory_space<hbm>> -> memref<1024xf32, #tpu.memory_space<hbm>>
      %dma_start3A_386 = arith.constant 0 : i32
      %dma_start3A_387 = tpu.memref_slice %arg4[%select_n3A_319, %dma_start3A_380, %select_n3A_335, %dma_start3A_386] : memref<50x8x128x1024xf32, #tpu.memory_space<hbm>> -> memref<1x1x1x1024xf32, #tpu.memory_space<hbm>>
      %dma_start3A_388 = tpu.memref_squeeze %dma_start3A_387 : memref<1x1x1x1024xf32, #tpu.memory_space<hbm>> -> memref<1024xf32, #tpu.memory_space<hbm>>
      %dma_start3A_389 = arith.constant 2048 : i32
      %dma_start3A_390 = tpu.memref_slice %arg8[%dma_start3A_389] : memref<8192xf32, #tpu.memory_space<vmem>> -> memref<1024xf32, #tpu.memory_space<vmem>>
      tpu.enqueue_dma source(%dma_start3A_390 : memref<1024xf32, #tpu.memory_space<vmem>>) target(%dma_start3A_388 : memref<1024xf32, #tpu.memory_space<hbm>>) target_semaphore(%arg12 : memref<!tpu.dma_semaphore, #tpu.memory_space<semaphore_mem>>)
      %dma_start3A_391 = arith.constant 3 : i32
      %dma_start3A_392 = arith.constant 3072 : i32
      %dma_start3A_393 = tpu.memref_slice %arg8[%dma_start3A_392] : memref<8192xf32, #tpu.memory_space<vmem>> -> memref<1024xf32, #tpu.memory_space<vmem>>
      %dma_start3A_394 = arith.constant 0 : i32
      %dma_start3A_395 = tpu.memref_slice %arg4[%select_n3A_319, %dma_start3A_391, %select_n3A_335, %dma_start3A_394] : memref<50x8x128x1024xf32, #tpu.memory_space<hbm>> -> memref<1x1x1x1024xf32, #tpu.memory_space<hbm>>
      %dma_start3A_396 = tpu.memref_squeeze %dma_start3A_395 : memref<1x1x1x1024xf32, #tpu.memory_space<hbm>> -> memref<1024xf32, #tpu.memory_space<hbm>>
      %dma_start3A_397 = arith.constant 0 : i32
      %dma_start3A_398 = tpu.memref_slice %arg4[%select_n3A_319, %dma_start3A_391, %select_n3A_335, %dma_start3A_397] : memref<50x8x128x1024xf32, #tpu.memory_space<hbm>> -> memref<1x1x1x1024xf32, #tpu.memory_space<hbm>>
      %dma_start3A_399 = tpu.memref_squeeze %dma_start3A_398 : memref<1x1x1x1024xf32, #tpu.memory_space<hbm>> -> memref<1024xf32, #tpu.memory_space<hbm>>
      %dma_start3A_400 = arith.constant 3072 : i32
      %dma_start3A_401 = tpu.memref_slice %arg8[%dma_start3A_400] : memref<8192xf32, #tpu.memory_space<vmem>> -> memref<1024xf32, #tpu.memory_space<vmem>>
      tpu.enqueue_dma source(%dma_start3A_401 : memref<1024xf32, #tpu.memory_space<vmem>>) target(%dma_start3A_399 : memref<1024xf32, #tpu.memory_space<hbm>>) target_semaphore(%arg12 : memref<!tpu.dma_semaphore, #tpu.memory_space<semaphore_mem>>)
      %dma_start3A_402 = arith.constant 4 : i32
      %dma_start3A_403 = arith.constant 4096 : i32
      %dma_start3A_404 = tpu.memref_slice %arg8[%dma_start3A_403] : memref<8192xf32, #tpu.memory_space<vmem>> -> memref<1024xf32, #tpu.memory_space<vmem>>
      %dma_start3A_405 = arith.constant 0 : i32
      %dma_start3A_406 = tpu.memref_slice %arg4[%select_n3A_319, %dma_start3A_402, %select_n3A_335, %dma_start3A_405] : memref<50x8x128x1024xf32, #tpu.memory_space<hbm>> -> memref<1x1x1x1024xf32, #tpu.memory_space<hbm>>
      %dma_start3A_407 = tpu.memref_squeeze %dma_start3A_406 : memref<1x1x1x1024xf32, #tpu.memory_space<hbm>> -> memref<1024xf32, #tpu.memory_space<hbm>>
      %dma_start3A_408 = arith.constant 0 : i32
      %dma_start3A_409 = tpu.memref_slice %arg4[%select_n3A_319, %dma_start3A_402, %select_n3A_335, %dma_start3A_408] : memref<50x8x128x1024xf32, #tpu.memory_space<hbm>> -> memref<1x1x1x1024xf32, #tpu.memory_space<hbm>>
      %dma_start3A_410 = tpu.memref_squeeze %dma_start3A_409 : memref<1x1x1x1024xf32, #tpu.memory_space<hbm>> -> memref<1024xf32, #tpu.memory_space<hbm>>
      %dma_start3A_411 = arith.constant 4096 : i32
      %dma_start3A_412 = tpu.memref_slice %arg8[%dma_start3A_411] : memref<8192xf32, #tpu.memory_space<vmem>> -> memref<1024xf32, #tpu.memory_space<vmem>>
      tpu.enqueue_dma source(%dma_start3A_412 : memref<1024xf32, #tpu.memory_space<vmem>>) target(%dma_start3A_410 : memref<1024xf32, #tpu.memory_space<hbm>>) target_semaphore(%arg12 : memref<!tpu.dma_semaphore, #tpu.memory_space<semaphore_mem>>)
      %dma_start3A_413 = arith.constant 5 : i32
      %dma_start3A_414 = arith.constant 5120 : i32
      %dma_start3A_415 = tpu.memref_slice %arg8[%dma_start3A_414] : memref<8192xf32, #tpu.memory_space<vmem>> -> memref<1024xf32, #tpu.memory_space<vmem>>
      %dma_start3A_416 = arith.constant 0 : i32
      %dma_start3A_417 = tpu.memref_slice %arg4[%select_n3A_319, %dma_start3A_413, %select_n3A_335, %dma_start3A_416] : memref<50x8x128x1024xf32, #tpu.memory_space<hbm>> -> memref<1x1x1x1024xf32, #tpu.memory_space<hbm>>
      %dma_start3A_418 = tpu.memref_squeeze %dma_start3A_417 : memref<1x1x1x1024xf32, #tpu.memory_space<hbm>> -> memref<1024xf32, #tpu.memory_space<hbm>>
      %dma_start3A_419 = arith.constant 0 : i32
      %dma_start3A_420 = tpu.memref_slice %arg4[%select_n3A_319, %dma_start3A_413, %select_n3A_335, %dma_start3A_419] : memref<50x8x128x1024xf32, #tpu.memory_space<hbm>> -> memref<1x1x1x1024xf32, #tpu.memory_space<hbm>>
      %dma_start3A_421 = tpu.memref_squeeze %dma_start3A_420 : memref<1x1x1x1024xf32, #tpu.memory_space<hbm>> -> memref<1024xf32, #tpu.memory_space<hbm>>
      %dma_start3A_422 = arith.constant 5120 : i32
      %dma_start3A_423 = tpu.memref_slice %arg8[%dma_start3A_422] : memref<8192xf32, #tpu.memory_space<vmem>> -> memref<1024xf32, #tpu.memory_space<vmem>>
      tpu.enqueue_dma source(%dma_start3A_423 : memref<1024xf32, #tpu.memory_space<vmem>>) target(%dma_start3A_421 : memref<1024xf32, #tpu.memory_space<hbm>>) target_semaphore(%arg12 : memref<!tpu.dma_semaphore, #tpu.memory_space<semaphore_mem>>)
      %dma_start3A_424 = arith.constant 6 : i32
      %dma_start3A_425 = arith.constant 6144 : i32
      %dma_start3A_426 = tpu.memref_slice %arg8[%dma_start3A_425] : memref<8192xf32, #tpu.memory_space<vmem>> -> memref<1024xf32, #tpu.memory_space<vmem>>
      %dma_start3A_427 = arith.constant 0 : i32
      %dma_start3A_428 = tpu.memref_slice %arg4[%select_n3A_319, %dma_start3A_424, %select_n3A_335, %dma_start3A_427] : memref<50x8x128x1024xf32, #tpu.memory_space<hbm>> -> memref<1x1x1x1024xf32, #tpu.memory_space<hbm>>
      %dma_start3A_429 = tpu.memref_squeeze %dma_start3A_428 : memref<1x1x1x1024xf32, #tpu.memory_space<hbm>> -> memref<1024xf32, #tpu.memory_space<hbm>>
      %dma_start3A_430 = arith.constant 0 : i32
      %dma_start3A_431 = tpu.memref_slice %arg4[%select_n3A_319, %dma_start3A_424, %select_n3A_335, %dma_start3A_430] : memref<50x8x128x1024xf32, #tpu.memory_space<hbm>> -> memref<1x1x1x1024xf32, #tpu.memory_space<hbm>>
      %dma_start3A_432 = tpu.memref_squeeze %dma_start3A_431 : memref<1x1x1x1024xf32, #tpu.memory_space<hbm>> -> memref<1024xf32, #tpu.memory_space<hbm>>
      %dma_start3A_433 = arith.constant 6144 : i32
      %dma_start3A_434 = tpu.memref_slice %arg8[%dma_start3A_433] : memref<8192xf32, #tpu.memory_space<vmem>> -> memref<1024xf32, #tpu.memory_space<vmem>>
      tpu.enqueue_dma source(%dma_start3A_434 : memref<1024xf32, #tpu.memory_space<vmem>>) target(%dma_start3A_432 : memref<1024xf32, #tpu.memory_space<hbm>>) target_semaphore(%arg12 : memref<!tpu.dma_semaphore, #tpu.memory_space<semaphore_mem>>)
      %dma_start3A_435 = arith.constant 7 : i32
      %dma_start3A_436 = arith.constant 7168 : i32
      %dma_start3A_437 = tpu.memref_slice %arg8[%dma_start3A_436] : memref<8192xf32, #tpu.memory_space<vmem>> -> memref<1024xf32, #tpu.memory_space<vmem>>
      %dma_start3A_438 = arith.constant 0 : i32
      %dma_start3A_439 = tpu.memref_slice %arg4[%select_n3A_319, %dma_start3A_435, %select_n3A_335, %dma_start3A_438] : memref<50x8x128x1024xf32, #tpu.memory_space<hbm>> -> memref<1x1x1x1024xf32, #tpu.memory_space<hbm>>
      %dma_start3A_440 = tpu.memref_squeeze %dma_start3A_439 : memref<1x1x1x1024xf32, #tpu.memory_space<hbm>> -> memref<1024xf32, #tpu.memory_space<hbm>>
      %dma_start3A_441 = arith.constant 0 : i32
      %dma_start3A_442 = tpu.memref_slice %arg4[%select_n3A_319, %dma_start3A_435, %select_n3A_335, %dma_start3A_441] : memref<50x8x128x1024xf32, #tpu.memory_space<hbm>> -> memref<1x1x1x1024xf32, #tpu.memory_space<hbm>>
      %dma_start3A_443 = tpu.memref_squeeze %dma_start3A_442 : memref<1x1x1x1024xf32, #tpu.memory_space<hbm>> -> memref<1024xf32, #tpu.memory_space<hbm>>
      %dma_start3A_444 = arith.constant 7168 : i32
      %dma_start3A_445 = tpu.memref_slice %arg8[%dma_start3A_444] : memref<8192xf32, #tpu.memory_space<vmem>> -> memref<1024xf32, #tpu.memory_space<vmem>>
      tpu.enqueue_dma source(%dma_start3A_445 : memref<1024xf32, #tpu.memory_space<vmem>>) target(%dma_start3A_443 : memref<1024xf32, #tpu.memory_space<hbm>>) target_semaphore(%arg12 : memref<!tpu.dma_semaphore, #tpu.memory_space<semaphore_mem>>)
      %mul3A_446 = arith.constant 2 : i32
      %mul3A_447 = arith.muli %mul3A_446, %scan3A_289 : i32
      %add3A_448 = arith.constant 1 : i32
      %add3A_449 = arith.addi %mul3A_447, %add3A_448 : i32
      %add3A_450 = arith.addi %mul3A_2, %add3A_449 : i32
      %jit3A_451 = arith.constant 128 : i32
      %div3A_452 = arith.divsi %add3A_450, %jit3A_451 : i32
      %sign3A_453 = arith.constant 0 : i32
      %sign3A_454 = arith.cmpi sgt, %add3A_450, %sign3A_453 : i32
      %sign3A_455 = arith.extui %sign3A_454 : i1 to i32
      %sign3A_456 = arith.constant 0 : i32
      %sign3A_457 = arith.cmpi slt, %add3A_450, %sign3A_456 : i32
      %sign3A_458 = arith.extui %sign3A_457 : i1 to i32
      %sign3A_459 = arith.subi %sign3A_455, %sign3A_458 : i32
      %sign3A_460 = arith.constant 0 : i32
      %sign3A_461 = arith.cmpi sgt, %jit3A_451, %sign3A_460 : i32
      %sign3A_462 = arith.extui %sign3A_461 : i1 to i32
      %sign3A_463 = arith.constant 0 : i32
      %sign3A_464 = arith.cmpi slt, %jit3A_451, %sign3A_463 : i32
      %sign3A_465 = arith.extui %sign3A_464 : i1 to i32
      %sign3A_466 = arith.subi %sign3A_462, %sign3A_465 : i32
      %ne3A_467 = arith.cmpi ne, %sign3A_459, %sign3A_466 : i32
      %rem3A_468 = arith.remsi %add3A_450, %jit3A_451 : i32
      %ne3A_469 = arith.constant 0 : i32
      %ne3A_470 = arith.cmpi ne, %rem3A_468, %ne3A_469 : i32
      %and3A_471 = arith.andi %ne3A_467, %ne3A_470 : i1
      %sub3A_472 = arith.constant 1 : i32
      %sub3A_473 = arith.subi %div3A_452, %sub3A_472 : i32
      %select_n3A_474 = arith.select %and3A_471, %sub3A_473, %div3A_452 : i32
      %jit3A_475 = arith.constant 128 : i32
      %eq3A_476 = arith.constant 0 : i32
      %eq3A_477 = arith.cmpi eq, %jit3A_475, %eq3A_476 : i32
      %jit3A_478 = arith.constant 1 : i32
      %select_n3A_479 = arith.select %eq3A_477, %jit3A_478, %jit3A_475 : i32
      %rem3A_480 = arith.remsi %add3A_450, %select_n3A_479 : i32
      %ne3A_481 = arith.constant 0 : i32
      %ne3A_482 = arith.cmpi ne, %rem3A_480, %ne3A_481 : i32
      %lt3A_483 = arith.constant 0 : i32
      %lt3A_484 = arith.cmpi slt, %rem3A_480, %lt3A_483 : i32
      %lt3A_485 = arith.constant 0 : i32
      %lt3A_486 = arith.cmpi slt, %select_n3A_479, %lt3A_485 : i32
      %ne3A_487 = arith.xori %lt3A_484, %lt3A_486 : i1
      %and3A_488 = arith.andi %ne3A_487, %ne3A_482 : i1
      %add3A_489 = arith.addi %rem3A_480, %select_n3A_479 : i32
      %select_n3A_490 = arith.select %and3A_488, %add3A_489, %rem3A_480 : i32
      %dma_wait3A_491 = arith.constant 0 : i32
      %dma_wait3A_492 = tpu.memref_slice %arg5[%add3A_449, %dma_wait3A_491] : memref<200x128xi32, #tpu.memory_space<vmem>> -> memref<1x128xi32, #tpu.memory_space<vmem>>
      %dma_wait3A_493 = tpu.memref_squeeze %dma_wait3A_492 : memref<1x128xi32, #tpu.memory_space<vmem>> -> memref<128xi32, #tpu.memory_space<vmem>>
      %dma_wait3A_494 = arith.constant 0 : i32
      %dma_wait3A_495 = arith.constant 0 : i32
      %dma_wait3A_496 = tpu.memref_slice %arg2[%dma_wait3A_494, %dma_wait3A_495] : memref<1000001x64xf32, #tpu.memory_space<hbm>> -> memref<1000001x64xf32, #tpu.memory_space<hbm>>
      tpu.wait_indirect_dma semaphore(%arg11 : memref<!tpu.dma_semaphore, #tpu.memory_space<semaphore_mem>>) src(%dma_wait3A_496 : memref<1000001x64xf32, #tpu.memory_space<hbm>>) dst(%arg7 : memref<128x64xf32, #tpu.memory_space<vmem>>)
      %add3A_497 = arith.constant 1 : i32
      %add3A_498 = arith.addi %add3A_449, %add3A_497 : i32
      %lt3A_499 = arith.constant 200 : i32
      %lt3A_500 = arith.cmpi slt, %add3A_498, %lt3A_499 : i32
      %convert_element_type3A_501 = arith.extui %lt3A_500 : i1 to i32
      %cond3A_502 = arith.constant 0 : i32
      %cond3A_503 = arith.cmpi ne, %convert_element_type3A_501, %cond3A_502 : i32
      scf.if %cond3A_503 {
        %add3A_605 = arith.constant 1 : i32
        %add3A_606 = arith.addi %add3A_449, %add3A_605 : i32
        %dma_start3A_607 = arith.constant 0 : i32
        %dma_start3A_608 = tpu.memref_slice %arg5[%add3A_606, %dma_start3A_607] : memref<200x128xi32, #tpu.memory_space<vmem>> -> memref<1x128xi32, #tpu.memory_space<vmem>>
        %dma_start3A_609 = tpu.memref_squeeze %dma_start3A_608 : memref<1x128xi32, #tpu.memory_space<vmem>> -> memref<128xi32, #tpu.memory_space<vmem>>
        %dma_start3A_610 = arith.constant 0 : i32
        %dma_start3A_611 = arith.constant 0 : i32
        %dma_start3A_612 = tpu.memref_slice %arg2[%dma_start3A_610, %dma_start3A_611] : memref<1000001x64xf32, #tpu.memory_space<hbm>> -> memref<1000001x64xf32, #tpu.memory_space<hbm>>
        tpu.enqueue_indirect_dma source(%dma_start3A_612 : memref<1000001x64xf32, #tpu.memory_space<hbm>>) target(%arg6 : memref<128x64xf32, #tpu.memory_space<vmem>>) offsets(%dma_start3A_609 : memref<128xi32, #tpu.memory_space<vmem>>) semaphore(%arg10 : memref<!tpu.dma_semaphore, #tpu.memory_space<semaphore_mem>>)
      } else {
      }
      %ge3A_504 = arith.constant 1 : i32
      %ge3A_505 = arith.cmpi sge, %scan3A_289, %ge3A_504 : i32
      %convert_element_type3A_506 = arith.extui %ge3A_505 : i1 to i32
      %cond3A_507 = arith.constant 0 : i32
      %cond3A_508 = arith.cmpi ne, %convert_element_type3A_506, %cond3A_507 : i32
      scf.if %cond3A_508 {
        %dma_wait3A_605 = arith.constant 0 : i32
        %dma_wait3A_606 = arith.constant 0 : i32
        %dma_wait3A_607 = tpu.memref_slice %arg9[%dma_wait3A_606] : memref<8192xf32, #tpu.memory_space<vmem>> -> memref<1024xf32, #tpu.memory_space<vmem>>
        %dma_wait3A_608 = arith.constant 0 : i32
        %dma_wait3A_609 = tpu.memref_slice %arg4[%select_n3A_474, %dma_wait3A_605, %select_n3A_490, %dma_wait3A_608] : memref<50x8x128x1024xf32, #tpu.memory_space<hbm>> -> memref<1x1x1x1024xf32, #tpu.memory_space<hbm>>
        %dma_wait3A_610 = tpu.memref_squeeze %dma_wait3A_609 : memref<1x1x1x1024xf32, #tpu.memory_space<hbm>> -> memref<1024xf32, #tpu.memory_space<hbm>>
        %dma_wait3A_611 = arith.constant 0 : i32
        %dma_wait3A_612 = tpu.memref_slice %arg4[%select_n3A_474, %dma_wait3A_605, %select_n3A_490, %dma_wait3A_611] : memref<50x8x128x1024xf32, #tpu.memory_space<hbm>> -> memref<1x1x1x1024xf32, #tpu.memory_space<hbm>>
        %dma_wait3A_613 = tpu.memref_squeeze %dma_wait3A_612 : memref<1x1x1x1024xf32, #tpu.memory_space<hbm>> -> memref<1024xf32, #tpu.memory_space<hbm>>
        %dma_wait3A_614 = arith.constant 0 : i32
        %dma_wait3A_615 = tpu.memref_slice %arg9[%dma_wait3A_614] : memref<8192xf32, #tpu.memory_space<vmem>> -> memref<1024xf32, #tpu.memory_space<vmem>>
        tpu.wait_dma2 semaphore(%arg13 : memref<!tpu.dma_semaphore, #tpu.memory_space<semaphore_mem>>) src(%dma_wait3A_615 : memref<1024xf32, #tpu.memory_space<vmem>>) dst(%dma_wait3A_613 : memref<1024xf32, #tpu.memory_space<hbm>>)
        %dma_wait3A_616 = arith.constant 1 : i32
        %dma_wait3A_617 = arith.constant 1024 : i32
        %dma_wait3A_618 = tpu.memref_slice %arg9[%dma_wait3A_617] : memref<8192xf32, #tpu.memory_space<vmem>> -> memref<1024xf32, #tpu.memory_space<vmem>>
        %dma_wait3A_619 = arith.constant 0 : i32
        %dma_wait3A_620 = tpu.memref_slice %arg4[%select_n3A_474, %dma_wait3A_616, %select_n3A_490, %dma_wait3A_619] : memref<50x8x128x1024xf32, #tpu.memory_space<hbm>> -> memref<1x1x1x1024xf32, #tpu.memory_space<hbm>>
        %dma_wait3A_621 = tpu.memref_squeeze %dma_wait3A_620 : memref<1x1x1x1024xf32, #tpu.memory_space<hbm>> -> memref<1024xf32, #tpu.memory_space<hbm>>
        %dma_wait3A_622 = arith.constant 0 : i32
        %dma_wait3A_623 = tpu.memref_slice %arg4[%select_n3A_474, %dma_wait3A_616, %select_n3A_490, %dma_wait3A_622] : memref<50x8x128x1024xf32, #tpu.memory_space<hbm>> -> memref<1x1x1x1024xf32, #tpu.memory_space<hbm>>
        %dma_wait3A_624 = tpu.memref_squeeze %dma_wait3A_623 : memref<1x1x1x1024xf32, #tpu.memory_space<hbm>> -> memref<1024xf32, #tpu.memory_space<hbm>>
        %dma_wait3A_625 = arith.constant 1024 : i32
        %dma_wait3A_626 = tpu.memref_slice %arg9[%dma_wait3A_625] : memref<8192xf32, #tpu.memory_space<vmem>> -> memref<1024xf32, #tpu.memory_space<vmem>>
        tpu.wait_dma2 semaphore(%arg13 : memref<!tpu.dma_semaphore, #tpu.memory_space<semaphore_mem>>) src(%dma_wait3A_626 : memref<1024xf32, #tpu.memory_space<vmem>>) dst(%dma_wait3A_624 : memref<1024xf32, #tpu.memory_space<hbm>>)
        %dma_wait3A_627 = arith.constant 2 : i32
        %dma_wait3A_628 = arith.constant 2048 : i32
        %dma_wait3A_629 = tpu.memref_slice %arg9[%dma_wait3A_628] : memref<8192xf32, #tpu.memory_space<vmem>> -> memref<1024xf32, #tpu.memory_space<vmem>>
        %dma_wait3A_630 = arith.constant 0 : i32
        %dma_wait3A_631 = tpu.memref_slice %arg4[%select_n3A_474, %dma_wait3A_627, %select_n3A_490, %dma_wait3A_630] : memref<50x8x128x1024xf32, #tpu.memory_space<hbm>> -> memref<1x1x1x1024xf32, #tpu.memory_space<hbm>>
        %dma_wait3A_632 = tpu.memref_squeeze %dma_wait3A_631 : memref<1x1x1x1024xf32, #tpu.memory_space<hbm>> -> memref<1024xf32, #tpu.memory_space<hbm>>
        %dma_wait3A_633 = arith.constant 0 : i32
        %dma_wait3A_634 = tpu.memref_slice %arg4[%select_n3A_474, %dma_wait3A_627, %select_n3A_490, %dma_wait3A_633] : memref<50x8x128x1024xf32, #tpu.memory_space<hbm>> -> memref<1x1x1x1024xf32, #tpu.memory_space<hbm>>
        %dma_wait3A_635 = tpu.memref_squeeze %dma_wait3A_634 : memref<1x1x1x1024xf32, #tpu.memory_space<hbm>> -> memref<1024xf32, #tpu.memory_space<hbm>>
        %dma_wait3A_636 = arith.constant 2048 : i32
        %dma_wait3A_637 = tpu.memref_slice %arg9[%dma_wait3A_636] : memref<8192xf32, #tpu.memory_space<vmem>> -> memref<1024xf32, #tpu.memory_space<vmem>>
        tpu.wait_dma2 semaphore(%arg13 : memref<!tpu.dma_semaphore, #tpu.memory_space<semaphore_mem>>) src(%dma_wait3A_637 : memref<1024xf32, #tpu.memory_space<vmem>>) dst(%dma_wait3A_635 : memref<1024xf32, #tpu.memory_space<hbm>>)
        %dma_wait3A_638 = arith.constant 3 : i32
        %dma_wait3A_639 = arith.constant 3072 : i32
        %dma_wait3A_640 = tpu.memref_slice %arg9[%dma_wait3A_639] : memref<8192xf32, #tpu.memory_space<vmem>> -> memref<1024xf32, #tpu.memory_space<vmem>>
        %dma_wait3A_641 = arith.constant 0 : i32
        %dma_wait3A_642 = tpu.memref_slice %arg4[%select_n3A_474, %dma_wait3A_638, %select_n3A_490, %dma_wait3A_641] : memref<50x8x128x1024xf32, #tpu.memory_space<hbm>> -> memref<1x1x1x1024xf32, #tpu.memory_space<hbm>>
        %dma_wait3A_643 = tpu.memref_squeeze %dma_wait3A_642 : memref<1x1x1x1024xf32, #tpu.memory_space<hbm>> -> memref<1024xf32, #tpu.memory_space<hbm>>
        %dma_wait3A_644 = arith.constant 0 : i32
        %dma_wait3A_645 = tpu.memref_slice %arg4[%select_n3A_474, %dma_wait3A_638, %select_n3A_490, %dma_wait3A_644] : memref<50x8x128x1024xf32, #tpu.memory_space<hbm>> -> memref<1x1x1x1024xf32, #tpu.memory_space<hbm>>
        %dma_wait3A_646 = tpu.memref_squeeze %dma_wait3A_645 : memref<1x1x1x1024xf32, #tpu.memory_space<hbm>> -> memref<1024xf32, #tpu.memory_space<hbm>>
        %dma_wait3A_647 = arith.constant 3072 : i32
        %dma_wait3A_648 = tpu.memref_slice %arg9[%dma_wait3A_647] : memref<8192xf32, #tpu.memory_space<vmem>> -> memref<1024xf32, #tpu.memory_space<vmem>>
        tpu.wait_dma2 semaphore(%arg13 : memref<!tpu.dma_semaphore, #tpu.memory_space<semaphore_mem>>) src(%dma_wait3A_648 : memref<1024xf32, #tpu.memory_space<vmem>>) dst(%dma_wait3A_646 : memref<1024xf32, #tpu.memory_space<hbm>>)
        %dma_wait3A_649 = arith.constant 4 : i32
        %dma_wait3A_650 = arith.constant 4096 : i32
        %dma_wait3A_651 = tpu.memref_slice %arg9[%dma_wait3A_650] : memref<8192xf32, #tpu.memory_space<vmem>> -> memref<1024xf32, #tpu.memory_space<vmem>>
        %dma_wait3A_652 = arith.constant 0 : i32
        %dma_wait3A_653 = tpu.memref_slice %arg4[%select_n3A_474, %dma_wait3A_649, %select_n3A_490, %dma_wait3A_652] : memref<50x8x128x1024xf32, #tpu.memory_space<hbm>> -> memref<1x1x1x1024xf32, #tpu.memory_space<hbm>>
        %dma_wait3A_654 = tpu.memref_squeeze %dma_wait3A_653 : memref<1x1x1x1024xf32, #tpu.memory_space<hbm>> -> memref<1024xf32, #tpu.memory_space<hbm>>
        %dma_wait3A_655 = arith.constant 0 : i32
        %dma_wait3A_656 = tpu.memref_slice %arg4[%select_n3A_474, %dma_wait3A_649, %select_n3A_490, %dma_wait3A_655] : memref<50x8x128x1024xf32, #tpu.memory_space<hbm>> -> memref<1x1x1x1024xf32, #tpu.memory_space<hbm>>
        %dma_wait3A_657 = tpu.memref_squeeze %dma_wait3A_656 : memref<1x1x1x1024xf32, #tpu.memory_space<hbm>> -> memref<1024xf32, #tpu.memory_space<hbm>>
        %dma_wait3A_658 = arith.constant 4096 : i32
        %dma_wait3A_659 = tpu.memref_slice %arg9[%dma_wait3A_658] : memref<8192xf32, #tpu.memory_space<vmem>> -> memref<1024xf32, #tpu.memory_space<vmem>>
        tpu.wait_dma2 semaphore(%arg13 : memref<!tpu.dma_semaphore, #tpu.memory_space<semaphore_mem>>) src(%dma_wait3A_659 : memref<1024xf32, #tpu.memory_space<vmem>>) dst(%dma_wait3A_657 : memref<1024xf32, #tpu.memory_space<hbm>>)
        %dma_wait3A_660 = arith.constant 5 : i32
        %dma_wait3A_661 = arith.constant 5120 : i32
        %dma_wait3A_662 = tpu.memref_slice %arg9[%dma_wait3A_661] : memref<8192xf32, #tpu.memory_space<vmem>> -> memref<1024xf32, #tpu.memory_space<vmem>>
        %dma_wait3A_663 = arith.constant 0 : i32
        %dma_wait3A_664 = tpu.memref_slice %arg4[%select_n3A_474, %dma_wait3A_660, %select_n3A_490, %dma_wait3A_663] : memref<50x8x128x1024xf32, #tpu.memory_space<hbm>> -> memref<1x1x1x1024xf32, #tpu.memory_space<hbm>>
        %dma_wait3A_665 = tpu.memref_squeeze %dma_wait3A_664 : memref<1x1x1x1024xf32, #tpu.memory_space<hbm>> -> memref<1024xf32, #tpu.memory_space<hbm>>
        %dma_wait3A_666 = arith.constant 0 : i32
        %dma_wait3A_667 = tpu.memref_slice %arg4[%select_n3A_474, %dma_wait3A_660, %select_n3A_490, %dma_wait3A_666] : memref<50x8x128x1024xf32, #tpu.memory_space<hbm>> -> memref<1x1x1x1024xf32, #tpu.memory_space<hbm>>
        %dma_wait3A_668 = tpu.memref_squeeze %dma_wait3A_667 : memref<1x1x1x1024xf32, #tpu.memory_space<hbm>> -> memref<1024xf32, #tpu.memory_space<hbm>>
        %dma_wait3A_669 = arith.constant 5120 : i32
        %dma_wait3A_670 = tpu.memref_slice %arg9[%dma_wait3A_669] : memref<8192xf32, #tpu.memory_space<vmem>> -> memref<1024xf32, #tpu.memory_space<vmem>>
        tpu.wait_dma2 semaphore(%arg13 : memref<!tpu.dma_semaphore, #tpu.memory_space<semaphore_mem>>) src(%dma_wait3A_670 : memref<1024xf32, #tpu.memory_space<vmem>>) dst(%dma_wait3A_668 : memref<1024xf32, #tpu.memory_space<hbm>>)
        %dma_wait3A_671 = arith.constant 6 : i32
        %dma_wait3A_672 = arith.constant 6144 : i32
        %dma_wait3A_673 = tpu.memref_slice %arg9[%dma_wait3A_672] : memref<8192xf32, #tpu.memory_space<vmem>> -> memref<1024xf32, #tpu.memory_space<vmem>>
        %dma_wait3A_674 = arith.constant 0 : i32
        %dma_wait3A_675 = tpu.memref_slice %arg4[%select_n3A_474, %dma_wait3A_671, %select_n3A_490, %dma_wait3A_674] : memref<50x8x128x1024xf32, #tpu.memory_space<hbm>> -> memref<1x1x1x1024xf32, #tpu.memory_space<hbm>>
        %dma_wait3A_676 = tpu.memref_squeeze %dma_wait3A_675 : memref<1x1x1x1024xf32, #tpu.memory_space<hbm>> -> memref<1024xf32, #tpu.memory_space<hbm>>
        %dma_wait3A_677 = arith.constant 0 : i32
        %dma_wait3A_678 = tpu.memref_slice %arg4[%select_n3A_474, %dma_wait3A_671, %select_n3A_490, %dma_wait3A_677] : memref<50x8x128x1024xf32, #tpu.memory_space<hbm>> -> memref<1x1x1x1024xf32, #tpu.memory_space<hbm>>
        %dma_wait3A_679 = tpu.memref_squeeze %dma_wait3A_678 : memref<1x1x1x1024xf32, #tpu.memory_space<hbm>> -> memref<1024xf32, #tpu.memory_space<hbm>>
        %dma_wait3A_680 = arith.constant 6144 : i32
        %dma_wait3A_681 = tpu.memref_slice %arg9[%dma_wait3A_680] : memref<8192xf32, #tpu.memory_space<vmem>> -> memref<1024xf32, #tpu.memory_space<vmem>>
        tpu.wait_dma2 semaphore(%arg13 : memref<!tpu.dma_semaphore, #tpu.memory_space<semaphore_mem>>) src(%dma_wait3A_681 : memref<1024xf32, #tpu.memory_space<vmem>>) dst(%dma_wait3A_679 : memref<1024xf32, #tpu.memory_space<hbm>>)
        %dma_wait3A_682 = arith.constant 7 : i32
        %dma_wait3A_683 = arith.constant 7168 : i32
        %dma_wait3A_684 = tpu.memref_slice %arg9[%dma_wait3A_683] : memref<8192xf32, #tpu.memory_space<vmem>> -> memref<1024xf32, #tpu.memory_space<vmem>>
        %dma_wait3A_685 = arith.constant 0 : i32
        %dma_wait3A_686 = tpu.memref_slice %arg4[%select_n3A_474, %dma_wait3A_682, %select_n3A_490, %dma_wait3A_685] : memref<50x8x128x1024xf32, #tpu.memory_space<hbm>> -> memref<1x1x1x1024xf32, #tpu.memory_space<hbm>>
        %dma_wait3A_687 = tpu.memref_squeeze %dma_wait3A_686 : memref<1x1x1x1024xf32, #tpu.memory_space<hbm>> -> memref<1024xf32, #tpu.memory_space<hbm>>
        %dma_wait3A_688 = arith.constant 0 : i32
        %dma_wait3A_689 = tpu.memref_slice %arg4[%select_n3A_474, %dma_wait3A_682, %select_n3A_490, %dma_wait3A_688] : memref<50x8x128x1024xf32, #tpu.memory_space<hbm>> -> memref<1x1x1x1024xf32, #tpu.memory_space<hbm>>
        %dma_wait3A_690 = tpu.memref_squeeze %dma_wait3A_689 : memref<1x1x1x1024xf32, #tpu.memory_space<hbm>> -> memref<1024xf32, #tpu.memory_space<hbm>>
        %dma_wait3A_691 = arith.constant 7168 : i32
        %dma_wait3A_692 = tpu.memref_slice %arg9[%dma_wait3A_691] : memref<8192xf32, #tpu.memory_space<vmem>> -> memref<1024xf32, #tpu.memory_space<vmem>>
        tpu.wait_dma2 semaphore(%arg13 : memref<!tpu.dma_semaphore, #tpu.memory_space<semaphore_mem>>) src(%dma_wait3A_692 : memref<1024xf32, #tpu.memory_space<vmem>>) dst(%dma_wait3A_690 : memref<1024xf32, #tpu.memory_space<hbm>>)
      } else {
      }
      %scan3A_509 = arith.constant 0 : i32
      %scan3A_510 = arith.constant 0 : i32
      %scan3A_511 = arith.constant 8 : i32
      %scan3A_512 = arith.addi %scan3A_510, %scan3A_511 : i32
      %scan3A_513 = arith.constant 1 : i32
      %scan3A_514 = scf.for %scan3A_605 = %scan3A_510 to %scan3A_512 step %scan3A_513 iter_args(%scan3A_606 = %scan3A_509) -> (i32)  : i32 {
        %mul3A_607 = arith.constant 16 : i32
        %mul3A_608 = arith.muli %scan3A_605, %mul3A_607 : i32
        %add3A_609 = vector.broadcast %mul3A_608 : i32 to vector<16xi32>
        %add3A_610 = arith.addi %add3A_609, %iota3A : vector<16xi32>
        %add3A_611 = arith.constant 0 : i32
        %add3A_612 = vector.broadcast %add3A_611 : i32 to vector<16xi32>
        %add3A_613 = arith.addi %add3A_610, %add3A_612 : vector<16xi32>
        %add3A_614 = arith.constant 0 : i32
        %add3A_615 = vector.broadcast %add3A_614 : i32 to vector<16xi32>
        %add3A_616 = arith.addi %iota3A, %add3A_615 : vector<16xi32>
        %gather3A = tpu.vector_load_idx %arg7[%add3A_610, %add3A_616] : memref<128x64xf32, #tpu.memory_space<vmem>>[vector<16xi32>, vector<16xi32>], vector<16xf32>,
        %mul3A_617 = arith.constant 128 : i32
        %mul3A_618 = vector.broadcast %mul3A_617 : i32 to vector<16xi32>
        %mul3A_619 = arith.muli %iota3A, %mul3A_618 : vector<16xi32>
        %add3A_620 = arith.addi %mul3A_619, %add3A_613 : vector<16xi32>
        tpu.vector_store_idx %arg9[%add3A_620], %gather3A : memref<8192xf32, #tpu.memory_space<vmem>>[vector<16xi32>], vector<16xf32>,
        %lt3A_621 = arith.constant 0 : i32
        %lt3A_622 = vector.broadcast %lt3A_621 : i32 to vector<16xi32>
        %lt3A_623 = arith.cmpi slt, %select_n3A_20, %lt3A_622 : vector<16xi32>
        %add3A_624 = arith.constant 16 : i32
        %add3A_625 = vector.broadcast %add3A_624 : i32 to vector<16xi32>
        %add3A_626 = arith.addi %select_n3A_20, %add3A_625 : vector<16xi32>
        %select_n3A_627 = arith.select %lt3A_623, %add3A_626, %select_n3A_20 : vector<16xi1>, vector<16xi32>
        %broadcast_in_dim3A = vector.shape_cast %select_n3A_627 : vector<16xi32> to vector<16x1xi32>
        %gather3A_628 = vector.shape_cast %broadcast_in_dim3A : vector<16x1xi32> to vector<16xi32>
        %gather3A_629 = tpu.dynamic_gather %iota3A[%gather3A_628] in [0] : vector<16xi32>, vector<16xi32> -> vector<16xi32>
        %add3A_630 = arith.constant 0 : i32
        %add3A_631 = vector.broadcast %add3A_630 : i32 to vector<16xi32>
        %add3A_632 = arith.addi %gather3A_629, %add3A_631 : vector<16xi32>
        %gather3A_633 = tpu.vector_load_idx %arg7[%add3A_610, %add3A_632] : memref<128x64xf32, #tpu.memory_space<vmem>>[vector<16xi32>, vector<16xi32>], vector<16xf32>,
        %mul3A_634 = arith.constant 128 : i32
        %mul3A_635 = vector.broadcast %mul3A_634 : i32 to vector<16xi32>
        %mul3A_636 = arith.muli %gather3A_629, %mul3A_635 : vector<16xi32>
        %add3A_637 = arith.addi %mul3A_636, %add3A_613 : vector<16xi32>
        tpu.vector_store_idx %arg9[%add3A_637], %gather3A_633 : memref<8192xf32, #tpu.memory_space<vmem>>[vector<16xi32>], vector<16xf32>,
        %lt3A_638 = arith.constant 0 : i32
        %lt3A_639 = vector.broadcast %lt3A_638 : i32 to vector<16xi32>
        %lt3A_640 = arith.cmpi slt, %select_n3A_20, %lt3A_639 : vector<16xi32>
        %add3A_641 = arith.constant 16 : i32
        %add3A_642 = vector.broadcast %add3A_641 : i32 to vector<16xi32>
        %add3A_643 = arith.addi %select_n3A_20, %add3A_642 : vector<16xi32>
        %select_n3A_644 = arith.select %lt3A_640, %add3A_643, %select_n3A_20 : vector<16xi1>, vector<16xi32>
        %broadcast_in_dim3A_645 = vector.shape_cast %select_n3A_644 : vector<16xi32> to vector<16x1xi32>
        %gather3A_646 = vector.shape_cast %broadcast_in_dim3A_645 : vector<16x1xi32> to vector<16xi32>
        %gather3A_647 = tpu.dynamic_gather %gather3A_629[%gather3A_646] in [0] : vector<16xi32>, vector<16xi32> -> vector<16xi32>
        %add3A_648 = arith.constant 0 : i32
        %add3A_649 = vector.broadcast %add3A_648 : i32 to vector<16xi32>
        %add3A_650 = arith.addi %gather3A_647, %add3A_649 : vector<16xi32>
        %gather3A_651 = tpu.vector_load_idx %arg7[%add3A_610, %add3A_650] : memref<128x64xf32, #tpu.memory_space<vmem>>[vector<16xi32>, vector<16xi32>], vector<16xf32>,
        %mul3A_652 = arith.constant 128 : i32
        %mul3A_653 = vector.broadcast %mul3A_652 : i32 to vector<16xi32>
        %mul3A_654 = arith.muli %gather3A_647, %mul3A_653 : vector<16xi32>
        %add3A_655 = arith.addi %mul3A_654, %add3A_613 : vector<16xi32>
        tpu.vector_store_idx %arg9[%add3A_655], %gather3A_651 : memref<8192xf32, #tpu.memory_space<vmem>>[vector<16xi32>], vector<16xf32>,
        %lt3A_656 = arith.constant 0 : i32
        %lt3A_657 = vector.broadcast %lt3A_656 : i32 to vector<16xi32>
        %lt3A_658 = arith.cmpi slt, %select_n3A_20, %lt3A_657 : vector<16xi32>
        %add3A_659 = arith.constant 16 : i32
        %add3A_660 = vector.broadcast %add3A_659 : i32 to vector<16xi32>
        %add3A_661 = arith.addi %select_n3A_20, %add3A_660 : vector<16xi32>
        %select_n3A_662 = arith.select %lt3A_658, %add3A_661, %select_n3A_20 : vector<16xi1>, vector<16xi32>
        %broadcast_in_dim3A_663 = vector.shape_cast %select_n3A_662 : vector<16xi32> to vector<16x1xi32>
        %gather3A_664 = vector.shape_cast %broadcast_in_dim3A_663 : vector<16x1xi32> to vector<16xi32>
        %gather3A_665 = tpu.dynamic_gather %gather3A_647[%gather3A_664] in [0] : vector<16xi32>, vector<16xi32> -> vector<16xi32>
        %add3A_666 = arith.constant 0 : i32
        %add3A_667 = vector.broadcast %add3A_666 : i32 to vector<16xi32>
        %add3A_668 = arith.addi %gather3A_665, %add3A_667 : vector<16xi32>
        %gather3A_669 = tpu.vector_load_idx %arg7[%add3A_610, %add3A_668] : memref<128x64xf32, #tpu.memory_space<vmem>>[vector<16xi32>, vector<16xi32>], vector<16xf32>,
        %mul3A_670 = arith.constant 128 : i32
        %mul3A_671 = vector.broadcast %mul3A_670 : i32 to vector<16xi32>
        %mul3A_672 = arith.muli %gather3A_665, %mul3A_671 : vector<16xi32>
        %add3A_673 = arith.addi %mul3A_672, %add3A_613 : vector<16xi32>
        tpu.vector_store_idx %arg9[%add3A_673], %gather3A_669 : memref<8192xf32, #tpu.memory_space<vmem>>[vector<16xi32>], vector<16xf32>,
        %lt3A_674 = arith.constant 0 : i32
        %lt3A_675 = vector.broadcast %lt3A_674 : i32 to vector<16xi32>
        %lt3A_676 = arith.cmpi slt, %select_n3A_20, %lt3A_675 : vector<16xi32>
        %add3A_677 = arith.constant 16 : i32
        %add3A_678 = vector.broadcast %add3A_677 : i32 to vector<16xi32>
        %add3A_679 = arith.addi %select_n3A_20, %add3A_678 : vector<16xi32>
        %select_n3A_680 = arith.select %lt3A_676, %add3A_679, %select_n3A_20 : vector<16xi1>, vector<16xi32>
        %broadcast_in_dim3A_681 = vector.shape_cast %select_n3A_680 : vector<16xi32> to vector<16x1xi32>
        %gather3A_682 = vector.shape_cast %broadcast_in_dim3A_681 : vector<16x1xi32> to vector<16xi32>
        %gather3A_683 = tpu.dynamic_gather %gather3A_665[%gather3A_682] in [0] : vector<16xi32>, vector<16xi32> -> vector<16xi32>
        %add3A_684 = arith.constant 0 : i32
        %add3A_685 = vector.broadcast %add3A_684 : i32 to vector<16xi32>
        %add3A_686 = arith.addi %gather3A_683, %add3A_685 : vector<16xi32>
        %gather3A_687 = tpu.vector_load_idx %arg7[%add3A_610, %add3A_686] : memref<128x64xf32, #tpu.memory_space<vmem>>[vector<16xi32>, vector<16xi32>], vector<16xf32>,
        %mul3A_688 = arith.constant 128 : i32
        %mul3A_689 = vector.broadcast %mul3A_688 : i32 to vector<16xi32>
        %mul3A_690 = arith.muli %gather3A_683, %mul3A_689 : vector<16xi32>
        %add3A_691 = arith.addi %mul3A_690, %add3A_613 : vector<16xi32>
        tpu.vector_store_idx %arg9[%add3A_691], %gather3A_687 : memref<8192xf32, #tpu.memory_space<vmem>>[vector<16xi32>], vector<16xf32>,
        %lt3A_692 = arith.constant 0 : i32
        %lt3A_693 = vector.broadcast %lt3A_692 : i32 to vector<16xi32>
        %lt3A_694 = arith.cmpi slt, %select_n3A_20, %lt3A_693 : vector<16xi32>
        %add3A_695 = arith.constant 16 : i32
        %add3A_696 = vector.broadcast %add3A_695 : i32 to vector<16xi32>
        %add3A_697 = arith.addi %select_n3A_20, %add3A_696 : vector<16xi32>
        %select_n3A_698 = arith.select %lt3A_694, %add3A_697, %select_n3A_20 : vector<16xi1>, vector<16xi32>
        %broadcast_in_dim3A_699 = vector.shape_cast %select_n3A_698 : vector<16xi32> to vector<16x1xi32>
        %gather3A_700 = vector.shape_cast %broadcast_in_dim3A_699 : vector<16x1xi32> to vector<16xi32>
        %gather3A_701 = tpu.dynamic_gather %gather3A_683[%gather3A_700] in [0] : vector<16xi32>, vector<16xi32> -> vector<16xi32>
        %add3A_702 = arith.constant 0 : i32
        %add3A_703 = vector.broadcast %add3A_702 : i32 to vector<16xi32>
        %add3A_704 = arith.addi %gather3A_701, %add3A_703 : vector<16xi32>
        %gather3A_705 = tpu.vector_load_idx %arg7[%add3A_610, %add3A_704] : memref<128x64xf32, #tpu.memory_space<vmem>>[vector<16xi32>, vector<16xi32>], vector<16xf32>,
        %mul3A_706 = arith.constant 128 : i32
        %mul3A_707 = vector.broadcast %mul3A_706 : i32 to vector<16xi32>
        %mul3A_708 = arith.muli %gather3A_701, %mul3A_707 : vector<16xi32>
        %add3A_709 = arith.addi %mul3A_708, %add3A_613 : vector<16xi32>
        tpu.vector_store_idx %arg9[%add3A_709], %gather3A_705 : memref<8192xf32, #tpu.memory_space<vmem>>[vector<16xi32>], vector<16xf32>,
        %lt3A_710 = arith.constant 0 : i32
        %lt3A_711 = vector.broadcast %lt3A_710 : i32 to vector<16xi32>
        %lt3A_712 = arith.cmpi slt, %select_n3A_20, %lt3A_711 : vector<16xi32>
        %add3A_713 = arith.constant 16 : i32
        %add3A_714 = vector.broadcast %add3A_713 : i32 to vector<16xi32>
        %add3A_715 = arith.addi %select_n3A_20, %add3A_714 : vector<16xi32>
        %select_n3A_716 = arith.select %lt3A_712, %add3A_715, %select_n3A_20 : vector<16xi1>, vector<16xi32>
        %broadcast_in_dim3A_717 = vector.shape_cast %select_n3A_716 : vector<16xi32> to vector<16x1xi32>
        %gather3A_718 = vector.shape_cast %broadcast_in_dim3A_717 : vector<16x1xi32> to vector<16xi32>
        %gather3A_719 = tpu.dynamic_gather %gather3A_701[%gather3A_718] in [0] : vector<16xi32>, vector<16xi32> -> vector<16xi32>
        %add3A_720 = arith.constant 0 : i32
        %add3A_721 = vector.broadcast %add3A_720 : i32 to vector<16xi32>
        %add3A_722 = arith.addi %gather3A_719, %add3A_721 : vector<16xi32>
        %gather3A_723 = tpu.vector_load_idx %arg7[%add3A_610, %add3A_722] : memref<128x64xf32, #tpu.memory_space<vmem>>[vector<16xi32>, vector<16xi32>], vector<16xf32>,
        %mul3A_724 = arith.constant 128 : i32
        %mul3A_725 = vector.broadcast %mul3A_724 : i32 to vector<16xi32>
        %mul3A_726 = arith.muli %gather3A_719, %mul3A_725 : vector<16xi32>
        %add3A_727 = arith.addi %mul3A_726, %add3A_613 : vector<16xi32>
        tpu.vector_store_idx %arg9[%add3A_727], %gather3A_723 : memref<8192xf32, #tpu.memory_space<vmem>>[vector<16xi32>], vector<16xf32>,
        %lt3A_728 = arith.constant 0 : i32
        %lt3A_729 = vector.broadcast %lt3A_728 : i32 to vector<16xi32>
        %lt3A_730 = arith.cmpi slt, %select_n3A_20, %lt3A_729 : vector<16xi32>
        %add3A_731 = arith.constant 16 : i32
        %add3A_732 = vector.broadcast %add3A_731 : i32 to vector<16xi32>
        %add3A_733 = arith.addi %select_n3A_20, %add3A_732 : vector<16xi32>
        %select_n3A_734 = arith.select %lt3A_730, %add3A_733, %select_n3A_20 : vector<16xi1>, vector<16xi32>
        %broadcast_in_dim3A_735 = vector.shape_cast %select_n3A_734 : vector<16xi32> to vector<16x1xi32>
        %gather3A_736 = vector.shape_cast %broadcast_in_dim3A_735 : vector<16x1xi32> to vector<16xi32>
        %gather3A_737 = tpu.dynamic_gather %gather3A_719[%gather3A_736] in [0] : vector<16xi32>, vector<16xi32> -> vector<16xi32>
        %add3A_738 = arith.constant 0 : i32
        %add3A_739 = vector.broadcast %add3A_738 : i32 to vector<16xi32>
        %add3A_740 = arith.addi %gather3A_737, %add3A_739 : vector<16xi32>
        %gather3A_741 = tpu.vector_load_idx %arg7[%add3A_610, %add3A_740] : memref<128x64xf32, #tpu.memory_space<vmem>>[vector<16xi32>, vector<16xi32>], vector<16xf32>,
        %mul3A_742 = arith.constant 128 : i32
        %mul3A_743 = vector.broadcast %mul3A_742 : i32 to vector<16xi32>
        %mul3A_744 = arith.muli %gather3A_737, %mul3A_743 : vector<16xi32>
        %add3A_745 = arith.addi %mul3A_744, %add3A_613 : vector<16xi32>
        tpu.vector_store_idx %arg9[%add3A_745], %gather3A_741 : memref<8192xf32, #tpu.memory_space<vmem>>[vector<16xi32>], vector<16xf32>,
        %lt3A_746 = arith.constant 0 : i32
        %lt3A_747 = vector.broadcast %lt3A_746 : i32 to vector<16xi32>
        %lt3A_748 = arith.cmpi slt, %select_n3A_20, %lt3A_747 : vector<16xi32>
        %add3A_749 = arith.constant 16 : i32
        %add3A_750 = vector.broadcast %add3A_749 : i32 to vector<16xi32>
        %add3A_751 = arith.addi %select_n3A_20, %add3A_750 : vector<16xi32>
        %select_n3A_752 = arith.select %lt3A_748, %add3A_751, %select_n3A_20 : vector<16xi1>, vector<16xi32>
        %broadcast_in_dim3A_753 = vector.shape_cast %select_n3A_752 : vector<16xi32> to vector<16x1xi32>
        %gather3A_754 = vector.shape_cast %broadcast_in_dim3A_753 : vector<16x1xi32> to vector<16xi32>
        %gather3A_755 = tpu.dynamic_gather %gather3A_737[%gather3A_754] in [0] : vector<16xi32>, vector<16xi32> -> vector<16xi32>
        %add3A_756 = arith.constant 0 : i32
        %add3A_757 = vector.broadcast %add3A_756 : i32 to vector<16xi32>
        %add3A_758 = arith.addi %gather3A_755, %add3A_757 : vector<16xi32>
        %gather3A_759 = tpu.vector_load_idx %arg7[%add3A_610, %add3A_758] : memref<128x64xf32, #tpu.memory_space<vmem>>[vector<16xi32>, vector<16xi32>], vector<16xf32>,
        %mul3A_760 = arith.constant 128 : i32
        %mul3A_761 = vector.broadcast %mul3A_760 : i32 to vector<16xi32>
        %mul3A_762 = arith.muli %gather3A_755, %mul3A_761 : vector<16xi32>
        %add3A_763 = arith.addi %mul3A_762, %add3A_613 : vector<16xi32>
        tpu.vector_store_idx %arg9[%add3A_763], %gather3A_759 : memref<8192xf32, #tpu.memory_space<vmem>>[vector<16xi32>], vector<16xf32>,
        %lt3A_764 = arith.constant 0 : i32
        %lt3A_765 = vector.broadcast %lt3A_764 : i32 to vector<16xi32>
        %lt3A_766 = arith.cmpi slt, %select_n3A_20, %lt3A_765 : vector<16xi32>
        %add3A_767 = arith.constant 16 : i32
        %add3A_768 = vector.broadcast %add3A_767 : i32 to vector<16xi32>
        %add3A_769 = arith.addi %select_n3A_20, %add3A_768 : vector<16xi32>
        %select_n3A_770 = arith.select %lt3A_766, %add3A_769, %select_n3A_20 : vector<16xi1>, vector<16xi32>
        %broadcast_in_dim3A_771 = vector.shape_cast %select_n3A_770 : vector<16xi32> to vector<16x1xi32>
        %gather3A_772 = vector.shape_cast %broadcast_in_dim3A_771 : vector<16x1xi32> to vector<16xi32>
        %gather3A_773 = tpu.dynamic_gather %gather3A_755[%gather3A_772] in [0] : vector<16xi32>, vector<16xi32> -> vector<16xi32>
        %add3A_774 = arith.constant 0 : i32
        %add3A_775 = vector.broadcast %add3A_774 : i32 to vector<16xi32>
        %add3A_776 = arith.addi %gather3A_773, %add3A_775 : vector<16xi32>
        %gather3A_777 = tpu.vector_load_idx %arg7[%add3A_610, %add3A_776] : memref<128x64xf32, #tpu.memory_space<vmem>>[vector<16xi32>, vector<16xi32>], vector<16xf32>,
        %mul3A_778 = arith.constant 128 : i32
        %mul3A_779 = vector.broadcast %mul3A_778 : i32 to vector<16xi32>
        %mul3A_780 = arith.muli %gather3A_773, %mul3A_779 : vector<16xi32>
        %add3A_781 = arith.addi %mul3A_780, %add3A_613 : vector<16xi32>
        tpu.vector_store_idx %arg9[%add3A_781], %gather3A_777 : memref<8192xf32, #tpu.memory_space<vmem>>[vector<16xi32>], vector<16xf32>,
        %lt3A_782 = arith.constant 0 : i32
        %lt3A_783 = vector.broadcast %lt3A_782 : i32 to vector<16xi32>
        %lt3A_784 = arith.cmpi slt, %select_n3A_20, %lt3A_783 : vector<16xi32>
        %add3A_785 = arith.constant 16 : i32
        %add3A_786 = vector.broadcast %add3A_785 : i32 to vector<16xi32>
        %add3A_787 = arith.addi %select_n3A_20, %add3A_786 : vector<16xi32>
        %select_n3A_788 = arith.select %lt3A_784, %add3A_787, %select_n3A_20 : vector<16xi1>, vector<16xi32>
        %broadcast_in_dim3A_789 = vector.shape_cast %select_n3A_788 : vector<16xi32> to vector<16x1xi32>
        %gather3A_790 = vector.shape_cast %broadcast_in_dim3A_789 : vector<16x1xi32> to vector<16xi32>
        %gather3A_791 = tpu.dynamic_gather %gather3A_773[%gather3A_790] in [0] : vector<16xi32>, vector<16xi32> -> vector<16xi32>
        %add3A_792 = arith.constant 0 : i32
        %add3A_793 = vector.broadcast %add3A_792 : i32 to vector<16xi32>
        %add3A_794 = arith.addi %gather3A_791, %add3A_793 : vector<16xi32>
        %gather3A_795 = tpu.vector_load_idx %arg7[%add3A_610, %add3A_794] : memref<128x64xf32, #tpu.memory_space<vmem>>[vector<16xi32>, vector<16xi32>], vector<16xf32>,
        %mul3A_796 = arith.constant 128 : i32
        %mul3A_797 = vector.broadcast %mul3A_796 : i32 to vector<16xi32>
        %mul3A_798 = arith.muli %gather3A_791, %mul3A_797 : vector<16xi32>
        %add3A_799 = arith.addi %mul3A_798, %add3A_613 : vector<16xi32>
        tpu.vector_store_idx %arg9[%add3A_799], %gather3A_795 : memref<8192xf32, #tpu.memory_space<vmem>>[vector<16xi32>], vector<16xf32>,
        %lt3A_800 = arith.constant 0 : i32
        %lt3A_801 = vector.broadcast %lt3A_800 : i32 to vector<16xi32>
        %lt3A_802 = arith.cmpi slt, %select_n3A_20, %lt3A_801 : vector<16xi32>
        %add3A_803 = arith.constant 16 : i32
        %add3A_804 = vector.broadcast %add3A_803 : i32 to vector<16xi32>
        %add3A_805 = arith.addi %select_n3A_20, %add3A_804 : vector<16xi32>
        %select_n3A_806 = arith.select %lt3A_802, %add3A_805, %select_n3A_20 : vector<16xi1>, vector<16xi32>
        %broadcast_in_dim3A_807 = vector.shape_cast %select_n3A_806 : vector<16xi32> to vector<16x1xi32>
        %gather3A_808 = vector.shape_cast %broadcast_in_dim3A_807 : vector<16x1xi32> to vector<16xi32>
        %gather3A_809 = tpu.dynamic_gather %gather3A_791[%gather3A_808] in [0] : vector<16xi32>, vector<16xi32> -> vector<16xi32>
        %add3A_810 = arith.constant 0 : i32
        %add3A_811 = vector.broadcast %add3A_810 : i32 to vector<16xi32>
        %add3A_812 = arith.addi %gather3A_809, %add3A_811 : vector<16xi32>
        %gather3A_813 = tpu.vector_load_idx %arg7[%add3A_610, %add3A_812] : memref<128x64xf32, #tpu.memory_space<vmem>>[vector<16xi32>, vector<16xi32>], vector<16xf32>,
        %mul3A_814 = arith.constant 128 : i32
        %mul3A_815 = vector.broadcast %mul3A_814 : i32 to vector<16xi32>
        %mul3A_816 = arith.muli %gather3A_809, %mul3A_815 : vector<16xi32>
        %add3A_817 = arith.addi %mul3A_816, %add3A_613 : vector<16xi32>
        tpu.vector_store_idx %arg9[%add3A_817], %gather3A_813 : memref<8192xf32, #tpu.memory_space<vmem>>[vector<16xi32>], vector<16xf32>,
        %lt3A_818 = arith.constant 0 : i32
        %lt3A_819 = vector.broadcast %lt3A_818 : i32 to vector<16xi32>
        %lt3A_820 = arith.cmpi slt, %select_n3A_20, %lt3A_819 : vector<16xi32>
        %add3A_821 = arith.constant 16 : i32
        %add3A_822 = vector.broadcast %add3A_821 : i32 to vector<16xi32>
        %add3A_823 = arith.addi %select_n3A_20, %add3A_822 : vector<16xi32>
        %select_n3A_824 = arith.select %lt3A_820, %add3A_823, %select_n3A_20 : vector<16xi1>, vector<16xi32>
        %broadcast_in_dim3A_825 = vector.shape_cast %select_n3A_824 : vector<16xi32> to vector<16x1xi32>
        %gather3A_826 = vector.shape_cast %broadcast_in_dim3A_825 : vector<16x1xi32> to vector<16xi32>
        %gather3A_827 = tpu.dynamic_gather %gather3A_809[%gather3A_826] in [0] : vector<16xi32>, vector<16xi32> -> vector<16xi32>
        %add3A_828 = arith.constant 0 : i32
        %add3A_829 = vector.broadcast %add3A_828 : i32 to vector<16xi32>
        %add3A_830 = arith.addi %gather3A_827, %add3A_829 : vector<16xi32>
        %gather3A_831 = tpu.vector_load_idx %arg7[%add3A_610, %add3A_830] : memref<128x64xf32, #tpu.memory_space<vmem>>[vector<16xi32>, vector<16xi32>], vector<16xf32>,
        %mul3A_832 = arith.constant 128 : i32
        %mul3A_833 = vector.broadcast %mul3A_832 : i32 to vector<16xi32>
        %mul3A_834 = arith.muli %gather3A_827, %mul3A_833 : vector<16xi32>
        %add3A_835 = arith.addi %mul3A_834, %add3A_613 : vector<16xi32>
        tpu.vector_store_idx %arg9[%add3A_835], %gather3A_831 : memref<8192xf32, #tpu.memory_space<vmem>>[vector<16xi32>], vector<16xf32>,
        %lt3A_836 = arith.constant 0 : i32
        %lt3A_837 = vector.broadcast %lt3A_836 : i32 to vector<16xi32>
        %lt3A_838 = arith.cmpi slt, %select_n3A_20, %lt3A_837 : vector<16xi32>
        %add3A_839 = arith.constant 16 : i32
        %add3A_840 = vector.broadcast %add3A_839 : i32 to vector<16xi32>
        %add3A_841 = arith.addi %select_n3A_20, %add3A_840 : vector<16xi32>
        %select_n3A_842 = arith.select %lt3A_838, %add3A_841, %select_n3A_20 : vector<16xi1>, vector<16xi32>
        %broadcast_in_dim3A_843 = vector.shape_cast %select_n3A_842 : vector<16xi32> to vector<16x1xi32>
        %gather3A_844 = vector.shape_cast %broadcast_in_dim3A_843 : vector<16x1xi32> to vector<16xi32>
        %gather3A_845 = tpu.dynamic_gather %gather3A_827[%gather3A_844] in [0] : vector<16xi32>, vector<16xi32> -> vector<16xi32>
        %add3A_846 = arith.constant 0 : i32
        %add3A_847 = vector.broadcast %add3A_846 : i32 to vector<16xi32>
        %add3A_848 = arith.addi %gather3A_845, %add3A_847 : vector<16xi32>
        %gather3A_849 = tpu.vector_load_idx %arg7[%add3A_610, %add3A_848] : memref<128x64xf32, #tpu.memory_space<vmem>>[vector<16xi32>, vector<16xi32>], vector<16xf32>,
        %mul3A_850 = arith.constant 128 : i32
        %mul3A_851 = vector.broadcast %mul3A_850 : i32 to vector<16xi32>
        %mul3A_852 = arith.muli %gather3A_845, %mul3A_851 : vector<16xi32>
        %add3A_853 = arith.addi %mul3A_852, %add3A_613 : vector<16xi32>
        tpu.vector_store_idx %arg9[%add3A_853], %gather3A_849 : memref<8192xf32, #tpu.memory_space<vmem>>[vector<16xi32>], vector<16xf32>,
        %lt3A_854 = arith.constant 0 : i32
        %lt3A_855 = vector.broadcast %lt3A_854 : i32 to vector<16xi32>
        %lt3A_856 = arith.cmpi slt, %select_n3A_20, %lt3A_855 : vector<16xi32>
        %add3A_857 = arith.constant 16 : i32
        %add3A_858 = vector.broadcast %add3A_857 : i32 to vector<16xi32>
        %add3A_859 = arith.addi %select_n3A_20, %add3A_858 : vector<16xi32>
        %select_n3A_860 = arith.select %lt3A_856, %add3A_859, %select_n3A_20 : vector<16xi1>, vector<16xi32>
        %broadcast_in_dim3A_861 = vector.shape_cast %select_n3A_860 : vector<16xi32> to vector<16x1xi32>
        %gather3A_862 = vector.shape_cast %broadcast_in_dim3A_861 : vector<16x1xi32> to vector<16xi32>
        %gather3A_863 = tpu.dynamic_gather %gather3A_845[%gather3A_862] in [0] : vector<16xi32>, vector<16xi32> -> vector<16xi32>
        %add3A_864 = arith.constant 0 : i32
        %add3A_865 = vector.broadcast %add3A_864 : i32 to vector<16xi32>
        %add3A_866 = arith.addi %gather3A_863, %add3A_865 : vector<16xi32>
        %gather3A_867 = tpu.vector_load_idx %arg7[%add3A_610, %add3A_866] : memref<128x64xf32, #tpu.memory_space<vmem>>[vector<16xi32>, vector<16xi32>], vector<16xf32>,
        %mul3A_868 = arith.constant 128 : i32
        %mul3A_869 = vector.broadcast %mul3A_868 : i32 to vector<16xi32>
        %mul3A_870 = arith.muli %gather3A_863, %mul3A_869 : vector<16xi32>
        %add3A_871 = arith.addi %mul3A_870, %add3A_613 : vector<16xi32>
        tpu.vector_store_idx %arg9[%add3A_871], %gather3A_867 : memref<8192xf32, #tpu.memory_space<vmem>>[vector<16xi32>], vector<16xf32>,
        %lt3A_872 = arith.constant 0 : i32
        %lt3A_873 = vector.broadcast %lt3A_872 : i32 to vector<16xi32>
        %lt3A_874 = arith.cmpi slt, %select_n3A_20, %lt3A_873 : vector<16xi32>
        %add3A_875 = arith.constant 16 : i32
        %add3A_876 = vector.broadcast %add3A_875 : i32 to vector<16xi32>
        %add3A_877 = arith.addi %select_n3A_20, %add3A_876 : vector<16xi32>
        %select_n3A_878 = arith.select %lt3A_874, %add3A_877, %select_n3A_20 : vector<16xi1>, vector<16xi32>
        %broadcast_in_dim3A_879 = vector.shape_cast %select_n3A_878 : vector<16xi32> to vector<16x1xi32>
        %gather3A_880 = vector.shape_cast %broadcast_in_dim3A_879 : vector<16x1xi32> to vector<16xi32>
        %gather3A_881 = tpu.dynamic_gather %gather3A_863[%gather3A_880] in [0] : vector<16xi32>, vector<16xi32> -> vector<16xi32>
        %add3A_882 = arith.constant 0 : i32
        %add3A_883 = vector.broadcast %add3A_882 : i32 to vector<16xi32>
        %add3A_884 = arith.addi %gather3A_881, %add3A_883 : vector<16xi32>
        %gather3A_885 = tpu.vector_load_idx %arg7[%add3A_610, %add3A_884] : memref<128x64xf32, #tpu.memory_space<vmem>>[vector<16xi32>, vector<16xi32>], vector<16xf32>,
        %mul3A_886 = arith.constant 128 : i32
        %mul3A_887 = vector.broadcast %mul3A_886 : i32 to vector<16xi32>
        %mul3A_888 = arith.muli %gather3A_881, %mul3A_887 : vector<16xi32>
        %add3A_889 = arith.addi %mul3A_888, %add3A_613 : vector<16xi32>
        tpu.vector_store_idx %arg9[%add3A_889], %gather3A_885 : memref<8192xf32, #tpu.memory_space<vmem>>[vector<16xi32>], vector<16xf32>,
        %add3A_890 = arith.constant 2048 : i32
        %add3A_891 = vector.broadcast %add3A_890 : i32 to vector<16xi32>
        %add3A_892 = arith.addi %add3A_610, %add3A_891 : vector<16xi32>
        %add3A_893 = arith.constant 16 : i32
        %add3A_894 = vector.broadcast %add3A_893 : i32 to vector<16xi32>
        %add3A_895 = arith.addi %iota3A, %add3A_894 : vector<16xi32>
        %gather3A_896 = tpu.vector_load_idx %arg7[%add3A_610, %add3A_895] : memref<128x64xf32, #tpu.memory_space<vmem>>[vector<16xi32>, vector<16xi32>], vector<16xf32>,
        %mul3A_897 = arith.constant 128 : i32
        %mul3A_898 = vector.broadcast %mul3A_897 : i32 to vector<16xi32>
        %mul3A_899 = arith.muli %iota3A, %mul3A_898 : vector<16xi32>
        %add3A_900 = arith.addi %mul3A_899, %add3A_892 : vector<16xi32>
        tpu.vector_store_idx %arg9[%add3A_900], %gather3A_896 : memref<8192xf32, #tpu.memory_space<vmem>>[vector<16xi32>], vector<16xf32>,
        %lt3A_901 = arith.constant 0 : i32
        %lt3A_902 = vector.broadcast %lt3A_901 : i32 to vector<16xi32>
        %lt3A_903 = arith.cmpi slt, %select_n3A_20, %lt3A_902 : vector<16xi32>
        %add3A_904 = arith.constant 16 : i32
        %add3A_905 = vector.broadcast %add3A_904 : i32 to vector<16xi32>
        %add3A_906 = arith.addi %select_n3A_20, %add3A_905 : vector<16xi32>
        %select_n3A_907 = arith.select %lt3A_903, %add3A_906, %select_n3A_20 : vector<16xi1>, vector<16xi32>
        %broadcast_in_dim3A_908 = vector.shape_cast %select_n3A_907 : vector<16xi32> to vector<16x1xi32>
        %gather3A_909 = vector.shape_cast %broadcast_in_dim3A_908 : vector<16x1xi32> to vector<16xi32>
        %gather3A_910 = tpu.dynamic_gather %iota3A[%gather3A_909] in [0] : vector<16xi32>, vector<16xi32> -> vector<16xi32>
        %add3A_911 = arith.constant 16 : i32
        %add3A_912 = vector.broadcast %add3A_911 : i32 to vector<16xi32>
        %add3A_913 = arith.addi %gather3A_910, %add3A_912 : vector<16xi32>
        %gather3A_914 = tpu.vector_load_idx %arg7[%add3A_610, %add3A_913] : memref<128x64xf32, #tpu.memory_space<vmem>>[vector<16xi32>, vector<16xi32>], vector<16xf32>,
        %mul3A_915 = arith.constant 128 : i32
        %mul3A_916 = vector.broadcast %mul3A_915 : i32 to vector<16xi32>
        %mul3A_917 = arith.muli %gather3A_910, %mul3A_916 : vector<16xi32>
        %add3A_918 = arith.addi %mul3A_917, %add3A_892 : vector<16xi32>
        tpu.vector_store_idx %arg9[%add3A_918], %gather3A_914 : memref<8192xf32, #tpu.memory_space<vmem>>[vector<16xi32>], vector<16xf32>,
        %lt3A_919 = arith.constant 0 : i32
        %lt3A_920 = vector.broadcast %lt3A_919 : i32 to vector<16xi32>
        %lt3A_921 = arith.cmpi slt, %select_n3A_20, %lt3A_920 : vector<16xi32>
        %add3A_922 = arith.constant 16 : i32
        %add3A_923 = vector.broadcast %add3A_922 : i32 to vector<16xi32>
        %add3A_924 = arith.addi %select_n3A_20, %add3A_923 : vector<16xi32>
        %select_n3A_925 = arith.select %lt3A_921, %add3A_924, %select_n3A_20 : vector<16xi1>, vector<16xi32>
        %broadcast_in_dim3A_926 = vector.shape_cast %select_n3A_925 : vector<16xi32> to vector<16x1xi32>
        %gather3A_927 = vector.shape_cast %broadcast_in_dim3A_926 : vector<16x1xi32> to vector<16xi32>
        %gather3A_928 = tpu.dynamic_gather %gather3A_910[%gather3A_927] in [0] : vector<16xi32>, vector<16xi32> -> vector<16xi32>
        %add3A_929 = arith.constant 16 : i32
        %add3A_930 = vector.broadcast %add3A_929 : i32 to vector<16xi32>
        %add3A_931 = arith.addi %gather3A_928, %add3A_930 : vector<16xi32>
        %gather3A_932 = tpu.vector_load_idx %arg7[%add3A_610, %add3A_931] : memref<128x64xf32, #tpu.memory_space<vmem>>[vector<16xi32>, vector<16xi32>], vector<16xf32>,
        %mul3A_933 = arith.constant 128 : i32
        %mul3A_934 = vector.broadcast %mul3A_933 : i32 to vector<16xi32>
        %mul3A_935 = arith.muli %gather3A_928, %mul3A_934 : vector<16xi32>
        %add3A_936 = arith.addi %mul3A_935, %add3A_892 : vector<16xi32>
        tpu.vector_store_idx %arg9[%add3A_936], %gather3A_932 : memref<8192xf32, #tpu.memory_space<vmem>>[vector<16xi32>], vector<16xf32>,
        %lt3A_937 = arith.constant 0 : i32
        %lt3A_938 = vector.broadcast %lt3A_937 : i32 to vector<16xi32>
        %lt3A_939 = arith.cmpi slt, %select_n3A_20, %lt3A_938 : vector<16xi32>
        %add3A_940 = arith.constant 16 : i32
        %add3A_941 = vector.broadcast %add3A_940 : i32 to vector<16xi32>
        %add3A_942 = arith.addi %select_n3A_20, %add3A_941 : vector<16xi32>
        %select_n3A_943 = arith.select %lt3A_939, %add3A_942, %select_n3A_20 : vector<16xi1>, vector<16xi32>
        %broadcast_in_dim3A_944 = vector.shape_cast %select_n3A_943 : vector<16xi32> to vector<16x1xi32>
        %gather3A_945 = vector.shape_cast %broadcast_in_dim3A_944 : vector<16x1xi32> to vector<16xi32>
        %gather3A_946 = tpu.dynamic_gather %gather3A_928[%gather3A_945] in [0] : vector<16xi32>, vector<16xi32> -> vector<16xi32>
        %add3A_947 = arith.constant 16 : i32
        %add3A_948 = vector.broadcast %add3A_947 : i32 to vector<16xi32>
        %add3A_949 = arith.addi %gather3A_946, %add3A_948 : vector<16xi32>
        %gather3A_950 = tpu.vector_load_idx %arg7[%add3A_610, %add3A_949] : memref<128x64xf32, #tpu.memory_space<vmem>>[vector<16xi32>, vector<16xi32>], vector<16xf32>,
        %mul3A_951 = arith.constant 128 : i32
        %mul3A_952 = vector.broadcast %mul3A_951 : i32 to vector<16xi32>
        %mul3A_953 = arith.muli %gather3A_946, %mul3A_952 : vector<16xi32>
        %add3A_954 = arith.addi %mul3A_953, %add3A_892 : vector<16xi32>
        tpu.vector_store_idx %arg9[%add3A_954], %gather3A_950 : memref<8192xf32, #tpu.memory_space<vmem>>[vector<16xi32>], vector<16xf32>,
        %lt3A_955 = arith.constant 0 : i32
        %lt3A_956 = vector.broadcast %lt3A_955 : i32 to vector<16xi32>
        %lt3A_957 = arith.cmpi slt, %select_n3A_20, %lt3A_956 : vector<16xi32>
        %add3A_958 = arith.constant 16 : i32
        %add3A_959 = vector.broadcast %add3A_958 : i32 to vector<16xi32>
        %add3A_960 = arith.addi %select_n3A_20, %add3A_959 : vector<16xi32>
        %select_n3A_961 = arith.select %lt3A_957, %add3A_960, %select_n3A_20 : vector<16xi1>, vector<16xi32>
        %broadcast_in_dim3A_962 = vector.shape_cast %select_n3A_961 : vector<16xi32> to vector<16x1xi32>
        %gather3A_963 = vector.shape_cast %broadcast_in_dim3A_962 : vector<16x1xi32> to vector<16xi32>
        %gather3A_964 = tpu.dynamic_gather %gather3A_946[%gather3A_963] in [0] : vector<16xi32>, vector<16xi32> -> vector<16xi32>
        %add3A_965 = arith.constant 16 : i32
        %add3A_966 = vector.broadcast %add3A_965 : i32 to vector<16xi32>
        %add3A_967 = arith.addi %gather3A_964, %add3A_966 : vector<16xi32>
        %gather3A_968 = tpu.vector_load_idx %arg7[%add3A_610, %add3A_967] : memref<128x64xf32, #tpu.memory_space<vmem>>[vector<16xi32>, vector<16xi32>], vector<16xf32>,
        %mul3A_969 = arith.constant 128 : i32
        %mul3A_970 = vector.broadcast %mul3A_969 : i32 to vector<16xi32>
        %mul3A_971 = arith.muli %gather3A_964, %mul3A_970 : vector<16xi32>
        %add3A_972 = arith.addi %mul3A_971, %add3A_892 : vector<16xi32>
        tpu.vector_store_idx %arg9[%add3A_972], %gather3A_968 : memref<8192xf32, #tpu.memory_space<vmem>>[vector<16xi32>], vector<16xf32>,
        %lt3A_973 = arith.constant 0 : i32
        %lt3A_974 = vector.broadcast %lt3A_973 : i32 to vector<16xi32>
        %lt3A_975 = arith.cmpi slt, %select_n3A_20, %lt3A_974 : vector<16xi32>
        %add3A_976 = arith.constant 16 : i32
        %add3A_977 = vector.broadcast %add3A_976 : i32 to vector<16xi32>
        %add3A_978 = arith.addi %select_n3A_20, %add3A_977 : vector<16xi32>
        %select_n3A_979 = arith.select %lt3A_975, %add3A_978, %select_n3A_20 : vector<16xi1>, vector<16xi32>
        %broadcast_in_dim3A_980 = vector.shape_cast %select_n3A_979 : vector<16xi32> to vector<16x1xi32>
        %gather3A_981 = vector.shape_cast %broadcast_in_dim3A_980 : vector<16x1xi32> to vector<16xi32>
        %gather3A_982 = tpu.dynamic_gather %gather3A_964[%gather3A_981] in [0] : vector<16xi32>, vector<16xi32> -> vector<16xi32>
        %add3A_983 = arith.constant 16 : i32
        %add3A_984 = vector.broadcast %add3A_983 : i32 to vector<16xi32>
        %add3A_985 = arith.addi %gather3A_982, %add3A_984 : vector<16xi32>
        %gather3A_986 = tpu.vector_load_idx %arg7[%add3A_610, %add3A_985] : memref<128x64xf32, #tpu.memory_space<vmem>>[vector<16xi32>, vector<16xi32>], vector<16xf32>,
        %mul3A_987 = arith.constant 128 : i32
        %mul3A_988 = vector.broadcast %mul3A_987 : i32 to vector<16xi32>
        %mul3A_989 = arith.muli %gather3A_982, %mul3A_988 : vector<16xi32>
        %add3A_990 = arith.addi %mul3A_989, %add3A_892 : vector<16xi32>
        tpu.vector_store_idx %arg9[%add3A_990], %gather3A_986 : memref<8192xf32, #tpu.memory_space<vmem>>[vector<16xi32>], vector<16xf32>,
        %lt3A_991 = arith.constant 0 : i32
        %lt3A_992 = vector.broadcast %lt3A_991 : i32 to vector<16xi32>
        %lt3A_993 = arith.cmpi slt, %select_n3A_20, %lt3A_992 : vector<16xi32>
        %add3A_994 = arith.constant 16 : i32
        %add3A_995 = vector.broadcast %add3A_994 : i32 to vector<16xi32>
        %add3A_996 = arith.addi %select_n3A_20, %add3A_995 : vector<16xi32>
        %select_n3A_997 = arith.select %lt3A_993, %add3A_996, %select_n3A_20 : vector<16xi1>, vector<16xi32>
        %broadcast_in_dim3A_998 = vector.shape_cast %select_n3A_997 : vector<16xi32> to vector<16x1xi32>
        %gather3A_999 = vector.shape_cast %broadcast_in_dim3A_998 : vector<16x1xi32> to vector<16xi32>
        %gather3A_1000 = tpu.dynamic_gather %gather3A_982[%gather3A_999] in [0] : vector<16xi32>, vector<16xi32> -> vector<16xi32>
        %add3A_1001 = arith.constant 16 : i32
        %add3A_1002 = vector.broadcast %add3A_1001 : i32 to vector<16xi32>
        %add3A_1003 = arith.addi %gather3A_1000, %add3A_1002 : vector<16xi32>
        %gather3A_1004 = tpu.vector_load_idx %arg7[%add3A_610, %add3A_1003] : memref<128x64xf32, #tpu.memory_space<vmem>>[vector<16xi32>, vector<16xi32>], vector<16xf32>,
        %mul3A_1005 = arith.constant 128 : i32
        %mul3A_1006 = vector.broadcast %mul3A_1005 : i32 to vector<16xi32>
        %mul3A_1007 = arith.muli %gather3A_1000, %mul3A_1006 : vector<16xi32>
        %add3A_1008 = arith.addi %mul3A_1007, %add3A_892 : vector<16xi32>
        tpu.vector_store_idx %arg9[%add3A_1008], %gather3A_1004 : memref<8192xf32, #tpu.memory_space<vmem>>[vector<16xi32>], vector<16xf32>,
        %lt3A_1009 = arith.constant 0 : i32
        %lt3A_1010 = vector.broadcast %lt3A_1009 : i32 to vector<16xi32>
        %lt3A_1011 = arith.cmpi slt, %select_n3A_20, %lt3A_1010 : vector<16xi32>
        %add3A_1012 = arith.constant 16 : i32
        %add3A_1013 = vector.broadcast %add3A_1012 : i32 to vector<16xi32>
        %add3A_1014 = arith.addi %select_n3A_20, %add3A_1013 : vector<16xi32>
        %select_n3A_1015 = arith.select %lt3A_1011, %add3A_1014, %select_n3A_20 : vector<16xi1>, vector<16xi32>
        %broadcast_in_dim3A_1016 = vector.shape_cast %select_n3A_1015 : vector<16xi32> to vector<16x1xi32>
        %gather3A_1017 = vector.shape_cast %broadcast_in_dim3A_1016 : vector<16x1xi32> to vector<16xi32>
        %gather3A_1018 = tpu.dynamic_gather %gather3A_1000[%gather3A_1017] in [0] : vector<16xi32>, vector<16xi32> -> vector<16xi32>
        %add3A_1019 = arith.constant 16 : i32
        %add3A_1020 = vector.broadcast %add3A_1019 : i32 to vector<16xi32>
        %add3A_1021 = arith.addi %gather3A_1018, %add3A_1020 : vector<16xi32>
        %gather3A_1022 = tpu.vector_load_idx %arg7[%add3A_610, %add3A_1021] : memref<128x64xf32, #tpu.memory_space<vmem>>[vector<16xi32>, vector<16xi32>], vector<16xf32>,
        %mul3A_1023 = arith.constant 128 : i32
        %mul3A_1024 = vector.broadcast %mul3A_1023 : i32 to vector<16xi32>
        %mul3A_1025 = arith.muli %gather3A_1018, %mul3A_1024 : vector<16xi32>
        %add3A_1026 = arith.addi %mul3A_1025, %add3A_892 : vector<16xi32>
        tpu.vector_store_idx %arg9[%add3A_1026], %gather3A_1022 : memref<8192xf32, #tpu.memory_space<vmem>>[vector<16xi32>], vector<16xf32>,
        %lt3A_1027 = arith.constant 0 : i32
        %lt3A_1028 = vector.broadcast %lt3A_1027 : i32 to vector<16xi32>
        %lt3A_1029 = arith.cmpi slt, %select_n3A_20, %lt3A_1028 : vector<16xi32>
        %add3A_1030 = arith.constant 16 : i32
        %add3A_1031 = vector.broadcast %add3A_1030 : i32 to vector<16xi32>
        %add3A_1032 = arith.addi %select_n3A_20, %add3A_1031 : vector<16xi32>
        %select_n3A_1033 = arith.select %lt3A_1029, %add3A_1032, %select_n3A_20 : vector<16xi1>, vector<16xi32>
        %broadcast_in_dim3A_1034 = vector.shape_cast %select_n3A_1033 : vector<16xi32> to vector<16x1xi32>
        %gather3A_1035 = vector.shape_cast %broadcast_in_dim3A_1034 : vector<16x1xi32> to vector<16xi32>
        %gather3A_1036 = tpu.dynamic_gather %gather3A_1018[%gather3A_1035] in [0] : vector<16xi32>, vector<16xi32> -> vector<16xi32>
        %add3A_1037 = arith.constant 16 : i32
        %add3A_1038 = vector.broadcast %add3A_1037 : i32 to vector<16xi32>
        %add3A_1039 = arith.addi %gather3A_1036, %add3A_1038 : vector<16xi32>
        %gather3A_1040 = tpu.vector_load_idx %arg7[%add3A_610, %add3A_1039] : memref<128x64xf32, #tpu.memory_space<vmem>>[vector<16xi32>, vector<16xi32>], vector<16xf32>,
        %mul3A_1041 = arith.constant 128 : i32
        %mul3A_1042 = vector.broadcast %mul3A_1041 : i32 to vector<16xi32>
        %mul3A_1043 = arith.muli %gather3A_1036, %mul3A_1042 : vector<16xi32>
        %add3A_1044 = arith.addi %mul3A_1043, %add3A_892 : vector<16xi32>
        tpu.vector_store_idx %arg9[%add3A_1044], %gather3A_1040 : memref<8192xf32, #tpu.memory_space<vmem>>[vector<16xi32>], vector<16xf32>,
        %lt3A_1045 = arith.constant 0 : i32
        %lt3A_1046 = vector.broadcast %lt3A_1045 : i32 to vector<16xi32>
        %lt3A_1047 = arith.cmpi slt, %select_n3A_20, %lt3A_1046 : vector<16xi32>
        %add3A_1048 = arith.constant 16 : i32
        %add3A_1049 = vector.broadcast %add3A_1048 : i32 to vector<16xi32>
        %add3A_1050 = arith.addi %select_n3A_20, %add3A_1049 : vector<16xi32>
        %select_n3A_1051 = arith.select %lt3A_1047, %add3A_1050, %select_n3A_20 : vector<16xi1>, vector<16xi32>
        %broadcast_in_dim3A_1052 = vector.shape_cast %select_n3A_1051 : vector<16xi32> to vector<16x1xi32>
        %gather3A_1053 = vector.shape_cast %broadcast_in_dim3A_1052 : vector<16x1xi32> to vector<16xi32>
        %gather3A_1054 = tpu.dynamic_gather %gather3A_1036[%gather3A_1053] in [0] : vector<16xi32>, vector<16xi32> -> vector<16xi32>
        %add3A_1055 = arith.constant 16 : i32
        %add3A_1056 = vector.broadcast %add3A_1055 : i32 to vector<16xi32>
        %add3A_1057 = arith.addi %gather3A_1054, %add3A_1056 : vector<16xi32>
        %gather3A_1058 = tpu.vector_load_idx %arg7[%add3A_610, %add3A_1057] : memref<128x64xf32, #tpu.memory_space<vmem>>[vector<16xi32>, vector<16xi32>], vector<16xf32>,
        %mul3A_1059 = arith.constant 128 : i32
        %mul3A_1060 = vector.broadcast %mul3A_1059 : i32 to vector<16xi32>
        %mul3A_1061 = arith.muli %gather3A_1054, %mul3A_1060 : vector<16xi32>
        %add3A_1062 = arith.addi %mul3A_1061, %add3A_892 : vector<16xi32>
        tpu.vector_store_idx %arg9[%add3A_1062], %gather3A_1058 : memref<8192xf32, #tpu.memory_space<vmem>>[vector<16xi32>], vector<16xf32>,
        %lt3A_1063 = arith.constant 0 : i32
        %lt3A_1064 = vector.broadcast %lt3A_1063 : i32 to vector<16xi32>
        %lt3A_1065 = arith.cmpi slt, %select_n3A_20, %lt3A_1064 : vector<16xi32>
        %add3A_1066 = arith.constant 16 : i32
        %add3A_1067 = vector.broadcast %add3A_1066 : i32 to vector<16xi32>
        %add3A_1068 = arith.addi %select_n3A_20, %add3A_1067 : vector<16xi32>
        %select_n3A_1069 = arith.select %lt3A_1065, %add3A_1068, %select_n3A_20 : vector<16xi1>, vector<16xi32>
        %broadcast_in_dim3A_1070 = vector.shape_cast %select_n3A_1069 : vector<16xi32> to vector<16x1xi32>
        %gather3A_1071 = vector.shape_cast %broadcast_in_dim3A_1070 : vector<16x1xi32> to vector<16xi32>
        %gather3A_1072 = tpu.dynamic_gather %gather3A_1054[%gather3A_1071] in [0] : vector<16xi32>, vector<16xi32> -> vector<16xi32>
        %add3A_1073 = arith.constant 16 : i32
        %add3A_1074 = vector.broadcast %add3A_1073 : i32 to vector<16xi32>
        %add3A_1075 = arith.addi %gather3A_1072, %add3A_1074 : vector<16xi32>
        %gather3A_1076 = tpu.vector_load_idx %arg7[%add3A_610, %add3A_1075] : memref<128x64xf32, #tpu.memory_space<vmem>>[vector<16xi32>, vector<16xi32>], vector<16xf32>,
        %mul3A_1077 = arith.constant 128 : i32
        %mul3A_1078 = vector.broadcast %mul3A_1077 : i32 to vector<16xi32>
        %mul3A_1079 = arith.muli %gather3A_1072, %mul3A_1078 : vector<16xi32>
        %add3A_1080 = arith.addi %mul3A_1079, %add3A_892 : vector<16xi32>
        tpu.vector_store_idx %arg9[%add3A_1080], %gather3A_1076 : memref<8192xf32, #tpu.memory_space<vmem>>[vector<16xi32>], vector<16xf32>,
        %lt3A_1081 = arith.constant 0 : i32
        %lt3A_1082 = vector.broadcast %lt3A_1081 : i32 to vector<16xi32>
        %lt3A_1083 = arith.cmpi slt, %select_n3A_20, %lt3A_1082 : vector<16xi32>
        %add3A_1084 = arith.constant 16 : i32
        %add3A_1085 = vector.broadcast %add3A_1084 : i32 to vector<16xi32>
        %add3A_1086 = arith.addi %select_n3A_20, %add3A_1085 : vector<16xi32>
        %select_n3A_1087 = arith.select %lt3A_1083, %add3A_1086, %select_n3A_20 : vector<16xi1>, vector<16xi32>
        %broadcast_in_dim3A_1088 = vector.shape_cast %select_n3A_1087 : vector<16xi32> to vector<16x1xi32>
        %gather3A_1089 = vector.shape_cast %broadcast_in_dim3A_1088 : vector<16x1xi32> to vector<16xi32>
        %gather3A_1090 = tpu.dynamic_gather %gather3A_1072[%gather3A_1089] in [0] : vector<16xi32>, vector<16xi32> -> vector<16xi32>
        %add3A_1091 = arith.constant 16 : i32
        %add3A_1092 = vector.broadcast %add3A_1091 : i32 to vector<16xi32>
        %add3A_1093 = arith.addi %gather3A_1090, %add3A_1092 : vector<16xi32>
        %gather3A_1094 = tpu.vector_load_idx %arg7[%add3A_610, %add3A_1093] : memref<128x64xf32, #tpu.memory_space<vmem>>[vector<16xi32>, vector<16xi32>], vector<16xf32>,
        %mul3A_1095 = arith.constant 128 : i32
        %mul3A_1096 = vector.broadcast %mul3A_1095 : i32 to vector<16xi32>
        %mul3A_1097 = arith.muli %gather3A_1090, %mul3A_1096 : vector<16xi32>
        %add3A_1098 = arith.addi %mul3A_1097, %add3A_892 : vector<16xi32>
        tpu.vector_store_idx %arg9[%add3A_1098], %gather3A_1094 : memref<8192xf32, #tpu.memory_space<vmem>>[vector<16xi32>], vector<16xf32>,
        %lt3A_1099 = arith.constant 0 : i32
        %lt3A_1100 = vector.broadcast %lt3A_1099 : i32 to vector<16xi32>
        %lt3A_1101 = arith.cmpi slt, %select_n3A_20, %lt3A_1100 : vector<16xi32>
        %add3A_1102 = arith.constant 16 : i32
        %add3A_1103 = vector.broadcast %add3A_1102 : i32 to vector<16xi32>
        %add3A_1104 = arith.addi %select_n3A_20, %add3A_1103 : vector<16xi32>
        %select_n3A_1105 = arith.select %lt3A_1101, %add3A_1104, %select_n3A_20 : vector<16xi1>, vector<16xi32>
        %broadcast_in_dim3A_1106 = vector.shape_cast %select_n3A_1105 : vector<16xi32> to vector<16x1xi32>
        %gather3A_1107 = vector.shape_cast %broadcast_in_dim3A_1106 : vector<16x1xi32> to vector<16xi32>
        %gather3A_1108 = tpu.dynamic_gather %gather3A_1090[%gather3A_1107] in [0] : vector<16xi32>, vector<16xi32> -> vector<16xi32>
        %add3A_1109 = arith.constant 16 : i32
        %add3A_1110 = vector.broadcast %add3A_1109 : i32 to vector<16xi32>
        %add3A_1111 = arith.addi %gather3A_1108, %add3A_1110 : vector<16xi32>
        %gather3A_1112 = tpu.vector_load_idx %arg7[%add3A_610, %add3A_1111] : memref<128x64xf32, #tpu.memory_space<vmem>>[vector<16xi32>, vector<16xi32>], vector<16xf32>,
        %mul3A_1113 = arith.constant 128 : i32
        %mul3A_1114 = vector.broadcast %mul3A_1113 : i32 to vector<16xi32>
        %mul3A_1115 = arith.muli %gather3A_1108, %mul3A_1114 : vector<16xi32>
        %add3A_1116 = arith.addi %mul3A_1115, %add3A_892 : vector<16xi32>
        tpu.vector_store_idx %arg9[%add3A_1116], %gather3A_1112 : memref<8192xf32, #tpu.memory_space<vmem>>[vector<16xi32>], vector<16xf32>,
        %lt3A_1117 = arith.constant 0 : i32
        %lt3A_1118 = vector.broadcast %lt3A_1117 : i32 to vector<16xi32>
        %lt3A_1119 = arith.cmpi slt, %select_n3A_20, %lt3A_1118 : vector<16xi32>
        %add3A_1120 = arith.constant 16 : i32
        %add3A_1121 = vector.broadcast %add3A_1120 : i32 to vector<16xi32>
        %add3A_1122 = arith.addi %select_n3A_20, %add3A_1121 : vector<16xi32>
        %select_n3A_1123 = arith.select %lt3A_1119, %add3A_1122, %select_n3A_20 : vector<16xi1>, vector<16xi32>
        %broadcast_in_dim3A_1124 = vector.shape_cast %select_n3A_1123 : vector<16xi32> to vector<16x1xi32>
        %gather3A_1125 = vector.shape_cast %broadcast_in_dim3A_1124 : vector<16x1xi32> to vector<16xi32>
        %gather3A_1126 = tpu.dynamic_gather %gather3A_1108[%gather3A_1125] in [0] : vector<16xi32>, vector<16xi32> -> vector<16xi32>
        %add3A_1127 = arith.constant 16 : i32
        %add3A_1128 = vector.broadcast %add3A_1127 : i32 to vector<16xi32>
        %add3A_1129 = arith.addi %gather3A_1126, %add3A_1128 : vector<16xi32>
        %gather3A_1130 = tpu.vector_load_idx %arg7[%add3A_610, %add3A_1129] : memref<128x64xf32, #tpu.memory_space<vmem>>[vector<16xi32>, vector<16xi32>], vector<16xf32>,
        %mul3A_1131 = arith.constant 128 : i32
        %mul3A_1132 = vector.broadcast %mul3A_1131 : i32 to vector<16xi32>
        %mul3A_1133 = arith.muli %gather3A_1126, %mul3A_1132 : vector<16xi32>
        %add3A_1134 = arith.addi %mul3A_1133, %add3A_892 : vector<16xi32>
        tpu.vector_store_idx %arg9[%add3A_1134], %gather3A_1130 : memref<8192xf32, #tpu.memory_space<vmem>>[vector<16xi32>], vector<16xf32>,
        %lt3A_1135 = arith.constant 0 : i32
        %lt3A_1136 = vector.broadcast %lt3A_1135 : i32 to vector<16xi32>
        %lt3A_1137 = arith.cmpi slt, %select_n3A_20, %lt3A_1136 : vector<16xi32>
        %add3A_1138 = arith.constant 16 : i32
        %add3A_1139 = vector.broadcast %add3A_1138 : i32 to vector<16xi32>
        %add3A_1140 = arith.addi %select_n3A_20, %add3A_1139 : vector<16xi32>
        %select_n3A_1141 = arith.select %lt3A_1137, %add3A_1140, %select_n3A_20 : vector<16xi1>, vector<16xi32>
        %broadcast_in_dim3A_1142 = vector.shape_cast %select_n3A_1141 : vector<16xi32> to vector<16x1xi32>
        %gather3A_1143 = vector.shape_cast %broadcast_in_dim3A_1142 : vector<16x1xi32> to vector<16xi32>
        %gather3A_1144 = tpu.dynamic_gather %gather3A_1126[%gather3A_1143] in [0] : vector<16xi32>, vector<16xi32> -> vector<16xi32>
        %add3A_1145 = arith.constant 16 : i32
        %add3A_1146 = vector.broadcast %add3A_1145 : i32 to vector<16xi32>
        %add3A_1147 = arith.addi %gather3A_1144, %add3A_1146 : vector<16xi32>
        %gather3A_1148 = tpu.vector_load_idx %arg7[%add3A_610, %add3A_1147] : memref<128x64xf32, #tpu.memory_space<vmem>>[vector<16xi32>, vector<16xi32>], vector<16xf32>,
        %mul3A_1149 = arith.constant 128 : i32
        %mul3A_1150 = vector.broadcast %mul3A_1149 : i32 to vector<16xi32>
        %mul3A_1151 = arith.muli %gather3A_1144, %mul3A_1150 : vector<16xi32>
        %add3A_1152 = arith.addi %mul3A_1151, %add3A_892 : vector<16xi32>
        tpu.vector_store_idx %arg9[%add3A_1152], %gather3A_1148 : memref<8192xf32, #tpu.memory_space<vmem>>[vector<16xi32>], vector<16xf32>,
        %lt3A_1153 = arith.constant 0 : i32
        %lt3A_1154 = vector.broadcast %lt3A_1153 : i32 to vector<16xi32>
        %lt3A_1155 = arith.cmpi slt, %select_n3A_20, %lt3A_1154 : vector<16xi32>
        %add3A_1156 = arith.constant 16 : i32
        %add3A_1157 = vector.broadcast %add3A_1156 : i32 to vector<16xi32>
        %add3A_1158 = arith.addi %select_n3A_20, %add3A_1157 : vector<16xi32>
        %select_n3A_1159 = arith.select %lt3A_1155, %add3A_1158, %select_n3A_20 : vector<16xi1>, vector<16xi32>
        %broadcast_in_dim3A_1160 = vector.shape_cast %select_n3A_1159 : vector<16xi32> to vector<16x1xi32>
        %gather3A_1161 = vector.shape_cast %broadcast_in_dim3A_1160 : vector<16x1xi32> to vector<16xi32>
        %gather3A_1162 = tpu.dynamic_gather %gather3A_1144[%gather3A_1161] in [0] : vector<16xi32>, vector<16xi32> -> vector<16xi32>
        %add3A_1163 = arith.constant 16 : i32
        %add3A_1164 = vector.broadcast %add3A_1163 : i32 to vector<16xi32>
        %add3A_1165 = arith.addi %gather3A_1162, %add3A_1164 : vector<16xi32>
        %gather3A_1166 = tpu.vector_load_idx %arg7[%add3A_610, %add3A_1165] : memref<128x64xf32, #tpu.memory_space<vmem>>[vector<16xi32>, vector<16xi32>], vector<16xf32>,
        %mul3A_1167 = arith.constant 128 : i32
        %mul3A_1168 = vector.broadcast %mul3A_1167 : i32 to vector<16xi32>
        %mul3A_1169 = arith.muli %gather3A_1162, %mul3A_1168 : vector<16xi32>
        %add3A_1170 = arith.addi %mul3A_1169, %add3A_892 : vector<16xi32>
        tpu.vector_store_idx %arg9[%add3A_1170], %gather3A_1166 : memref<8192xf32, #tpu.memory_space<vmem>>[vector<16xi32>], vector<16xf32>,
        %add3A_1171 = arith.constant 4096 : i32
        %add3A_1172 = vector.broadcast %add3A_1171 : i32 to vector<16xi32>
        %add3A_1173 = arith.addi %add3A_610, %add3A_1172 : vector<16xi32>
        %add3A_1174 = arith.constant 32 : i32
        %add3A_1175 = vector.broadcast %add3A_1174 : i32 to vector<16xi32>
        %add3A_1176 = arith.addi %iota3A, %add3A_1175 : vector<16xi32>
        %gather3A_1177 = tpu.vector_load_idx %arg7[%add3A_610, %add3A_1176] : memref<128x64xf32, #tpu.memory_space<vmem>>[vector<16xi32>, vector<16xi32>], vector<16xf32>,
        %mul3A_1178 = arith.constant 128 : i32
        %mul3A_1179 = vector.broadcast %mul3A_1178 : i32 to vector<16xi32>
        %mul3A_1180 = arith.muli %iota3A, %mul3A_1179 : vector<16xi32>
        %add3A_1181 = arith.addi %mul3A_1180, %add3A_1173 : vector<16xi32>
        tpu.vector_store_idx %arg9[%add3A_1181], %gather3A_1177 : memref<8192xf32, #tpu.memory_space<vmem>>[vector<16xi32>], vector<16xf32>,
        %lt3A_1182 = arith.constant 0 : i32
        %lt3A_1183 = vector.broadcast %lt3A_1182 : i32 to vector<16xi32>
        %lt3A_1184 = arith.cmpi slt, %select_n3A_20, %lt3A_1183 : vector<16xi32>
        %add3A_1185 = arith.constant 16 : i32
        %add3A_1186 = vector.broadcast %add3A_1185 : i32 to vector<16xi32>
        %add3A_1187 = arith.addi %select_n3A_20, %add3A_1186 : vector<16xi32>
        %select_n3A_1188 = arith.select %lt3A_1184, %add3A_1187, %select_n3A_20 : vector<16xi1>, vector<16xi32>
        %broadcast_in_dim3A_1189 = vector.shape_cast %select_n3A_1188 : vector<16xi32> to vector<16x1xi32>
        %gather3A_1190 = vector.shape_cast %broadcast_in_dim3A_1189 : vector<16x1xi32> to vector<16xi32>
        %gather3A_1191 = tpu.dynamic_gather %iota3A[%gather3A_1190] in [0] : vector<16xi32>, vector<16xi32> -> vector<16xi32>
        %add3A_1192 = arith.constant 32 : i32
        %add3A_1193 = vector.broadcast %add3A_1192 : i32 to vector<16xi32>
        %add3A_1194 = arith.addi %gather3A_1191, %add3A_1193 : vector<16xi32>
        %gather3A_1195 = tpu.vector_load_idx %arg7[%add3A_610, %add3A_1194] : memref<128x64xf32, #tpu.memory_space<vmem>>[vector<16xi32>, vector<16xi32>], vector<16xf32>,
        %mul3A_1196 = arith.constant 128 : i32
        %mul3A_1197 = vector.broadcast %mul3A_1196 : i32 to vector<16xi32>
        %mul3A_1198 = arith.muli %gather3A_1191, %mul3A_1197 : vector<16xi32>
        %add3A_1199 = arith.addi %mul3A_1198, %add3A_1173 : vector<16xi32>
        tpu.vector_store_idx %arg9[%add3A_1199], %gather3A_1195 : memref<8192xf32, #tpu.memory_space<vmem>>[vector<16xi32>], vector<16xf32>,
        %lt3A_1200 = arith.constant 0 : i32
        %lt3A_1201 = vector.broadcast %lt3A_1200 : i32 to vector<16xi32>
        %lt3A_1202 = arith.cmpi slt, %select_n3A_20, %lt3A_1201 : vector<16xi32>
        %add3A_1203 = arith.constant 16 : i32
        %add3A_1204 = vector.broadcast %add3A_1203 : i32 to vector<16xi32>
        %add3A_1205 = arith.addi %select_n3A_20, %add3A_1204 : vector<16xi32>
        %select_n3A_1206 = arith.select %lt3A_1202, %add3A_1205, %select_n3A_20 : vector<16xi1>, vector<16xi32>
        %broadcast_in_dim3A_1207 = vector.shape_cast %select_n3A_1206 : vector<16xi32> to vector<16x1xi32>
        %gather3A_1208 = vector.shape_cast %broadcast_in_dim3A_1207 : vector<16x1xi32> to vector<16xi32>
        %gather3A_1209 = tpu.dynamic_gather %gather3A_1191[%gather3A_1208] in [0] : vector<16xi32>, vector<16xi32> -> vector<16xi32>
        %add3A_1210 = arith.constant 32 : i32
        %add3A_1211 = vector.broadcast %add3A_1210 : i32 to vector<16xi32>
        %add3A_1212 = arith.addi %gather3A_1209, %add3A_1211 : vector<16xi32>
        %gather3A_1213 = tpu.vector_load_idx %arg7[%add3A_610, %add3A_1212] : memref<128x64xf32, #tpu.memory_space<vmem>>[vector<16xi32>, vector<16xi32>], vector<16xf32>,
        %mul3A_1214 = arith.constant 128 : i32
        %mul3A_1215 = vector.broadcast %mul3A_1214 : i32 to vector<16xi32>
        %mul3A_1216 = arith.muli %gather3A_1209, %mul3A_1215 : vector<16xi32>
        %add3A_1217 = arith.addi %mul3A_1216, %add3A_1173 : vector<16xi32>
        tpu.vector_store_idx %arg9[%add3A_1217], %gather3A_1213 : memref<8192xf32, #tpu.memory_space<vmem>>[vector<16xi32>], vector<16xf32>,
        %lt3A_1218 = arith.constant 0 : i32
        %lt3A_1219 = vector.broadcast %lt3A_1218 : i32 to vector<16xi32>
        %lt3A_1220 = arith.cmpi slt, %select_n3A_20, %lt3A_1219 : vector<16xi32>
        %add3A_1221 = arith.constant 16 : i32
        %add3A_1222 = vector.broadcast %add3A_1221 : i32 to vector<16xi32>
        %add3A_1223 = arith.addi %select_n3A_20, %add3A_1222 : vector<16xi32>
        %select_n3A_1224 = arith.select %lt3A_1220, %add3A_1223, %select_n3A_20 : vector<16xi1>, vector<16xi32>
        %broadcast_in_dim3A_1225 = vector.shape_cast %select_n3A_1224 : vector<16xi32> to vector<16x1xi32>
        %gather3A_1226 = vector.shape_cast %broadcast_in_dim3A_1225 : vector<16x1xi32> to vector<16xi32>
        %gather3A_1227 = tpu.dynamic_gather %gather3A_1209[%gather3A_1226] in [0] : vector<16xi32>, vector<16xi32> -> vector<16xi32>
        %add3A_1228 = arith.constant 32 : i32
        %add3A_1229 = vector.broadcast %add3A_1228 : i32 to vector<16xi32>
        %add3A_1230 = arith.addi %gather3A_1227, %add3A_1229 : vector<16xi32>
        %gather3A_1231 = tpu.vector_load_idx %arg7[%add3A_610, %add3A_1230] : memref<128x64xf32, #tpu.memory_space<vmem>>[vector<16xi32>, vector<16xi32>], vector<16xf32>,
        %mul3A_1232 = arith.constant 128 : i32
        %mul3A_1233 = vector.broadcast %mul3A_1232 : i32 to vector<16xi32>
        %mul3A_1234 = arith.muli %gather3A_1227, %mul3A_1233 : vector<16xi32>
        %add3A_1235 = arith.addi %mul3A_1234, %add3A_1173 : vector<16xi32>
        tpu.vector_store_idx %arg9[%add3A_1235], %gather3A_1231 : memref<8192xf32, #tpu.memory_space<vmem>>[vector<16xi32>], vector<16xf32>,
        %lt3A_1236 = arith.constant 0 : i32
        %lt3A_1237 = vector.broadcast %lt3A_1236 : i32 to vector<16xi32>
        %lt3A_1238 = arith.cmpi slt, %select_n3A_20, %lt3A_1237 : vector<16xi32>
        %add3A_1239 = arith.constant 16 : i32
        %add3A_1240 = vector.broadcast %add3A_1239 : i32 to vector<16xi32>
        %add3A_1241 = arith.addi %select_n3A_20, %add3A_1240 : vector<16xi32>
        %select_n3A_1242 = arith.select %lt3A_1238, %add3A_1241, %select_n3A_20 : vector<16xi1>, vector<16xi32>
        %broadcast_in_dim3A_1243 = vector.shape_cast %select_n3A_1242 : vector<16xi32> to vector<16x1xi32>
        %gather3A_1244 = vector.shape_cast %broadcast_in_dim3A_1243 : vector<16x1xi32> to vector<16xi32>
        %gather3A_1245 = tpu.dynamic_gather %gather3A_1227[%gather3A_1244] in [0] : vector<16xi32>, vector<16xi32> -> vector<16xi32>
        %add3A_1246 = arith.constant 32 : i32
        %add3A_1247 = vector.broadcast %add3A_1246 : i32 to vector<16xi32>
        %add3A_1248 = arith.addi %gather3A_1245, %add3A_1247 : vector<16xi32>
        %gather3A_1249 = tpu.vector_load_idx %arg7[%add3A_610, %add3A_1248] : memref<128x64xf32, #tpu.memory_space<vmem>>[vector<16xi32>, vector<16xi32>], vector<16xf32>,
        %mul3A_1250 = arith.constant 128 : i32
        %mul3A_1251 = vector.broadcast %mul3A_1250 : i32 to vector<16xi32>
        %mul3A_1252 = arith.muli %gather3A_1245, %mul3A_1251 : vector<16xi32>
        %add3A_1253 = arith.addi %mul3A_1252, %add3A_1173 : vector<16xi32>
        tpu.vector_store_idx %arg9[%add3A_1253], %gather3A_1249 : memref<8192xf32, #tpu.memory_space<vmem>>[vector<16xi32>], vector<16xf32>,
        %lt3A_1254 = arith.constant 0 : i32
        %lt3A_1255 = vector.broadcast %lt3A_1254 : i32 to vector<16xi32>
        %lt3A_1256 = arith.cmpi slt, %select_n3A_20, %lt3A_1255 : vector<16xi32>
        %add3A_1257 = arith.constant 16 : i32
        %add3A_1258 = vector.broadcast %add3A_1257 : i32 to vector<16xi32>
        %add3A_1259 = arith.addi %select_n3A_20, %add3A_1258 : vector<16xi32>
        %select_n3A_1260 = arith.select %lt3A_1256, %add3A_1259, %select_n3A_20 : vector<16xi1>, vector<16xi32>
        %broadcast_in_dim3A_1261 = vector.shape_cast %select_n3A_1260 : vector<16xi32> to vector<16x1xi32>
        %gather3A_1262 = vector.shape_cast %broadcast_in_dim3A_1261 : vector<16x1xi32> to vector<16xi32>
        %gather3A_1263 = tpu.dynamic_gather %gather3A_1245[%gather3A_1262] in [0] : vector<16xi32>, vector<16xi32> -> vector<16xi32>
        %add3A_1264 = arith.constant 32 : i32
        %add3A_1265 = vector.broadcast %add3A_1264 : i32 to vector<16xi32>
        %add3A_1266 = arith.addi %gather3A_1263, %add3A_1265 : vector<16xi32>
        %gather3A_1267 = tpu.vector_load_idx %arg7[%add3A_610, %add3A_1266] : memref<128x64xf32, #tpu.memory_space<vmem>>[vector<16xi32>, vector<16xi32>], vector<16xf32>,
        %mul3A_1268 = arith.constant 128 : i32
        %mul3A_1269 = vector.broadcast %mul3A_1268 : i32 to vector<16xi32>
        %mul3A_1270 = arith.muli %gather3A_1263, %mul3A_1269 : vector<16xi32>
        %add3A_1271 = arith.addi %mul3A_1270, %add3A_1173 : vector<16xi32>
        tpu.vector_store_idx %arg9[%add3A_1271], %gather3A_1267 : memref<8192xf32, #tpu.memory_space<vmem>>[vector<16xi32>], vector<16xf32>,
        %lt3A_1272 = arith.constant 0 : i32
        %lt3A_1273 = vector.broadcast %lt3A_1272 : i32 to vector<16xi32>
        %lt3A_1274 = arith.cmpi slt, %select_n3A_20, %lt3A_1273 : vector<16xi32>
        %add3A_1275 = arith.constant 16 : i32
        %add3A_1276 = vector.broadcast %add3A_1275 : i32 to vector<16xi32>
        %add3A_1277 = arith.addi %select_n3A_20, %add3A_1276 : vector<16xi32>
        %select_n3A_1278 = arith.select %lt3A_1274, %add3A_1277, %select_n3A_20 : vector<16xi1>, vector<16xi32>
        %broadcast_in_dim3A_1279 = vector.shape_cast %select_n3A_1278 : vector<16xi32> to vector<16x1xi32>
        %gather3A_1280 = vector.shape_cast %broadcast_in_dim3A_1279 : vector<16x1xi32> to vector<16xi32>
        %gather3A_1281 = tpu.dynamic_gather %gather3A_1263[%gather3A_1280] in [0] : vector<16xi32>, vector<16xi32> -> vector<16xi32>
        %add3A_1282 = arith.constant 32 : i32
        %add3A_1283 = vector.broadcast %add3A_1282 : i32 to vector<16xi32>
        %add3A_1284 = arith.addi %gather3A_1281, %add3A_1283 : vector<16xi32>
        %gather3A_1285 = tpu.vector_load_idx %arg7[%add3A_610, %add3A_1284] : memref<128x64xf32, #tpu.memory_space<vmem>>[vector<16xi32>, vector<16xi32>], vector<16xf32>,
        %mul3A_1286 = arith.constant 128 : i32
        %mul3A_1287 = vector.broadcast %mul3A_1286 : i32 to vector<16xi32>
        %mul3A_1288 = arith.muli %gather3A_1281, %mul3A_1287 : vector<16xi32>
        %add3A_1289 = arith.addi %mul3A_1288, %add3A_1173 : vector<16xi32>
        tpu.vector_store_idx %arg9[%add3A_1289], %gather3A_1285 : memref<8192xf32, #tpu.memory_space<vmem>>[vector<16xi32>], vector<16xf32>,
        %lt3A_1290 = arith.constant 0 : i32
        %lt3A_1291 = vector.broadcast %lt3A_1290 : i32 to vector<16xi32>
        %lt3A_1292 = arith.cmpi slt, %select_n3A_20, %lt3A_1291 : vector<16xi32>
        %add3A_1293 = arith.constant 16 : i32
        %add3A_1294 = vector.broadcast %add3A_1293 : i32 to vector<16xi32>
        %add3A_1295 = arith.addi %select_n3A_20, %add3A_1294 : vector<16xi32>
        %select_n3A_1296 = arith.select %lt3A_1292, %add3A_1295, %select_n3A_20 : vector<16xi1>, vector<16xi32>
        %broadcast_in_dim3A_1297 = vector.shape_cast %select_n3A_1296 : vector<16xi32> to vector<16x1xi32>
        %gather3A_1298 = vector.shape_cast %broadcast_in_dim3A_1297 : vector<16x1xi32> to vector<16xi32>
        %gather3A_1299 = tpu.dynamic_gather %gather3A_1281[%gather3A_1298] in [0] : vector<16xi32>, vector<16xi32> -> vector<16xi32>
        %add3A_1300 = arith.constant 32 : i32
        %add3A_1301 = vector.broadcast %add3A_1300 : i32 to vector<16xi32>
        %add3A_1302 = arith.addi %gather3A_1299, %add3A_1301 : vector<16xi32>
        %gather3A_1303 = tpu.vector_load_idx %arg7[%add3A_610, %add3A_1302] : memref<128x64xf32, #tpu.memory_space<vmem>>[vector<16xi32>, vector<16xi32>], vector<16xf32>,
        %mul3A_1304 = arith.constant 128 : i32
        %mul3A_1305 = vector.broadcast %mul3A_1304 : i32 to vector<16xi32>
        %mul3A_1306 = arith.muli %gather3A_1299, %mul3A_1305 : vector<16xi32>
        %add3A_1307 = arith.addi %mul3A_1306, %add3A_1173 : vector<16xi32>
        tpu.vector_store_idx %arg9[%add3A_1307], %gather3A_1303 : memref<8192xf32, #tpu.memory_space<vmem>>[vector<16xi32>], vector<16xf32>,
        %lt3A_1308 = arith.constant 0 : i32
        %lt3A_1309 = vector.broadcast %lt3A_1308 : i32 to vector<16xi32>
        %lt3A_1310 = arith.cmpi slt, %select_n3A_20, %lt3A_1309 : vector<16xi32>
        %add3A_1311 = arith.constant 16 : i32
        %add3A_1312 = vector.broadcast %add3A_1311 : i32 to vector<16xi32>
        %add3A_1313 = arith.addi %select_n3A_20, %add3A_1312 : vector<16xi32>
        %select_n3A_1314 = arith.select %lt3A_1310, %add3A_1313, %select_n3A_20 : vector<16xi1>, vector<16xi32>
        %broadcast_in_dim3A_1315 = vector.shape_cast %select_n3A_1314 : vector<16xi32> to vector<16x1xi32>
        %gather3A_1316 = vector.shape_cast %broadcast_in_dim3A_1315 : vector<16x1xi32> to vector<16xi32>
        %gather3A_1317 = tpu.dynamic_gather %gather3A_1299[%gather3A_1316] in [0] : vector<16xi32>, vector<16xi32> -> vector<16xi32>
        %add3A_1318 = arith.constant 32 : i32
        %add3A_1319 = vector.broadcast %add3A_1318 : i32 to vector<16xi32>
        %add3A_1320 = arith.addi %gather3A_1317, %add3A_1319 : vector<16xi32>
        %gather3A_1321 = tpu.vector_load_idx %arg7[%add3A_610, %add3A_1320] : memref<128x64xf32, #tpu.memory_space<vmem>>[vector<16xi32>, vector<16xi32>], vector<16xf32>,
        %mul3A_1322 = arith.constant 128 : i32
        %mul3A_1323 = vector.broadcast %mul3A_1322 : i32 to vector<16xi32>
        %mul3A_1324 = arith.muli %gather3A_1317, %mul3A_1323 : vector<16xi32>
        %add3A_1325 = arith.addi %mul3A_1324, %add3A_1173 : vector<16xi32>
        tpu.vector_store_idx %arg9[%add3A_1325], %gather3A_1321 : memref<8192xf32, #tpu.memory_space<vmem>>[vector<16xi32>], vector<16xf32>,
        %lt3A_1326 = arith.constant 0 : i32
        %lt3A_1327 = vector.broadcast %lt3A_1326 : i32 to vector<16xi32>
        %lt3A_1328 = arith.cmpi slt, %select_n3A_20, %lt3A_1327 : vector<16xi32>
        %add3A_1329 = arith.constant 16 : i32
        %add3A_1330 = vector.broadcast %add3A_1329 : i32 to vector<16xi32>
        %add3A_1331 = arith.addi %select_n3A_20, %add3A_1330 : vector<16xi32>
        %select_n3A_1332 = arith.select %lt3A_1328, %add3A_1331, %select_n3A_20 : vector<16xi1>, vector<16xi32>
        %broadcast_in_dim3A_1333 = vector.shape_cast %select_n3A_1332 : vector<16xi32> to vector<16x1xi32>
        %gather3A_1334 = vector.shape_cast %broadcast_in_dim3A_1333 : vector<16x1xi32> to vector<16xi32>
        %gather3A_1335 = tpu.dynamic_gather %gather3A_1317[%gather3A_1334] in [0] : vector<16xi32>, vector<16xi32> -> vector<16xi32>
        %add3A_1336 = arith.constant 32 : i32
        %add3A_1337 = vector.broadcast %add3A_1336 : i32 to vector<16xi32>
        %add3A_1338 = arith.addi %gather3A_1335, %add3A_1337 : vector<16xi32>
        %gather3A_1339 = tpu.vector_load_idx %arg7[%add3A_610, %add3A_1338] : memref<128x64xf32, #tpu.memory_space<vmem>>[vector<16xi32>, vector<16xi32>], vector<16xf32>,
        %mul3A_1340 = arith.constant 128 : i32
        %mul3A_1341 = vector.broadcast %mul3A_1340 : i32 to vector<16xi32>
        %mul3A_1342 = arith.muli %gather3A_1335, %mul3A_1341 : vector<16xi32>
        %add3A_1343 = arith.addi %mul3A_1342, %add3A_1173 : vector<16xi32>
        tpu.vector_store_idx %arg9[%add3A_1343], %gather3A_1339 : memref<8192xf32, #tpu.memory_space<vmem>>[vector<16xi32>], vector<16xf32>,
        %lt3A_1344 = arith.constant 0 : i32
        %lt3A_1345 = vector.broadcast %lt3A_1344 : i32 to vector<16xi32>
        %lt3A_1346 = arith.cmpi slt, %select_n3A_20, %lt3A_1345 : vector<16xi32>
        %add3A_1347 = arith.constant 16 : i32
        %add3A_1348 = vector.broadcast %add3A_1347 : i32 to vector<16xi32>
        %add3A_1349 = arith.addi %select_n3A_20, %add3A_1348 : vector<16xi32>
        %select_n3A_1350 = arith.select %lt3A_1346, %add3A_1349, %select_n3A_20 : vector<16xi1>, vector<16xi32>
        %broadcast_in_dim3A_1351 = vector.shape_cast %select_n3A_1350 : vector<16xi32> to vector<16x1xi32>
        %gather3A_1352 = vector.shape_cast %broadcast_in_dim3A_1351 : vector<16x1xi32> to vector<16xi32>
        %gather3A_1353 = tpu.dynamic_gather %gather3A_1335[%gather3A_1352] in [0] : vector<16xi32>, vector<16xi32> -> vector<16xi32>
        %add3A_1354 = arith.constant 32 : i32
        %add3A_1355 = vector.broadcast %add3A_1354 : i32 to vector<16xi32>
        %add3A_1356 = arith.addi %gather3A_1353, %add3A_1355 : vector<16xi32>
        %gather3A_1357 = tpu.vector_load_idx %arg7[%add3A_610, %add3A_1356] : memref<128x64xf32, #tpu.memory_space<vmem>>[vector<16xi32>, vector<16xi32>], vector<16xf32>,
        %mul3A_1358 = arith.constant 128 : i32
        %mul3A_1359 = vector.broadcast %mul3A_1358 : i32 to vector<16xi32>
        %mul3A_1360 = arith.muli %gather3A_1353, %mul3A_1359 : vector<16xi32>
        %add3A_1361 = arith.addi %mul3A_1360, %add3A_1173 : vector<16xi32>
        tpu.vector_store_idx %arg9[%add3A_1361], %gather3A_1357 : memref<8192xf32, #tpu.memory_space<vmem>>[vector<16xi32>], vector<16xf32>,
        %lt3A_1362 = arith.constant 0 : i32
        %lt3A_1363 = vector.broadcast %lt3A_1362 : i32 to vector<16xi32>
        %lt3A_1364 = arith.cmpi slt, %select_n3A_20, %lt3A_1363 : vector<16xi32>
        %add3A_1365 = arith.constant 16 : i32
        %add3A_1366 = vector.broadcast %add3A_1365 : i32 to vector<16xi32>
        %add3A_1367 = arith.addi %select_n3A_20, %add3A_1366 : vector<16xi32>
        %select_n3A_1368 = arith.select %lt3A_1364, %add3A_1367, %select_n3A_20 : vector<16xi1>, vector<16xi32>
        %broadcast_in_dim3A_1369 = vector.shape_cast %select_n3A_1368 : vector<16xi32> to vector<16x1xi32>
        %gather3A_1370 = vector.shape_cast %broadcast_in_dim3A_1369 : vector<16x1xi32> to vector<16xi32>
        %gather3A_1371 = tpu.dynamic_gather %gather3A_1353[%gather3A_1370] in [0] : vector<16xi32>, vector<16xi32> -> vector<16xi32>
        %add3A_1372 = arith.constant 32 : i32
        %add3A_1373 = vector.broadcast %add3A_1372 : i32 to vector<16xi32>
        %add3A_1374 = arith.addi %gather3A_1371, %add3A_1373 : vector<16xi32>
        %gather3A_1375 = tpu.vector_load_idx %arg7[%add3A_610, %add3A_1374] : memref<128x64xf32, #tpu.memory_space<vmem>>[vector<16xi32>, vector<16xi32>], vector<16xf32>,
        %mul3A_1376 = arith.constant 128 : i32
        %mul3A_1377 = vector.broadcast %mul3A_1376 : i32 to vector<16xi32>
        %mul3A_1378 = arith.muli %gather3A_1371, %mul3A_1377 : vector<16xi32>
        %add3A_1379 = arith.addi %mul3A_1378, %add3A_1173 : vector<16xi32>
        tpu.vector_store_idx %arg9[%add3A_1379], %gather3A_1375 : memref<8192xf32, #tpu.memory_space<vmem>>[vector<16xi32>], vector<16xf32>,
        %lt3A_1380 = arith.constant 0 : i32
        %lt3A_1381 = vector.broadcast %lt3A_1380 : i32 to vector<16xi32>
        %lt3A_1382 = arith.cmpi slt, %select_n3A_20, %lt3A_1381 : vector<16xi32>
        %add3A_1383 = arith.constant 16 : i32
        %add3A_1384 = vector.broadcast %add3A_1383 : i32 to vector<16xi32>
        %add3A_1385 = arith.addi %select_n3A_20, %add3A_1384 : vector<16xi32>
        %select_n3A_1386 = arith.select %lt3A_1382, %add3A_1385, %select_n3A_20 : vector<16xi1>, vector<16xi32>
        %broadcast_in_dim3A_1387 = vector.shape_cast %select_n3A_1386 : vector<16xi32> to vector<16x1xi32>
        %gather3A_1388 = vector.shape_cast %broadcast_in_dim3A_1387 : vector<16x1xi32> to vector<16xi32>
        %gather3A_1389 = tpu.dynamic_gather %gather3A_1371[%gather3A_1388] in [0] : vector<16xi32>, vector<16xi32> -> vector<16xi32>
        %add3A_1390 = arith.constant 32 : i32
        %add3A_1391 = vector.broadcast %add3A_1390 : i32 to vector<16xi32>
        %add3A_1392 = arith.addi %gather3A_1389, %add3A_1391 : vector<16xi32>
        %gather3A_1393 = tpu.vector_load_idx %arg7[%add3A_610, %add3A_1392] : memref<128x64xf32, #tpu.memory_space<vmem>>[vector<16xi32>, vector<16xi32>], vector<16xf32>,
        %mul3A_1394 = arith.constant 128 : i32
        %mul3A_1395 = vector.broadcast %mul3A_1394 : i32 to vector<16xi32>
        %mul3A_1396 = arith.muli %gather3A_1389, %mul3A_1395 : vector<16xi32>
        %add3A_1397 = arith.addi %mul3A_1396, %add3A_1173 : vector<16xi32>
        tpu.vector_store_idx %arg9[%add3A_1397], %gather3A_1393 : memref<8192xf32, #tpu.memory_space<vmem>>[vector<16xi32>], vector<16xf32>,
        %lt3A_1398 = arith.constant 0 : i32
        %lt3A_1399 = vector.broadcast %lt3A_1398 : i32 to vector<16xi32>
        %lt3A_1400 = arith.cmpi slt, %select_n3A_20, %lt3A_1399 : vector<16xi32>
        %add3A_1401 = arith.constant 16 : i32
        %add3A_1402 = vector.broadcast %add3A_1401 : i32 to vector<16xi32>
        %add3A_1403 = arith.addi %select_n3A_20, %add3A_1402 : vector<16xi32>
        %select_n3A_1404 = arith.select %lt3A_1400, %add3A_1403, %select_n3A_20 : vector<16xi1>, vector<16xi32>
        %broadcast_in_dim3A_1405 = vector.shape_cast %select_n3A_1404 : vector<16xi32> to vector<16x1xi32>
        %gather3A_1406 = vector.shape_cast %broadcast_in_dim3A_1405 : vector<16x1xi32> to vector<16xi32>
        %gather3A_1407 = tpu.dynamic_gather %gather3A_1389[%gather3A_1406] in [0] : vector<16xi32>, vector<16xi32> -> vector<16xi32>
        %add3A_1408 = arith.constant 32 : i32
        %add3A_1409 = vector.broadcast %add3A_1408 : i32 to vector<16xi32>
        %add3A_1410 = arith.addi %gather3A_1407, %add3A_1409 : vector<16xi32>
        %gather3A_1411 = tpu.vector_load_idx %arg7[%add3A_610, %add3A_1410] : memref<128x64xf32, #tpu.memory_space<vmem>>[vector<16xi32>, vector<16xi32>], vector<16xf32>,
        %mul3A_1412 = arith.constant 128 : i32
        %mul3A_1413 = vector.broadcast %mul3A_1412 : i32 to vector<16xi32>
        %mul3A_1414 = arith.muli %gather3A_1407, %mul3A_1413 : vector<16xi32>
        %add3A_1415 = arith.addi %mul3A_1414, %add3A_1173 : vector<16xi32>
        tpu.vector_store_idx %arg9[%add3A_1415], %gather3A_1411 : memref<8192xf32, #tpu.memory_space<vmem>>[vector<16xi32>], vector<16xf32>,
        %lt3A_1416 = arith.constant 0 : i32
        %lt3A_1417 = vector.broadcast %lt3A_1416 : i32 to vector<16xi32>
        %lt3A_1418 = arith.cmpi slt, %select_n3A_20, %lt3A_1417 : vector<16xi32>
        %add3A_1419 = arith.constant 16 : i32
        %add3A_1420 = vector.broadcast %add3A_1419 : i32 to vector<16xi32>
        %add3A_1421 = arith.addi %select_n3A_20, %add3A_1420 : vector<16xi32>
        %select_n3A_1422 = arith.select %lt3A_1418, %add3A_1421, %select_n3A_20 : vector<16xi1>, vector<16xi32>
        %broadcast_in_dim3A_1423 = vector.shape_cast %select_n3A_1422 : vector<16xi32> to vector<16x1xi32>
        %gather3A_1424 = vector.shape_cast %broadcast_in_dim3A_1423 : vector<16x1xi32> to vector<16xi32>
        %gather3A_1425 = tpu.dynamic_gather %gather3A_1407[%gather3A_1424] in [0] : vector<16xi32>, vector<16xi32> -> vector<16xi32>
        %add3A_1426 = arith.constant 32 : i32
        %add3A_1427 = vector.broadcast %add3A_1426 : i32 to vector<16xi32>
        %add3A_1428 = arith.addi %gather3A_1425, %add3A_1427 : vector<16xi32>
        %gather3A_1429 = tpu.vector_load_idx %arg7[%add3A_610, %add3A_1428] : memref<128x64xf32, #tpu.memory_space<vmem>>[vector<16xi32>, vector<16xi32>], vector<16xf32>,
        %mul3A_1430 = arith.constant 128 : i32
        %mul3A_1431 = vector.broadcast %mul3A_1430 : i32 to vector<16xi32>
        %mul3A_1432 = arith.muli %gather3A_1425, %mul3A_1431 : vector<16xi32>
        %add3A_1433 = arith.addi %mul3A_1432, %add3A_1173 : vector<16xi32>
        tpu.vector_store_idx %arg9[%add3A_1433], %gather3A_1429 : memref<8192xf32, #tpu.memory_space<vmem>>[vector<16xi32>], vector<16xf32>,
        %lt3A_1434 = arith.constant 0 : i32
        %lt3A_1435 = vector.broadcast %lt3A_1434 : i32 to vector<16xi32>
        %lt3A_1436 = arith.cmpi slt, %select_n3A_20, %lt3A_1435 : vector<16xi32>
        %add3A_1437 = arith.constant 16 : i32
        %add3A_1438 = vector.broadcast %add3A_1437 : i32 to vector<16xi32>
        %add3A_1439 = arith.addi %select_n3A_20, %add3A_1438 : vector<16xi32>
        %select_n3A_1440 = arith.select %lt3A_1436, %add3A_1439, %select_n3A_20 : vector<16xi1>, vector<16xi32>
        %broadcast_in_dim3A_1441 = vector.shape_cast %select_n3A_1440 : vector<16xi32> to vector<16x1xi32>
        %gather3A_1442 = vector.shape_cast %broadcast_in_dim3A_1441 : vector<16x1xi32> to vector<16xi32>
        %gather3A_1443 = tpu.dynamic_gather %gather3A_1425[%gather3A_1442] in [0] : vector<16xi32>, vector<16xi32> -> vector<16xi32>
        %add3A_1444 = arith.constant 32 : i32
        %add3A_1445 = vector.broadcast %add3A_1444 : i32 to vector<16xi32>
        %add3A_1446 = arith.addi %gather3A_1443, %add3A_1445 : vector<16xi32>
        %gather3A_1447 = tpu.vector_load_idx %arg7[%add3A_610, %add3A_1446] : memref<128x64xf32, #tpu.memory_space<vmem>>[vector<16xi32>, vector<16xi32>], vector<16xf32>,
        %mul3A_1448 = arith.constant 128 : i32
        %mul3A_1449 = vector.broadcast %mul3A_1448 : i32 to vector<16xi32>
        %mul3A_1450 = arith.muli %gather3A_1443, %mul3A_1449 : vector<16xi32>
        %add3A_1451 = arith.addi %mul3A_1450, %add3A_1173 : vector<16xi32>
        tpu.vector_store_idx %arg9[%add3A_1451], %gather3A_1447 : memref<8192xf32, #tpu.memory_space<vmem>>[vector<16xi32>], vector<16xf32>,
        %add3A_1452 = arith.constant 6144 : i32
        %add3A_1453 = vector.broadcast %add3A_1452 : i32 to vector<16xi32>
        %add3A_1454 = arith.addi %add3A_610, %add3A_1453 : vector<16xi32>
        %add3A_1455 = arith.constant 48 : i32
        %add3A_1456 = vector.broadcast %add3A_1455 : i32 to vector<16xi32>
        %add3A_1457 = arith.addi %iota3A, %add3A_1456 : vector<16xi32>
        %gather3A_1458 = tpu.vector_load_idx %arg7[%add3A_610, %add3A_1457] : memref<128x64xf32, #tpu.memory_space<vmem>>[vector<16xi32>, vector<16xi32>], vector<16xf32>,
        %mul3A_1459 = arith.constant 128 : i32
        %mul3A_1460 = vector.broadcast %mul3A_1459 : i32 to vector<16xi32>
        %mul3A_1461 = arith.muli %iota3A, %mul3A_1460 : vector<16xi32>
        %add3A_1462 = arith.addi %mul3A_1461, %add3A_1454 : vector<16xi32>
        tpu.vector_store_idx %arg9[%add3A_1462], %gather3A_1458 : memref<8192xf32, #tpu.memory_space<vmem>>[vector<16xi32>], vector<16xf32>,
        %lt3A_1463 = arith.constant 0 : i32
        %lt3A_1464 = vector.broadcast %lt3A_1463 : i32 to vector<16xi32>
        %lt3A_1465 = arith.cmpi slt, %select_n3A_20, %lt3A_1464 : vector<16xi32>
        %add3A_1466 = arith.constant 16 : i32
        %add3A_1467 = vector.broadcast %add3A_1466 : i32 to vector<16xi32>
        %add3A_1468 = arith.addi %select_n3A_20, %add3A_1467 : vector<16xi32>
        %select_n3A_1469 = arith.select %lt3A_1465, %add3A_1468, %select_n3A_20 : vector<16xi1>, vector<16xi32>
        %broadcast_in_dim3A_1470 = vector.shape_cast %select_n3A_1469 : vector<16xi32> to vector<16x1xi32>
        %gather3A_1471 = vector.shape_cast %broadcast_in_dim3A_1470 : vector<16x1xi32> to vector<16xi32>
        %gather3A_1472 = tpu.dynamic_gather %iota3A[%gather3A_1471] in [0] : vector<16xi32>, vector<16xi32> -> vector<16xi32>
        %add3A_1473 = arith.constant 48 : i32
        %add3A_1474 = vector.broadcast %add3A_1473 : i32 to vector<16xi32>
        %add3A_1475 = arith.addi %gather3A_1472, %add3A_1474 : vector<16xi32>
        %gather3A_1476 = tpu.vector_load_idx %arg7[%add3A_610, %add3A_1475] : memref<128x64xf32, #tpu.memory_space<vmem>>[vector<16xi32>, vector<16xi32>], vector<16xf32>,
        %mul3A_1477 = arith.constant 128 : i32
        %mul3A_1478 = vector.broadcast %mul3A_1477 : i32 to vector<16xi32>
        %mul3A_1479 = arith.muli %gather3A_1472, %mul3A_1478 : vector<16xi32>
        %add3A_1480 = arith.addi %mul3A_1479, %add3A_1454 : vector<16xi32>
        tpu.vector_store_idx %arg9[%add3A_1480], %gather3A_1476 : memref<8192xf32, #tpu.memory_space<vmem>>[vector<16xi32>], vector<16xf32>,
        %lt3A_1481 = arith.constant 0 : i32
        %lt3A_1482 = vector.broadcast %lt3A_1481 : i32 to vector<16xi32>
        %lt3A_1483 = arith.cmpi slt, %select_n3A_20, %lt3A_1482 : vector<16xi32>
        %add3A_1484 = arith.constant 16 : i32
        %add3A_1485 = vector.broadcast %add3A_1484 : i32 to vector<16xi32>
        %add3A_1486 = arith.addi %select_n3A_20, %add3A_1485 : vector<16xi32>
        %select_n3A_1487 = arith.select %lt3A_1483, %add3A_1486, %select_n3A_20 : vector<16xi1>, vector<16xi32>
        %broadcast_in_dim3A_1488 = vector.shape_cast %select_n3A_1487 : vector<16xi32> to vector<16x1xi32>
        %gather3A_1489 = vector.shape_cast %broadcast_in_dim3A_1488 : vector<16x1xi32> to vector<16xi32>
        %gather3A_1490 = tpu.dynamic_gather %gather3A_1472[%gather3A_1489] in [0] : vector<16xi32>, vector<16xi32> -> vector<16xi32>
        %add3A_1491 = arith.constant 48 : i32
        %add3A_1492 = vector.broadcast %add3A_1491 : i32 to vector<16xi32>
        %add3A_1493 = arith.addi %gather3A_1490, %add3A_1492 : vector<16xi32>
        %gather3A_1494 = tpu.vector_load_idx %arg7[%add3A_610, %add3A_1493] : memref<128x64xf32, #tpu.memory_space<vmem>>[vector<16xi32>, vector<16xi32>], vector<16xf32>,
        %mul3A_1495 = arith.constant 128 : i32
        %mul3A_1496 = vector.broadcast %mul3A_1495 : i32 to vector<16xi32>
        %mul3A_1497 = arith.muli %gather3A_1490, %mul3A_1496 : vector<16xi32>
        %add3A_1498 = arith.addi %mul3A_1497, %add3A_1454 : vector<16xi32>
        tpu.vector_store_idx %arg9[%add3A_1498], %gather3A_1494 : memref<8192xf32, #tpu.memory_space<vmem>>[vector<16xi32>], vector<16xf32>,
        %lt3A_1499 = arith.constant 0 : i32
        %lt3A_1500 = vector.broadcast %lt3A_1499 : i32 to vector<16xi32>
        %lt3A_1501 = arith.cmpi slt, %select_n3A_20, %lt3A_1500 : vector<16xi32>
        %add3A_1502 = arith.constant 16 : i32
        %add3A_1503 = vector.broadcast %add3A_1502 : i32 to vector<16xi32>
        %add3A_1504 = arith.addi %select_n3A_20, %add3A_1503 : vector<16xi32>
        %select_n3A_1505 = arith.select %lt3A_1501, %add3A_1504, %select_n3A_20 : vector<16xi1>, vector<16xi32>
        %broadcast_in_dim3A_1506 = vector.shape_cast %select_n3A_1505 : vector<16xi32> to vector<16x1xi32>
        %gather3A_1507 = vector.shape_cast %broadcast_in_dim3A_1506 : vector<16x1xi32> to vector<16xi32>
        %gather3A_1508 = tpu.dynamic_gather %gather3A_1490[%gather3A_1507] in [0] : vector<16xi32>, vector<16xi32> -> vector<16xi32>
        %add3A_1509 = arith.constant 48 : i32
        %add3A_1510 = vector.broadcast %add3A_1509 : i32 to vector<16xi32>
        %add3A_1511 = arith.addi %gather3A_1508, %add3A_1510 : vector<16xi32>
        %gather3A_1512 = tpu.vector_load_idx %arg7[%add3A_610, %add3A_1511] : memref<128x64xf32, #tpu.memory_space<vmem>>[vector<16xi32>, vector<16xi32>], vector<16xf32>,
        %mul3A_1513 = arith.constant 128 : i32
        %mul3A_1514 = vector.broadcast %mul3A_1513 : i32 to vector<16xi32>
        %mul3A_1515 = arith.muli %gather3A_1508, %mul3A_1514 : vector<16xi32>
        %add3A_1516 = arith.addi %mul3A_1515, %add3A_1454 : vector<16xi32>
        tpu.vector_store_idx %arg9[%add3A_1516], %gather3A_1512 : memref<8192xf32, #tpu.memory_space<vmem>>[vector<16xi32>], vector<16xf32>,
        %lt3A_1517 = arith.constant 0 : i32
        %lt3A_1518 = vector.broadcast %lt3A_1517 : i32 to vector<16xi32>
        %lt3A_1519 = arith.cmpi slt, %select_n3A_20, %lt3A_1518 : vector<16xi32>
        %add3A_1520 = arith.constant 16 : i32
        %add3A_1521 = vector.broadcast %add3A_1520 : i32 to vector<16xi32>
        %add3A_1522 = arith.addi %select_n3A_20, %add3A_1521 : vector<16xi32>
        %select_n3A_1523 = arith.select %lt3A_1519, %add3A_1522, %select_n3A_20 : vector<16xi1>, vector<16xi32>
        %broadcast_in_dim3A_1524 = vector.shape_cast %select_n3A_1523 : vector<16xi32> to vector<16x1xi32>
        %gather3A_1525 = vector.shape_cast %broadcast_in_dim3A_1524 : vector<16x1xi32> to vector<16xi32>
        %gather3A_1526 = tpu.dynamic_gather %gather3A_1508[%gather3A_1525] in [0] : vector<16xi32>, vector<16xi32> -> vector<16xi32>
        %add3A_1527 = arith.constant 48 : i32
        %add3A_1528 = vector.broadcast %add3A_1527 : i32 to vector<16xi32>
        %add3A_1529 = arith.addi %gather3A_1526, %add3A_1528 : vector<16xi32>
        %gather3A_1530 = tpu.vector_load_idx %arg7[%add3A_610, %add3A_1529] : memref<128x64xf32, #tpu.memory_space<vmem>>[vector<16xi32>, vector<16xi32>], vector<16xf32>,
        %mul3A_1531 = arith.constant 128 : i32
        %mul3A_1532 = vector.broadcast %mul3A_1531 : i32 to vector<16xi32>
        %mul3A_1533 = arith.muli %gather3A_1526, %mul3A_1532 : vector<16xi32>
        %add3A_1534 = arith.addi %mul3A_1533, %add3A_1454 : vector<16xi32>
        tpu.vector_store_idx %arg9[%add3A_1534], %gather3A_1530 : memref<8192xf32, #tpu.memory_space<vmem>>[vector<16xi32>], vector<16xf32>,
        %lt3A_1535 = arith.constant 0 : i32
        %lt3A_1536 = vector.broadcast %lt3A_1535 : i32 to vector<16xi32>
        %lt3A_1537 = arith.cmpi slt, %select_n3A_20, %lt3A_1536 : vector<16xi32>
        %add3A_1538 = arith.constant 16 : i32
        %add3A_1539 = vector.broadcast %add3A_1538 : i32 to vector<16xi32>
        %add3A_1540 = arith.addi %select_n3A_20, %add3A_1539 : vector<16xi32>
        %select_n3A_1541 = arith.select %lt3A_1537, %add3A_1540, %select_n3A_20 : vector<16xi1>, vector<16xi32>
        %broadcast_in_dim3A_1542 = vector.shape_cast %select_n3A_1541 : vector<16xi32> to vector<16x1xi32>
        %gather3A_1543 = vector.shape_cast %broadcast_in_dim3A_1542 : vector<16x1xi32> to vector<16xi32>
        %gather3A_1544 = tpu.dynamic_gather %gather3A_1526[%gather3A_1543] in [0] : vector<16xi32>, vector<16xi32> -> vector<16xi32>
        %add3A_1545 = arith.constant 48 : i32
        %add3A_1546 = vector.broadcast %add3A_1545 : i32 to vector<16xi32>
        %add3A_1547 = arith.addi %gather3A_1544, %add3A_1546 : vector<16xi32>
        %gather3A_1548 = tpu.vector_load_idx %arg7[%add3A_610, %add3A_1547] : memref<128x64xf32, #tpu.memory_space<vmem>>[vector<16xi32>, vector<16xi32>], vector<16xf32>,
        %mul3A_1549 = arith.constant 128 : i32
        %mul3A_1550 = vector.broadcast %mul3A_1549 : i32 to vector<16xi32>
        %mul3A_1551 = arith.muli %gather3A_1544, %mul3A_1550 : vector<16xi32>
        %add3A_1552 = arith.addi %mul3A_1551, %add3A_1454 : vector<16xi32>
        tpu.vector_store_idx %arg9[%add3A_1552], %gather3A_1548 : memref<8192xf32, #tpu.memory_space<vmem>>[vector<16xi32>], vector<16xf32>,
        %lt3A_1553 = arith.constant 0 : i32
        %lt3A_1554 = vector.broadcast %lt3A_1553 : i32 to vector<16xi32>
        %lt3A_1555 = arith.cmpi slt, %select_n3A_20, %lt3A_1554 : vector<16xi32>
        %add3A_1556 = arith.constant 16 : i32
        %add3A_1557 = vector.broadcast %add3A_1556 : i32 to vector<16xi32>
        %add3A_1558 = arith.addi %select_n3A_20, %add3A_1557 : vector<16xi32>
        %select_n3A_1559 = arith.select %lt3A_1555, %add3A_1558, %select_n3A_20 : vector<16xi1>, vector<16xi32>
        %broadcast_in_dim3A_1560 = vector.shape_cast %select_n3A_1559 : vector<16xi32> to vector<16x1xi32>
        %gather3A_1561 = vector.shape_cast %broadcast_in_dim3A_1560 : vector<16x1xi32> to vector<16xi32>
        %gather3A_1562 = tpu.dynamic_gather %gather3A_1544[%gather3A_1561] in [0] : vector<16xi32>, vector<16xi32> -> vector<16xi32>
        %add3A_1563 = arith.constant 48 : i32
        %add3A_1564 = vector.broadcast %add3A_1563 : i32 to vector<16xi32>
        %add3A_1565 = arith.addi %gather3A_1562, %add3A_1564 : vector<16xi32>
        %gather3A_1566 = tpu.vector_load_idx %arg7[%add3A_610, %add3A_1565] : memref<128x64xf32, #tpu.memory_space<vmem>>[vector<16xi32>, vector<16xi32>], vector<16xf32>,
        %mul3A_1567 = arith.constant 128 : i32
        %mul3A_1568 = vector.broadcast %mul3A_1567 : i32 to vector<16xi32>
        %mul3A_1569 = arith.muli %gather3A_1562, %mul3A_1568 : vector<16xi32>
        %add3A_1570 = arith.addi %mul3A_1569, %add3A_1454 : vector<16xi32>
        tpu.vector_store_idx %arg9[%add3A_1570], %gather3A_1566 : memref<8192xf32, #tpu.memory_space<vmem>>[vector<16xi32>], vector<16xf32>,
        %lt3A_1571 = arith.constant 0 : i32
        %lt3A_1572 = vector.broadcast %lt3A_1571 : i32 to vector<16xi32>
        %lt3A_1573 = arith.cmpi slt, %select_n3A_20, %lt3A_1572 : vector<16xi32>
        %add3A_1574 = arith.constant 16 : i32
        %add3A_1575 = vector.broadcast %add3A_1574 : i32 to vector<16xi32>
        %add3A_1576 = arith.addi %select_n3A_20, %add3A_1575 : vector<16xi32>
        %select_n3A_1577 = arith.select %lt3A_1573, %add3A_1576, %select_n3A_20 : vector<16xi1>, vector<16xi32>
        %broadcast_in_dim3A_1578 = vector.shape_cast %select_n3A_1577 : vector<16xi32> to vector<16x1xi32>
        %gather3A_1579 = vector.shape_cast %broadcast_in_dim3A_1578 : vector<16x1xi32> to vector<16xi32>
        %gather3A_1580 = tpu.dynamic_gather %gather3A_1562[%gather3A_1579] in [0] : vector<16xi32>, vector<16xi32> -> vector<16xi32>
        %add3A_1581 = arith.constant 48 : i32
        %add3A_1582 = vector.broadcast %add3A_1581 : i32 to vector<16xi32>
        %add3A_1583 = arith.addi %gather3A_1580, %add3A_1582 : vector<16xi32>
        %gather3A_1584 = tpu.vector_load_idx %arg7[%add3A_610, %add3A_1583] : memref<128x64xf32, #tpu.memory_space<vmem>>[vector<16xi32>, vector<16xi32>], vector<16xf32>,
        %mul3A_1585 = arith.constant 128 : i32
        %mul3A_1586 = vector.broadcast %mul3A_1585 : i32 to vector<16xi32>
        %mul3A_1587 = arith.muli %gather3A_1580, %mul3A_1586 : vector<16xi32>
        %add3A_1588 = arith.addi %mul3A_1587, %add3A_1454 : vector<16xi32>
        tpu.vector_store_idx %arg9[%add3A_1588], %gather3A_1584 : memref<8192xf32, #tpu.memory_space<vmem>>[vector<16xi32>], vector<16xf32>,
        %lt3A_1589 = arith.constant 0 : i32
        %lt3A_1590 = vector.broadcast %lt3A_1589 : i32 to vector<16xi32>
        %lt3A_1591 = arith.cmpi slt, %select_n3A_20, %lt3A_1590 : vector<16xi32>
        %add3A_1592 = arith.constant 16 : i32
        %add3A_1593 = vector.broadcast %add3A_1592 : i32 to vector<16xi32>
        %add3A_1594 = arith.addi %select_n3A_20, %add3A_1593 : vector<16xi32>
        %select_n3A_1595 = arith.select %lt3A_1591, %add3A_1594, %select_n3A_20 : vector<16xi1>, vector<16xi32>
        %broadcast_in_dim3A_1596 = vector.shape_cast %select_n3A_1595 : vector<16xi32> to vector<16x1xi32>
        %gather3A_1597 = vector.shape_cast %broadcast_in_dim3A_1596 : vector<16x1xi32> to vector<16xi32>
        %gather3A_1598 = tpu.dynamic_gather %gather3A_1580[%gather3A_1597] in [0] : vector<16xi32>, vector<16xi32> -> vector<16xi32>
        %add3A_1599 = arith.constant 48 : i32
        %add3A_1600 = vector.broadcast %add3A_1599 : i32 to vector<16xi32>
        %add3A_1601 = arith.addi %gather3A_1598, %add3A_1600 : vector<16xi32>
        %gather3A_1602 = tpu.vector_load_idx %arg7[%add3A_610, %add3A_1601] : memref<128x64xf32, #tpu.memory_space<vmem>>[vector<16xi32>, vector<16xi32>], vector<16xf32>,
        %mul3A_1603 = arith.constant 128 : i32
        %mul3A_1604 = vector.broadcast %mul3A_1603 : i32 to vector<16xi32>
        %mul3A_1605 = arith.muli %gather3A_1598, %mul3A_1604 : vector<16xi32>
        %add3A_1606 = arith.addi %mul3A_1605, %add3A_1454 : vector<16xi32>
        tpu.vector_store_idx %arg9[%add3A_1606], %gather3A_1602 : memref<8192xf32, #tpu.memory_space<vmem>>[vector<16xi32>], vector<16xf32>,
        %lt3A_1607 = arith.constant 0 : i32
        %lt3A_1608 = vector.broadcast %lt3A_1607 : i32 to vector<16xi32>
        %lt3A_1609 = arith.cmpi slt, %select_n3A_20, %lt3A_1608 : vector<16xi32>
        %add3A_1610 = arith.constant 16 : i32
        %add3A_1611 = vector.broadcast %add3A_1610 : i32 to vector<16xi32>
        %add3A_1612 = arith.addi %select_n3A_20, %add3A_1611 : vector<16xi32>
        %select_n3A_1613 = arith.select %lt3A_1609, %add3A_1612, %select_n3A_20 : vector<16xi1>, vector<16xi32>
        %broadcast_in_dim3A_1614 = vector.shape_cast %select_n3A_1613 : vector<16xi32> to vector<16x1xi32>
        %gather3A_1615 = vector.shape_cast %broadcast_in_dim3A_1614 : vector<16x1xi32> to vector<16xi32>
        %gather3A_1616 = tpu.dynamic_gather %gather3A_1598[%gather3A_1615] in [0] : vector<16xi32>, vector<16xi32> -> vector<16xi32>
        %add3A_1617 = arith.constant 48 : i32
        %add3A_1618 = vector.broadcast %add3A_1617 : i32 to vector<16xi32>
        %add3A_1619 = arith.addi %gather3A_1616, %add3A_1618 : vector<16xi32>
        %gather3A_1620 = tpu.vector_load_idx %arg7[%add3A_610, %add3A_1619] : memref<128x64xf32, #tpu.memory_space<vmem>>[vector<16xi32>, vector<16xi32>], vector<16xf32>,
        %mul3A_1621 = arith.constant 128 : i32
        %mul3A_1622 = vector.broadcast %mul3A_1621 : i32 to vector<16xi32>
        %mul3A_1623 = arith.muli %gather3A_1616, %mul3A_1622 : vector<16xi32>
        %add3A_1624 = arith.addi %mul3A_1623, %add3A_1454 : vector<16xi32>
        tpu.vector_store_idx %arg9[%add3A_1624], %gather3A_1620 : memref<8192xf32, #tpu.memory_space<vmem>>[vector<16xi32>], vector<16xf32>,
        %lt3A_1625 = arith.constant 0 : i32
        %lt3A_1626 = vector.broadcast %lt3A_1625 : i32 to vector<16xi32>
        %lt3A_1627 = arith.cmpi slt, %select_n3A_20, %lt3A_1626 : vector<16xi32>
        %add3A_1628 = arith.constant 16 : i32
        %add3A_1629 = vector.broadcast %add3A_1628 : i32 to vector<16xi32>
        %add3A_1630 = arith.addi %select_n3A_20, %add3A_1629 : vector<16xi32>
        %select_n3A_1631 = arith.select %lt3A_1627, %add3A_1630, %select_n3A_20 : vector<16xi1>, vector<16xi32>
        %broadcast_in_dim3A_1632 = vector.shape_cast %select_n3A_1631 : vector<16xi32> to vector<16x1xi32>
        %gather3A_1633 = vector.shape_cast %broadcast_in_dim3A_1632 : vector<16x1xi32> to vector<16xi32>
        %gather3A_1634 = tpu.dynamic_gather %gather3A_1616[%gather3A_1633] in [0] : vector<16xi32>, vector<16xi32> -> vector<16xi32>
        %add3A_1635 = arith.constant 48 : i32
        %add3A_1636 = vector.broadcast %add3A_1635 : i32 to vector<16xi32>
        %add3A_1637 = arith.addi %gather3A_1634, %add3A_1636 : vector<16xi32>
        %gather3A_1638 = tpu.vector_load_idx %arg7[%add3A_610, %add3A_1637] : memref<128x64xf32, #tpu.memory_space<vmem>>[vector<16xi32>, vector<16xi32>], vector<16xf32>,
        %mul3A_1639 = arith.constant 128 : i32
        %mul3A_1640 = vector.broadcast %mul3A_1639 : i32 to vector<16xi32>
        %mul3A_1641 = arith.muli %gather3A_1634, %mul3A_1640 : vector<16xi32>
        %add3A_1642 = arith.addi %mul3A_1641, %add3A_1454 : vector<16xi32>
        tpu.vector_store_idx %arg9[%add3A_1642], %gather3A_1638 : memref<8192xf32, #tpu.memory_space<vmem>>[vector<16xi32>], vector<16xf32>,
        %lt3A_1643 = arith.constant 0 : i32
        %lt3A_1644 = vector.broadcast %lt3A_1643 : i32 to vector<16xi32>
        %lt3A_1645 = arith.cmpi slt, %select_n3A_20, %lt3A_1644 : vector<16xi32>
        %add3A_1646 = arith.constant 16 : i32
        %add3A_1647 = vector.broadcast %add3A_1646 : i32 to vector<16xi32>
        %add3A_1648 = arith.addi %select_n3A_20, %add3A_1647 : vector<16xi32>
        %select_n3A_1649 = arith.select %lt3A_1645, %add3A_1648, %select_n3A_20 : vector<16xi1>, vector<16xi32>
        %broadcast_in_dim3A_1650 = vector.shape_cast %select_n3A_1649 : vector<16xi32> to vector<16x1xi32>
        %gather3A_1651 = vector.shape_cast %broadcast_in_dim3A_1650 : vector<16x1xi32> to vector<16xi32>
        %gather3A_1652 = tpu.dynamic_gather %gather3A_1634[%gather3A_1651] in [0] : vector<16xi32>, vector<16xi32> -> vector<16xi32>
        %add3A_1653 = arith.constant 48 : i32
        %add3A_1654 = vector.broadcast %add3A_1653 : i32 to vector<16xi32>
        %add3A_1655 = arith.addi %gather3A_1652, %add3A_1654 : vector<16xi32>
        %gather3A_1656 = tpu.vector_load_idx %arg7[%add3A_610, %add3A_1655] : memref<128x64xf32, #tpu.memory_space<vmem>>[vector<16xi32>, vector<16xi32>], vector<16xf32>,
        %mul3A_1657 = arith.constant 128 : i32
        %mul3A_1658 = vector.broadcast %mul3A_1657 : i32 to vector<16xi32>
        %mul3A_1659 = arith.muli %gather3A_1652, %mul3A_1658 : vector<16xi32>
        %add3A_1660 = arith.addi %mul3A_1659, %add3A_1454 : vector<16xi32>
        tpu.vector_store_idx %arg9[%add3A_1660], %gather3A_1656 : memref<8192xf32, #tpu.memory_space<vmem>>[vector<16xi32>], vector<16xf32>,
        %lt3A_1661 = arith.constant 0 : i32
        %lt3A_1662 = vector.broadcast %lt3A_1661 : i32 to vector<16xi32>
        %lt3A_1663 = arith.cmpi slt, %select_n3A_20, %lt3A_1662 : vector<16xi32>
        %add3A_1664 = arith.constant 16 : i32
        %add3A_1665 = vector.broadcast %add3A_1664 : i32 to vector<16xi32>
        %add3A_1666 = arith.addi %select_n3A_20, %add3A_1665 : vector<16xi32>
        %select_n3A_1667 = arith.select %lt3A_1663, %add3A_1666, %select_n3A_20 : vector<16xi1>, vector<16xi32>
        %broadcast_in_dim3A_1668 = vector.shape_cast %select_n3A_1667 : vector<16xi32> to vector<16x1xi32>
        %gather3A_1669 = vector.shape_cast %broadcast_in_dim3A_1668 : vector<16x1xi32> to vector<16xi32>
        %gather3A_1670 = tpu.dynamic_gather %gather3A_1652[%gather3A_1669] in [0] : vector<16xi32>, vector<16xi32> -> vector<16xi32>
        %add3A_1671 = arith.constant 48 : i32
        %add3A_1672 = vector.broadcast %add3A_1671 : i32 to vector<16xi32>
        %add3A_1673 = arith.addi %gather3A_1670, %add3A_1672 : vector<16xi32>
        %gather3A_1674 = tpu.vector_load_idx %arg7[%add3A_610, %add3A_1673] : memref<128x64xf32, #tpu.memory_space<vmem>>[vector<16xi32>, vector<16xi32>], vector<16xf32>,
        %mul3A_1675 = arith.constant 128 : i32
        %mul3A_1676 = vector.broadcast %mul3A_1675 : i32 to vector<16xi32>
        %mul3A_1677 = arith.muli %gather3A_1670, %mul3A_1676 : vector<16xi32>
        %add3A_1678 = arith.addi %mul3A_1677, %add3A_1454 : vector<16xi32>
        tpu.vector_store_idx %arg9[%add3A_1678], %gather3A_1674 : memref<8192xf32, #tpu.memory_space<vmem>>[vector<16xi32>], vector<16xf32>,
        %lt3A_1679 = arith.constant 0 : i32
        %lt3A_1680 = vector.broadcast %lt3A_1679 : i32 to vector<16xi32>
        %lt3A_1681 = arith.cmpi slt, %select_n3A_20, %lt3A_1680 : vector<16xi32>
        %add3A_1682 = arith.constant 16 : i32
        %add3A_1683 = vector.broadcast %add3A_1682 : i32 to vector<16xi32>
        %add3A_1684 = arith.addi %select_n3A_20, %add3A_1683 : vector<16xi32>
        %select_n3A_1685 = arith.select %lt3A_1681, %add3A_1684, %select_n3A_20 : vector<16xi1>, vector<16xi32>
        %broadcast_in_dim3A_1686 = vector.shape_cast %select_n3A_1685 : vector<16xi32> to vector<16x1xi32>
        %gather3A_1687 = vector.shape_cast %broadcast_in_dim3A_1686 : vector<16x1xi32> to vector<16xi32>
        %gather3A_1688 = tpu.dynamic_gather %gather3A_1670[%gather3A_1687] in [0] : vector<16xi32>, vector<16xi32> -> vector<16xi32>
        %add3A_1689 = arith.constant 48 : i32
        %add3A_1690 = vector.broadcast %add3A_1689 : i32 to vector<16xi32>
        %add3A_1691 = arith.addi %gather3A_1688, %add3A_1690 : vector<16xi32>
        %gather3A_1692 = tpu.vector_load_idx %arg7[%add3A_610, %add3A_1691] : memref<128x64xf32, #tpu.memory_space<vmem>>[vector<16xi32>, vector<16xi32>], vector<16xf32>,
        %mul3A_1693 = arith.constant 128 : i32
        %mul3A_1694 = vector.broadcast %mul3A_1693 : i32 to vector<16xi32>
        %mul3A_1695 = arith.muli %gather3A_1688, %mul3A_1694 : vector<16xi32>
        %add3A_1696 = arith.addi %mul3A_1695, %add3A_1454 : vector<16xi32>
        tpu.vector_store_idx %arg9[%add3A_1696], %gather3A_1692 : memref<8192xf32, #tpu.memory_space<vmem>>[vector<16xi32>], vector<16xf32>,
        %lt3A_1697 = arith.constant 0 : i32
        %lt3A_1698 = vector.broadcast %lt3A_1697 : i32 to vector<16xi32>
        %lt3A_1699 = arith.cmpi slt, %select_n3A_20, %lt3A_1698 : vector<16xi32>
        %add3A_1700 = arith.constant 16 : i32
        %add3A_1701 = vector.broadcast %add3A_1700 : i32 to vector<16xi32>
        %add3A_1702 = arith.addi %select_n3A_20, %add3A_1701 : vector<16xi32>
        %select_n3A_1703 = arith.select %lt3A_1699, %add3A_1702, %select_n3A_20 : vector<16xi1>, vector<16xi32>
        %broadcast_in_dim3A_1704 = vector.shape_cast %select_n3A_1703 : vector<16xi32> to vector<16x1xi32>
        %gather3A_1705 = vector.shape_cast %broadcast_in_dim3A_1704 : vector<16x1xi32> to vector<16xi32>
        %gather3A_1706 = tpu.dynamic_gather %gather3A_1688[%gather3A_1705] in [0] : vector<16xi32>, vector<16xi32> -> vector<16xi32>
        %add3A_1707 = arith.constant 48 : i32
        %add3A_1708 = vector.broadcast %add3A_1707 : i32 to vector<16xi32>
        %add3A_1709 = arith.addi %gather3A_1706, %add3A_1708 : vector<16xi32>
        %gather3A_1710 = tpu.vector_load_idx %arg7[%add3A_610, %add3A_1709] : memref<128x64xf32, #tpu.memory_space<vmem>>[vector<16xi32>, vector<16xi32>], vector<16xf32>,
        %mul3A_1711 = arith.constant 128 : i32
        %mul3A_1712 = vector.broadcast %mul3A_1711 : i32 to vector<16xi32>
        %mul3A_1713 = arith.muli %gather3A_1706, %mul3A_1712 : vector<16xi32>
        %add3A_1714 = arith.addi %mul3A_1713, %add3A_1454 : vector<16xi32>
        tpu.vector_store_idx %arg9[%add3A_1714], %gather3A_1710 : memref<8192xf32, #tpu.memory_space<vmem>>[vector<16xi32>], vector<16xf32>,
        %lt3A_1715 = arith.constant 0 : i32
        %lt3A_1716 = vector.broadcast %lt3A_1715 : i32 to vector<16xi32>
        %lt3A_1717 = arith.cmpi slt, %select_n3A_20, %lt3A_1716 : vector<16xi32>
        %add3A_1718 = arith.constant 16 : i32
        %add3A_1719 = vector.broadcast %add3A_1718 : i32 to vector<16xi32>
        %add3A_1720 = arith.addi %select_n3A_20, %add3A_1719 : vector<16xi32>
        %select_n3A_1721 = arith.select %lt3A_1717, %add3A_1720, %select_n3A_20 : vector<16xi1>, vector<16xi32>
        %broadcast_in_dim3A_1722 = vector.shape_cast %select_n3A_1721 : vector<16xi32> to vector<16x1xi32>
        %gather3A_1723 = vector.shape_cast %broadcast_in_dim3A_1722 : vector<16x1xi32> to vector<16xi32>
        %gather3A_1724 = tpu.dynamic_gather %gather3A_1706[%gather3A_1723] in [0] : vector<16xi32>, vector<16xi32> -> vector<16xi32>
        %add3A_1725 = arith.constant 48 : i32
        %add3A_1726 = vector.broadcast %add3A_1725 : i32 to vector<16xi32>
        %add3A_1727 = arith.addi %gather3A_1724, %add3A_1726 : vector<16xi32>
        %gather3A_1728 = tpu.vector_load_idx %arg7[%add3A_610, %add3A_1727] : memref<128x64xf32, #tpu.memory_space<vmem>>[vector<16xi32>, vector<16xi32>], vector<16xf32>,
        %mul3A_1729 = arith.constant 128 : i32
        %mul3A_1730 = vector.broadcast %mul3A_1729 : i32 to vector<16xi32>
        %mul3A_1731 = arith.muli %gather3A_1724, %mul3A_1730 : vector<16xi32>
        %add3A_1732 = arith.addi %mul3A_1731, %add3A_1454 : vector<16xi32>
        tpu.vector_store_idx %arg9[%add3A_1732], %gather3A_1728 : memref<8192xf32, #tpu.memory_space<vmem>>[vector<16xi32>], vector<16xf32>,
        %scan3A_1733 = arith.constant 0 : i32
        scf.yield %scan3A_1733 : i32
      }
      %scan3A_515 = arith.constant 8 : i32
      %dma_start3A_516 = arith.constant 0 : i32
      %dma_start3A_517 = arith.constant 0 : i32
      %dma_start3A_518 = tpu.memref_slice %arg9[%dma_start3A_517] : memref<8192xf32, #tpu.memory_space<vmem>> -> memref<1024xf32, #tpu.memory_space<vmem>>
      %dma_start3A_519 = arith.constant 0 : i32
      %dma_start3A_520 = tpu.memref_slice %arg4[%select_n3A_474, %dma_start3A_516, %select_n3A_490, %dma_start3A_519] : memref<50x8x128x1024xf32, #tpu.memory_space<hbm>> -> memref<1x1x1x1024xf32, #tpu.memory_space<hbm>>
      %dma_start3A_521 = tpu.memref_squeeze %dma_start3A_520 : memref<1x1x1x1024xf32, #tpu.memory_space<hbm>> -> memref<1024xf32, #tpu.memory_space<hbm>>
      %dma_start3A_522 = arith.constant 0 : i32
      %dma_start3A_523 = tpu.memref_slice %arg4[%select_n3A_474, %dma_start3A_516, %select_n3A_490, %dma_start3A_522] : memref<50x8x128x1024xf32, #tpu.memory_space<hbm>> -> memref<1x1x1x1024xf32, #tpu.memory_space<hbm>>
      %dma_start3A_524 = tpu.memref_squeeze %dma_start3A_523 : memref<1x1x1x1024xf32, #tpu.memory_space<hbm>> -> memref<1024xf32, #tpu.memory_space<hbm>>
      %dma_start3A_525 = arith.constant 0 : i32
      %dma_start3A_526 = tpu.memref_slice %arg9[%dma_start3A_525] : memref<8192xf32, #tpu.memory_space<vmem>> -> memref<1024xf32, #tpu.memory_space<vmem>>
      tpu.enqueue_dma source(%dma_start3A_526 : memref<1024xf32, #tpu.memory_space<vmem>>) target(%dma_start3A_524 : memref<1024xf32, #tpu.memory_space<hbm>>) target_semaphore(%arg13 : memref<!tpu.dma_semaphore, #tpu.memory_space<semaphore_mem>>)
      %dma_start3A_527 = arith.constant 1 : i32
      %dma_start3A_528 = arith.constant 1024 : i32
      %dma_start3A_529 = tpu.memref_slice %arg9[%dma_start3A_528] : memref<8192xf32, #tpu.memory_space<vmem>> -> memref<1024xf32, #tpu.memory_space<vmem>>
      %dma_start3A_530 = arith.constant 0 : i32
      %dma_start3A_531 = tpu.memref_slice %arg4[%select_n3A_474, %dma_start3A_527, %select_n3A_490, %dma_start3A_530] : memref<50x8x128x1024xf32, #tpu.memory_space<hbm>> -> memref<1x1x1x1024xf32, #tpu.memory_space<hbm>>
      %dma_start3A_532 = tpu.memref_squeeze %dma_start3A_531 : memref<1x1x1x1024xf32, #tpu.memory_space<hbm>> -> memref<1024xf32, #tpu.memory_space<hbm>>
      %dma_start3A_533 = arith.constant 0 : i32
      %dma_start3A_534 = tpu.memref_slice %arg4[%select_n3A_474, %dma_start3A_527, %select_n3A_490, %dma_start3A_533] : memref<50x8x128x1024xf32, #tpu.memory_space<hbm>> -> memref<1x1x1x1024xf32, #tpu.memory_space<hbm>>
      %dma_start3A_535 = tpu.memref_squeeze %dma_start3A_534 : memref<1x1x1x1024xf32, #tpu.memory_space<hbm>> -> memref<1024xf32, #tpu.memory_space<hbm>>
      %dma_start3A_536 = arith.constant 1024 : i32
      %dma_start3A_537 = tpu.memref_slice %arg9[%dma_start3A_536] : memref<8192xf32, #tpu.memory_space<vmem>> -> memref<1024xf32, #tpu.memory_space<vmem>>
      tpu.enqueue_dma source(%dma_start3A_537 : memref<1024xf32, #tpu.memory_space<vmem>>) target(%dma_start3A_535 : memref<1024xf32, #tpu.memory_space<hbm>>) target_semaphore(%arg13 : memref<!tpu.dma_semaphore, #tpu.memory_space<semaphore_mem>>)
      %dma_start3A_538 = arith.constant 2 : i32
      %dma_start3A_539 = arith.constant 2048 : i32
      %dma_start3A_540 = tpu.memref_slice %arg9[%dma_start3A_539] : memref<8192xf32, #tpu.memory_space<vmem>> -> memref<1024xf32, #tpu.memory_space<vmem>>
      %dma_start3A_541 = arith.constant 0 : i32
      %dma_start3A_542 = tpu.memref_slice %arg4[%select_n3A_474, %dma_start3A_538, %select_n3A_490, %dma_start3A_541] : memref<50x8x128x1024xf32, #tpu.memory_space<hbm>> -> memref<1x1x1x1024xf32, #tpu.memory_space<hbm>>
      %dma_start3A_543 = tpu.memref_squeeze %dma_start3A_542 : memref<1x1x1x1024xf32, #tpu.memory_space<hbm>> -> memref<1024xf32, #tpu.memory_space<hbm>>
      %dma_start3A_544 = arith.constant 0 : i32
      %dma_start3A_545 = tpu.memref_slice %arg4[%select_n3A_474, %dma_start3A_538, %select_n3A_490, %dma_start3A_544] : memref<50x8x128x1024xf32, #tpu.memory_space<hbm>> -> memref<1x1x1x1024xf32, #tpu.memory_space<hbm>>
      %dma_start3A_546 = tpu.memref_squeeze %dma_start3A_545 : memref<1x1x1x1024xf32, #tpu.memory_space<hbm>> -> memref<1024xf32, #tpu.memory_space<hbm>>
      %dma_start3A_547 = arith.constant 2048 : i32
      %dma_start3A_548 = tpu.memref_slice %arg9[%dma_start3A_547] : memref<8192xf32, #tpu.memory_space<vmem>> -> memref<1024xf32, #tpu.memory_space<vmem>>
      tpu.enqueue_dma source(%dma_start3A_548 : memref<1024xf32, #tpu.memory_space<vmem>>) target(%dma_start3A_546 : memref<1024xf32, #tpu.memory_space<hbm>>) target_semaphore(%arg13 : memref<!tpu.dma_semaphore, #tpu.memory_space<semaphore_mem>>)
      %dma_start3A_549 = arith.constant 3 : i32
      %dma_start3A_550 = arith.constant 3072 : i32
      %dma_start3A_551 = tpu.memref_slice %arg9[%dma_start3A_550] : memref<8192xf32, #tpu.memory_space<vmem>> -> memref<1024xf32, #tpu.memory_space<vmem>>
      %dma_start3A_552 = arith.constant 0 : i32
      %dma_start3A_553 = tpu.memref_slice %arg4[%select_n3A_474, %dma_start3A_549, %select_n3A_490, %dma_start3A_552] : memref<50x8x128x1024xf32, #tpu.memory_space<hbm>> -> memref<1x1x1x1024xf32, #tpu.memory_space<hbm>>
      %dma_start3A_554 = tpu.memref_squeeze %dma_start3A_553 : memref<1x1x1x1024xf32, #tpu.memory_space<hbm>> -> memref<1024xf32, #tpu.memory_space<hbm>>
      %dma_start3A_555 = arith.constant 0 : i32
      %dma_start3A_556 = tpu.memref_slice %arg4[%select_n3A_474, %dma_start3A_549, %select_n3A_490, %dma_start3A_555] : memref<50x8x128x1024xf32, #tpu.memory_space<hbm>> -> memref<1x1x1x1024xf32, #tpu.memory_space<hbm>>
      %dma_start3A_557 = tpu.memref_squeeze %dma_start3A_556 : memref<1x1x1x1024xf32, #tpu.memory_space<hbm>> -> memref<1024xf32, #tpu.memory_space<hbm>>
      %dma_start3A_558 = arith.constant 3072 : i32
      %dma_start3A_559 = tpu.memref_slice %arg9[%dma_start3A_558] : memref<8192xf32, #tpu.memory_space<vmem>> -> memref<1024xf32, #tpu.memory_space<vmem>>
      tpu.enqueue_dma source(%dma_start3A_559 : memref<1024xf32, #tpu.memory_space<vmem>>) target(%dma_start3A_557 : memref<1024xf32, #tpu.memory_space<hbm>>) target_semaphore(%arg13 : memref<!tpu.dma_semaphore, #tpu.memory_space<semaphore_mem>>)
      %dma_start3A_560 = arith.constant 4 : i32
      %dma_start3A_561 = arith.constant 4096 : i32
      %dma_start3A_562 = tpu.memref_slice %arg9[%dma_start3A_561] : memref<8192xf32, #tpu.memory_space<vmem>> -> memref<1024xf32, #tpu.memory_space<vmem>>
      %dma_start3A_563 = arith.constant 0 : i32
      %dma_start3A_564 = tpu.memref_slice %arg4[%select_n3A_474, %dma_start3A_560, %select_n3A_490, %dma_start3A_563] : memref<50x8x128x1024xf32, #tpu.memory_space<hbm>> -> memref<1x1x1x1024xf32, #tpu.memory_space<hbm>>
      %dma_start3A_565 = tpu.memref_squeeze %dma_start3A_564 : memref<1x1x1x1024xf32, #tpu.memory_space<hbm>> -> memref<1024xf32, #tpu.memory_space<hbm>>
      %dma_start3A_566 = arith.constant 0 : i32
      %dma_start3A_567 = tpu.memref_slice %arg4[%select_n3A_474, %dma_start3A_560, %select_n3A_490, %dma_start3A_566] : memref<50x8x128x1024xf32, #tpu.memory_space<hbm>> -> memref<1x1x1x1024xf32, #tpu.memory_space<hbm>>
      %dma_start3A_568 = tpu.memref_squeeze %dma_start3A_567 : memref<1x1x1x1024xf32, #tpu.memory_space<hbm>> -> memref<1024xf32, #tpu.memory_space<hbm>>
      %dma_start3A_569 = arith.constant 4096 : i32
      %dma_start3A_570 = tpu.memref_slice %arg9[%dma_start3A_569] : memref<8192xf32, #tpu.memory_space<vmem>> -> memref<1024xf32, #tpu.memory_space<vmem>>
      tpu.enqueue_dma source(%dma_start3A_570 : memref<1024xf32, #tpu.memory_space<vmem>>) target(%dma_start3A_568 : memref<1024xf32, #tpu.memory_space<hbm>>) target_semaphore(%arg13 : memref<!tpu.dma_semaphore, #tpu.memory_space<semaphore_mem>>)
      %dma_start3A_571 = arith.constant 5 : i32
      %dma_start3A_572 = arith.constant 5120 : i32
      %dma_start3A_573 = tpu.memref_slice %arg9[%dma_start3A_572] : memref<8192xf32, #tpu.memory_space<vmem>> -> memref<1024xf32, #tpu.memory_space<vmem>>
      %dma_start3A_574 = arith.constant 0 : i32
      %dma_start3A_575 = tpu.memref_slice %arg4[%select_n3A_474, %dma_start3A_571, %select_n3A_490, %dma_start3A_574] : memref<50x8x128x1024xf32, #tpu.memory_space<hbm>> -> memref<1x1x1x1024xf32, #tpu.memory_space<hbm>>
      %dma_start3A_576 = tpu.memref_squeeze %dma_start3A_575 : memref<1x1x1x1024xf32, #tpu.memory_space<hbm>> -> memref<1024xf32, #tpu.memory_space<hbm>>
      %dma_start3A_577 = arith.constant 0 : i32
      %dma_start3A_578 = tpu.memref_slice %arg4[%select_n3A_474, %dma_start3A_571, %select_n3A_490, %dma_start3A_577] : memref<50x8x128x1024xf32, #tpu.memory_space<hbm>> -> memref<1x1x1x1024xf32, #tpu.memory_space<hbm>>
      %dma_start3A_579 = tpu.memref_squeeze %dma_start3A_578 : memref<1x1x1x1024xf32, #tpu.memory_space<hbm>> -> memref<1024xf32, #tpu.memory_space<hbm>>
      %dma_start3A_580 = arith.constant 5120 : i32
      %dma_start3A_581 = tpu.memref_slice %arg9[%dma_start3A_580] : memref<8192xf32, #tpu.memory_space<vmem>> -> memref<1024xf32, #tpu.memory_space<vmem>>
      tpu.enqueue_dma source(%dma_start3A_581 : memref<1024xf32, #tpu.memory_space<vmem>>) target(%dma_start3A_579 : memref<1024xf32, #tpu.memory_space<hbm>>) target_semaphore(%arg13 : memref<!tpu.dma_semaphore, #tpu.memory_space<semaphore_mem>>)
      %dma_start3A_582 = arith.constant 6 : i32
      %dma_start3A_583 = arith.constant 6144 : i32
      %dma_start3A_584 = tpu.memref_slice %arg9[%dma_start3A_583] : memref<8192xf32, #tpu.memory_space<vmem>> -> memref<1024xf32, #tpu.memory_space<vmem>>
      %dma_start3A_585 = arith.constant 0 : i32
      %dma_start3A_586 = tpu.memref_slice %arg4[%select_n3A_474, %dma_start3A_582, %select_n3A_490, %dma_start3A_585] : memref<50x8x128x1024xf32, #tpu.memory_space<hbm>> -> memref<1x1x1x1024xf32, #tpu.memory_space<hbm>>
      %dma_start3A_587 = tpu.memref_squeeze %dma_start3A_586 : memref<1x1x1x1024xf32, #tpu.memory_space<hbm>> -> memref<1024xf32, #tpu.memory_space<hbm>>
      %dma_start3A_588 = arith.constant 0 : i32
      %dma_start3A_589 = tpu.memref_slice %arg4[%select_n3A_474, %dma_start3A_582, %select_n3A_490, %dma_start3A_588] : memref<50x8x128x1024xf32, #tpu.memory_space<hbm>> -> memref<1x1x1x1024xf32, #tpu.memory_space<hbm>>
      %dma_start3A_590 = tpu.memref_squeeze %dma_start3A_589 : memref<1x1x1x1024xf32, #tpu.memory_space<hbm>> -> memref<1024xf32, #tpu.memory_space<hbm>>
      %dma_start3A_591 = arith.constant 6144 : i32
      %dma_start3A_592 = tpu.memref_slice %arg9[%dma_start3A_591] : memref<8192xf32, #tpu.memory_space<vmem>> -> memref<1024xf32, #tpu.memory_space<vmem>>
      tpu.enqueue_dma source(%dma_start3A_592 : memref<1024xf32, #tpu.memory_space<vmem>>) target(%dma_start3A_590 : memref<1024xf32, #tpu.memory_space<hbm>>) target_semaphore(%arg13 : memref<!tpu.dma_semaphore, #tpu.memory_space<semaphore_mem>>)
      %dma_start3A_593 = arith.constant 7 : i32
      %dma_start3A_594 = arith.constant 7168 : i32
      %dma_start3A_595 = tpu.memref_slice %arg9[%dma_start3A_594] : memref<8192xf32, #tpu.memory_space<vmem>> -> memref<1024xf32, #tpu.memory_space<vmem>>
      %dma_start3A_596 = arith.constant 0 : i32
      %dma_start3A_597 = tpu.memref_slice %arg4[%select_n3A_474, %dma_start3A_593, %select_n3A_490, %dma_start3A_596] : memref<50x8x128x1024xf32, #tpu.memory_space<hbm>> -> memref<1x1x1x1024xf32, #tpu.memory_space<hbm>>
      %dma_start3A_598 = tpu.memref_squeeze %dma_start3A_597 : memref<1x1x1x1024xf32, #tpu.memory_space<hbm>> -> memref<1024xf32, #tpu.memory_space<hbm>>
      %dma_start3A_599 = arith.constant 0 : i32
      %dma_start3A_600 = tpu.memref_slice %arg4[%select_n3A_474, %dma_start3A_593, %select_n3A_490, %dma_start3A_599] : memref<50x8x128x1024xf32, #tpu.memory_space<hbm>> -> memref<1x1x1x1024xf32, #tpu.memory_space<hbm>>
      %dma_start3A_601 = tpu.memref_squeeze %dma_start3A_600 : memref<1x1x1x1024xf32, #tpu.memory_space<hbm>> -> memref<1024xf32, #tpu.memory_space<hbm>>
      %dma_start3A_602 = arith.constant 7168 : i32
      %dma_start3A_603 = tpu.memref_slice %arg9[%dma_start3A_602] : memref<8192xf32, #tpu.memory_space<vmem>> -> memref<1024xf32, #tpu.memory_space<vmem>>
      tpu.enqueue_dma source(%dma_start3A_603 : memref<1024xf32, #tpu.memory_space<vmem>>) target(%dma_start3A_601 : memref<1024xf32, #tpu.memory_space<hbm>>) target_semaphore(%arg13 : memref<!tpu.dma_semaphore, #tpu.memory_space<semaphore_mem>>)
      %scan3A_604 = arith.constant 0 : i32
      scf.yield %scan3A_604 : i32
    }
    %scan3A_32 = arith.constant 100 : i32
    %add3A_33 = arith.constant 198 : i32
    %add3A_34 = arith.addi %mul3A_2, %add3A_33 : i32
    %jit3A_35 = arith.constant 128 : i32
    %div3A = arith.divsi %add3A_34, %jit3A_35 : i32
    %sign3A = arith.constant 0 : i32
    %sign3A_36 = arith.cmpi sgt, %add3A_34, %sign3A : i32
    %sign3A_37 = arith.extui %sign3A_36 : i1 to i32
    %sign3A_38 = arith.constant 0 : i32
    %sign3A_39 = arith.cmpi slt, %add3A_34, %sign3A_38 : i32
    %sign3A_40 = arith.extui %sign3A_39 : i1 to i32
    %sign3A_41 = arith.subi %sign3A_37, %sign3A_40 : i32
    %sign3A_42 = arith.constant 0 : i32
    %sign3A_43 = arith.cmpi sgt, %jit3A_35, %sign3A_42 : i32
    %sign3A_44 = arith.extui %sign3A_43 : i1 to i32
    %sign3A_45 = arith.constant 0 : i32
    %sign3A_46 = arith.cmpi slt, %jit3A_35, %sign3A_45 : i32
    %sign3A_47 = arith.extui %sign3A_46 : i1 to i32
    %sign3A_48 = arith.subi %sign3A_44, %sign3A_47 : i32
    %ne3A_49 = arith.cmpi ne, %sign3A_41, %sign3A_48 : i32
    %rem3A_50 = arith.remsi %add3A_34, %jit3A_35 : i32
    %ne3A_51 = arith.constant 0 : i32
    %ne3A_52 = arith.cmpi ne, %rem3A_50, %ne3A_51 : i32
    %and3A_53 = arith.andi %ne3A_49, %ne3A_52 : i1
    %sub3A = arith.constant 1 : i32
    %sub3A_54 = arith.subi %div3A, %sub3A : i32
    %select_n3A_55 = arith.select %and3A_53, %sub3A_54, %div3A : i32
    %jit3A_56 = arith.constant 128 : i32
    %eq3A_57 = arith.constant 0 : i32
    %eq3A_58 = arith.cmpi eq, %jit3A_56, %eq3A_57 : i32
    %jit3A_59 = arith.constant 1 : i32
    %select_n3A_60 = arith.select %eq3A_58, %jit3A_59, %jit3A_56 : i32
    %rem3A_61 = arith.remsi %add3A_34, %select_n3A_60 : i32
    %ne3A_62 = arith.constant 0 : i32
    %ne3A_63 = arith.cmpi ne, %rem3A_61, %ne3A_62 : i32
    %lt3A_64 = arith.constant 0 : i32
    %lt3A_65 = arith.cmpi slt, %rem3A_61, %lt3A_64 : i32
    %lt3A_66 = arith.constant 0 : i32
    %lt3A_67 = arith.cmpi slt, %select_n3A_60, %lt3A_66 : i32
    %ne3A_68 = arith.xori %lt3A_65, %lt3A_67 : i1
    %and3A_69 = arith.andi %ne3A_68, %ne3A_63 : i1
    %add3A_70 = arith.addi %rem3A_61, %select_n3A_60 : i32
    %select_n3A_71 = arith.select %and3A_69, %add3A_70, %rem3A_61 : i32
    %dma_wait3A = arith.constant 0 : i32
    %dma_wait3A_72 = arith.constant 0 : i32
    %dma_wait3A_73 = tpu.memref_slice %arg8[%dma_wait3A_72] : memref<8192xf32, #tpu.memory_space<vmem>> -> memref<1024xf32, #tpu.memory_space<vmem>>
    %dma_wait3A_74 = arith.constant 0 : i32
    %dma_wait3A_75 = tpu.memref_slice %arg4[%select_n3A_55, %dma_wait3A, %select_n3A_71, %dma_wait3A_74] : memref<50x8x128x1024xf32, #tpu.memory_space<hbm>> -> memref<1x1x1x1024xf32, #tpu.memory_space<hbm>>
    %dma_wait3A_76 = tpu.memref_squeeze %dma_wait3A_75 : memref<1x1x1x1024xf32, #tpu.memory_space<hbm>> -> memref<1024xf32, #tpu.memory_space<hbm>>
    %dma_wait3A_77 = arith.constant 0 : i32
    %dma_wait3A_78 = tpu.memref_slice %arg4[%select_n3A_55, %dma_wait3A, %select_n3A_71, %dma_wait3A_77] : memref<50x8x128x1024xf32, #tpu.memory_space<hbm>> -> memref<1x1x1x1024xf32, #tpu.memory_space<hbm>>
    %dma_wait3A_79 = tpu.memref_squeeze %dma_wait3A_78 : memref<1x1x1x1024xf32, #tpu.memory_space<hbm>> -> memref<1024xf32, #tpu.memory_space<hbm>>
    %dma_wait3A_80 = arith.constant 0 : i32
    %dma_wait3A_81 = tpu.memref_slice %arg8[%dma_wait3A_80] : memref<8192xf32, #tpu.memory_space<vmem>> -> memref<1024xf32, #tpu.memory_space<vmem>>
    tpu.wait_dma2 semaphore(%arg12 : memref<!tpu.dma_semaphore, #tpu.memory_space<semaphore_mem>>) src(%dma_wait3A_81 : memref<1024xf32, #tpu.memory_space<vmem>>) dst(%dma_wait3A_79 : memref<1024xf32, #tpu.memory_space<hbm>>)
    %dma_wait3A_82 = arith.constant 1 : i32
    %dma_wait3A_83 = arith.constant 1024 : i32
    %dma_wait3A_84 = tpu.memref_slice %arg8[%dma_wait3A_83] : memref<8192xf32, #tpu.memory_space<vmem>> -> memref<1024xf32, #tpu.memory_space<vmem>>
    %dma_wait3A_85 = arith.constant 0 : i32
    %dma_wait3A_86 = tpu.memref_slice %arg4[%select_n3A_55, %dma_wait3A_82, %select_n3A_71, %dma_wait3A_85] : memref<50x8x128x1024xf32, #tpu.memory_space<hbm>> -> memref<1x1x1x1024xf32, #tpu.memory_space<hbm>>
    %dma_wait3A_87 = tpu.memref_squeeze %dma_wait3A_86 : memref<1x1x1x1024xf32, #tpu.memory_space<hbm>> -> memref<1024xf32, #tpu.memory_space<hbm>>
    %dma_wait3A_88 = arith.constant 0 : i32
    %dma_wait3A_89 = tpu.memref_slice %arg4[%select_n3A_55, %dma_wait3A_82, %select_n3A_71, %dma_wait3A_88] : memref<50x8x128x1024xf32, #tpu.memory_space<hbm>> -> memref<1x1x1x1024xf32, #tpu.memory_space<hbm>>
    %dma_wait3A_90 = tpu.memref_squeeze %dma_wait3A_89 : memref<1x1x1x1024xf32, #tpu.memory_space<hbm>> -> memref<1024xf32, #tpu.memory_space<hbm>>
    %dma_wait3A_91 = arith.constant 1024 : i32
    %dma_wait3A_92 = tpu.memref_slice %arg8[%dma_wait3A_91] : memref<8192xf32, #tpu.memory_space<vmem>> -> memref<1024xf32, #tpu.memory_space<vmem>>
    tpu.wait_dma2 semaphore(%arg12 : memref<!tpu.dma_semaphore, #tpu.memory_space<semaphore_mem>>) src(%dma_wait3A_92 : memref<1024xf32, #tpu.memory_space<vmem>>) dst(%dma_wait3A_90 : memref<1024xf32, #tpu.memory_space<hbm>>)
    %dma_wait3A_93 = arith.constant 2 : i32
    %dma_wait3A_94 = arith.constant 2048 : i32
    %dma_wait3A_95 = tpu.memref_slice %arg8[%dma_wait3A_94] : memref<8192xf32, #tpu.memory_space<vmem>> -> memref<1024xf32, #tpu.memory_space<vmem>>
    %dma_wait3A_96 = arith.constant 0 : i32
    %dma_wait3A_97 = tpu.memref_slice %arg4[%select_n3A_55, %dma_wait3A_93, %select_n3A_71, %dma_wait3A_96] : memref<50x8x128x1024xf32, #tpu.memory_space<hbm>> -> memref<1x1x1x1024xf32, #tpu.memory_space<hbm>>
    %dma_wait3A_98 = tpu.memref_squeeze %dma_wait3A_97 : memref<1x1x1x1024xf32, #tpu.memory_space<hbm>> -> memref<1024xf32, #tpu.memory_space<hbm>>
    %dma_wait3A_99 = arith.constant 0 : i32
    %dma_wait3A_100 = tpu.memref_slice %arg4[%select_n3A_55, %dma_wait3A_93, %select_n3A_71, %dma_wait3A_99] : memref<50x8x128x1024xf32, #tpu.memory_space<hbm>> -> memref<1x1x1x1024xf32, #tpu.memory_space<hbm>>
    %dma_wait3A_101 = tpu.memref_squeeze %dma_wait3A_100 : memref<1x1x1x1024xf32, #tpu.memory_space<hbm>> -> memref<1024xf32, #tpu.memory_space<hbm>>
    %dma_wait3A_102 = arith.constant 2048 : i32
    %dma_wait3A_103 = tpu.memref_slice %arg8[%dma_wait3A_102] : memref<8192xf32, #tpu.memory_space<vmem>> -> memref<1024xf32, #tpu.memory_space<vmem>>
    tpu.wait_dma2 semaphore(%arg12 : memref<!tpu.dma_semaphore, #tpu.memory_space<semaphore_mem>>) src(%dma_wait3A_103 : memref<1024xf32, #tpu.memory_space<vmem>>) dst(%dma_wait3A_101 : memref<1024xf32, #tpu.memory_space<hbm>>)
    %dma_wait3A_104 = arith.constant 3 : i32
    %dma_wait3A_105 = arith.constant 3072 : i32
    %dma_wait3A_106 = tpu.memref_slice %arg8[%dma_wait3A_105] : memref<8192xf32, #tpu.memory_space<vmem>> -> memref<1024xf32, #tpu.memory_space<vmem>>
    %dma_wait3A_107 = arith.constant 0 : i32
    %dma_wait3A_108 = tpu.memref_slice %arg4[%select_n3A_55, %dma_wait3A_104, %select_n3A_71, %dma_wait3A_107] : memref<50x8x128x1024xf32, #tpu.memory_space<hbm>> -> memref<1x1x1x1024xf32, #tpu.memory_space<hbm>>
    %dma_wait3A_109 = tpu.memref_squeeze %dma_wait3A_108 : memref<1x1x1x1024xf32, #tpu.memory_space<hbm>> -> memref<1024xf32, #tpu.memory_space<hbm>>
    %dma_wait3A_110 = arith.constant 0 : i32
    %dma_wait3A_111 = tpu.memref_slice %arg4[%select_n3A_55, %dma_wait3A_104, %select_n3A_71, %dma_wait3A_110] : memref<50x8x128x1024xf32, #tpu.memory_space<hbm>> -> memref<1x1x1x1024xf32, #tpu.memory_space<hbm>>
    %dma_wait3A_112 = tpu.memref_squeeze %dma_wait3A_111 : memref<1x1x1x1024xf32, #tpu.memory_space<hbm>> -> memref<1024xf32, #tpu.memory_space<hbm>>
    %dma_wait3A_113 = arith.constant 3072 : i32
    %dma_wait3A_114 = tpu.memref_slice %arg8[%dma_wait3A_113] : memref<8192xf32, #tpu.memory_space<vmem>> -> memref<1024xf32, #tpu.memory_space<vmem>>
    tpu.wait_dma2 semaphore(%arg12 : memref<!tpu.dma_semaphore, #tpu.memory_space<semaphore_mem>>) src(%dma_wait3A_114 : memref<1024xf32, #tpu.memory_space<vmem>>) dst(%dma_wait3A_112 : memref<1024xf32, #tpu.memory_space<hbm>>)
    %dma_wait3A_115 = arith.constant 4 : i32
    %dma_wait3A_116 = arith.constant 4096 : i32
    %dma_wait3A_117 = tpu.memref_slice %arg8[%dma_wait3A_116] : memref<8192xf32, #tpu.memory_space<vmem>> -> memref<1024xf32, #tpu.memory_space<vmem>>
    %dma_wait3A_118 = arith.constant 0 : i32
    %dma_wait3A_119 = tpu.memref_slice %arg4[%select_n3A_55, %dma_wait3A_115, %select_n3A_71, %dma_wait3A_118] : memref<50x8x128x1024xf32, #tpu.memory_space<hbm>> -> memref<1x1x1x1024xf32, #tpu.memory_space<hbm>>
    %dma_wait3A_120 = tpu.memref_squeeze %dma_wait3A_119 : memref<1x1x1x1024xf32, #tpu.memory_space<hbm>> -> memref<1024xf32, #tpu.memory_space<hbm>>
    %dma_wait3A_121 = arith.constant 0 : i32
    %dma_wait3A_122 = tpu.memref_slice %arg4[%select_n3A_55, %dma_wait3A_115, %select_n3A_71, %dma_wait3A_121] : memref<50x8x128x1024xf32, #tpu.memory_space<hbm>> -> memref<1x1x1x1024xf32, #tpu.memory_space<hbm>>
    %dma_wait3A_123 = tpu.memref_squeeze %dma_wait3A_122 : memref<1x1x1x1024xf32, #tpu.memory_space<hbm>> -> memref<1024xf32, #tpu.memory_space<hbm>>
    %dma_wait3A_124 = arith.constant 4096 : i32
    %dma_wait3A_125 = tpu.memref_slice %arg8[%dma_wait3A_124] : memref<8192xf32, #tpu.memory_space<vmem>> -> memref<1024xf32, #tpu.memory_space<vmem>>
    tpu.wait_dma2 semaphore(%arg12 : memref<!tpu.dma_semaphore, #tpu.memory_space<semaphore_mem>>) src(%dma_wait3A_125 : memref<1024xf32, #tpu.memory_space<vmem>>) dst(%dma_wait3A_123 : memref<1024xf32, #tpu.memory_space<hbm>>)
    %dma_wait3A_126 = arith.constant 5 : i32
    %dma_wait3A_127 = arith.constant 5120 : i32
    %dma_wait3A_128 = tpu.memref_slice %arg8[%dma_wait3A_127] : memref<8192xf32, #tpu.memory_space<vmem>> -> memref<1024xf32, #tpu.memory_space<vmem>>
    %dma_wait3A_129 = arith.constant 0 : i32
    %dma_wait3A_130 = tpu.memref_slice %arg4[%select_n3A_55, %dma_wait3A_126, %select_n3A_71, %dma_wait3A_129] : memref<50x8x128x1024xf32, #tpu.memory_space<hbm>> -> memref<1x1x1x1024xf32, #tpu.memory_space<hbm>>
    %dma_wait3A_131 = tpu.memref_squeeze %dma_wait3A_130 : memref<1x1x1x1024xf32, #tpu.memory_space<hbm>> -> memref<1024xf32, #tpu.memory_space<hbm>>
    %dma_wait3A_132 = arith.constant 0 : i32
    %dma_wait3A_133 = tpu.memref_slice %arg4[%select_n3A_55, %dma_wait3A_126, %select_n3A_71, %dma_wait3A_132] : memref<50x8x128x1024xf32, #tpu.memory_space<hbm>> -> memref<1x1x1x1024xf32, #tpu.memory_space<hbm>>
    %dma_wait3A_134 = tpu.memref_squeeze %dma_wait3A_133 : memref<1x1x1x1024xf32, #tpu.memory_space<hbm>> -> memref<1024xf32, #tpu.memory_space<hbm>>
    %dma_wait3A_135 = arith.constant 5120 : i32
    %dma_wait3A_136 = tpu.memref_slice %arg8[%dma_wait3A_135] : memref<8192xf32, #tpu.memory_space<vmem>> -> memref<1024xf32, #tpu.memory_space<vmem>>
    tpu.wait_dma2 semaphore(%arg12 : memref<!tpu.dma_semaphore, #tpu.memory_space<semaphore_mem>>) src(%dma_wait3A_136 : memref<1024xf32, #tpu.memory_space<vmem>>) dst(%dma_wait3A_134 : memref<1024xf32, #tpu.memory_space<hbm>>)
    %dma_wait3A_137 = arith.constant 6 : i32
    %dma_wait3A_138 = arith.constant 6144 : i32
    %dma_wait3A_139 = tpu.memref_slice %arg8[%dma_wait3A_138] : memref<8192xf32, #tpu.memory_space<vmem>> -> memref<1024xf32, #tpu.memory_space<vmem>>
    %dma_wait3A_140 = arith.constant 0 : i32
    %dma_wait3A_141 = tpu.memref_slice %arg4[%select_n3A_55, %dma_wait3A_137, %select_n3A_71, %dma_wait3A_140] : memref<50x8x128x1024xf32, #tpu.memory_space<hbm>> -> memref<1x1x1x1024xf32, #tpu.memory_space<hbm>>
    %dma_wait3A_142 = tpu.memref_squeeze %dma_wait3A_141 : memref<1x1x1x1024xf32, #tpu.memory_space<hbm>> -> memref<1024xf32, #tpu.memory_space<hbm>>
    %dma_wait3A_143 = arith.constant 0 : i32
    %dma_wait3A_144 = tpu.memref_slice %arg4[%select_n3A_55, %dma_wait3A_137, %select_n3A_71, %dma_wait3A_143] : memref<50x8x128x1024xf32, #tpu.memory_space<hbm>> -> memref<1x1x1x1024xf32, #tpu.memory_space<hbm>>
    %dma_wait3A_145 = tpu.memref_squeeze %dma_wait3A_144 : memref<1x1x1x1024xf32, #tpu.memory_space<hbm>> -> memref<1024xf32, #tpu.memory_space<hbm>>
    %dma_wait3A_146 = arith.constant 6144 : i32
    %dma_wait3A_147 = tpu.memref_slice %arg8[%dma_wait3A_146] : memref<8192xf32, #tpu.memory_space<vmem>> -> memref<1024xf32, #tpu.memory_space<vmem>>
    tpu.wait_dma2 semaphore(%arg12 : memref<!tpu.dma_semaphore, #tpu.memory_space<semaphore_mem>>) src(%dma_wait3A_147 : memref<1024xf32, #tpu.memory_space<vmem>>) dst(%dma_wait3A_145 : memref<1024xf32, #tpu.memory_space<hbm>>)
    %dma_wait3A_148 = arith.constant 7 : i32
    %dma_wait3A_149 = arith.constant 7168 : i32
    %dma_wait3A_150 = tpu.memref_slice %arg8[%dma_wait3A_149] : memref<8192xf32, #tpu.memory_space<vmem>> -> memref<1024xf32, #tpu.memory_space<vmem>>
    %dma_wait3A_151 = arith.constant 0 : i32
    %dma_wait3A_152 = tpu.memref_slice %arg4[%select_n3A_55, %dma_wait3A_148, %select_n3A_71, %dma_wait3A_151] : memref<50x8x128x1024xf32, #tpu.memory_space<hbm>> -> memref<1x1x1x1024xf32, #tpu.memory_space<hbm>>
    %dma_wait3A_153 = tpu.memref_squeeze %dma_wait3A_152 : memref<1x1x1x1024xf32, #tpu.memory_space<hbm>> -> memref<1024xf32, #tpu.memory_space<hbm>>
    %dma_wait3A_154 = arith.constant 0 : i32
    %dma_wait3A_155 = tpu.memref_slice %arg4[%select_n3A_55, %dma_wait3A_148, %select_n3A_71, %dma_wait3A_154] : memref<50x8x128x1024xf32, #tpu.memory_space<hbm>> -> memref<1x1x1x1024xf32, #tpu.memory_space<hbm>>
    %dma_wait3A_156 = tpu.memref_squeeze %dma_wait3A_155 : memref<1x1x1x1024xf32, #tpu.memory_space<hbm>> -> memref<1024xf32, #tpu.memory_space<hbm>>
    %dma_wait3A_157 = arith.constant 7168 : i32
    %dma_wait3A_158 = tpu.memref_slice %arg8[%dma_wait3A_157] : memref<8192xf32, #tpu.memory_space<vmem>> -> memref<1024xf32, #tpu.memory_space<vmem>>
    tpu.wait_dma2 semaphore(%arg12 : memref<!tpu.dma_semaphore, #tpu.memory_space<semaphore_mem>>) src(%dma_wait3A_158 : memref<1024xf32, #tpu.memory_space<vmem>>) dst(%dma_wait3A_156 : memref<1024xf32, #tpu.memory_space<hbm>>)
    %add3A_159 = arith.constant 199 : i32
    %add3A_160 = arith.addi %mul3A_2, %add3A_159 : i32
    %jit3A_161 = arith.constant 128 : i32
    %div3A_162 = arith.divsi %add3A_160, %jit3A_161 : i32
    %sign3A_163 = arith.constant 0 : i32
    %sign3A_164 = arith.cmpi sgt, %add3A_160, %sign3A_163 : i32
    %sign3A_165 = arith.extui %sign3A_164 : i1 to i32
    %sign3A_166 = arith.constant 0 : i32
    %sign3A_167 = arith.cmpi slt, %add3A_160, %sign3A_166 : i32
    %sign3A_168 = arith.extui %sign3A_167 : i1 to i32
    %sign3A_169 = arith.subi %sign3A_165, %sign3A_168 : i32
    %sign3A_170 = arith.constant 0 : i32
    %sign3A_171 = arith.cmpi sgt, %jit3A_161, %sign3A_170 : i32
    %sign3A_172 = arith.extui %sign3A_171 : i1 to i32
    %sign3A_173 = arith.constant 0 : i32
    %sign3A_174 = arith.cmpi slt, %jit3A_161, %sign3A_173 : i32
    %sign3A_175 = arith.extui %sign3A_174 : i1 to i32
    %sign3A_176 = arith.subi %sign3A_172, %sign3A_175 : i32
    %ne3A_177 = arith.cmpi ne, %sign3A_169, %sign3A_176 : i32
    %rem3A_178 = arith.remsi %add3A_160, %jit3A_161 : i32
    %ne3A_179 = arith.constant 0 : i32
    %ne3A_180 = arith.cmpi ne, %rem3A_178, %ne3A_179 : i32
    %and3A_181 = arith.andi %ne3A_177, %ne3A_180 : i1
    %sub3A_182 = arith.constant 1 : i32
    %sub3A_183 = arith.subi %div3A_162, %sub3A_182 : i32
    %select_n3A_184 = arith.select %and3A_181, %sub3A_183, %div3A_162 : i32
    %jit3A_185 = arith.constant 128 : i32
    %eq3A_186 = arith.constant 0 : i32
    %eq3A_187 = arith.cmpi eq, %jit3A_185, %eq3A_186 : i32
    %jit3A_188 = arith.constant 1 : i32
    %select_n3A_189 = arith.select %eq3A_187, %jit3A_188, %jit3A_185 : i32
    %rem3A_190 = arith.remsi %add3A_160, %select_n3A_189 : i32
    %ne3A_191 = arith.constant 0 : i32
    %ne3A_192 = arith.cmpi ne, %rem3A_190, %ne3A_191 : i32
    %lt3A_193 = arith.constant 0 : i32
    %lt3A_194 = arith.cmpi slt, %rem3A_190, %lt3A_193 : i32
    %lt3A_195 = arith.constant 0 : i32
    %lt3A_196 = arith.cmpi slt, %select_n3A_189, %lt3A_195 : i32
    %ne3A_197 = arith.xori %lt3A_194, %lt3A_196 : i1
    %and3A_198 = arith.andi %ne3A_197, %ne3A_192 : i1
    %add3A_199 = arith.addi %rem3A_190, %select_n3A_189 : i32
    %select_n3A_200 = arith.select %and3A_198, %add3A_199, %rem3A_190 : i32
    %dma_wait3A_201 = arith.constant 0 : i32
    %dma_wait3A_202 = arith.constant 0 : i32
    %dma_wait3A_203 = tpu.memref_slice %arg9[%dma_wait3A_202] : memref<8192xf32, #tpu.memory_space<vmem>> -> memref<1024xf32, #tpu.memory_space<vmem>>
    %dma_wait3A_204 = arith.constant 0 : i32
    %dma_wait3A_205 = tpu.memref_slice %arg4[%select_n3A_184, %dma_wait3A_201, %select_n3A_200, %dma_wait3A_204] : memref<50x8x128x1024xf32, #tpu.memory_space<hbm>> -> memref<1x1x1x1024xf32, #tpu.memory_space<hbm>>
    %dma_wait3A_206 = tpu.memref_squeeze %dma_wait3A_205 : memref<1x1x1x1024xf32, #tpu.memory_space<hbm>> -> memref<1024xf32, #tpu.memory_space<hbm>>
    %dma_wait3A_207 = arith.constant 0 : i32
    %dma_wait3A_208 = tpu.memref_slice %arg4[%select_n3A_184, %dma_wait3A_201, %select_n3A_200, %dma_wait3A_207] : memref<50x8x128x1024xf32, #tpu.memory_space<hbm>> -> memref<1x1x1x1024xf32, #tpu.memory_space<hbm>>
    %dma_wait3A_209 = tpu.memref_squeeze %dma_wait3A_208 : memref<1x1x1x1024xf32, #tpu.memory_space<hbm>> -> memref<1024xf32, #tpu.memory_space<hbm>>
    %dma_wait3A_210 = arith.constant 0 : i32
    %dma_wait3A_211 = tpu.memref_slice %arg9[%dma_wait3A_210] : memref<8192xf32, #tpu.memory_space<vmem>> -> memref<1024xf32, #tpu.memory_space<vmem>>
    tpu.wait_dma2 semaphore(%arg13 : memref<!tpu.dma_semaphore, #tpu.memory_space<semaphore_mem>>) src(%dma_wait3A_211 : memref<1024xf32, #tpu.memory_space<vmem>>) dst(%dma_wait3A_209 : memref<1024xf32, #tpu.memory_space<hbm>>)
    %dma_wait3A_212 = arith.constant 1 : i32
    %dma_wait3A_213 = arith.constant 1024 : i32
    %dma_wait3A_214 = tpu.memref_slice %arg9[%dma_wait3A_213] : memref<8192xf32, #tpu.memory_space<vmem>> -> memref<1024xf32, #tpu.memory_space<vmem>>
    %dma_wait3A_215 = arith.constant 0 : i32
    %dma_wait3A_216 = tpu.memref_slice %arg4[%select_n3A_184, %dma_wait3A_212, %select_n3A_200, %dma_wait3A_215] : memref<50x8x128x1024xf32, #tpu.memory_space<hbm>> -> memref<1x1x1x1024xf32, #tpu.memory_space<hbm>>
    %dma_wait3A_217 = tpu.memref_squeeze %dma_wait3A_216 : memref<1x1x1x1024xf32, #tpu.memory_space<hbm>> -> memref<1024xf32, #tpu.memory_space<hbm>>
    %dma_wait3A_218 = arith.constant 0 : i32
    %dma_wait3A_219 = tpu.memref_slice %arg4[%select_n3A_184, %dma_wait3A_212, %select_n3A_200, %dma_wait3A_218] : memref<50x8x128x1024xf32, #tpu.memory_space<hbm>> -> memref<1x1x1x1024xf32, #tpu.memory_space<hbm>>
    %dma_wait3A_220 = tpu.memref_squeeze %dma_wait3A_219 : memref<1x1x1x1024xf32, #tpu.memory_space<hbm>> -> memref<1024xf32, #tpu.memory_space<hbm>>
    %dma_wait3A_221 = arith.constant 1024 : i32
    %dma_wait3A_222 = tpu.memref_slice %arg9[%dma_wait3A_221] : memref<8192xf32, #tpu.memory_space<vmem>> -> memref<1024xf32, #tpu.memory_space<vmem>>
    tpu.wait_dma2 semaphore(%arg13 : memref<!tpu.dma_semaphore, #tpu.memory_space<semaphore_mem>>) src(%dma_wait3A_222 : memref<1024xf32, #tpu.memory_space<vmem>>) dst(%dma_wait3A_220 : memref<1024xf32, #tpu.memory_space<hbm>>)
    %dma_wait3A_223 = arith.constant 2 : i32
    %dma_wait3A_224 = arith.constant 2048 : i32
    %dma_wait3A_225 = tpu.memref_slice %arg9[%dma_wait3A_224] : memref<8192xf32, #tpu.memory_space<vmem>> -> memref<1024xf32, #tpu.memory_space<vmem>>
    %dma_wait3A_226 = arith.constant 0 : i32
    %dma_wait3A_227 = tpu.memref_slice %arg4[%select_n3A_184, %dma_wait3A_223, %select_n3A_200, %dma_wait3A_226] : memref<50x8x128x1024xf32, #tpu.memory_space<hbm>> -> memref<1x1x1x1024xf32, #tpu.memory_space<hbm>>
    %dma_wait3A_228 = tpu.memref_squeeze %dma_wait3A_227 : memref<1x1x1x1024xf32, #tpu.memory_space<hbm>> -> memref<1024xf32, #tpu.memory_space<hbm>>
    %dma_wait3A_229 = arith.constant 0 : i32
    %dma_wait3A_230 = tpu.memref_slice %arg4[%select_n3A_184, %dma_wait3A_223, %select_n3A_200, %dma_wait3A_229] : memref<50x8x128x1024xf32, #tpu.memory_space<hbm>> -> memref<1x1x1x1024xf32, #tpu.memory_space<hbm>>
    %dma_wait3A_231 = tpu.memref_squeeze %dma_wait3A_230 : memref<1x1x1x1024xf32, #tpu.memory_space<hbm>> -> memref<1024xf32, #tpu.memory_space<hbm>>
    %dma_wait3A_232 = arith.constant 2048 : i32
    %dma_wait3A_233 = tpu.memref_slice %arg9[%dma_wait3A_232] : memref<8192xf32, #tpu.memory_space<vmem>> -> memref<1024xf32, #tpu.memory_space<vmem>>
    tpu.wait_dma2 semaphore(%arg13 : memref<!tpu.dma_semaphore, #tpu.memory_space<semaphore_mem>>) src(%dma_wait3A_233 : memref<1024xf32, #tpu.memory_space<vmem>>) dst(%dma_wait3A_231 : memref<1024xf32, #tpu.memory_space<hbm>>)
    %dma_wait3A_234 = arith.constant 3 : i32
    %dma_wait3A_235 = arith.constant 3072 : i32
    %dma_wait3A_236 = tpu.memref_slice %arg9[%dma_wait3A_235] : memref<8192xf32, #tpu.memory_space<vmem>> -> memref<1024xf32, #tpu.memory_space<vmem>>
    %dma_wait3A_237 = arith.constant 0 : i32
    %dma_wait3A_238 = tpu.memref_slice %arg4[%select_n3A_184, %dma_wait3A_234, %select_n3A_200, %dma_wait3A_237] : memref<50x8x128x1024xf32, #tpu.memory_space<hbm>> -> memref<1x1x1x1024xf32, #tpu.memory_space<hbm>>
    %dma_wait3A_239 = tpu.memref_squeeze %dma_wait3A_238 : memref<1x1x1x1024xf32, #tpu.memory_space<hbm>> -> memref<1024xf32, #tpu.memory_space<hbm>>
    %dma_wait3A_240 = arith.constant 0 : i32
    %dma_wait3A_241 = tpu.memref_slice %arg4[%select_n3A_184, %dma_wait3A_234, %select_n3A_200, %dma_wait3A_240] : memref<50x8x128x1024xf32, #tpu.memory_space<hbm>> -> memref<1x1x1x1024xf32, #tpu.memory_space<hbm>>
    %dma_wait3A_242 = tpu.memref_squeeze %dma_wait3A_241 : memref<1x1x1x1024xf32, #tpu.memory_space<hbm>> -> memref<1024xf32, #tpu.memory_space<hbm>>
    %dma_wait3A_243 = arith.constant 3072 : i32
    %dma_wait3A_244 = tpu.memref_slice %arg9[%dma_wait3A_243] : memref<8192xf32, #tpu.memory_space<vmem>> -> memref<1024xf32, #tpu.memory_space<vmem>>
    tpu.wait_dma2 semaphore(%arg13 : memref<!tpu.dma_semaphore, #tpu.memory_space<semaphore_mem>>) src(%dma_wait3A_244 : memref<1024xf32, #tpu.memory_space<vmem>>) dst(%dma_wait3A_242 : memref<1024xf32, #tpu.memory_space<hbm>>)
    %dma_wait3A_245 = arith.constant 4 : i32
    %dma_wait3A_246 = arith.constant 4096 : i32
    %dma_wait3A_247 = tpu.memref_slice %arg9[%dma_wait3A_246] : memref<8192xf32, #tpu.memory_space<vmem>> -> memref<1024xf32, #tpu.memory_space<vmem>>
    %dma_wait3A_248 = arith.constant 0 : i32
    %dma_wait3A_249 = tpu.memref_slice %arg4[%select_n3A_184, %dma_wait3A_245, %select_n3A_200, %dma_wait3A_248] : memref<50x8x128x1024xf32, #tpu.memory_space<hbm>> -> memref<1x1x1x1024xf32, #tpu.memory_space<hbm>>
    %dma_wait3A_250 = tpu.memref_squeeze %dma_wait3A_249 : memref<1x1x1x1024xf32, #tpu.memory_space<hbm>> -> memref<1024xf32, #tpu.memory_space<hbm>>
    %dma_wait3A_251 = arith.constant 0 : i32
    %dma_wait3A_252 = tpu.memref_slice %arg4[%select_n3A_184, %dma_wait3A_245, %select_n3A_200, %dma_wait3A_251] : memref<50x8x128x1024xf32, #tpu.memory_space<hbm>> -> memref<1x1x1x1024xf32, #tpu.memory_space<hbm>>
    %dma_wait3A_253 = tpu.memref_squeeze %dma_wait3A_252 : memref<1x1x1x1024xf32, #tpu.memory_space<hbm>> -> memref<1024xf32, #tpu.memory_space<hbm>>
    %dma_wait3A_254 = arith.constant 4096 : i32
    %dma_wait3A_255 = tpu.memref_slice %arg9[%dma_wait3A_254] : memref<8192xf32, #tpu.memory_space<vmem>> -> memref<1024xf32, #tpu.memory_space<vmem>>
    tpu.wait_dma2 semaphore(%arg13 : memref<!tpu.dma_semaphore, #tpu.memory_space<semaphore_mem>>) src(%dma_wait3A_255 : memref<1024xf32, #tpu.memory_space<vmem>>) dst(%dma_wait3A_253 : memref<1024xf32, #tpu.memory_space<hbm>>)
    %dma_wait3A_256 = arith.constant 5 : i32
    %dma_wait3A_257 = arith.constant 5120 : i32
    %dma_wait3A_258 = tpu.memref_slice %arg9[%dma_wait3A_257] : memref<8192xf32, #tpu.memory_space<vmem>> -> memref<1024xf32, #tpu.memory_space<vmem>>
    %dma_wait3A_259 = arith.constant 0 : i32
    %dma_wait3A_260 = tpu.memref_slice %arg4[%select_n3A_184, %dma_wait3A_256, %select_n3A_200, %dma_wait3A_259] : memref<50x8x128x1024xf32, #tpu.memory_space<hbm>> -> memref<1x1x1x1024xf32, #tpu.memory_space<hbm>>
    %dma_wait3A_261 = tpu.memref_squeeze %dma_wait3A_260 : memref<1x1x1x1024xf32, #tpu.memory_space<hbm>> -> memref<1024xf32, #tpu.memory_space<hbm>>
    %dma_wait3A_262 = arith.constant 0 : i32
    %dma_wait3A_263 = tpu.memref_slice %arg4[%select_n3A_184, %dma_wait3A_256, %select_n3A_200, %dma_wait3A_262] : memref<50x8x128x1024xf32, #tpu.memory_space<hbm>> -> memref<1x1x1x1024xf32, #tpu.memory_space<hbm>>
    %dma_wait3A_264 = tpu.memref_squeeze %dma_wait3A_263 : memref<1x1x1x1024xf32, #tpu.memory_space<hbm>> -> memref<1024xf32, #tpu.memory_space<hbm>>
    %dma_wait3A_265 = arith.constant 5120 : i32
    %dma_wait3A_266 = tpu.memref_slice %arg9[%dma_wait3A_265] : memref<8192xf32, #tpu.memory_space<vmem>> -> memref<1024xf32, #tpu.memory_space<vmem>>
    tpu.wait_dma2 semaphore(%arg13 : memref<!tpu.dma_semaphore, #tpu.memory_space<semaphore_mem>>) src(%dma_wait3A_266 : memref<1024xf32, #tpu.memory_space<vmem>>) dst(%dma_wait3A_264 : memref<1024xf32, #tpu.memory_space<hbm>>)
    %dma_wait3A_267 = arith.constant 6 : i32
    %dma_wait3A_268 = arith.constant 6144 : i32
    %dma_wait3A_269 = tpu.memref_slice %arg9[%dma_wait3A_268] : memref<8192xf32, #tpu.memory_space<vmem>> -> memref<1024xf32, #tpu.memory_space<vmem>>
    %dma_wait3A_270 = arith.constant 0 : i32
    %dma_wait3A_271 = tpu.memref_slice %arg4[%select_n3A_184, %dma_wait3A_267, %select_n3A_200, %dma_wait3A_270] : memref<50x8x128x1024xf32, #tpu.memory_space<hbm>> -> memref<1x1x1x1024xf32, #tpu.memory_space<hbm>>
    %dma_wait3A_272 = tpu.memref_squeeze %dma_wait3A_271 : memref<1x1x1x1024xf32, #tpu.memory_space<hbm>> -> memref<1024xf32, #tpu.memory_space<hbm>>
    %dma_wait3A_273 = arith.constant 0 : i32
    %dma_wait3A_274 = tpu.memref_slice %arg4[%select_n3A_184, %dma_wait3A_267, %select_n3A_200, %dma_wait3A_273] : memref<50x8x128x1024xf32, #tpu.memory_space<hbm>> -> memref<1x1x1x1024xf32, #tpu.memory_space<hbm>>
    %dma_wait3A_275 = tpu.memref_squeeze %dma_wait3A_274 : memref<1x1x1x1024xf32, #tpu.memory_space<hbm>> -> memref<1024xf32, #tpu.memory_space<hbm>>
    %dma_wait3A_276 = arith.constant 6144 : i32
    %dma_wait3A_277 = tpu.memref_slice %arg9[%dma_wait3A_276] : memref<8192xf32, #tpu.memory_space<vmem>> -> memref<1024xf32, #tpu.memory_space<vmem>>
    tpu.wait_dma2 semaphore(%arg13 : memref<!tpu.dma_semaphore, #tpu.memory_space<semaphore_mem>>) src(%dma_wait3A_277 : memref<1024xf32, #tpu.memory_space<vmem>>) dst(%dma_wait3A_275 : memref<1024xf32, #tpu.memory_space<hbm>>)
    %dma_wait3A_278 = arith.constant 7 : i32
    %dma_wait3A_279 = arith.constant 7168 : i32
    %dma_wait3A_280 = tpu.memref_slice %arg9[%dma_wait3A_279] : memref<8192xf32, #tpu.memory_space<vmem>> -> memref<1024xf32, #tpu.memory_space<vmem>>
    %dma_wait3A_281 = arith.constant 0 : i32
    %dma_wait3A_282 = tpu.memref_slice %arg4[%select_n3A_184, %dma_wait3A_278, %select_n3A_200, %dma_wait3A_281] : memref<50x8x128x1024xf32, #tpu.memory_space<hbm>> -> memref<1x1x1x1024xf32, #tpu.memory_space<hbm>>
    %dma_wait3A_283 = tpu.memref_squeeze %dma_wait3A_282 : memref<1x1x1x1024xf32, #tpu.memory_space<hbm>> -> memref<1024xf32, #tpu.memory_space<hbm>>
    %dma_wait3A_284 = arith.constant 0 : i32
    %dma_wait3A_285 = tpu.memref_slice %arg4[%select_n3A_184, %dma_wait3A_278, %select_n3A_200, %dma_wait3A_284] : memref<50x8x128x1024xf32, #tpu.memory_space<hbm>> -> memref<1x1x1x1024xf32, #tpu.memory_space<hbm>>
    %dma_wait3A_286 = tpu.memref_squeeze %dma_wait3A_285 : memref<1x1x1x1024xf32, #tpu.memory_space<hbm>> -> memref<1024xf32, #tpu.memory_space<hbm>>
    %dma_wait3A_287 = arith.constant 7168 : i32
    %dma_wait3A_288 = tpu.memref_slice %arg9[%dma_wait3A_287] : memref<8192xf32, #tpu.memory_space<vmem>> -> memref<1024xf32, #tpu.memory_space<vmem>>
    tpu.wait_dma2 semaphore(%arg13 : memref<!tpu.dma_semaphore, #tpu.memory_space<semaphore_mem>>) src(%dma_wait3A_288 : memref<1024xf32, #tpu.memory_space<vmem>>) dst(%dma_wait3A_286 : memref<1024xf32, #tpu.memory_space<hbm>>)
    return
  }
}

</mosaic_0001>

<sc_bundles>
// kernel: kernel.3.cloned.1.call-start
scs
__scs_entry_jumppad:
0x0: {  	(pc) =	sbr.rel $0x88, $3  }
0x1: {  	(tag) =	ssettag $0x0;
	lr =	simm.s32 $0x1  }
0x2: {  	[smem:$0x3F9F] =	sst lr;
	_ =	strace $0xD0000000  }
0x3: {  	_ = 	snop  }
0x4: {  	_ = 	snop  }
0x5: {  	_ = 	snop  }
0x6: {  	_ = 	snop  }
0x7: {  	_ = 	snop  }
__scs_overlays_trampoline_lowered:
0x8: {  	[smem:$0x3FAE] =	sst s0  }
0x9: {  	[smem:$0x3FAF] =	sst s1  }
0xa: {  	[smem:$0x3FB0] =	sst s2  }
0xb: {  	[smem:$0x3FB1] =	sst s3  }
0xc: {  	[smem:$0x3FB2] =	sst s4  }
0xd: {  	[smem:$0x3FB3] =	sst s5  }
0xe: {  	[smem:$0x3FB4] =	sst s6  }
0xf: {  	[smem:$0x3FB5] =	sst s7  }
0x10: {  	[smem:$0x3FB6] =	sst s8  }
0x11: {  	[smem:$0x3FB7] =	sst s9;
	s0 =	simm.s32 @!p0 $0x0  }
0x12: {  	s1 =	sld [smem:$0x3F9D];
	s0 =	simm.s32 @p0 $0x1  }
0x13: {  	[smem:$0x3FB8] =	sst s0;
	s0 =	simm.s32 @!p1 $0x0  }
0x14: {  	s2 =	sld [smem:$0x3F9C];
	s0 =	simm.s32 @p1 $0x1  }
0x15: {  	[smem:$0x3FB9] =	sst s0;
	s0 =	simm.s32 @!p2 $0x0  }
0x16: {  	s3 =	sld [smem:$0x3FDB];
	s0 =	simm.s32 @p2 $0x1  }
0x17: {  	s4 =	simm.s32 $0x1BF5;
	[smem:$0x3FBB] =	sst s0  }
0x18: {  	s0 =	sld [smem:$0x3F9E];
	_ =	swait.ge [sflag:s4], $0x0  }
0x19: {  	s7 =	sld [smem:$0x3F9F]  }
0x1a: {  	s8 =	sadd.s32 $0xFFFFE003, lr  }
0x1b: {  	s9 =	sadd.s32 $0xFFFFFEF7, lr;
	s5 =	simm.s32 $0xFFFFFFFF;
	p2 =	slt.u32 s8, $0xFFFFF086  }
0x1c: {  	p1 =	slt.u32 s9, $0xF7A;
	s5 =	simm.s32 @!p2 $0x0  }
0x1d: {  	s5 =	simm.s32 @p1 $0x1;
	p0 =	seq.s32 s7, s2  }
0x1e: {  	s7 =	smul.u32 @!p0 $0xF7A, s2;
	p2 =	seq.s32 @!p0 s5, $0x0  }
0x1f: {  	s9 =	smul.u32 $0xF7A, s1;
	s8 =	simm.s32 @!p0 $0x1BF5;
	p2 =	por !p2, p0  }
0x20: {  	[sflag:s8] =	ssyncset.s32 @!p0 $0xFFFFF086;
	s6 =	sadd.s32 @!p0 s3, s7;
	s7 =	simm.s32 @!p0 $0x108  }
0x21: {  	s3 =	sadd.s32 s3, s9;
	s6 =	sadd.s32 @!p0 $0x88, s6;
	s7 =	simm.s32 @p2 $0x1082  }
0x22: {  	[simem:s7], [sflag:s8] =	dma.local @!p0 [hbm:s6], $0xF7A  }
0x23: {  	s9 =	sor.u32 $0xD0000000, s2;
	s6 =	simm.s32 $0x108;
	_ =	swait.ge @!p0 [sflag:s8], $0x0  }
0x24: {  	s3 =	sadd.s32 $0x88, s3;
	s6 =	simm.s32 @!p1 $0x1082;
	[sflag:s4] =	ssyncset.s32 $0xFFFFF086  }
0x25: {  	[simem:s6], [sflag:s4] =	dma.local [hbm:s3], $0xF7A  }
0x26: {  	[smem:$0x3F9F] =	sst s1;
	(tag) =	ssettag s2;
	_ =	strace s9  }
0x27: {  	s1 =	sld [smem:$0x3FAF]  }
0x28: {  	s2 =	sld [smem:$0x3FB0]  }
0x29: {  	s4 =	sld [smem:$0x3FB2]  }
0x2a: {  	p0 =	seq.s32 s5, $0x0;
	s5 =	sld [smem:$0x3FB3]  }
0x2b: {  	s6 =	sld [smem:$0x3FB4]  }
0x2c: {  	s7 =	sld [smem:$0x3FB5]  }
0x2d: {  	s3 =	simm.s32 $0x108;
	s8 =	sld [smem:$0x3FB6]  }
0x2e: {  	s3 =	simm.s32 @!p0 $0x1082;
	s9 =	sld [smem:$0x3FB7]  }
0x2f: {  	lr =	sadd.s32 s0, s3;
	s0 =	sld [smem:$0x3FAE]  }
0x30: {  	s3 =	sld [smem:$0x3FB1]  }
0x31: {  	[smem:$0x3FBA] =	sst s10  }
0x32: {  	s10 =	sld [smem:$0x3FB8];
	_ =	sdelay $0x3  }
0x33: {  	p0 =	seq.s32 s10, $0x1;
	s10 =	sld [smem:$0x3FBA];
	_ =	sdelay $0x3  }
0x34: {  	[smem:$0x3FBA] =	sst s10  }
0x35: {  	s10 =	sld [smem:$0x3FB9];
	_ =	sdelay $0x3  }
0x36: {  	p1 =	seq.s32 s10, $0x1;
	s10 =	sld [smem:$0x3FBA];
	_ =	sdelay $0x3  }
0x37: {  	[smem:$0x3FBA] =	sst s10  }
0x38: {  	s10 =	sld [smem:$0x3FBB]  }
0x39: {  	_ = 	snop;
	(pc) =	sbr.ind lr, $3  }
0x3a: {  	_ = 	snop  }
0x3b: {  	_ = 	snop  }
0x3c: {  	p2 =	seq.s32 s10, $0x1;
	s10 =	sld [smem:$0x3FBA]  }
0x3d: {  	_ =	shalt  }
0x3e: {  	_ =	shalt  }
0x3f: {  	_ =	shalt  }
0x40: {  	_ =	shalt  }
0x41: {  	_ =	shalt  }
0x42: {  	_ =	shalt  }
0x43: {  	_ =	shalt  }
0x44: {  	_ =	shalt  }
0x45: {  	_ =	shalt  }
0x46: {  	_ =	shalt  }
0x47: {  	_ =	shalt  }
0x48: {  	_ =	shalt  }
0x49: {  	_ =	shalt  }
0x4a: {  	_ =	shalt  }
0x4b: {  	_ =	shalt  }
0x4c: {  	_ =	shalt  }
0x4d: {  	_ =	shalt  }
0x4e: {  	_ =	shalt  }
0x4f: {  	_ =	shalt  }
0x50: {  	_ =	shalt  }
0x51: {  	_ =	shalt  }
0x52: {  	_ =	shalt  }
0x53: {  	_ =	shalt  }
0x54: {  	_ =	shalt  }
0x55: {  	_ =	shalt  }
0x56: {  	_ =	shalt  }
0x57: {  	_ =	shalt  }
0x58: {  	_ =	shalt  }
0x59: {  	_ =	shalt  }
0x5a: {  	_ =	shalt  }
0x5b: {  	_ =	shalt  }
0x5c: {  	_ =	shalt  }
0x5d: {  	_ =	shalt  }
0x5e: {  	_ =	shalt  }
0x5f: {  	_ =	shalt  }
0x60: {  	_ =	shalt  }
0x61: {  	_ =	shalt  }
0x62: {  	_ =	shalt  }
0x63: {  	_ =	shalt  }
0x64: {  	_ =	shalt  }
0x65: {  	_ =	shalt  }
0x66: {  	_ =	shalt  }
0x67: {  	_ =	shalt  }
0x68: {  	_ =	shalt  }
0x69: {  	_ =	shalt  }
0x6a: {  	_ =	shalt  }
0x6b: {  	_ =	shalt  }
0x6c: {  	_ =	shalt  }
0x6d: {  	_ =	shalt  }
0x6e: {  	_ =	shalt  }
0x6f: {  	_ =	shalt  }
0x70: {  	_ =	shalt  }
0x71: {  	_ =	shalt  }
0x72: {  	_ =	shalt  }
0x73: {  	_ =	shalt  }
0x74: {  	_ =	shalt  }
0x75: {  	_ =	shalt  }
0x76: {  	_ =	shalt  }
0x77: {  	_ =	shalt  }
0x78: {  	_ =	shalt  }
0x79: {  	_ =	shalt  }
0x7a: {  	_ =	shalt  }
0x7b: {  	_ =	shalt  }
0x7c: {  	_ =	shalt  }
0x7d: {  	_ =	shalt  }
0x7e: {  	_ =	shalt  }
0x7f: {  	_ =	shalt  }
0x80: {  	_ =	shalt  }
0x81: {  	_ =	shalt  }
0x82: {  	_ =	shalt  }
0x83: {  	_ =	shalt  }
0x84: {  	_ =	shalt  }
0x85: {  	_ =	shalt  }
0x86: {  	_ =	shalt  }
0x87: {  	_ =	shalt  }
.Lfunc_end0:
.L_simem_size_0:
called_computation_lowered:
.L_overlay_start_0:
0x88: {  	s2 =	sld [smem:$0x3FD9]  }
0x89: {  	s3 =	sld [smem:$0x3FFE];
	_ =	sdelay $0x1  }
0x8a: {  	s1 =	srdreg.scid  }
0x8b: {  	s0 =	sand.u32 $0x1, s1  }
0x8c: {  	s17 =	sshll.u32 s0, $0xA;
	s2 =	sadd.s32 s3, s2  }
0x8d: {  	s2 =	sadd.s32 s2, s17  }
0x8e: {  	[smem:$0x3FC6] =	sst s2  }
0x8f: {  	_ = 	snop  }
0x90: {  	s2 =	sld [smem:$0x3FD0];
	(tm) =	ssettm $0x1  }
0x91: {  	s18 =	sld [smem:$0x3FFB];
	_ =	sdelay $0x3  }
0x92: {  	_ =	strace s18  }
0x93: {  	s3 =	sld [smem:$0x3FFC];
	_ =	sdelay $0x3  }
0x94: {  	_ =	strace s3  }
0x95: {  	s3 =	sld [smem:$0x3FFD];
	_ =	sdelay $0x3  }
0x96: {  	_ =	strace s3  }
0x97: {  	_ =	strace $0x8FFFFFFF  }
0x98: {  	s19 =	sld [smem:$0x3FDB];
	_ =	sdelay $0x1  }
0x99: {  	s4 =	simm.s32 $_scs_section_size  }
0x9a: {  	s5 =	simm.s32 $_size__tile_overlayer_lowered;
	s6 =	simm.s32 $_tile_overlayer_lowered  }
0x9b: {  	s22 =	simm.s32 $0x1BFF;
	s21 =	sshll.u32 s6, $0x1;
	s3 =	sadd.s32 s4, s19  }
0x9c: {  	s7 =	simm.s32 $0x0;
	s20 =	sshll.u32 s5, $0x1;
	s5 =	sadd.s32 s21, s3  }
0x9d: {  	[timem:s7], [sflag:s22] =	dma.local [hbm:s5], s20  }
0x9e: {  	_ =	swait.ge [sflag:s22], s20  }
0x9f: {  	s4 =	ssub.s32 $0x0, s20;
	[sflag:s22] =	ssyncset.done $0x0  }
0xa0: {  	[sflag:s22] =	ssyncadd.s32 s4;
	_ =	sdelay $0x1  }
0xa1: {  	s23 =	simm.s32 $0x1B8B  }
0xa2: {  	_ =	swait.ge [sflag:s23], $0x1  }
0xa3: {  	[sflag:s23] =	ssyncset.done $0x0  }
0xa4: {  	s25 =	simm.s32 $0x1B8E;
	s24 =	sld [smem:$0x3FFE];
	[sflag:s23] =	ssyncadd.s32 $0xFFFFFFFF  }
0xa5: {  	s26 =	simm.s32 $execute0_lowered;
	[smem:$0x3FD2] =	sst s25  }
0xa6: {  	s5 =	sshll.u32 s26, $0x1;
	_ =	strace $0x80000046;
	[dreg:$0x1] =	wrdreg $0xFFFFFFFF  }
0xa7: {  	s28 =	simm.s32 $_size_execute0_lowered;
	s3 =	sadd.s32 s3, s5;
	[dreg:$0x0] =	wrdreg $0x0  }
0xa8: {  	s5 =	sshll.u32 s28, $0x1;
	[dreg:$0x2] =	wrdreg s3  }
0xa9: {  	[dreg:$0x3] =	wrdreg s5  }
0xaa: {  	[dreg:$0x4] =	wrdreg $0xC0  }
0xab: {  	_ =	task [dreg:s7], $0x5FFFF  }
0xac: {  	[dreg:$0x1] =	wrdreg $0xFFFFFFFF  }
0xad: {  	[dreg:$0x0] =	wrdreg $0x60  }
0xae: {  	[dreg:$0x2] =	wrdreg s24  }
0xaf: {  	[dreg:$0x3] =	wrdreg s2  }
0xb0: {  	[dreg:$0x4] =	wrdreg $0x9  }
0xb1: {  	_ =	task.clear_ibuf [dreg:s7], $0x5FFFF;
	_ =	strace $0x90000046  }
0xb2: {  	s29 =	simm.s32 $0x9;
	_ =	strace $0x80000048  }
0xb3: {  	_ =	swait.ge [sflag:s29], $0x1  }
0xb4: {  	[sflag:s29] =	ssyncadd.s32 $0xFFFFFFFF  }
0xb5: {  	_ =	strace $0x90000048  }
0xb6: {  	_ =	sfence  }
0xb7: {  	s30 =	sld [smem:$0x0];
	_ =	sdelay $0x2  }
0xb8: {  	s31 =	sshll.u32 s1, $0xD;
	s1 =	sshrl.u32 s1, $0x2  }
0xb9: {  	s3 =	sand.u32 $0x4000, s31;
	s1 =	sadd.s32 s1, s30  }
0xba: {  	s0 =	sor.u32 s3, s0;
	s1 =	sshll.u32 s1, $0x11  }
0xbb: {  	s0 =	sor.u32 s1, s0  }
0xbc: {  	s0 =	sadd.s32 $0x8F2B, s0  }
0xbd: {  	[sflag:s0] =	ssyncadd.remote.s32 $0x1  }
0xbe: {  	_ =	sfence.sel $0xFFFF  }
0xbf: {  	[dreg:$0x0] =	wrdreg $0xFFFFFFFF;
	(pc) =	sbr.abs _section_cstart, $3  }
0xc0: {  	[dreg:$0x1] =	wrdreg $0xFFFFFFFF  }
0xc1: {  	_ =	task.clear_ibuf [dreg:s7], $0x2FFFF;
	_ =	strace $0x9FFFFFFF  }
0xc2: {  	(tm) =	ssettm $0x7FFFFFFF  }
0xc3: {  	_ =	shalt  }
tec
execute0_lowered:
.L_overlay_start_1:
0x0: {  	(tag) =	ssettag $0x1  }
0x1: {  	v0 =	vimm.s32 $0xFEDCBA9;
	v1 =	vimm.s32 $0x87654321  }
0x2: {  	v0 =	vunpack.c.l.s4.s8 v0;
	v1 =	vunpack.c.l.s4.s8 v1;
	_ =	sdelay $0x1  }
0x3: {  	v0 =	vunpack.c.0.s8.s32 v0;
	v1 =	vunpack.c.0.s8.s32 v1;
	_ =	sdelay $0x1  }
0x4: {  	v1 =	vcombine.low v1, v0;
	_ =	sdelay $0x1  }
0x5: {  	v0 =	vlaneseq.u32;
	v42 =	vand.u32 $0xF, v1  }
0x6: {  	v5 =	vperm.xlane v0, v42;
	_ =	sdelay $0x1  }
0x7: {  	v9 =	vperm.xlane v5, v42;
	_ =	sdelay $0x1  }
0x8: {  	v12 =	vperm.xlane v9, v42;
	_ =	sdelay $0x1  }
0x9: {  	v15 =	vperm.xlane v12, v42;
	_ =	sdelay $0x1  }
0xa: {  	v18 =	vperm.xlane v15, v42;
	_ =	sdelay $0x1  }
0xb: {  	v21 =	vperm.xlane v18, v42;
	_ =	sdelay $0x1  }
0xc: {  	v4 =	vand.u32 $0x7, v0;
	v24 =	vperm.xlane v21, v42  }
0xd: {  	v1 =	vmul.u32 $0x81, v0;
	v6 =	vor.u32 $0x78, v4;
	v2 =	vand.u32 $0xFFFFFFF8, v5  }
0xe: {  	v3 =	vand.u32 $0x7, v5;
	v5 =	vshll.u32 v5, $0x7;
	v27 =	vperm.xlane v24, v42  }
0xf: {  	v7 =	vand.u32 $0xFFFFFFF8, v9;
	v8 =	vand.u32 $0x7, v9;
	v9 =	vshll.u32 v9, $0x7  }
0x10: {  	s0 =	rddreg [dreg:$0x0];
	s1 =	srdreg.scid;
	v10 =	vand.u32 $0xFFFFFFF8, v12;
	v11 =	vand.u32 $0x7, v12;
	v30 =	vperm.xlane v27, v42  }
0x11: {  	s3 =	stileid.u32;
	s2 =	rddreg [dreg:$0x1];
	s16 =	simm.s32 $0x80;
	v12 =	vshll.u32 v12, $0x7;
	v13 =	vand.u32 $0xFFFFFFF8, v15;
	v14 =	vand.u32 $0x7, v15  }
0x12: {  	s17 =	simm.s32 $0x6400;
	s18 =	simm.s32 $0x1;
	s19 =	simm.s32 $0x8400;
	v15 =	vshll.u32 v15, $0x7;
	v16 =	vand.u32 $0xFFFFFFF8, v18;
	v33 =	vperm.xlane v30, v42  }
0x13: {  	s20 =	simm.s32 $0xA400;
	s29 =	simm.s32 $0x2;
	s30 =	simm.s32 $0xC400;
	v17 =	vand.u32 $0x7, v18;
	v18 =	vshll.u32 v18, $0x7;
	v19 =	vand.u32 $0xFFFFFFF8, v21  }
0x14: {  	s31 =	simm.s32 $0xC800;
	s14 =	simm.s32 $0xD800;
	s15 =	simm.s32 $0xDC00;
	v20 =	vand.u32 $0x7, v21;
	v21 =	vshll.u32 v21, $0x7;
	v36 =	vperm.xlane v33, v42  }
0x15: {  	s21 =	simm.s32 $0xE000;
	s22 =	simm.s32 $0x4;
	s24 =	simm.s32 $0x0;
	v22 =	vand.u32 $0xFFFFFFF8, v24;
	v23 =	vand.u32 $0x7, v24;
	v24 =	vshll.u32 v24, $0x7  }
0x16: {  	s1 =	sand.u32 $0x1, s1;
	s4 =	sshll.u32 s3, $0x1;
	s3 =	simm.s32 $0x0;
	v25 =	vand.u32 $0xFFFFFFF8, v27;
	v26 =	vand.u32 $0x7, v27;
	v39 =	vperm.xlane v36, v42  }
0x17: {  	s7 =	sadd.s32 $0x4000, s2;
	s8 =	sadd.s32 $0x8000, s2;
	s9 =	sadd.s32 $0xC000, s2;
	v27 =	vshll.u32 v27, $0x7;
	v28 =	vand.u32 $0xFFFFFFF8, v30;
	v29 =	vand.u32 $0x7, v30  }
0x18: {  	s10 =	sadd.s32 $0x10000, s2;
	s11 =	sadd.s32 $0x14000, s2;
	s12 =	sadd.s32 $0x18000, s2;
	v30 =	vshll.u32 v30, $0x7;
	v31 =	vand.u32 $0xFFFFFFF8, v33;
	v43 =	vperm.xlane v39, v42  }
0x19: {  	s13 =	sadd.s32 $0x1C000, s2;
	s5 =	sor.u32 s1, s4;
	s1 =	ssub.s32 $0x2, s1;
	v32 =	vand.u32 $0x7, v33;
	v33 =	vshll.u32 v33, $0x7;
	v34 =	vand.u32 $0xFFFFFFF8, v36  }
0x1a: {  	[smem:$0x7FF] =	sst s3;
	s6 =	smul.u32 $0xC80, s5;
	s26 =	sshrl.u32 s1, $0x1;
	v35 =	vand.u32 $0x7, v36;
	v36 =	vshll.u32 v36, $0x7;
	v46 =	vperm.xlane v43, v42  }
0x1b: {  	s4 =	sadd.s32 $0xF42C00, s0;
	_ =	strace $0x80000047;
	s1 =	ssub.s32 s1, s26;
	v37 =	vand.u32 $0xFFFFFFF8, v39;
	v38 =	vand.u32 $0x7, v39;
	v39 =	vshll.u32 v39, $0x7  }
0x1c: {  	s5 =	smul.u32 $0xC8, s5;
	s0 =	sadd.s32 s6, s0;
	s28 =	smax.u32 s1, $0x1;
	v40 =	vand.u32 $0xFFFFFFF8, v43;
	v41 =	vand.u32 $0x7, v43;
	v42 =	vperm.xlane v46, v42  }
0x1d: {  	s1 =	simm.s32 $0xCC00;
	s0 =	sadd.s32 $0x600, s0;
	[dreg:$0x4] =	wrdreg s28;
	v43 =	vshll.u32 v43, $0x7;
	v44 =	vand.u32 $0xFFFFFFF8, v46;
	v45 =	vand.u32 $0x7, v46  }
0x1e: {  	s6 =	simm.s32 $0xD400;
	[dreg:$0x3] =	wrdreg s0;
	s0 =	simm.s32 $0xD000;
	v46 =	vshll.u32 v46, $0x7;
	v47 =	vand.u32 $0xFFFFFFF8, v42;
	[tilespmem:$0x1FFF0] =	vst v42;
	v48 =	vand.u32 $0x7, v42  }
.LBB2_1:
0x1f: {  	[dreg:$0x5] =	wrdreg s24  }
0x20: {  	s23 =	rddreg [dreg:$0x3];
	s28 =	simm.s32 $0x5  }
0x21: {  	[tilespmem:s3], [sflag:$0x5] =	stream.linear.gather [hbm4b:s23+s3], $0x6400, $0x38;
	[tilespmem:$0xE400] =	vst v63  }
0x22: {  	_ =	swait.ge [sflag:s28], $0x6400  }
0x23: {  	[sflag:s28] =	ssyncset.done $0x0  }
0x24: {  	s23 =	simm.s32 $0x0;
	[sflag:s28] =	ssyncadd.s32 $0xFFFF9C00  }
0x25: {  	[tilespmem:s17], [sflag:$0x1] =	stream.indirect.gather [hbm4b:s4+s16], $0x40, s3, s16, $0xb8;
	[tilespmem:$0xE400] =	vst v63  }
.LBB2_2:
0x26: {  	_ =	swait.ge [sflag:s18], $0x2000;
	s24 =	sshllo.u32 s23, $0x1  }
0x27: {  	p0 =	seq.s32 s23, $0x0;
	[sflag:s18] =	ssyncset.done $0x0;
	s25 =	sshll.u32 s24, $0x7  }
0x28: {  	s26 =	simm.s32 @!p0 $0x3;
	[sflag:s18] =	ssyncadd.s32 $0xFFFFE000;
	s25 =	sand.u32 $0x3FFFFF80, s25  }
0x29: {  	[tilespmem:s19], [sflag:$0x2] =	stream.indirect.gather [hbm4b:s4+s16], $0x40, s25, s16, $0xb8;
	[tilespmem:$0xE400] =	vst v63  }
0x2a: {  	_ =	swait.ge @!p0 [sflag:s26], $0x400  }
0x2b: {  	[sflag:s26] =	ssyncset.done @!p0 $0x0  }
0x2c: {  	[sflag:s26] =	ssyncadd.s32 @!p0 $0xFFFFFC00  }
0x2d: {  	_ =	swait.ge @!p0 [sflag:s26], $0x400  }
0x2e: {  	[sflag:s26] =	ssyncset.done @!p0 $0x0  }
0x2f: {  	[sflag:s26] =	ssyncadd.s32 @!p0 $0xFFFFFC00  }
0x30: {  	_ =	swait.ge @!p0 [sflag:s26], $0x400  }
0x31: {  	[sflag:s26] =	ssyncset.done @!p0 $0x0  }
0x32: {  	[sflag:s26] =	ssyncadd.s32 @!p0 $0xFFFFFC00  }
0x33: {  	_ =	swait.ge @!p0 [sflag:s26], $0x400  }
0x34: {  	[sflag:s26] =	ssyncset.done @!p0 $0x0  }
0x35: {  	[sflag:s26] =	ssyncadd.s32 @!p0 $0xFFFFFC00  }
0x36: {  	_ =	swait.ge @!p0 [sflag:s26], $0x400  }
0x37: {  	[sflag:s26] =	ssyncset.done @!p0 $0x0  }
0x38: {  	[sflag:s26] =	ssyncadd.s32 @!p0 $0xFFFFFC00  }
0x39: {  	_ =	swait.ge @!p0 [sflag:s26], $0x400  }
0x3a: {  	s25 =	simm.s32 $0x0;
	[sflag:s26] =	ssyncset.done @!p0 $0x0  }
0x3b: {  	v49 =	vor.u32 s25, v0;
	[sflag:s26] =	ssyncadd.s32 @!p0 $0xFFFFFC00  }
0x3c: {  	v58 =	vshll.u32 v49, $0x6;
	_ =	swait.ge @!p0 [sflag:s26], $0x400  }
0x3d: {  	v50 =	vor.u32 v0, v58;
	[sflag:s26] =	ssyncset.done @!p0 $0x0  }
0x3e: {  	[sflag:s26] =	ssyncadd.s32 @!p0 $0xFFFFFC00  }
0x3f: {  	_ =	swait.ge @!p0 [sflag:s26], $0x400  }
0x40: {  	[sflag:s26] =	ssyncset.done @!p0 $0x0  }
0x41: {  	[sflag:s26] =	ssyncadd.s32 @!p0 $0xFFFFFC00  }
0x42: {  	v51 =	vor.u32 s25, v1;
	v52 =	vadd.s32 v58, v2;
	v50 =	vld.idx.msk [tilespmem:v50+s17+$0x0], $0xffff  }
0x43: {  	v52 =	vor.u32 v3, v52;
	_ =	sdelay $0x3  }
0x44: {  	[tilespmem:v51+s20+$0x0] =	vst.idx.msk $0xffff, v50;
	v50 =	vand.u32 v6, v49  }
0x45: {  	v57 =	vadd.s32 v58, v7;
	v42 =	vld.idx.msk [tilespmem:v52+s17+$0x0], $0xffff;
	v56 =	vor.u32 v5, v50  }
0x46: {  	v52 =	vor.u32 v8, v57;
	_ =	sdelay $0x3  }
0x47: {  	[tilespmem:v56+s20+$0x0] =	vst.idx.msk $0xffff, v42  }
0x48: {  	v60 =	vadd.s32 v58, v10;
	v59 =	vor.u32 v9, v50;
	v49 =	vld.idx.msk [tilespmem:v52+s17+$0x0], $0xffff  }
0x49: {  	v52 =	vor.u32 v11, v60;
	_ =	sdelay $0x3  }
0x4a: {  	[tilespmem:v59+s20+$0x0] =	vst.idx.msk $0xffff, v49  }
0x4b: {  	v62 =	vadd.s32 v58, v13;
	v61 =	vor.u32 v12, v50;
	v49 =	vld.idx.msk [tilespmem:v52+s17+$0x0], $0xffff  }
0x4c: {  	v52 =	vor.u32 v14, v62;
	_ =	sdelay $0x3  }
0x4d: {  	[tilespmem:v61+s20+$0x0] =	vst.idx.msk $0xffff, v49  }
0x4e: {  	v63 =	vor.u32 v15, v50;
	v42 =	vadd.s32 v58, v16;
	v49 =	vld.idx.msk [tilespmem:v52+s17+$0x0], $0xffff  }
0x4f: {  	v52 =	vor.u32 v17, v42;
	_ =	sdelay $0x3  }
0x50: {  	[tilespmem:v63+s20+$0x0] =	vst.idx.msk $0xffff, v49  }
0x51: {  	v57 =	vadd.s32 v58, v19;
	v56 =	vor.u32 v18, v50;
	v49 =	vld.idx.msk [tilespmem:v52+s17+$0x0], $0xffff  }
0x52: {  	v52 =	vor.u32 v20, v57;
	_ =	sdelay $0x3  }
0x53: {  	[tilespmem:v56+s20+$0x0] =	vst.idx.msk $0xffff, v49  }
0x54: {  	v60 =	vadd.s32 v58, v22;
	v59 =	vor.u32 v21, v50;
	v49 =	vld.idx.msk [tilespmem:v52+s17+$0x0], $0xffff  }
0x55: {  	v52 =	vor.u32 v23, v60;
	_ =	sdelay $0x3  }
0x56: {  	[tilespmem:v59+s20+$0x0] =	vst.idx.msk $0xffff, v49  }
0x57: {  	v62 =	vadd.s32 v58, v25;
	v61 =	vor.u32 v24, v50;
	v49 =	vld.idx.msk [tilespmem:v52+s17+$0x0], $0xffff  }
0x58: {  	v52 =	vor.u32 v26, v62;
	_ =	sdelay $0x3  }
0x59: {  	[tilespmem:v61+s20+$0x0] =	vst.idx.msk $0xffff, v49  }
0x5a: {  	v42 =	vadd.s32 v58, v28;
	v63 =	vor.u32 v27, v50;
	v49 =	vld.idx.msk [tilespmem:v52+s17+$0x0], $0xffff  }
0x5b: {  	v52 =	vor.u32 v29, v42;
	_ =	sdelay $0x3  }
0x5c: {  	[tilespmem:v63+s20+$0x0] =	vst.idx.msk $0xffff, v49  }
0x5d: {  	v57 =	vadd.s32 v58, v31;
	v56 =	vor.u32 v30, v50;
	v49 =	vld.idx.msk [tilespmem:v52+s17+$0x0], $0xffff  }
0x5e: {  	v52 =	vor.u32 v32, v57;
	_ =	sdelay $0x3  }
0x5f: {  	[tilespmem:v56+s20+$0x0] =	vst.idx.msk $0xffff, v49  }
0x60: {  	v60 =	vadd.s32 v58, v34;
	v59 =	vor.u32 v33, v50;
	v49 =	vld.idx.msk [tilespmem:v52+s17+$0x0], $0xffff  }
0x61: {  	v52 =	vor.u32 v35, v60;
	_ =	sdelay $0x3  }
0x62: {  	[tilespmem:v59+s20+$0x0] =	vst.idx.msk $0xffff, v49  }
0x63: {  	v62 =	vadd.s32 v58, v37;
	v61 =	vor.u32 v36, v50;
	v49 =	vld.idx.msk [tilespmem:v52+s17+$0x0], $0xffff  }
0x64: {  	v52 =	vor.u32 v38, v62;
	_ =	sdelay $0x3  }
0x65: {  	[tilespmem:v61+s20+$0x0] =	vst.idx.msk $0xffff, v49  }
0x66: {  	v42 =	vadd.s32 v58, v40;
	v63 =	vor.u32 v39, v50;
	v49 =	vld.idx.msk [tilespmem:v52+s17+$0x0], $0xffff  }
0x67: {  	v52 =	vor.u32 v41, v42;
	_ =	sdelay $0x3  }
0x68: {  	[tilespmem:v63+s20+$0x0] =	vst.idx.msk $0xffff, v49  }
0x69: {  	v57 =	vadd.s32 v58, v44;
	v56 =	vor.u32 v43, v50;
	v49 =	vld.idx.msk [tilespmem:v52+s17+$0x0], $0xffff  }
0x6a: {  	v52 =	vor.u32 v45, v57;
	_ =	sdelay $0x3  }
0x6b: {  	v42 =	vld [tilespmem:$0x1FFF0];
	[tilespmem:v56+s20+$0x0] =	vst.idx.msk $0xffff, v49  }
0x6c: {  	v60 =	vadd.s32 v58, v47;
	v59 =	vor.u32 v46, v50;
	v49 =	vld.idx.msk [tilespmem:v52+s17+$0x0], $0xffff  }
0x6d: {  	v52 =	vor.u32 v48, v60;
	_ =	sdelay $0x3  }
0x6e: {  	[tilespmem:v59+s20+$0x0] =	vst.idx.msk $0xffff, v49;
	v49 =	vshll.u32 v42, $0x7  }
0x6f: {  	v51 =	vor.u32 $0x10, v0;
	v52 =	vld.idx.msk [tilespmem:v52+s17+$0x0], $0xffff;
	v50 =	vor.u32 v49, v50  }
0x70: {  	v53 =	vor.u32 v51, v58;
	_ =	sdelay $0x3  }
0x71: {  	v54 =	vor.u32 $0x10, v58;
	[tilespmem:v50+s20+$0x0] =	vst.idx.msk $0xffff, v52;
	v50 =	vor.u32 $0x800, v1  }
0x72: {  	v61 =	vadd.s32 v2, v54;
	v53 =	vld.idx.msk [tilespmem:v53+s17+$0x0], $0xffff;
	v55 =	vor.u32 s25, v50  }
0x73: {  	v56 =	vor.u32 v3, v61  }
0x74: {  	v52 =	vor.u32 $0x800, v0  }
0x75: {  	v57 =	vor.u32 s25, v52  }
0x76: {  	v59 =	vadd.s32 v57, v5  }
0x77: {  	v62 =	vand.u32 $0xFFFFFFF8, v59;
	[tilespmem:v55+s20+$0x0] =	vst.idx.msk $0xffff, v53  }
0x78: {  	v63 =	vadd.s32 v7, v54;
	v53 =	vor.u32 v4, v62;
	v55 =	vld.idx.msk [tilespmem:v56+s17+$0x0], $0xffff  }
0x79: {  	v56 =	vor.u32 v8, v63;
	_ =	sdelay $0x2  }
0x7a: {  	v42 =	vadd.s32 v57, v9  }
0x7b: {  	v59 =	vand.u32 $0xFFFFFFF8, v42;
	[tilespmem:v53+s20+$0x0] =	vst.idx.msk $0xffff, v55  }
0x7c: {  	v60 =	vadd.s32 v10, v54;
	v53 =	vor.u32 v4, v59;
	v55 =	vld.idx.msk [tilespmem:v56+s17+$0x0], $0xffff  }
0x7d: {  	v56 =	vor.u32 v11, v60;
	_ =	sdelay $0x2  }
0x7e: {  	v61 =	vadd.s32 v57, v12  }
0x7f: {  	v62 =	vand.u32 $0xFFFFFFF8, v61;
	[tilespmem:v53+s20+$0x0] =	vst.idx.msk $0xffff, v55  }
0x80: {  	v63 =	vadd.s32 v13, v54;
	v53 =	vor.u32 v4, v62;
	v55 =	vld.idx.msk [tilespmem:v56+s17+$0x0], $0xffff  }
0x81: {  	v56 =	vor.u32 v14, v63;
	_ =	sdelay $0x2  }
0x82: {  	v42 =	vadd.s32 v57, v15  }
0x83: {  	v59 =	vand.u32 $0xFFFFFFF8, v42;
	[tilespmem:v53+s20+$0x0] =	vst.idx.msk $0xffff, v55  }
0x84: {  	v60 =	vadd.s32 v16, v54;
	v53 =	vor.u32 v4, v59;
	v55 =	vld.idx.msk [tilespmem:v56+s17+$0x0], $0xffff  }
0x85: {  	v56 =	vor.u32 v17, v60;
	_ =	sdelay $0x2  }
0x86: {  	v61 =	vadd.s32 v57, v18  }
0x87: {  	v62 =	vand.u32 $0xFFFFFFF8, v61;
	[tilespmem:v53+s20+$0x0] =	vst.idx.msk $0xffff, v55  }
0x88: {  	v63 =	vadd.s32 v19, v54;
	v53 =	vor.u32 v4, v62;
	v55 =	vld.idx.msk [tilespmem:v56+s17+$0x0], $0xffff  }
0x89: {  	v56 =	vor.u32 v20, v63;
	_ =	sdelay $0x2  }
0x8a: {  	v42 =	vadd.s32 v57, v21  }
0x8b: {  	v59 =	vand.u32 $0xFFFFFFF8, v42;
	[tilespmem:v53+s20+$0x0] =	vst.idx.msk $0xffff, v55  }
0x8c: {  	v60 =	vadd.s32 v22, v54;
	v53 =	vor.u32 v4, v59;
	v55 =	vld.idx.msk [tilespmem:v56+s17+$0x0], $0xffff  }
0x8d: {  	v56 =	vor.u32 v23, v60;
	_ =	sdelay $0x2  }
0x8e: {  	v61 =	vadd.s32 v57, v24  }
0x8f: {  	v62 =	vand.u32 $0xFFFFFFF8, v61;
	[tilespmem:v53+s20+$0x0] =	vst.idx.msk $0xffff, v55  }
0x90: {  	v63 =	vadd.s32 v25, v54;
	v53 =	vor.u32 v4, v62;
	v55 =	vld.idx.msk [tilespmem:v56+s17+$0x0], $0xffff  }
0x91: {  	v56 =	vor.u32 v26, v63;
	_ =	sdelay $0x2  }
0x92: {  	v42 =	vadd.s32 v57, v27  }
0x93: {  	v59 =	vand.u32 $0xFFFFFFF8, v42;
	[tilespmem:v53+s20+$0x0] =	vst.idx.msk $0xffff, v55  }
0x94: {  	v60 =	vadd.s32 v28, v54;
	v53 =	vor.u32 v4, v59;
	v55 =	vld.idx.msk [tilespmem:v56+s17+$0x0], $0xffff  }
0x95: {  	v56 =	vor.u32 v29, v60;
	_ =	sdelay $0x2  }
0x96: {  	v61 =	vadd.s32 v57, v30  }
0x97: {  	v62 =	vand.u32 $0xFFFFFFF8, v61;
	[tilespmem:v53+s20+$0x0] =	vst.idx.msk $0xffff, v55  }
0x98: {  	v63 =	vadd.s32 v31, v54;
	v53 =	vor.u32 v4, v62;
	v55 =	vld.idx.msk [tilespmem:v56+s17+$0x0], $0xffff  }
0x99: {  	v56 =	vor.u32 v32, v63;
	_ =	sdelay $0x2  }
0x9a: {  	v42 =	vadd.s32 v57, v33  }
0x9b: {  	v59 =	vand.u32 $0xFFFFFFF8, v42;
	[tilespmem:v53+s20+$0x0] =	vst.idx.msk $0xffff, v55  }
0x9c: {  	v60 =	vadd.s32 v34, v54;
	v53 =	vor.u32 v4, v59;
	v55 =	vld.idx.msk [tilespmem:v56+s17+$0x0], $0xffff  }
0x9d: {  	v56 =	vor.u32 v35, v60;
	_ =	sdelay $0x2  }
0x9e: {  	v61 =	vadd.s32 v57, v36  }
0x9f: {  	v62 =	vand.u32 $0xFFFFFFF8, v61;
	[tilespmem:v53+s20+$0x0] =	vst.idx.msk $0xffff, v55  }
0xa0: {  	v63 =	vadd.s32 v37, v54;
	v53 =	vor.u32 v4, v62;
	v55 =	vld.idx.msk [tilespmem:v56+s17+$0x0], $0xffff  }
0xa1: {  	v56 =	vor.u32 v38, v63;
	_ =	sdelay $0x2  }
0xa2: {  	v42 =	vadd.s32 v57, v39  }
0xa3: {  	v59 =	vand.u32 $0xFFFFFFF8, v42;
	[tilespmem:v53+s20+$0x0] =	vst.idx.msk $0xffff, v55  }
0xa4: {  	v60 =	vadd.s32 v40, v54;
	v53 =	vor.u32 v4, v59;
	v55 =	vld.idx.msk [tilespmem:v56+s17+$0x0], $0xffff  }
0xa5: {  	v56 =	vor.u32 v41, v60;
	_ =	sdelay $0x2  }
0xa6: {  	v61 =	vadd.s32 v57, v43  }
0xa7: {  	v62 =	vand.u32 $0xFFFFFFF8, v61;
	[tilespmem:v53+s20+$0x0] =	vst.idx.msk $0xffff, v55  }
0xa8: {  	v63 =	vadd.s32 v44, v54;
	v53 =	vor.u32 v4, v62;
	v55 =	vld.idx.msk [tilespmem:v56+s17+$0x0], $0xffff  }
0xa9: {  	v56 =	vor.u32 v45, v63;
	_ =	sdelay $0x2  }
0xaa: {  	v42 =	vadd.s32 v57, v46  }
0xab: {  	v60 =	vand.u32 $0xFFFFFFF8, v42;
	[tilespmem:v53+s20+$0x0] =	vst.idx.msk $0xffff, v55  }
0xac: {  	v54 =	vadd.s32 v47, v54;
	v53 =	vor.u32 v4, v60;
	v55 =	vld.idx.msk [tilespmem:v56+s17+$0x0], $0xffff  }
0xad: {  	v54 =	vor.u32 v48, v54;
	_ =	sdelay $0x2  }
0xae: {  	v61 =	vadd.s32 v57, v49  }
0xaf: {  	v62 =	vand.u32 $0xFFFFFFF8, v61;
	[tilespmem:v53+s20+$0x0] =	vst.idx.msk $0xffff, v55  }
0xb0: {  	v53 =	vor.u32 v4, v62;
	v55 =	vld.idx.msk [tilespmem:v54+s17+$0x0], $0xffff;
	v54 =	vor.u32 $0x20, v0  }
0xb1: {  	v63 =	vor.u32 v54, v58;
	_ =	sdelay $0x3  }
0xb2: {  	v57 =	vor.u32 $0x20, v58;
	[tilespmem:v53+s20+$0x0] =	vst.idx.msk $0xffff, v55;
	v53 =	vor.u32 $0x1000, v1  }
0xb3: {  	v62 =	vadd.s32 v2, v57;
	v56 =	vld.idx.msk [tilespmem:v63+s17+$0x0], $0xffff;
	v42 =	vor.u32 s25, v53  }
0xb4: {  	v60 =	vor.u32 v3, v62  }
0xb5: {  	v55 =	vor.u32 $0x1000, v0  }
0xb6: {  	v61 =	vor.u32 s25, v55  }
0xb7: {  	v62 =	vadd.s32 v61, v5  }
0xb8: {  	v63 =	vand.u32 $0xFFFFFFF8, v62;
	[tilespmem:v42+s20+$0x0] =	vst.idx.msk $0xffff, v56  }
0xb9: {  	v56 =	vor.u32 v4, v63;
	v42 =	vadd.s32 v7, v57;
	v59 =	vld.idx.msk [tilespmem:v60+s17+$0x0], $0xffff  }
0xba: {  	v60 =	vor.u32 v8, v42;
	_ =	sdelay $0x2  }
0xbb: {  	v42 =	vadd.s32 v61, v9  }
0xbc: {  	v63 =	vand.u32 $0xFFFFFFF8, v42;
	[tilespmem:v56+s20+$0x0] =	vst.idx.msk $0xffff, v59  }
0xbd: {  	v42 =	vadd.s32 v10, v57;
	v56 =	vor.u32 v4, v63;
	v59 =	vld.idx.msk [tilespmem:v60+s17+$0x0], $0xffff  }
0xbe: {  	v60 =	vor.u32 v11, v42;
	_ =	sdelay $0x2  }
0xbf: {  	v42 =	vadd.s32 v61, v12  }
0xc0: {  	v63 =	vand.u32 $0xFFFFFFF8, v42;
	[tilespmem:v56+s20+$0x0] =	vst.idx.msk $0xffff, v59  }
0xc1: {  	v42 =	vadd.s32 v13, v57;
	v56 =	vor.u32 v4, v63;
	v59 =	vld.idx.msk [tilespmem:v60+s17+$0x0], $0xffff  }
0xc2: {  	v60 =	vor.u32 v14, v42;
	_ =	sdelay $0x2  }
0xc3: {  	v42 =	vadd.s32 v61, v15  }
0xc4: {  	v63 =	vand.u32 $0xFFFFFFF8, v42;
	[tilespmem:v56+s20+$0x0] =	vst.idx.msk $0xffff, v59  }
0xc5: {  	v42 =	vadd.s32 v16, v57;
	v56 =	vor.u32 v4, v63;
	v59 =	vld.idx.msk [tilespmem:v60+s17+$0x0], $0xffff  }
0xc6: {  	v60 =	vor.u32 v17, v42;
	_ =	sdelay $0x2  }
0xc7: {  	v42 =	vadd.s32 v61, v18  }
0xc8: {  	v63 =	vand.u32 $0xFFFFFFF8, v42;
	[tilespmem:v56+s20+$0x0] =	vst.idx.msk $0xffff, v59  }
0xc9: {  	v42 =	vadd.s32 v19, v57;
	v56 =	vor.u32 v4, v63;
	v59 =	vld.idx.msk [tilespmem:v60+s17+$0x0], $0xffff  }
0xca: {  	v60 =	vor.u32 v20, v42;
	_ =	sdelay $0x2  }
0xcb: {  	v42 =	vadd.s32 v61, v21  }
0xcc: {  	v63 =	vand.u32 $0xFFFFFFF8, v42;
	[tilespmem:v56+s20+$0x0] =	vst.idx.msk $0xffff, v59  }
0xcd: {  	v42 =	vadd.s32 v22, v57;
	v56 =	vor.u32 v4, v63;
	v59 =	vld.idx.msk [tilespmem:v60+s17+$0x0], $0xffff  }
0xce: {  	v60 =	vor.u32 v23, v42;
	_ =	sdelay $0x2  }
0xcf: {  	v42 =	vadd.s32 v61, v24  }
0xd0: {  	v63 =	vand.u32 $0xFFFFFFF8, v42;
	[tilespmem:v56+s20+$0x0] =	vst.idx.msk $0xffff, v59  }
0xd1: {  	v42 =	vadd.s32 v25, v57;
	v56 =	vor.u32 v4, v63;
	v59 =	vld.idx.msk [tilespmem:v60+s17+$0x0], $0xffff  }
0xd2: {  	v60 =	vor.u32 v26, v42;
	_ =	sdelay $0x2  }
0xd3: {  	v42 =	vadd.s32 v61, v27  }
0xd4: {  	v63 =	vand.u32 $0xFFFFFFF8, v42;
	[tilespmem:v56+s20+$0x0] =	vst.idx.msk $0xffff, v59  }
0xd5: {  	v42 =	vadd.s32 v28, v57;
	v56 =	vor.u32 v4, v63;
	v59 =	vld.idx.msk [tilespmem:v60+s17+$0x0], $0xffff  }
0xd6: {  	v60 =	vor.u32 v29, v42;
	_ =	sdelay $0x2  }
0xd7: {  	v42 =	vadd.s32 v61, v30  }
0xd8: {  	v63 =	vand.u32 $0xFFFFFFF8, v42;
	[tilespmem:v56+s20+$0x0] =	vst.idx.msk $0xffff, v59  }
0xd9: {  	v42 =	vadd.s32 v31, v57;
	v56 =	vor.u32 v4, v63;
	v59 =	vld.idx.msk [tilespmem:v60+s17+$0x0], $0xffff  }
0xda: {  	v60 =	vor.u32 v32, v42;
	_ =	sdelay $0x2  }
0xdb: {  	v42 =	vadd.s32 v61, v33  }
0xdc: {  	v63 =	vand.u32 $0xFFFFFFF8, v42;
	[tilespmem:v56+s20+$0x0] =	vst.idx.msk $0xffff, v59  }
0xdd: {  	v42 =	vadd.s32 v34, v57;
	v56 =	vor.u32 v4, v63;
	v59 =	vld.idx.msk [tilespmem:v60+s17+$0x0], $0xffff  }
0xde: {  	v60 =	vor.u32 v35, v42;
	_ =	sdelay $0x2  }
0xdf: {  	v42 =	vadd.s32 v61, v36  }
0xe0: {  	v63 =	vand.u32 $0xFFFFFFF8, v42;
	[tilespmem:v56+s20+$0x0] =	vst.idx.msk $0xffff, v59  }
0xe1: {  	v42 =	vadd.s32 v37, v57;
	v56 =	vor.u32 v4, v63;
	v59 =	vld.idx.msk [tilespmem:v60+s17+$0x0], $0xffff  }
0xe2: {  	v60 =	vor.u32 v38, v42;
	_ =	sdelay $0x2  }
0xe3: {  	v42 =	vadd.s32 v61, v39  }
0xe4: {  	v63 =	vand.u32 $0xFFFFFFF8, v42;
	[tilespmem:v56+s20+$0x0] =	vst.idx.msk $0xffff, v59  }
0xe5: {  	v42 =	vadd.s32 v40, v57;
	v56 =	vor.u32 v4, v63;
	v59 =	vld.idx.msk [tilespmem:v60+s17+$0x0], $0xffff  }
0xe6: {  	v60 =	vor.u32 v41, v42;
	_ =	sdelay $0x2  }
0xe7: {  	v42 =	vadd.s32 v61, v43  }
0xe8: {  	v63 =	vand.u32 $0xFFFFFFF8, v42;
	[tilespmem:v56+s20+$0x0] =	vst.idx.msk $0xffff, v59  }
0xe9: {  	v42 =	vadd.s32 v44, v57;
	v56 =	vor.u32 v4, v63;
	v59 =	vld.idx.msk [tilespmem:v60+s17+$0x0], $0xffff  }
0xea: {  	v60 =	vor.u32 v45, v42;
	_ =	sdelay $0x2  }
0xeb: {  	v42 =	vadd.s32 v61, v46  }
0xec: {  	v63 =	vand.u32 $0xFFFFFFF8, v42;
	[tilespmem:v56+s20+$0x0] =	vst.idx.msk $0xffff, v59  }
0xed: {  	v57 =	vadd.s32 v47, v57;
	v56 =	vor.u32 v4, v63;
	v59 =	vld.idx.msk [tilespmem:v60+s17+$0x0], $0xffff  }
0xee: {  	v57 =	vor.u32 v48, v57;
	_ =	sdelay $0x2  }
0xef: {  	v42 =	vadd.s32 v61, v49  }
0xf0: {  	v63 =	vand.u32 $0xFFFFFFF8, v42;
	[tilespmem:v56+s20+$0x0] =	vst.idx.msk $0xffff, v59  }
0xf1: {  	v56 =	vor.u32 v4, v63;
	v59 =	vld.idx.msk [tilespmem:v57+s17+$0x0], $0xffff;
	v57 =	vor.u32 $0x30, v0  }
0xf2: {  	v42 =	vor.u32 v57, v58;
	_ =	sdelay $0x3  }
0xf3: {  	[tilespmem:v56+s20+$0x0] =	vst.idx.msk $0xffff, v59;
	v56 =	vor.u32 $0x1800, v1;
	v59 =	vor.u32 $0x30, v58  }
0xf4: {  	v60 =	vld.idx.msk [tilespmem:v42+s17+$0x0], $0xffff;
	v61 =	vor.u32 s25, v56;
	v58 =	vadd.s32 v2, v59  }
0xf5: {  	v62 =	vor.u32 v3, v58  }
0xf6: {  	v58 =	vor.u32 $0x1800, v0  }
0xf7: {  	v63 =	vor.u32 s25, v58  }
0xf8: {  	v42 =	vadd.s32 v63, v5  }
0xf9: {  	v42 =	vand.u32 $0xFFFFFFF8, v42;
	[tilespmem:v61+s20+$0x0] =	vst.idx.msk $0xffff, v60  }
0xfa: {  	v42 =	vor.u32 v4, v42;
	v61 =	vadd.s32 v7, v59;
	v60 =	vld.idx.msk [tilespmem:v62+s17+$0x0], $0xffff  }
0xfb: {  	v61 =	vor.u32 v8, v61;
	_ =	sdelay $0x2  }
0xfc: {  	v62 =	vadd.s32 v63, v9  }
0xfd: {  	[tilespmem:v42+s20+$0x0] =	vst.idx.msk $0xffff, v60;
	v42 =	vand.u32 $0xFFFFFFF8, v62  }
0xfe: {  	v60 =	vld.idx.msk [tilespmem:v61+s17+$0x0], $0xffff;
	v42 =	vor.u32 v4, v42;
	v61 =	vadd.s32 v10, v59  }
0xff: {  	v61 =	vor.u32 v11, v61;
	_ =	sdelay $0x2  }
0x100: {  	v62 =	vadd.s32 v63, v12  }
0x101: {  	[tilespmem:v42+s20+$0x0] =	vst.idx.msk $0xffff, v60;
	v42 =	vand.u32 $0xFFFFFFF8, v62  }
0x102: {  	v60 =	vld.idx.msk [tilespmem:v61+s17+$0x0], $0xffff;
	v42 =	vor.u32 v4, v42;
	v61 =	vadd.s32 v13, v59  }
0x103: {  	v61 =	vor.u32 v14, v61;
	_ =	sdelay $0x2  }
0x104: {  	v62 =	vadd.s32 v63, v15  }
0x105: {  	[tilespmem:v42+s20+$0x0] =	vst.idx.msk $0xffff, v60;
	v42 =	vand.u32 $0xFFFFFFF8, v62  }
0x106: {  	v60 =	vld.idx.msk [tilespmem:v61+s17+$0x0], $0xffff;
	v42 =	vor.u32 v4, v42;
	v61 =	vadd.s32 v16, v59  }
0x107: {  	v61 =	vor.u32 v17, v61;
	_ =	sdelay $0x2  }
0x108: {  	v62 =	vadd.s32 v63, v18  }
0x109: {  	[tilespmem:v42+s20+$0x0] =	vst.idx.msk $0xffff, v60;
	v42 =	vand.u32 $0xFFFFFFF8, v62  }
0x10a: {  	v60 =	vld.idx.msk [tilespmem:v61+s17+$0x0], $0xffff;
	v42 =	vor.u32 v4, v42;
	v61 =	vadd.s32 v19, v59  }
0x10b: {  	v61 =	vor.u32 v20, v61;
	_ =	sdelay $0x2  }
0x10c: {  	v62 =	vadd.s32 v63, v21  }
0x10d: {  	[tilespmem:v42+s20+$0x0] =	vst.idx.msk $0xffff, v60;
	v42 =	vand.u32 $0xFFFFFFF8, v62  }
0x10e: {  	v60 =	vld.idx.msk [tilespmem:v61+s17+$0x0], $0xffff;
	v42 =	vor.u32 v4, v42;
	v61 =	vadd.s32 v22, v59  }
0x10f: {  	v61 =	vor.u32 v23, v61;
	_ =	sdelay $0x2  }
0x110: {  	v62 =	vadd.s32 v63, v24  }
0x111: {  	[tilespmem:v42+s20+$0x0] =	vst.idx.msk $0xffff, v60;
	v42 =	vand.u32 $0xFFFFFFF8, v62  }
0x112: {  	v60 =	vld.idx.msk [tilespmem:v61+s17+$0x0], $0xffff;
	v42 =	vor.u32 v4, v42;
	v61 =	vadd.s32 v25, v59  }
0x113: {  	v61 =	vor.u32 v26, v61;
	_ =	sdelay $0x2  }
0x114: {  	v62 =	vadd.s32 v63, v27  }
0x115: {  	[tilespmem:v42+s20+$0x0] =	vst.idx.msk $0xffff, v60;
	v42 =	vand.u32 $0xFFFFFFF8, v62  }
0x116: {  	v60 =	vld.idx.msk [tilespmem:v61+s17+$0x0], $0xffff;
	v42 =	vor.u32 v4, v42;
	v61 =	vadd.s32 v28, v59  }
0x117: {  	v61 =	vor.u32 v29, v61;
	_ =	sdelay $0x2  }
0x118: {  	v62 =	vadd.s32 v63, v30  }
0x119: {  	[tilespmem:v42+s20+$0x0] =	vst.idx.msk $0xffff, v60;
	v42 =	vand.u32 $0xFFFFFFF8, v62  }
0x11a: {  	v60 =	vld.idx.msk [tilespmem:v61+s17+$0x0], $0xffff;
	v42 =	vor.u32 v4, v42;
	v61 =	vadd.s32 v31, v59  }
0x11b: {  	v61 =	vor.u32 v32, v61;
	_ =	sdelay $0x2  }
0x11c: {  	v62 =	vadd.s32 v63, v33  }
0x11d: {  	[tilespmem:v42+s20+$0x0] =	vst.idx.msk $0xffff, v60;
	v42 =	vand.u32 $0xFFFFFFF8, v62  }
0x11e: {  	v60 =	vld.idx.msk [tilespmem:v61+s17+$0x0], $0xffff;
	v42 =	vor.u32 v4, v42;
	v61 =	vadd.s32 v34, v59  }
0x11f: {  	v61 =	vor.u32 v35, v61;
	_ =	sdelay $0x2  }
0x120: {  	v62 =	vadd.s32 v63, v36  }
0x121: {  	[tilespmem:v42+s20+$0x0] =	vst.idx.msk $0xffff, v60;
	v42 =	vand.u32 $0xFFFFFFF8, v62  }
0x122: {  	v60 =	vld.idx.msk [tilespmem:v61+s17+$0x0], $0xffff;
	v42 =	vor.u32 v4, v42;
	v61 =	vadd.s32 v37, v59  }
0x123: {  	v61 =	vor.u32 v38, v61;
	_ =	sdelay $0x2  }
0x124: {  	v62 =	vadd.s32 v63, v39  }
0x125: {  	[tilespmem:v42+s20+$0x0] =	vst.idx.msk $0xffff, v60;
	v42 =	vand.u32 $0xFFFFFFF8, v62  }
0x126: {  	v60 =	vld.idx.msk [tilespmem:v61+s17+$0x0], $0xffff;
	v42 =	vor.u32 v4, v42;
	v61 =	vadd.s32 v40, v59  }
0x127: {  	v61 =	vor.u32 v41, v61;
	_ =	sdelay $0x2  }
0x128: {  	v62 =	vadd.s32 v63, v43  }
0x129: {  	[tilespmem:v42+s20+$0x0] =	vst.idx.msk $0xffff, v60;
	v42 =	vand.u32 $0xFFFFFFF8, v62  }
0x12a: {  	v60 =	vld.idx.msk [tilespmem:v61+s17+$0x0], $0xffff;
	v42 =	vor.u32 v4, v42;
	v61 =	vadd.s32 v44, v59  }
0x12b: {  	v61 =	vor.u32 v45, v61;
	_ =	sdelay $0x2  }
0x12c: {  	v62 =	vadd.s32 v63, v46  }
0x12d: {  	[tilespmem:v42+s20+$0x0] =	vst.idx.msk $0xffff, v60;
	v42 =	vand.u32 $0xFFFFFFF8, v62  }
0x12e: {  	v59 =	vadd.s32 v47, v59;
	v60 =	vld.idx.msk [tilespmem:v61+s17+$0x0], $0xffff;
	v42 =	vor.u32 v4, v42  }
0x12f: {  	v59 =	vor.u32 v48, v59;
	_ =	sdelay $0x3  }
0x130: {  	s26 =	simm.s32 $0x10;
	s25 =	sshll.u32 s23, $0x1;
	[tilespmem:v42+s20+$0x0] =	vst.idx.msk $0xffff, v60;
	v42 =	vadd.s32 v63, v49  }
0x131: {  	s28 =	simm.s32 $0x20;
	s25 =	sadd.s32 s5, s25;
	v60 =	vor.u32 s26, v0;
	v61 =	vld.idx.msk [tilespmem:v59+s17+$0x0], $0xffff;
	v62 =	vand.u32 $0xFFFFFFF8, v42  }
.LBB2_3:
0x132: {  	p0 =	sne.s32 s28, $0x70;
	v59 =	vshll.u32 v60, $0x6;
	v42 =	vor.u32 v4, v62  }
0x133: {  	v62 =	vor.u32 v0, v59;
	_ =	sdelay $0x3  }
0x134: {  	[tilespmem:v42+s20+$0x0] =	vst.idx.msk $0xffff, v61  }
0x135: {  	v42 =	vld.idx.msk [tilespmem:v62+s17+$0x0], $0xffff  }
0x136: {  	v61 =	vor.u32 s26, v1;
	v62 =	vadd.s32 v59, v2  }
0x137: {  	v62 =	vor.u32 v3, v62;
	_ =	sdelay $0x3  }
0x138: {  	[tilespmem:v61+s20+$0x0] =	vst.idx.msk $0xffff, v42  }
0x139: {  	v60 =	vand.u32 v6, v60;
	v42 =	vld.idx.msk [tilespmem:v62+s17+$0x0], $0xffff  }
0x13a: {  	v61 =	vor.u32 v5, v60;
	v62 =	vadd.s32 v59, v7  }
0x13b: {  	v62 =	vor.u32 v8, v62;
	_ =	sdelay $0x3  }
0x13c: {  	[tilespmem:v61+s20+$0x0] =	vst.idx.msk $0xffff, v42  }
0x13d: {  	v42 =	vld.idx.msk [tilespmem:v62+s17+$0x0], $0xffff  }
0x13e: {  	v61 =	vor.u32 v9, v60;
	v62 =	vadd.s32 v59, v10  }
0x13f: {  	v62 =	vor.u32 v11, v62;
	_ =	sdelay $0x3  }
0x140: {  	[tilespmem:v61+s20+$0x0] =	vst.idx.msk $0xffff, v42  }
0x141: {  	v42 =	vld.idx.msk [tilespmem:v62+s17+$0x0], $0xffff  }
0x142: {  	v61 =	vor.u32 v12, v60;
	v62 =	vadd.s32 v59, v13  }
0x143: {  	v62 =	vor.u32 v14, v62;
	_ =	sdelay $0x3  }
0x144: {  	[tilespmem:v61+s20+$0x0] =	vst.idx.msk $0xffff, v42  }
0x145: {  	v42 =	vld.idx.msk [tilespmem:v62+s17+$0x0], $0xffff  }
0x146: {  	v61 =	vor.u32 v15, v60;
	v62 =	vadd.s32 v59, v16  }
0x147: {  	v62 =	vor.u32 v17, v62;
	_ =	sdelay $0x3  }
0x148: {  	[tilespmem:v61+s20+$0x0] =	vst.idx.msk $0xffff, v42  }
0x149: {  	v42 =	vld.idx.msk [tilespmem:v62+s17+$0x0], $0xffff  }
0x14a: {  	v61 =	vor.u32 v18, v60;
	v62 =	vadd.s32 v59, v19  }
0x14b: {  	v62 =	vor.u32 v20, v62;
	_ =	sdelay $0x3  }
0x14c: {  	[tilespmem:v61+s20+$0x0] =	vst.idx.msk $0xffff, v42  }
0x14d: {  	v42 =	vld.idx.msk [tilespmem:v62+s17+$0x0], $0xffff  }
0x14e: {  	v61 =	vor.u32 v21, v60;
	v62 =	vadd.s32 v59, v22  }
0x14f: {  	v62 =	vor.u32 v23, v62;
	_ =	sdelay $0x3  }
0x150: {  	[tilespmem:v61+s20+$0x0] =	vst.idx.msk $0xffff, v42  }
0x151: {  	v42 =	vld.idx.msk [tilespmem:v62+s17+$0x0], $0xffff  }
0x152: {  	v61 =	vor.u32 v24, v60;
	v62 =	vadd.s32 v59, v25  }
0x153: {  	v62 =	vor.u32 v26, v62;
	_ =	sdelay $0x3  }
0x154: {  	[tilespmem:v61+s20+$0x0] =	vst.idx.msk $0xffff, v42  }
0x155: {  	v42 =	vld.idx.msk [tilespmem:v62+s17+$0x0], $0xffff  }
0x156: {  	v61 =	vor.u32 v27, v60;
	v62 =	vadd.s32 v59, v28  }
0x157: {  	v62 =	vor.u32 v29, v62;
	_ =	sdelay $0x3  }
0x158: {  	[tilespmem:v61+s20+$0x0] =	vst.idx.msk $0xffff, v42  }
0x159: {  	v42 =	vld.idx.msk [tilespmem:v62+s17+$0x0], $0xffff  }
0x15a: {  	v61 =	vor.u32 v30, v60;
	v62 =	vadd.s32 v59, v31  }
0x15b: {  	v62 =	vor.u32 v32, v62;
	_ =	sdelay $0x3  }
0x15c: {  	[tilespmem:v61+s20+$0x0] =	vst.idx.msk $0xffff, v42  }
0x15d: {  	v42 =	vld.idx.msk [tilespmem:v62+s17+$0x0], $0xffff  }
0x15e: {  	v61 =	vor.u32 v33, v60;
	v62 =	vadd.s32 v59, v34  }
0x15f: {  	v62 =	vor.u32 v35, v62;
	_ =	sdelay $0x3  }
0x160: {  	[tilespmem:v61+s20+$0x0] =	vst.idx.msk $0xffff, v42  }
0x161: {  	v42 =	vld.idx.msk [tilespmem:v62+s17+$0x0], $0xffff  }
0x162: {  	v61 =	vor.u32 v36, v60;
	v62 =	vadd.s32 v59, v37  }
0x163: {  	v62 =	vor.u32 v38, v62;
	_ =	sdelay $0x3  }
0x164: {  	[tilespmem:v61+s20+$0x0] =	vst.idx.msk $0xffff, v42  }
0x165: {  	v42 =	vld.idx.msk [tilespmem:v62+s17+$0x0], $0xffff  }
0x166: {  	v61 =	vor.u32 v39, v60;
	v62 =	vadd.s32 v59, v40  }
0x167: {  	v62 =	vor.u32 v41, v62;
	_ =	sdelay $0x3  }
0x168: {  	[tilespmem:v61+s20+$0x0] =	vst.idx.msk $0xffff, v42  }
0x169: {  	v42 =	vld.idx.msk [tilespmem:v62+s17+$0x0], $0xffff  }
0x16a: {  	v61 =	vor.u32 v43, v60;
	v62 =	vadd.s32 v59, v44  }
0x16b: {  	v62 =	vor.u32 v45, v62;
	_ =	sdelay $0x3  }
0x16c: {  	[tilespmem:v61+s20+$0x0] =	vst.idx.msk $0xffff, v42  }
0x16d: {  	v42 =	vld.idx.msk [tilespmem:v62+s17+$0x0], $0xffff  }
0x16e: {  	v61 =	vor.u32 v46, v60;
	v62 =	vadd.s32 v59, v47  }
0x16f: {  	v62 =	vor.u32 v48, v62;
	_ =	sdelay $0x3  }
0x170: {  	[tilespmem:v61+s20+$0x0] =	vst.idx.msk $0xffff, v42  }
0x171: {  	v42 =	vld.idx.msk [tilespmem:v62+s17+$0x0], $0xffff  }
0x172: {  	v60 =	vor.u32 v49, v60  }
0x173: {  	v61 =	vor.u32 v51, v59;
	_ =	sdelay $0x3  }
0x174: {  	[tilespmem:v60+s20+$0x0] =	vst.idx.msk $0xffff, v42  }
0x175: {  	v60 =	vor.u32 $0x10, v59;
	v42 =	vld.idx.msk [tilespmem:v61+s17+$0x0], $0xffff  }
0x176: {  	v62 =	vor.u32 s26, v50;
	v61 =	vadd.s32 v2, v60  }
0x177: {  	v63 =	vor.u32 v3, v61;
	_ =	sdelay $0x2  }
0x178: {  	v61 =	vor.u32 s26, v52  }
0x179: {  	[tilespmem:v62+s20+$0x0] =	vst.idx.msk $0xffff, v42;
	v42 =	vadd.s32 v61, v5  }
0x17a: {  	v62 =	vld.idx.msk [tilespmem:v63+s17+$0x0], $0xffff;
	v42 =	vand.u32 $0xFFFFFFF8, v42  }
0x17b: {  	v63 =	vadd.s32 v7, v60;
	v42 =	vor.u32 v4, v42  }
0x17c: {  	v63 =	vor.u32 v8, v63;
	_ =	sdelay $0x3  }
0x17d: {  	[tilespmem:v42+s20+$0x0] =	vst.idx.msk $0xffff, v62;
	v42 =	vadd.s32 v61, v9  }
0x17e: {  	v62 =	vld.idx.msk [tilespmem:v63+s17+$0x0], $0xffff;
	v42 =	vand.u32 $0xFFFFFFF8, v42  }
0x17f: {  	v63 =	vadd.s32 v10, v60;
	v42 =	vor.u32 v4, v42  }
0x180: {  	v63 =	vor.u32 v11, v63;
	_ =	sdelay $0x3  }
0x181: {  	[tilespmem:v42+s20+$0x0] =	vst.idx.msk $0xffff, v62;
	v42 =	vadd.s32 v61, v12  }
0x182: {  	v62 =	vld.idx.msk [tilespmem:v63+s17+$0x0], $0xffff;
	v42 =	vand.u32 $0xFFFFFFF8, v42  }
0x183: {  	v63 =	vadd.s32 v13, v60;
	v42 =	vor.u32 v4, v42  }
0x184: {  	v63 =	vor.u32 v14, v63;
	_ =	sdelay $0x3  }
0x185: {  	[tilespmem:v42+s20+$0x0] =	vst.idx.msk $0xffff, v62;
	v42 =	vadd.s32 v61, v15  }
0x186: {  	v62 =	vld.idx.msk [tilespmem:v63+s17+$0x0], $0xffff;
	v42 =	vand.u32 $0xFFFFFFF8, v42  }
0x187: {  	v63 =	vadd.s32 v16, v60;
	v42 =	vor.u32 v4, v42  }
0x188: {  	v63 =	vor.u32 v17, v63;
	_ =	sdelay $0x3  }
0x189: {  	[tilespmem:v42+s20+$0x0] =	vst.idx.msk $0xffff, v62;
	v42 =	vadd.s32 v61, v18  }
0x18a: {  	v62 =	vld.idx.msk [tilespmem:v63+s17+$0x0], $0xffff;
	v42 =	vand.u32 $0xFFFFFFF8, v42  }
0x18b: {  	v63 =	vadd.s32 v19, v60;
	v42 =	vor.u32 v4, v42  }
0x18c: {  	v63 =	vor.u32 v20, v63;
	_ =	sdelay $0x3  }
0x18d: {  	[tilespmem:v42+s20+$0x0] =	vst.idx.msk $0xffff, v62;
	v42 =	vadd.s32 v61, v21  }
0x18e: {  	v62 =	vld.idx.msk [tilespmem:v63+s17+$0x0], $0xffff;
	v42 =	vand.u32 $0xFFFFFFF8, v42  }
0x18f: {  	v63 =	vadd.s32 v22, v60;
	v42 =	vor.u32 v4, v42  }
0x190: {  	v63 =	vor.u32 v23, v63;
	_ =	sdelay $0x3  }
0x191: {  	[tilespmem:v42+s20+$0x0] =	vst.idx.msk $0xffff, v62;
	v42 =	vadd.s32 v61, v24  }
0x192: {  	v62 =	vld.idx.msk [tilespmem:v63+s17+$0x0], $0xffff;
	v42 =	vand.u32 $0xFFFFFFF8, v42  }
0x193: {  	v63 =	vadd.s32 v25, v60;
	v42 =	vor.u32 v4, v42  }
0x194: {  	v63 =	vor.u32 v26, v63;
	_ =	sdelay $0x3  }
0x195: {  	[tilespmem:v42+s20+$0x0] =	vst.idx.msk $0xffff, v62;
	v42 =	vadd.s32 v61, v27  }
0x196: {  	v62 =	vld.idx.msk [tilespmem:v63+s17+$0x0], $0xffff;
	v42 =	vand.u32 $0xFFFFFFF8, v42  }
0x197: {  	v63 =	vadd.s32 v28, v60;
	v42 =	vor.u32 v4, v42  }
0x198: {  	v63 =	vor.u32 v29, v63;
	_ =	sdelay $0x3  }
0x199: {  	[tilespmem:v42+s20+$0x0] =	vst.idx.msk $0xffff, v62;
	v42 =	vadd.s32 v61, v30  }
0x19a: {  	v62 =	vld.idx.msk [tilespmem:v63+s17+$0x0], $0xffff;
	v42 =	vand.u32 $0xFFFFFFF8, v42  }
0x19b: {  	v63 =	vadd.s32 v31, v60;
	v42 =	vor.u32 v4, v42  }
0x19c: {  	v63 =	vor.u32 v32, v63;
	_ =	sdelay $0x3  }
0x19d: {  	[tilespmem:v42+s20+$0x0] =	vst.idx.msk $0xffff, v62;
	v42 =	vadd.s32 v61, v33  }
0x19e: {  	v62 =	vld.idx.msk [tilespmem:v63+s17+$0x0], $0xffff;
	v42 =	vand.u32 $0xFFFFFFF8, v42  }
0x19f: {  	v63 =	vadd.s32 v34, v60;
	v42 =	vor.u32 v4, v42  }
0x1a0: {  	v63 =	vor.u32 v35, v63;
	_ =	sdelay $0x3  }
0x1a1: {  	[tilespmem:v42+s20+$0x0] =	vst.idx.msk $0xffff, v62;
	v42 =	vadd.s32 v61, v36  }
0x1a2: {  	v62 =	vld.idx.msk [tilespmem:v63+s17+$0x0], $0xffff;
	v42 =	vand.u32 $0xFFFFFFF8, v42  }
0x1a3: {  	v63 =	vadd.s32 v37, v60;
	v42 =	vor.u32 v4, v42  }
0x1a4: {  	v63 =	vor.u32 v38, v63;
	_ =	sdelay $0x3  }
0x1a5: {  	[tilespmem:v42+s20+$0x0] =	vst.idx.msk $0xffff, v62;
	v42 =	vadd.s32 v61, v39  }
0x1a6: {  	v62 =	vld.idx.msk [tilespmem:v63+s17+$0x0], $0xffff;
	v42 =	vand.u32 $0xFFFFFFF8, v42  }
0x1a7: {  	v63 =	vadd.s32 v40, v60;
	v42 =	vor.u32 v4, v42  }
0x1a8: {  	v63 =	vor.u32 v41, v63;
	_ =	sdelay $0x3  }
0x1a9: {  	[tilespmem:v42+s20+$0x0] =	vst.idx.msk $0xffff, v62;
	v42 =	vadd.s32 v61, v43  }
0x1aa: {  	v62 =	vld.idx.msk [tilespmem:v63+s17+$0x0], $0xffff;
	v42 =	vand.u32 $0xFFFFFFF8, v42  }
0x1ab: {  	v63 =	vadd.s32 v44, v60;
	v42 =	vor.u32 v4, v42  }
0x1ac: {  	v63 =	vor.u32 v45, v63;
	_ =	sdelay $0x3  }
0x1ad: {  	[tilespmem:v42+s20+$0x0] =	vst.idx.msk $0xffff, v62;
	v42 =	vadd.s32 v61, v46  }
0x1ae: {  	v62 =	vld.idx.msk [tilespmem:v63+s17+$0x0], $0xffff;
	v42 =	vand.u32 $0xFFFFFFF8, v42  }
0x1af: {  	v60 =	vadd.s32 v47, v60;
	v42 =	vor.u32 v4, v42  }
0x1b0: {  	v60 =	vor.u32 v48, v60;
	_ =	sdelay $0x3  }
0x1b1: {  	[tilespmem:v42+s20+$0x0] =	vst.idx.msk $0xffff, v62;
	v42 =	vadd.s32 v61, v49  }
0x1b2: {  	v60 =	vld.idx.msk [tilespmem:v60+s17+$0x0], $0xffff;
	v42 =	vand.u32 $0xFFFFFFF8, v42  }
0x1b3: {  	v42 =	vor.u32 v4, v42  }
0x1b4: {  	v61 =	vor.u32 v54, v59;
	_ =	sdelay $0x3  }
0x1b5: {  	[tilespmem:v42+s20+$0x0] =	vst.idx.msk $0xffff, v60  }
0x1b6: {  	v60 =	vor.u32 $0x20, v59;
	v42 =	vld.idx.msk [tilespmem:v61+s17+$0x0], $0xffff  }
0x1b7: {  	v62 =	vor.u32 s26, v53;
	v61 =	vadd.s32 v2, v60  }
0x1b8: {  	v63 =	vor.u32 v3, v61;
	_ =	sdelay $0x2  }
0x1b9: {  	v61 =	vor.u32 s26, v55  }
0x1ba: {  	[tilespmem:v62+s20+$0x0] =	vst.idx.msk $0xffff, v42;
	v42 =	vadd.s32 v61, v5  }
0x1bb: {  	v62 =	vld.idx.msk [tilespmem:v63+s17+$0x0], $0xffff;
	v42 =	vand.u32 $0xFFFFFFF8, v42  }
0x1bc: {  	v63 =	vadd.s32 v7, v60;
	v42 =	vor.u32 v4, v42  }
0x1bd: {  	v63 =	vor.u32 v8, v63;
	_ =	sdelay $0x3  }
0x1be: {  	[tilespmem:v42+s20+$0x0] =	vst.idx.msk $0xffff, v62;
	v42 =	vadd.s32 v61, v9  }
0x1bf: {  	v62 =	vld.idx.msk [tilespmem:v63+s17+$0x0], $0xffff;
	v42 =	vand.u32 $0xFFFFFFF8, v42  }
0x1c0: {  	v63 =	vadd.s32 v10, v60;
	v42 =	vor.u32 v4, v42  }
0x1c1: {  	v63 =	vor.u32 v11, v63;
	_ =	sdelay $0x3  }
0x1c2: {  	[tilespmem:v42+s20+$0x0] =	vst.idx.msk $0xffff, v62;
	v42 =	vadd.s32 v61, v12  }
0x1c3: {  	v62 =	vld.idx.msk [tilespmem:v63+s17+$0x0], $0xffff;
	v42 =	vand.u32 $0xFFFFFFF8, v42  }
0x1c4: {  	v63 =	vadd.s32 v13, v60;
	v42 =	vor.u32 v4, v42  }
0x1c5: {  	v63 =	vor.u32 v14, v63;
	_ =	sdelay $0x3  }
0x1c6: {  	[tilespmem:v42+s20+$0x0] =	vst.idx.msk $0xffff, v62;
	v42 =	vadd.s32 v61, v15  }
0x1c7: {  	v62 =	vld.idx.msk [tilespmem:v63+s17+$0x0], $0xffff;
	v42 =	vand.u32 $0xFFFFFFF8, v42  }
0x1c8: {  	v63 =	vadd.s32 v16, v60;
	v42 =	vor.u32 v4, v42  }
0x1c9: {  	v63 =	vor.u32 v17, v63;
	_ =	sdelay $0x3  }
0x1ca: {  	[tilespmem:v42+s20+$0x0] =	vst.idx.msk $0xffff, v62;
	v42 =	vadd.s32 v61, v18  }
0x1cb: {  	v62 =	vld.idx.msk [tilespmem:v63+s17+$0x0], $0xffff;
	v42 =	vand.u32 $0xFFFFFFF8, v42  }
0x1cc: {  	v63 =	vadd.s32 v19, v60;
	v42 =	vor.u32 v4, v42  }
0x1cd: {  	v63 =	vor.u32 v20, v63;
	_ =	sdelay $0x3  }
0x1ce: {  	[tilespmem:v42+s20+$0x0] =	vst.idx.msk $0xffff, v62;
	v42 =	vadd.s32 v61, v21  }
0x1cf: {  	v62 =	vld.idx.msk [tilespmem:v63+s17+$0x0], $0xffff;
	v42 =	vand.u32 $0xFFFFFFF8, v42  }
0x1d0: {  	v63 =	vadd.s32 v22, v60;
	v42 =	vor.u32 v4, v42  }
0x1d1: {  	v63 =	vor.u32 v23, v63;
	_ =	sdelay $0x3  }
0x1d2: {  	[tilespmem:v42+s20+$0x0] =	vst.idx.msk $0xffff, v62;
	v42 =	vadd.s32 v61, v24  }
0x1d3: {  	v62 =	vld.idx.msk [tilespmem:v63+s17+$0x0], $0xffff;
	v42 =	vand.u32 $0xFFFFFFF8, v42  }
0x1d4: {  	v63 =	vadd.s32 v25, v60;
	v42 =	vor.u32 v4, v42  }
0x1d5: {  	v63 =	vor.u32 v26, v63;
	_ =	sdelay $0x3  }
0x1d6: {  	[tilespmem:v42+s20+$0x0] =	vst.idx.msk $0xffff, v62;
	v42 =	vadd.s32 v61, v27  }
0x1d7: {  	v62 =	vld.idx.msk [tilespmem:v63+s17+$0x0], $0xffff;
	v42 =	vand.u32 $0xFFFFFFF8, v42  }
0x1d8: {  	v63 =	vadd.s32 v28, v60;
	v42 =	vor.u32 v4, v42  }
0x1d9: {  	v63 =	vor.u32 v29, v63;
	_ =	sdelay $0x3  }
0x1da: {  	[tilespmem:v42+s20+$0x0] =	vst.idx.msk $0xffff, v62;
	v42 =	vadd.s32 v61, v30  }
0x1db: {  	v62 =	vld.idx.msk [tilespmem:v63+s17+$0x0], $0xffff;
	v42 =	vand.u32 $0xFFFFFFF8, v42  }
0x1dc: {  	v63 =	vadd.s32 v31, v60;
	v42 =	vor.u32 v4, v42  }
0x1dd: {  	v63 =	vor.u32 v32, v63;
	_ =	sdelay $0x3  }
0x1de: {  	[tilespmem:v42+s20+$0x0] =	vst.idx.msk $0xffff, v62;
	v42 =	vadd.s32 v61, v33  }
0x1df: {  	v62 =	vld.idx.msk [tilespmem:v63+s17+$0x0], $0xffff;
	v42 =	vand.u32 $0xFFFFFFF8, v42  }
0x1e0: {  	v63 =	vadd.s32 v34, v60;
	v42 =	vor.u32 v4, v42  }
0x1e1: {  	v63 =	vor.u32 v35, v63;
	_ =	sdelay $0x3  }
0x1e2: {  	[tilespmem:v42+s20+$0x0] =	vst.idx.msk $0xffff, v62;
	v42 =	vadd.s32 v61, v36  }
0x1e3: {  	v62 =	vld.idx.msk [tilespmem:v63+s17+$0x0], $0xffff;
	v42 =	vand.u32 $0xFFFFFFF8, v42  }
0x1e4: {  	v63 =	vadd.s32 v37, v60;
	v42 =	vor.u32 v4, v42  }
0x1e5: {  	v63 =	vor.u32 v38, v63;
	_ =	sdelay $0x3  }
0x1e6: {  	[tilespmem:v42+s20+$0x0] =	vst.idx.msk $0xffff, v62;
	v42 =	vadd.s32 v61, v39  }
0x1e7: {  	v62 =	vld.idx.msk [tilespmem:v63+s17+$0x0], $0xffff;
	v42 =	vand.u32 $0xFFFFFFF8, v42  }
0x1e8: {  	v63 =	vadd.s32 v40, v60;
	v42 =	vor.u32 v4, v42  }
0x1e9: {  	v63 =	vor.u32 v41, v63;
	_ =	sdelay $0x3  }
0x1ea: {  	[tilespmem:v42+s20+$0x0] =	vst.idx.msk $0xffff, v62;
	v42 =	vadd.s32 v61, v43  }
0x1eb: {  	v62 =	vld.idx.msk [tilespmem:v63+s17+$0x0], $0xffff;
	v42 =	vand.u32 $0xFFFFFFF8, v42  }
0x1ec: {  	v63 =	vadd.s32 v44, v60;
	v42 =	vor.u32 v4, v42  }
0x1ed: {  	v63 =	vor.u32 v45, v63;
	_ =	sdelay $0x3  }
0x1ee: {  	[tilespmem:v42+s20+$0x0] =	vst.idx.msk $0xffff, v62;
	v42 =	vadd.s32 v61, v46  }
0x1ef: {  	v62 =	vld.idx.msk [tilespmem:v63+s17+$0x0], $0xffff;
	v42 =	vand.u32 $0xFFFFFFF8, v42  }
0x1f0: {  	v60 =	vadd.s32 v47, v60;
	v42 =	vor.u32 v4, v42  }
0x1f1: {  	v60 =	vor.u32 v48, v60;
	_ =	sdelay $0x3  }
0x1f2: {  	[tilespmem:v42+s20+$0x0] =	vst.idx.msk $0xffff, v62;
	v42 =	vadd.s32 v61, v49  }
0x1f3: {  	v60 =	vld.idx.msk [tilespmem:v60+s17+$0x0], $0xffff;
	v42 =	vand.u32 $0xFFFFFFF8, v42  }
0x1f4: {  	v42 =	vor.u32 v4, v42  }
0x1f5: {  	v61 =	vor.u32 v57, v59;
	_ =	sdelay $0x3  }
0x1f6: {  	[tilespmem:v42+s20+$0x0] =	vst.idx.msk $0xffff, v60  }
0x1f7: {  	v59 =	vor.u32 $0x30, v59;
	v42 =	vld.idx.msk [tilespmem:v61+s17+$0x0], $0xffff  }
0x1f8: {  	v60 =	vadd.s32 v2, v59;
	v61 =	vor.u32 s26, v56  }
0x1f9: {  	v62 =	vor.u32 v3, v60;
	_ =	sdelay $0x2  }
0x1fa: {  	v60 =	vor.u32 s26, v58;
	s26 =	smov.u32 s28  }
0x1fb: {  	[tilespmem:v61+s20+$0x0] =	vst.idx.msk $0xffff, v42;
	v42 =	vadd.s32 v60, v5  }
0x1fc: {  	v61 =	vld.idx.msk [tilespmem:v62+s17+$0x0], $0xffff;
	v42 =	vand.u32 $0xFFFFFFF8, v42  }
0x1fd: {  	v62 =	vadd.s32 v7, v59;
	v42 =	vor.u32 v4, v42  }
0x1fe: {  	v62 =	vor.u32 v8, v62;
	_ =	sdelay $0x3  }
0x1ff: {  	[tilespmem:v42+s20+$0x0] =	vst.idx.msk $0xffff, v61;
	v42 =	vadd.s32 v60, v9  }
0x200: {  	v61 =	vld.idx.msk [tilespmem:v62+s17+$0x0], $0xffff;
	v42 =	vand.u32 $0xFFFFFFF8, v42  }
0x201: {  	v62 =	vadd.s32 v10, v59;
	v42 =	vor.u32 v4, v42  }
0x202: {  	v62 =	vor.u32 v11, v62;
	_ =	sdelay $0x3  }
0x203: {  	[tilespmem:v42+s20+$0x0] =	vst.idx.msk $0xffff, v61;
	v42 =	vadd.s32 v60, v12  }
0x204: {  	v61 =	vld.idx.msk [tilespmem:v62+s17+$0x0], $0xffff;
	v42 =	vand.u32 $0xFFFFFFF8, v42  }
0x205: {  	v62 =	vadd.s32 v13, v59;
	v42 =	vor.u32 v4, v42  }
0x206: {  	v62 =	vor.u32 v14, v62;
	_ =	sdelay $0x3  }
0x207: {  	[tilespmem:v42+s20+$0x0] =	vst.idx.msk $0xffff, v61;
	v42 =	vadd.s32 v60, v15  }
0x208: {  	v61 =	vld.idx.msk [tilespmem:v62+s17+$0x0], $0xffff;
	v42 =	vand.u32 $0xFFFFFFF8, v42  }
0x209: {  	v62 =	vadd.s32 v16, v59;
	v42 =	vor.u32 v4, v42  }
0x20a: {  	v62 =	vor.u32 v17, v62;
	_ =	sdelay $0x3  }
0x20b: {  	[tilespmem:v42+s20+$0x0] =	vst.idx.msk $0xffff, v61;
	v42 =	vadd.s32 v60, v18  }
0x20c: {  	v61 =	vld.idx.msk [tilespmem:v62+s17+$0x0], $0xffff;
	v42 =	vand.u32 $0xFFFFFFF8, v42  }
0x20d: {  	v62 =	vadd.s32 v19, v59;
	v42 =	vor.u32 v4, v42  }
0x20e: {  	v62 =	vor.u32 v20, v62;
	_ =	sdelay $0x3  }
0x20f: {  	[tilespmem:v42+s20+$0x0] =	vst.idx.msk $0xffff, v61;
	v42 =	vadd.s32 v60, v21  }
0x210: {  	v61 =	vld.idx.msk [tilespmem:v62+s17+$0x0], $0xffff;
	v42 =	vand.u32 $0xFFFFFFF8, v42  }
0x211: {  	v62 =	vadd.s32 v22, v59;
	v42 =	vor.u32 v4, v42  }
0x212: {  	v62 =	vor.u32 v23, v62;
	_ =	sdelay $0x3  }
0x213: {  	[tilespmem:v42+s20+$0x0] =	vst.idx.msk $0xffff, v61;
	v42 =	vadd.s32 v60, v24  }
0x214: {  	v61 =	vld.idx.msk [tilespmem:v62+s17+$0x0], $0xffff;
	v42 =	vand.u32 $0xFFFFFFF8, v42  }
0x215: {  	v62 =	vadd.s32 v25, v59;
	v42 =	vor.u32 v4, v42  }
0x216: {  	v62 =	vor.u32 v26, v62;
	_ =	sdelay $0x3  }
0x217: {  	[tilespmem:v42+s20+$0x0] =	vst.idx.msk $0xffff, v61;
	v42 =	vadd.s32 v60, v27  }
0x218: {  	v61 =	vld.idx.msk [tilespmem:v62+s17+$0x0], $0xffff;
	v42 =	vand.u32 $0xFFFFFFF8, v42  }
0x219: {  	v62 =	vadd.s32 v28, v59;
	v42 =	vor.u32 v4, v42  }
0x21a: {  	v62 =	vor.u32 v29, v62;
	_ =	sdelay $0x3  }
0x21b: {  	[tilespmem:v42+s20+$0x0] =	vst.idx.msk $0xffff, v61;
	v42 =	vadd.s32 v60, v30  }
0x21c: {  	v61 =	vld.idx.msk [tilespmem:v62+s17+$0x0], $0xffff;
	v42 =	vand.u32 $0xFFFFFFF8, v42  }
0x21d: {  	v62 =	vadd.s32 v31, v59;
	v42 =	vor.u32 v4, v42  }
0x21e: {  	v62 =	vor.u32 v32, v62;
	_ =	sdelay $0x3  }
0x21f: {  	[tilespmem:v42+s20+$0x0] =	vst.idx.msk $0xffff, v61;
	v42 =	vadd.s32 v60, v33  }
0x220: {  	v61 =	vld.idx.msk [tilespmem:v62+s17+$0x0], $0xffff;
	v42 =	vand.u32 $0xFFFFFFF8, v42  }
0x221: {  	v62 =	vadd.s32 v34, v59;
	v42 =	vor.u32 v4, v42  }
0x222: {  	v62 =	vor.u32 v35, v62;
	_ =	sdelay $0x3  }
0x223: {  	[tilespmem:v42+s20+$0x0] =	vst.idx.msk $0xffff, v61;
	v42 =	vadd.s32 v60, v36  }
0x224: {  	v61 =	vld.idx.msk [tilespmem:v62+s17+$0x0], $0xffff;
	v42 =	vand.u32 $0xFFFFFFF8, v42  }
0x225: {  	v62 =	vadd.s32 v37, v59;
	v42 =	vor.u32 v4, v42  }
0x226: {  	v62 =	vor.u32 v38, v62;
	_ =	sdelay $0x3  }
0x227: {  	[tilespmem:v42+s20+$0x0] =	vst.idx.msk $0xffff, v61;
	v42 =	vadd.s32 v60, v39  }
0x228: {  	v61 =	vld.idx.msk [tilespmem:v62+s17+$0x0], $0xffff;
	v42 =	vand.u32 $0xFFFFFFF8, v42  }
0x229: {  	v62 =	vadd.s32 v40, v59;
	v42 =	vor.u32 v4, v42  }
0x22a: {  	v62 =	vor.u32 v41, v62;
	_ =	sdelay $0x3  }
0x22b: {  	[tilespmem:v42+s20+$0x0] =	vst.idx.msk $0xffff, v61;
	v42 =	vadd.s32 v60, v43  }
0x22c: {  	v61 =	vld.idx.msk [tilespmem:v62+s17+$0x0], $0xffff;
	v42 =	vand.u32 $0xFFFFFFF8, v42  }
0x22d: {  	v62 =	vadd.s32 v44, v59;
	v42 =	vor.u32 v4, v42  }
0x22e: {  	v62 =	vor.u32 v45, v62;
	_ =	sdelay $0x3  }
0x22f: {  	[tilespmem:v42+s20+$0x0] =	vst.idx.msk $0xffff, v61;
	v42 =	vadd.s32 v60, v46  }
0x230: {  	v61 =	vld.idx.msk [tilespmem:v62+s17+$0x0], $0xffff;
	v42 =	vand.u32 $0xFFFFFFF8, v42  }
0x231: {  	v59 =	vadd.s32 v47, v59;
	v42 =	vor.u32 v4, v42  }
0x232: {  	v59 =	vor.u32 v48, v59  }
.Ltmp0:
0x233: {  	(pc) =	sbr.rel @p0 .LBB2_3-.Ltmp0, $3  }
0x234: {  	_ =	sdelay $0x1  }
0x235: {  	[tilespmem:v42+s20+$0x0] =	vst.idx.msk $0xffff, v61;
	v42 =	vadd.s32 v60, v49  }
0x236: {  	s28 =	sadd.s32 $0x10, s28;
	v60 =	vor.u32 s26, v0;
	v61 =	vld.idx.msk [tilespmem:v59+s17+$0x0], $0xffff;
	v62 =	vand.u32 $0xFFFFFFF8, v42  }
0x237: {  	v59 =	vshll.u32 v60, $0x6;
	v42 =	vor.u32 v4, v62  }
0x238: {  	v62 =	vor.u32 v0, v59;
	_ =	sdelay $0x3  }
0x239: {  	[tilespmem:v42+s20+$0x0] =	vst.idx.msk $0xffff, v61  }
0x23a: {  	v61 =	vor.u32 s26, v1;
	v42 =	vld.idx.msk [tilespmem:v62+s17+$0x0], $0xffff;
	v62 =	vadd.s32 v59, v2  }
0x23b: {  	v62 =	vor.u32 v3, v62;
	_ =	sdelay $0x3  }
0x23c: {  	[tilespmem:v61+s20+$0x0] =	vst.idx.msk $0xffff, v42;
	v42 =	vand.u32 v6, v60  }
0x23d: {  	v60 =	vld.idx.msk [tilespmem:v62+s17+$0x0], $0xffff;
	v61 =	vor.u32 v5, v42;
	v62 =	vadd.s32 v59, v7  }
0x23e: {  	v62 =	vor.u32 v8, v62;
	_ =	sdelay $0x3  }
0x23f: {  	[tilespmem:v61+s20+$0x0] =	vst.idx.msk $0xffff, v60  }
0x240: {  	v61 =	vor.u32 v9, v42;
	v60 =	vld.idx.msk [tilespmem:v62+s17+$0x0], $0xffff;
	v62 =	vadd.s32 v59, v10  }
0x241: {  	v62 =	vor.u32 v11, v62;
	_ =	sdelay $0x3  }
0x242: {  	[tilespmem:v61+s20+$0x0] =	vst.idx.msk $0xffff, v60  }
0x243: {  	v61 =	vor.u32 v12, v42;
	v60 =	vld.idx.msk [tilespmem:v62+s17+$0x0], $0xffff;
	v62 =	vadd.s32 v59, v13  }
0x244: {  	v62 =	vor.u32 v14, v62;
	_ =	sdelay $0x3  }
0x245: {  	[tilespmem:v61+s20+$0x0] =	vst.idx.msk $0xffff, v60  }
0x246: {  	v61 =	vor.u32 v15, v42;
	v60 =	vld.idx.msk [tilespmem:v62+s17+$0x0], $0xffff;
	v62 =	vadd.s32 v59, v16  }
0x247: {  	v62 =	vor.u32 v17, v62;
	_ =	sdelay $0x3  }
0x248: {  	[tilespmem:v61+s20+$0x0] =	vst.idx.msk $0xffff, v60  }
0x249: {  	v61 =	vor.u32 v18, v42;
	v60 =	vld.idx.msk [tilespmem:v62+s17+$0x0], $0xffff;
	v62 =	vadd.s32 v59, v19  }
0x24a: {  	v62 =	vor.u32 v20, v62;
	_ =	sdelay $0x3  }
0x24b: {  	[tilespmem:v61+s20+$0x0] =	vst.idx.msk $0xffff, v60  }
0x24c: {  	v61 =	vor.u32 v21, v42;
	v60 =	vld.idx.msk [tilespmem:v62+s17+$0x0], $0xffff;
	v62 =	vadd.s32 v59, v22  }
0x24d: {  	v62 =	vor.u32 v23, v62;
	_ =	sdelay $0x3  }
0x24e: {  	[tilespmem:v61+s20+$0x0] =	vst.idx.msk $0xffff, v60  }
0x24f: {  	v61 =	vor.u32 v24, v42;
	v60 =	vld.idx.msk [tilespmem:v62+s17+$0x0], $0xffff;
	v62 =	vadd.s32 v59, v25  }
0x250: {  	v62 =	vor.u32 v26, v62;
	_ =	sdelay $0x3  }
0x251: {  	[tilespmem:v61+s20+$0x0] =	vst.idx.msk $0xffff, v60  }
0x252: {  	v61 =	vor.u32 v27, v42;
	v60 =	vld.idx.msk [tilespmem:v62+s17+$0x0], $0xffff;
	v62 =	vadd.s32 v59, v28  }
0x253: {  	v62 =	vor.u32 v29, v62;
	_ =	sdelay $0x3  }
0x254: {  	[tilespmem:v61+s20+$0x0] =	vst.idx.msk $0xffff, v60  }
0x255: {  	v61 =	vor.u32 v30, v42;
	v60 =	vld.idx.msk [tilespmem:v62+s17+$0x0], $0xffff;
	v62 =	vadd.s32 v59, v31  }
0x256: {  	v62 =	vor.u32 v32, v62;
	_ =	sdelay $0x3  }
0x257: {  	[tilespmem:v61+s20+$0x0] =	vst.idx.msk $0xffff, v60  }
0x258: {  	v61 =	vor.u32 v33, v42;
	v60 =	vld.idx.msk [tilespmem:v62+s17+$0x0], $0xffff;
	v62 =	vadd.s32 v59, v34  }
0x259: {  	v62 =	vor.u32 v35, v62;
	_ =	sdelay $0x3  }
0x25a: {  	[tilespmem:v61+s20+$0x0] =	vst.idx.msk $0xffff, v60  }
0x25b: {  	v61 =	vor.u32 v36, v42;
	v60 =	vld.idx.msk [tilespmem:v62+s17+$0x0], $0xffff;
	v62 =	vadd.s32 v59, v37  }
0x25c: {  	v62 =	vor.u32 v38, v62;
	_ =	sdelay $0x3  }
0x25d: {  	[tilespmem:v61+s20+$0x0] =	vst.idx.msk $0xffff, v60  }
0x25e: {  	v61 =	vor.u32 v39, v42;
	v60 =	vld.idx.msk [tilespmem:v62+s17+$0x0], $0xffff;
	v62 =	vadd.s32 v59, v40  }
0x25f: {  	v62 =	vor.u32 v41, v62;
	_ =	sdelay $0x3  }
0x260: {  	[tilespmem:v61+s20+$0x0] =	vst.idx.msk $0xffff, v60  }
0x261: {  	v61 =	vor.u32 v43, v42;
	v60 =	vld.idx.msk [tilespmem:v62+s17+$0x0], $0xffff;
	v62 =	vadd.s32 v59, v44  }
0x262: {  	v62 =	vor.u32 v45, v62;
	_ =	sdelay $0x3  }
0x263: {  	[tilespmem:v61+s20+$0x0] =	vst.idx.msk $0xffff, v60  }
0x264: {  	v61 =	vor.u32 v46, v42;
	v60 =	vld.idx.msk [tilespmem:v62+s17+$0x0], $0xffff;
	v62 =	vadd.s32 v59, v47  }
0x265: {  	v62 =	vor.u32 v48, v62;
	_ =	sdelay $0x3  }
0x266: {  	[tilespmem:v61+s20+$0x0] =	vst.idx.msk $0xffff, v60  }
0x267: {  	v42 =	vor.u32 v49, v42;
	v60 =	vld.idx.msk [tilespmem:v62+s17+$0x0], $0xffff  }
0x268: {  	v61 =	vor.u32 v51, v59;
	_ =	sdelay $0x3  }
0x269: {  	[tilespmem:v42+s20+$0x0] =	vst.idx.msk $0xffff, v60;
	v42 =	vor.u32 $0x10, v59  }
0x26a: {  	[tilespmem:$0x1FFE0] =	vst v59;
	v60 =	vld.idx.msk [tilespmem:v61+s17+$0x0], $0xffff;
	v61 =	vor.u32 s26, v50;
	v59 =	vadd.s32 v2, v42  }
0x26b: {  	v62 =	vor.u32 v3, v59;
	_ =	sdelay $0x1  }
0x26c: {  	v63 =	vor.u32 s26, v52  }
0x26d: {  	v59 =	vadd.s32 v63, v5  }
0x26e: {  	v59 =	vand.u32 $0xFFFFFFF8, v59;
	[tilespmem:v61+s20+$0x0] =	vst.idx.msk $0xffff, v60  }
0x26f: {  	v59 =	vor.u32 v4, v59;
	v61 =	vadd.s32 v7, v42;
	v60 =	vld.idx.msk [tilespmem:v62+s17+$0x0], $0xffff  }
0x270: {  	v61 =	vor.u32 v8, v61;
	_ =	sdelay $0x2  }
0x271: {  	v62 =	vadd.s32 v63, v9  }
0x272: {  	[tilespmem:v59+s20+$0x0] =	vst.idx.msk $0xffff, v60;
	v59 =	vand.u32 $0xFFFFFFF8, v62  }
0x273: {  	v60 =	vld.idx.msk [tilespmem:v61+s17+$0x0], $0xffff;
	v59 =	vor.u32 v4, v59;
	v61 =	vadd.s32 v10, v42  }
0x274: {  	v61 =	vor.u32 v11, v61;
	_ =	sdelay $0x2  }
0x275: {  	v62 =	vadd.s32 v63, v12  }
0x276: {  	[tilespmem:v59+s20+$0x0] =	vst.idx.msk $0xffff, v60;
	v59 =	vand.u32 $0xFFFFFFF8, v62  }
0x277: {  	v60 =	vld.idx.msk [tilespmem:v61+s17+$0x0], $0xffff;
	v59 =	vor.u32 v4, v59;
	v61 =	vadd.s32 v13, v42  }
0x278: {  	v61 =	vor.u32 v14, v61;
	_ =	sdelay $0x2  }
0x279: {  	v62 =	vadd.s32 v63, v15  }
0x27a: {  	[tilespmem:v59+s20+$0x0] =	vst.idx.msk $0xffff, v60;
	v59 =	vand.u32 $0xFFFFFFF8, v62  }
0x27b: {  	v60 =	vld.idx.msk [tilespmem:v61+s17+$0x0], $0xffff;
	v59 =	vor.u32 v4, v59;
	v61 =	vadd.s32 v16, v42  }
0x27c: {  	v61 =	vor.u32 v17, v61;
	_ =	sdelay $0x2  }
0x27d: {  	v62 =	vadd.s32 v63, v18  }
0x27e: {  	[tilespmem:v59+s20+$0x0] =	vst.idx.msk $0xffff, v60;
	v59 =	vand.u32 $0xFFFFFFF8, v62  }
0x27f: {  	v60 =	vld.idx.msk [tilespmem:v61+s17+$0x0], $0xffff;
	v59 =	vor.u32 v4, v59;
	v61 =	vadd.s32 v19, v42  }
0x280: {  	v61 =	vor.u32 v20, v61;
	_ =	sdelay $0x2  }
0x281: {  	v62 =	vadd.s32 v63, v21  }
0x282: {  	[tilespmem:v59+s20+$0x0] =	vst.idx.msk $0xffff, v60;
	v59 =	vand.u32 $0xFFFFFFF8, v62  }
0x283: {  	v60 =	vld.idx.msk [tilespmem:v61+s17+$0x0], $0xffff;
	v59 =	vor.u32 v4, v59;
	v61 =	vadd.s32 v22, v42  }
0x284: {  	v61 =	vor.u32 v23, v61;
	_ =	sdelay $0x2  }
0x285: {  	v62 =	vadd.s32 v63, v24  }
0x286: {  	[tilespmem:v59+s20+$0x0] =	vst.idx.msk $0xffff, v60;
	v59 =	vand.u32 $0xFFFFFFF8, v62  }
0x287: {  	v60 =	vld.idx.msk [tilespmem:v61+s17+$0x0], $0xffff;
	v59 =	vor.u32 v4, v59;
	v61 =	vadd.s32 v25, v42  }
0x288: {  	v61 =	vor.u32 v26, v61;
	_ =	sdelay $0x2  }
0x289: {  	v62 =	vadd.s32 v63, v27  }
0x28a: {  	[tilespmem:v59+s20+$0x0] =	vst.idx.msk $0xffff, v60;
	v59 =	vand.u32 $0xFFFFFFF8, v62  }
0x28b: {  	v60 =	vld.idx.msk [tilespmem:v61+s17+$0x0], $0xffff;
	v59 =	vor.u32 v4, v59;
	v61 =	vadd.s32 v28, v42  }
0x28c: {  	v61 =	vor.u32 v29, v61;
	_ =	sdelay $0x2  }
0x28d: {  	v62 =	vadd.s32 v63, v30  }
0x28e: {  	[tilespmem:v59+s20+$0x0] =	vst.idx.msk $0xffff, v60;
	v59 =	vand.u32 $0xFFFFFFF8, v62  }
0x28f: {  	v60 =	vld.idx.msk [tilespmem:v61+s17+$0x0], $0xffff;
	v59 =	vor.u32 v4, v59;
	v61 =	vadd.s32 v31, v42  }
0x290: {  	v61 =	vor.u32 v32, v61;
	_ =	sdelay $0x2  }
0x291: {  	v62 =	vadd.s32 v63, v33  }
0x292: {  	[tilespmem:v59+s20+$0x0] =	vst.idx.msk $0xffff, v60;
	v59 =	vand.u32 $0xFFFFFFF8, v62  }
0x293: {  	v60 =	vld.idx.msk [tilespmem:v61+s17+$0x0], $0xffff;
	v59 =	vor.u32 v4, v59;
	v61 =	vadd.s32 v34, v42  }
0x294: {  	v61 =	vor.u32 v35, v61;
	_ =	sdelay $0x2  }
0x295: {  	v62 =	vadd.s32 v63, v36  }
0x296: {  	[tilespmem:v59+s20+$0x0] =	vst.idx.msk $0xffff, v60;
	v59 =	vand.u32 $0xFFFFFFF8, v62  }
0x297: {  	v60 =	vld.idx.msk [tilespmem:v61+s17+$0x0], $0xffff;
	v59 =	vor.u32 v4, v59;
	v61 =	vadd.s32 v37, v42  }
0x298: {  	v61 =	vor.u32 v38, v61;
	_ =	sdelay $0x2  }
0x299: {  	v62 =	vadd.s32 v63, v39  }
0x29a: {  	[tilespmem:v59+s20+$0x0] =	vst.idx.msk $0xffff, v60;
	v59 =	vand.u32 $0xFFFFFFF8, v62  }
0x29b: {  	v60 =	vld.idx.msk [tilespmem:v61+s17+$0x0], $0xffff;
	v59 =	vor.u32 v4, v59;
	v61 =	vadd.s32 v40, v42  }
0x29c: {  	v61 =	vor.u32 v41, v61;
	_ =	sdelay $0x2  }
0x29d: {  	v62 =	vadd.s32 v63, v43  }
0x29e: {  	[tilespmem:v59+s20+$0x0] =	vst.idx.msk $0xffff, v60;
	v59 =	vand.u32 $0xFFFFFFF8, v62  }
0x29f: {  	v60 =	vld.idx.msk [tilespmem:v61+s17+$0x0], $0xffff;
	v59 =	vor.u32 v4, v59;
	v61 =	vadd.s32 v44, v42  }
0x2a0: {  	v61 =	vor.u32 v45, v61;
	_ =	sdelay $0x2  }
0x2a1: {  	v62 =	vadd.s32 v63, v46  }
0x2a2: {  	[tilespmem:v59+s20+$0x0] =	vst.idx.msk $0xffff, v60;
	v59 =	vand.u32 $0xFFFFFFF8, v62  }
0x2a3: {  	v60 =	vld.idx.msk [tilespmem:v61+s17+$0x0], $0xffff;
	v59 =	vor.u32 v4, v59;
	_ =	sdelay $0x2  }
0x2a4: {  	v42 =	vadd.s32 v47, v42;
	v61 =	vadd.s32 v63, v49  }
0x2a5: {  	v42 =	vor.u32 v48, v42;
	v61 =	vand.u32 $0xFFFFFFF8, v61  }
0x2a6: {  	[tilespmem:v59+s20+$0x0] =	vst.idx.msk $0xffff, v60;
	v59 =	vor.u32 v4, v61;
	v61 =	vld [tilespmem:$0x1FFE0];
	_ =	sdelay $0x3  }
0x2a7: {  	v42 =	vld.idx.msk [tilespmem:v42+s17+$0x0], $0xffff  }
0x2a8: {  	v60 =	vor.u32 v54, v61;
	_ =	sdelay $0x3  }
0x2a9: {  	[tilespmem:v59+s20+$0x0] =	vst.idx.msk $0xffff, v42;
	v42 =	vor.u32 $0x20, v61  }
0x2aa: {  	v61 =	vadd.s32 v2, v42;
	v59 =	vld.idx.msk [tilespmem:v60+s17+$0x0], $0xffff;
	v60 =	vor.u32 s26, v53  }
0x2ab: {  	v61 =	vor.u32 v3, v61;
	_ =	sdelay $0x1  }
0x2ac: {  	v62 =	vor.u32 s26, v55  }
0x2ad: {  	v63 =	vadd.s32 v62, v5  }
0x2ae: {  	[tilespmem:v60+s20+$0x0] =	vst.idx.msk $0xffff, v59;
	v59 =	vand.u32 $0xFFFFFFF8, v63  }
0x2af: {  	v60 =	vld.idx.msk [tilespmem:v61+s17+$0x0], $0xffff;
	v59 =	vor.u32 v4, v59;
	v61 =	vadd.s32 v7, v42  }
0x2b0: {  	v61 =	vor.u32 v8, v61;
	_ =	sdelay $0x2  }
0x2b1: {  	v63 =	vadd.s32 v62, v9  }
0x2b2: {  	[tilespmem:v59+s20+$0x0] =	vst.idx.msk $0xffff, v60;
	v59 =	vand.u32 $0xFFFFFFF8, v63  }
0x2b3: {  	v60 =	vld.idx.msk [tilespmem:v61+s17+$0x0], $0xffff;
	v59 =	vor.u32 v4, v59;
	v61 =	vadd.s32 v10, v42  }
0x2b4: {  	v61 =	vor.u32 v11, v61;
	_ =	sdelay $0x2  }
0x2b5: {  	v63 =	vadd.s32 v62, v12  }
0x2b6: {  	[tilespmem:v59+s20+$0x0] =	vst.idx.msk $0xffff, v60;
	v59 =	vand.u32 $0xFFFFFFF8, v63  }
0x2b7: {  	v60 =	vld.idx.msk [tilespmem:v61+s17+$0x0], $0xffff;
	v59 =	vor.u32 v4, v59;
	v61 =	vadd.s32 v13, v42  }
0x2b8: {  	v61 =	vor.u32 v14, v61;
	_ =	sdelay $0x2  }
0x2b9: {  	v63 =	vadd.s32 v62, v15  }
0x2ba: {  	[tilespmem:v59+s20+$0x0] =	vst.idx.msk $0xffff, v60;
	v59 =	vand.u32 $0xFFFFFFF8, v63  }
0x2bb: {  	v60 =	vld.idx.msk [tilespmem:v61+s17+$0x0], $0xffff;
	v59 =	vor.u32 v4, v59;
	v61 =	vadd.s32 v16, v42  }
0x2bc: {  	v61 =	vor.u32 v17, v61;
	_ =	sdelay $0x2  }
0x2bd: {  	v63 =	vadd.s32 v62, v18  }
0x2be: {  	[tilespmem:v59+s20+$0x0] =	vst.idx.msk $0xffff, v60;
	v59 =	vand.u32 $0xFFFFFFF8, v63  }
0x2bf: {  	v60 =	vld.idx.msk [tilespmem:v61+s17+$0x0], $0xffff;
	v59 =	vor.u32 v4, v59;
	v61 =	vadd.s32 v19, v42  }
0x2c0: {  	v61 =	vor.u32 v20, v61;
	_ =	sdelay $0x2  }
0x2c1: {  	v63 =	vadd.s32 v62, v21  }
0x2c2: {  	[tilespmem:v59+s20+$0x0] =	vst.idx.msk $0xffff, v60;
	v59 =	vand.u32 $0xFFFFFFF8, v63  }
0x2c3: {  	v60 =	vld.idx.msk [tilespmem:v61+s17+$0x0], $0xffff;
	v59 =	vor.u32 v4, v59;
	v61 =	vadd.s32 v22, v42  }
0x2c4: {  	v61 =	vor.u32 v23, v61;
	_ =	sdelay $0x2  }
0x2c5: {  	v63 =	vadd.s32 v62, v24  }
0x2c6: {  	[tilespmem:v59+s20+$0x0] =	vst.idx.msk $0xffff, v60;
	v59 =	vand.u32 $0xFFFFFFF8, v63  }
0x2c7: {  	v60 =	vld.idx.msk [tilespmem:v61+s17+$0x0], $0xffff;
	v59 =	vor.u32 v4, v59;
	v61 =	vadd.s32 v25, v42  }
0x2c8: {  	v61 =	vor.u32 v26, v61;
	_ =	sdelay $0x2  }
0x2c9: {  	v63 =	vadd.s32 v62, v27  }
0x2ca: {  	[tilespmem:v59+s20+$0x0] =	vst.idx.msk $0xffff, v60;
	v59 =	vand.u32 $0xFFFFFFF8, v63  }
0x2cb: {  	v60 =	vld.idx.msk [tilespmem:v61+s17+$0x0], $0xffff;
	v59 =	vor.u32 v4, v59;
	v61 =	vadd.s32 v28, v42  }
0x2cc: {  	v61 =	vor.u32 v29, v61;
	_ =	sdelay $0x2  }
0x2cd: {  	v63 =	vadd.s32 v62, v30  }
0x2ce: {  	[tilespmem:v59+s20+$0x0] =	vst.idx.msk $0xffff, v60;
	v59 =	vand.u32 $0xFFFFFFF8, v63  }
0x2cf: {  	v60 =	vld.idx.msk [tilespmem:v61+s17+$0x0], $0xffff;
	v59 =	vor.u32 v4, v59;
	v61 =	vadd.s32 v31, v42  }
0x2d0: {  	v61 =	vor.u32 v32, v61;
	_ =	sdelay $0x2  }
0x2d1: {  	v63 =	vadd.s32 v62, v33  }
0x2d2: {  	[tilespmem:v59+s20+$0x0] =	vst.idx.msk $0xffff, v60;
	v59 =	vand.u32 $0xFFFFFFF8, v63  }
0x2d3: {  	v60 =	vld.idx.msk [tilespmem:v61+s17+$0x0], $0xffff;
	v59 =	vor.u32 v4, v59;
	v61 =	vadd.s32 v34, v42  }
0x2d4: {  	v61 =	vor.u32 v35, v61;
	_ =	sdelay $0x2  }
0x2d5: {  	v63 =	vadd.s32 v62, v36  }
0x2d6: {  	[tilespmem:v59+s20+$0x0] =	vst.idx.msk $0xffff, v60;
	v59 =	vand.u32 $0xFFFFFFF8, v63  }
0x2d7: {  	v60 =	vld.idx.msk [tilespmem:v61+s17+$0x0], $0xffff;
	v59 =	vor.u32 v4, v59;
	v61 =	vadd.s32 v37, v42  }
0x2d8: {  	v61 =	vor.u32 v38, v61;
	_ =	sdelay $0x2  }
0x2d9: {  	v63 =	vadd.s32 v62, v39  }
0x2da: {  	[tilespmem:v59+s20+$0x0] =	vst.idx.msk $0xffff, v60;
	v59 =	vand.u32 $0xFFFFFFF8, v63  }
0x2db: {  	v60 =	vld.idx.msk [tilespmem:v61+s17+$0x0], $0xffff;
	v59 =	vor.u32 v4, v59;
	v61 =	vadd.s32 v40, v42  }
0x2dc: {  	v61 =	vor.u32 v41, v61;
	_ =	sdelay $0x2  }
0x2dd: {  	v63 =	vadd.s32 v62, v43  }
0x2de: {  	[tilespmem:v59+s20+$0x0] =	vst.idx.msk $0xffff, v60;
	v59 =	vand.u32 $0xFFFFFFF8, v63  }
0x2df: {  	v60 =	vld.idx.msk [tilespmem:v61+s17+$0x0], $0xffff;
	v59 =	vor.u32 v4, v59;
	v61 =	vadd.s32 v44, v42  }
0x2e0: {  	v61 =	vor.u32 v45, v61;
	_ =	sdelay $0x2  }
0x2e1: {  	v63 =	vadd.s32 v62, v46  }
0x2e2: {  	[tilespmem:v59+s20+$0x0] =	vst.idx.msk $0xffff, v60;
	v59 =	vand.u32 $0xFFFFFFF8, v63  }
0x2e3: {  	v42 =	vadd.s32 v47, v42;
	v60 =	vld.idx.msk [tilespmem:v61+s17+$0x0], $0xffff;
	v59 =	vor.u32 v4, v59  }
0x2e4: {  	v42 =	vor.u32 v48, v42;
	v61 =	vadd.s32 v62, v49  }
0x2e5: {  	v62 =	vand.u32 $0xFFFFFFF8, v61;
	v61 =	vld [tilespmem:$0x1FFE0];
	_ =	sdelay $0x2  }
0x2e6: {  	[tilespmem:v59+s20+$0x0] =	vst.idx.msk $0xffff, v60  }
0x2e7: {  	v59 =	vor.u32 v4, v62;
	v42 =	vld.idx.msk [tilespmem:v42+s17+$0x0], $0xffff  }
0x2e8: {  	v60 =	vor.u32 v57, v61;
	_ =	sdelay $0x3  }
0x2e9: {  	[tilespmem:v59+s20+$0x0] =	vst.idx.msk $0xffff, v42;
	v42 =	vor.u32 $0x30, v61  }
0x2ea: {  	v59 =	vld.idx.msk [tilespmem:v60+s17+$0x0], $0xffff;
	v60 =	vor.u32 s26, v56;
	v61 =	vadd.s32 v2, v42  }
0x2eb: {  	v61 =	vor.u32 v3, v61;
	_ =	sdelay $0x1  }
0x2ec: {  	v62 =	vor.u32 s26, v58  }
0x2ed: {  	v63 =	vadd.s32 v62, v5  }
0x2ee: {  	[tilespmem:v60+s20+$0x0] =	vst.idx.msk $0xffff, v59;
	v59 =	vand.u32 $0xFFFFFFF8, v63  }
0x2ef: {  	v60 =	vld.idx.msk [tilespmem:v61+s17+$0x0], $0xffff;
	v59 =	vor.u32 v4, v59;
	v61 =	vadd.s32 v7, v42  }
0x2f0: {  	v61 =	vor.u32 v8, v61;
	_ =	sdelay $0x2  }
0x2f1: {  	v63 =	vadd.s32 v62, v9  }
0x2f2: {  	[tilespmem:v59+s20+$0x0] =	vst.idx.msk $0xffff, v60;
	v59 =	vand.u32 $0xFFFFFFF8, v63  }
0x2f3: {  	v60 =	vld.idx.msk [tilespmem:v61+s17+$0x0], $0xffff;
	v59 =	vor.u32 v4, v59;
	v61 =	vadd.s32 v10, v42  }
0x2f4: {  	v61 =	vor.u32 v11, v61;
	_ =	sdelay $0x2  }
0x2f5: {  	v63 =	vadd.s32 v62, v12  }
0x2f6: {  	[tilespmem:v59+s20+$0x0] =	vst.idx.msk $0xffff, v60;
	v59 =	vand.u32 $0xFFFFFFF8, v63  }
0x2f7: {  	v60 =	vld.idx.msk [tilespmem:v61+s17+$0x0], $0xffff;
	v59 =	vor.u32 v4, v59;
	v61 =	vadd.s32 v13, v42  }
0x2f8: {  	v61 =	vor.u32 v14, v61;
	_ =	sdelay $0x2  }
0x2f9: {  	v63 =	vadd.s32 v62, v15  }
0x2fa: {  	[tilespmem:v59+s20+$0x0] =	vst.idx.msk $0xffff, v60;
	v59 =	vand.u32 $0xFFFFFFF8, v63  }
0x2fb: {  	v60 =	vld.idx.msk [tilespmem:v61+s17+$0x0], $0xffff;
	v59 =	vor.u32 v4, v59;
	v61 =	vadd.s32 v16, v42  }
0x2fc: {  	v61 =	vor.u32 v17, v61;
	_ =	sdelay $0x2  }
0x2fd: {  	v63 =	vadd.s32 v62, v18  }
0x2fe: {  	[tilespmem:v59+s20+$0x0] =	vst.idx.msk $0xffff, v60;
	v59 =	vand.u32 $0xFFFFFFF8, v63  }
0x2ff: {  	v60 =	vld.idx.msk [tilespmem:v61+s17+$0x0], $0xffff;
	v59 =	vor.u32 v4, v59;
	v61 =	vadd.s32 v19, v42  }
0x300: {  	v61 =	vor.u32 v20, v61;
	_ =	sdelay $0x2  }
0x301: {  	v63 =	vadd.s32 v62, v21  }
0x302: {  	[tilespmem:v59+s20+$0x0] =	vst.idx.msk $0xffff, v60;
	v59 =	vand.u32 $0xFFFFFFF8, v63  }
0x303: {  	v60 =	vld.idx.msk [tilespmem:v61+s17+$0x0], $0xffff;
	v59 =	vor.u32 v4, v59;
	v61 =	vadd.s32 v22, v42  }
0x304: {  	v61 =	vor.u32 v23, v61;
	_ =	sdelay $0x2  }
0x305: {  	v63 =	vadd.s32 v62, v24  }
0x306: {  	[tilespmem:v59+s20+$0x0] =	vst.idx.msk $0xffff, v60;
	v59 =	vand.u32 $0xFFFFFFF8, v63  }
0x307: {  	v60 =	vld.idx.msk [tilespmem:v61+s17+$0x0], $0xffff;
	v59 =	vor.u32 v4, v59;
	v61 =	vadd.s32 v25, v42  }
0x308: {  	v61 =	vor.u32 v26, v61;
	_ =	sdelay $0x2  }
0x309: {  	v63 =	vadd.s32 v62, v27  }
0x30a: {  	[tilespmem:v59+s20+$0x0] =	vst.idx.msk $0xffff, v60;
	v59 =	vand.u32 $0xFFFFFFF8, v63  }
0x30b: {  	v60 =	vld.idx.msk [tilespmem:v61+s17+$0x0], $0xffff;
	v59 =	vor.u32 v4, v59;
	v61 =	vadd.s32 v28, v42  }
0x30c: {  	v61 =	vor.u32 v29, v61;
	_ =	sdelay $0x2  }
0x30d: {  	v63 =	vadd.s32 v62, v30  }
0x30e: {  	[tilespmem:v59+s20+$0x0] =	vst.idx.msk $0xffff, v60;
	v59 =	vand.u32 $0xFFFFFFF8, v63  }
0x30f: {  	v60 =	vld.idx.msk [tilespmem:v61+s17+$0x0], $0xffff;
	v59 =	vor.u32 v4, v59;
	v61 =	vadd.s32 v31, v42  }
0x310: {  	v61 =	vor.u32 v32, v61;
	_ =	sdelay $0x2  }
0x311: {  	v63 =	vadd.s32 v62, v33  }
0x312: {  	[tilespmem:v59+s20+$0x0] =	vst.idx.msk $0xffff, v60;
	v59 =	vand.u32 $0xFFFFFFF8, v63  }
0x313: {  	v60 =	vld.idx.msk [tilespmem:v61+s17+$0x0], $0xffff;
	v59 =	vor.u32 v4, v59;
	v61 =	vadd.s32 v34, v42  }
0x314: {  	v61 =	vor.u32 v35, v61;
	_ =	sdelay $0x2  }
0x315: {  	v63 =	vadd.s32 v62, v36  }
0x316: {  	[tilespmem:v59+s20+$0x0] =	vst.idx.msk $0xffff, v60;
	v59 =	vand.u32 $0xFFFFFFF8, v63  }
0x317: {  	v60 =	vld.idx.msk [tilespmem:v61+s17+$0x0], $0xffff;
	v59 =	vor.u32 v4, v59;
	v61 =	vadd.s32 v37, v42  }
0x318: {  	v61 =	vor.u32 v38, v61;
	_ =	sdelay $0x2  }
0x319: {  	v63 =	vadd.s32 v62, v39  }
0x31a: {  	[tilespmem:v59+s20+$0x0] =	vst.idx.msk $0xffff, v60;
	v59 =	vand.u32 $0xFFFFFFF8, v63  }
0x31b: {  	v60 =	vld.idx.msk [tilespmem:v61+s17+$0x0], $0xffff;
	v59 =	vor.u32 v4, v59;
	v61 =	vadd.s32 v40, v42  }
0x31c: {  	v61 =	vor.u32 v41, v61;
	_ =	sdelay $0x2  }
0x31d: {  	v63 =	vadd.s32 v62, v43  }
0x31e: {  	[tilespmem:v59+s20+$0x0] =	vst.idx.msk $0xffff, v60;
	v59 =	vand.u32 $0xFFFFFFF8, v63  }
0x31f: {  	v60 =	vld.idx.msk [tilespmem:v61+s17+$0x0], $0xffff;
	v59 =	vor.u32 v4, v59;
	v61 =	vadd.s32 v44, v42  }
0x320: {  	v61 =	vor.u32 v45, v61;
	_ =	sdelay $0x2  }
0x321: {  	v63 =	vadd.s32 v62, v46  }
0x322: {  	[tilespmem:v59+s20+$0x0] =	vst.idx.msk $0xffff, v60;
	v59 =	vand.u32 $0xFFFFFFF8, v63  }
0x323: {  	v42 =	vadd.s32 v47, v42;
	v60 =	vld.idx.msk [tilespmem:v61+s17+$0x0], $0xffff;
	v59 =	vor.u32 v4, v59  }
0x324: {  	v42 =	vor.u32 v48, v42;
	_ =	sdelay $0x2  }
0x325: {  	v61 =	vadd.s32 v62, v49  }
0x326: {  	v63 =	vand.u32 $0xFFFFFFF8, v61;
	[tilespmem:v59+s20+$0x0] =	vst.idx.msk $0xffff, v60  }
0x327: {  	v59 =	vor.u32 v4, v63;
	v42 =	vld.idx.msk [tilespmem:v42+s17+$0x0], $0xffff;
	_ =	sdelay $0x1  }
0x328: {  	s28 =	sshll.u32 s25, $0x7;
	s26 =	sshll.u32 s25, $0xA  }
0x329: {  	s25 =	sand.u32 $0x3F00, s28;
	s26 =	sand.u32 $0xFFE0000, s26  }
0x32a: {  	s25 =	sor.u32 s25, s26  }
0x32b: {  	s26 =	sadd.s32 s2, s25;
	[tilespmem:v59+s20+$0x0] =	vst.idx.msk $0xffff, v42  }
0x32c: {  	[hbm4b:s26+s3] =	stream.linear.scatter [tilespmem:s20], [sflag:$0x3], $0x400, $0x38;
	[tilespmem:$0xE400] =	vst v63  }
0x32d: {  	s28 =	simm.s32 $0xA800;
	s26 =	sadd.s32 s25, s7  }
0x32e: {  	[hbm4b:s26+s3] =	stream.linear.scatter [tilespmem:s28], [sflag:$0x3], $0x400, $0x38;
	[tilespmem:$0xE400] =	vst v63  }
0x32f: {  	s26 =	sadd.s32 s25, s8;
	s28 =	simm.s32 $0xAC00  }
0x330: {  	[hbm4b:s26+s3] =	stream.linear.scatter [tilespmem:s28], [sflag:$0x3], $0x400, $0x38;
	[tilespmem:$0xE400] =	vst v63  }
0x331: {  	s26 =	sadd.s32 s25, s9;
	s28 =	simm.s32 $0xB000  }
0x332: {  	[hbm4b:s26+s3] =	stream.linear.scatter [tilespmem:s28], [sflag:$0x3], $0x400, $0x38;
	[tilespmem:$0xE400] =	vst v63  }
0x333: {  	s26 =	sadd.s32 s25, s10;
	s28 =	simm.s32 $0xB400  }
0x334: {  	[hbm4b:s26+s3] =	stream.linear.scatter [tilespmem:s28], [sflag:$0x3], $0x400, $0x38;
	[tilespmem:$0xE400] =	vst v63  }
0x335: {  	s26 =	sadd.s32 s25, s11;
	s28 =	simm.s32 $0xB800  }
0x336: {  	[hbm4b:s26+s3] =	stream.linear.scatter [tilespmem:s28], [sflag:$0x3], $0x400, $0x38;
	[tilespmem:$0xE400] =	vst v63  }
0x337: {  	s26 =	sadd.s32 s25, s12;
	s28 =	simm.s32 $0xBC00  }
0x338: {  	[hbm4b:s26+s3] =	stream.linear.scatter [tilespmem:s28], [sflag:$0x3], $0x400, $0x38;
	[tilespmem:$0xE400] =	vst v63  }
0x339: {  	p0 =	seq.s32 s23, $0x63;
	s25 =	sadd.s32 s25, s13;
	s28 =	simm.s32 $0xC000  }
0x33a: {  	[hbm4b:s25+s3] =	stream.linear.scatter [tilespmem:s28], [sflag:$0x3], $0x400, $0x38;
	[tilespmem:$0xE400] =	vst v63  }
0x33b: {  	p1 =	seq.s32 @!p0 s23, $0x0;
	s25 =	sshll.u32 @!p0 s23, $0x8;
	_ =	swait.ge [sflag:s29], $0x2000  }
0x33c: {  	s26 =	simm.s32 @!p0 $0x80;
	s25 =	sand.u32 @!p0 $0x3FFFFF00, s25;
	[sflag:s29] =	ssyncset.done $0x0  }
0x33d: {  	s28 =	simm.s32 @!p0 $0x6400;
	s25 =	sadd.s32 @!p0 $0x100, s25;
	[sflag:s29] =	ssyncadd.s32 $0xFFFFE000  }
0x33e: {  	[tilespmem:s28], [sflag:$0x1] =	stream.indirect.gather @!p0 [hbm4b:s4+s26], $0x40, s25, s26, $0xb8;
	[tilespmem:$0xE400] =	vst v63  }
0x33f: {  	p0 =	por p0, !p1  }
0x340: {  	_ =	swait.ge @p0 [sflag:s22], $0x400  }
0x341: {  	[sflag:s22] =	ssyncset.done @p0 $0x0  }
0x342: {  	[sflag:s22] =	ssyncadd.s32 @p0 $0xFFFFFC00  }
0x343: {  	_ =	swait.ge @p0 [sflag:s22], $0x400  }
0x344: {  	[sflag:s22] =	ssyncset.done @p0 $0x0  }
0x345: {  	[sflag:s22] =	ssyncadd.s32 @p0 $0xFFFFFC00  }
0x346: {  	_ =	swait.ge @p0 [sflag:s22], $0x400  }
0x347: {  	[sflag:s22] =	ssyncset.done @p0 $0x0  }
0x348: {  	[sflag:s22] =	ssyncadd.s32 @p0 $0xFFFFFC00  }
0x349: {  	_ =	swait.ge @p0 [sflag:s22], $0x400  }
0x34a: {  	[sflag:s22] =	ssyncset.done @p0 $0x0  }
0x34b: {  	[sflag:s22] =	ssyncadd.s32 @p0 $0xFFFFFC00  }
0x34c: {  	_ =	swait.ge @p0 [sflag:s22], $0x400  }
0x34d: {  	[sflag:s22] =	ssyncset.done @p0 $0x0  }
0x34e: {  	[sflag:s22] =	ssyncadd.s32 @p0 $0xFFFFFC00  }
0x34f: {  	_ =	swait.ge @p0 [sflag:s22], $0x400  }
0x350: {  	s28 =	simm.s32 $0x0;
	[sflag:s22] =	ssyncset.done @p0 $0x0  }
0x351: {  	v42 =	vor.u32 s28, v0;
	[sflag:s22] =	ssyncadd.s32 @p0 $0xFFFFFC00  }
0x352: {  	v59 =	vshll.u32 v42, $0x6;
	_ =	swait.ge @p0 [sflag:s22], $0x400  }
0x353: {  	v60 =	vor.u32 v0, v59;
	[sflag:s22] =	ssyncset.done @p0 $0x0  }
0x354: {  	[sflag:s22] =	ssyncadd.s32 @p0 $0xFFFFFC00  }
0x355: {  	_ =	swait.ge @p0 [sflag:s22], $0x400  }
0x356: {  	[sflag:s22] =	ssyncset.done @p0 $0x0  }
0x357: {  	[sflag:s22] =	ssyncadd.s32 @p0 $0xFFFFFC00  }
0x358: {  	v61 =	vor.u32 s28, v1;
	v62 =	vadd.s32 v59, v2;
	v60 =	vld.idx.msk [tilespmem:v60+s19+$0x0], $0xffff  }
0x359: {  	v62 =	vor.u32 v3, v62;
	_ =	sdelay $0x3  }
0x35a: {  	v42 =	vand.u32 v6, v42;
	[tilespmem:v61+s30+$0x0] =	vst.idx.msk $0xffff, v60  }
0x35b: {  	v61 =	vor.u32 v5, v42;
	v60 =	vld.idx.msk [tilespmem:v62+s19+$0x0], $0xffff;
	v62 =	vadd.s32 v59, v7  }
0x35c: {  	v62 =	vor.u32 v8, v62;
	_ =	sdelay $0x3  }
0x35d: {  	[tilespmem:v61+s30+$0x0] =	vst.idx.msk $0xffff, v60  }
0x35e: {  	v61 =	vor.u32 v9, v42;
	v60 =	vld.idx.msk [tilespmem:v62+s19+$0x0], $0xffff;
	v62 =	vadd.s32 v59, v10  }
0x35f: {  	v62 =	vor.u32 v11, v62;
	_ =	sdelay $0x3  }
0x360: {  	[tilespmem:v61+s30+$0x0] =	vst.idx.msk $0xffff, v60  }
0x361: {  	v61 =	vor.u32 v12, v42;
	v60 =	vld.idx.msk [tilespmem:v62+s19+$0x0], $0xffff;
	v62 =	vadd.s32 v59, v13  }
0x362: {  	v62 =	vor.u32 v14, v62;
	_ =	sdelay $0x3  }
0x363: {  	[tilespmem:v61+s30+$0x0] =	vst.idx.msk $0xffff, v60  }
0x364: {  	v61 =	vor.u32 v15, v42;
	v60 =	vld.idx.msk [tilespmem:v62+s19+$0x0], $0xffff;
	v62 =	vadd.s32 v59, v16  }
0x365: {  	v62 =	vor.u32 v17, v62;
	_ =	sdelay $0x3  }
0x366: {  	[tilespmem:v61+s30+$0x0] =	vst.idx.msk $0xffff, v60  }
0x367: {  	v61 =	vor.u32 v18, v42;
	v60 =	vld.idx.msk [tilespmem:v62+s19+$0x0], $0xffff;
	v62 =	vadd.s32 v59, v19  }
0x368: {  	v62 =	vor.u32 v20, v62;
	_ =	sdelay $0x3  }
0x369: {  	[tilespmem:v61+s30+$0x0] =	vst.idx.msk $0xffff, v60  }
0x36a: {  	v61 =	vor.u32 v21, v42;
	v60 =	vld.idx.msk [tilespmem:v62+s19+$0x0], $0xffff;
	v62 =	vadd.s32 v59, v22  }
0x36b: {  	v62 =	vor.u32 v23, v62;
	_ =	sdelay $0x3  }
0x36c: {  	[tilespmem:v61+s30+$0x0] =	vst.idx.msk $0xffff, v60  }
0x36d: {  	v61 =	vor.u32 v24, v42;
	v60 =	vld.idx.msk [tilespmem:v62+s19+$0x0], $0xffff;
	v62 =	vadd.s32 v59, v25  }
0x36e: {  	v62 =	vor.u32 v26, v62;
	_ =	sdelay $0x3  }
0x36f: {  	[tilespmem:v61+s30+$0x0] =	vst.idx.msk $0xffff, v60  }
0x370: {  	v61 =	vor.u32 v27, v42;
	v60 =	vld.idx.msk [tilespmem:v62+s19+$0x0], $0xffff;
	v62 =	vadd.s32 v59, v28  }
0x371: {  	v62 =	vor.u32 v29, v62;
	_ =	sdelay $0x3  }
0x372: {  	[tilespmem:v61+s30+$0x0] =	vst.idx.msk $0xffff, v60  }
0x373: {  	v61 =	vor.u32 v30, v42;
	v60 =	vld.idx.msk [tilespmem:v62+s19+$0x0], $0xffff;
	v62 =	vadd.s32 v59, v31  }
0x374: {  	v62 =	vor.u32 v32, v62;
	_ =	sdelay $0x3  }
0x375: {  	[tilespmem:v61+s30+$0x0] =	vst.idx.msk $0xffff, v60  }
0x376: {  	v61 =	vor.u32 v33, v42;
	v60 =	vld.idx.msk [tilespmem:v62+s19+$0x0], $0xffff;
	v62 =	vadd.s32 v59, v34  }
0x377: {  	v62 =	vor.u32 v35, v62;
	_ =	sdelay $0x3  }
0x378: {  	[tilespmem:v61+s30+$0x0] =	vst.idx.msk $0xffff, v60  }
0x379: {  	v61 =	vor.u32 v36, v42;
	v60 =	vld.idx.msk [tilespmem:v62+s19+$0x0], $0xffff;
	v62 =	vadd.s32 v59, v37  }
0x37a: {  	v62 =	vor.u32 v38, v62;
	_ =	sdelay $0x3  }
0x37b: {  	[tilespmem:v61+s30+$0x0] =	vst.idx.msk $0xffff, v60  }
0x37c: {  	v61 =	vor.u32 v39, v42;
	v60 =	vld.idx.msk [tilespmem:v62+s19+$0x0], $0xffff;
	v62 =	vadd.s32 v59, v40  }
0x37d: {  	v62 =	vor.u32 v41, v62;
	_ =	sdelay $0x3  }
0x37e: {  	[tilespmem:v61+s30+$0x0] =	vst.idx.msk $0xffff, v60  }
0x37f: {  	v61 =	vor.u32 v43, v42;
	v60 =	vld.idx.msk [tilespmem:v62+s19+$0x0], $0xffff;
	v62 =	vadd.s32 v59, v44  }
0x380: {  	v62 =	vor.u32 v45, v62;
	_ =	sdelay $0x3  }
0x381: {  	[tilespmem:v61+s30+$0x0] =	vst.idx.msk $0xffff, v60  }
0x382: {  	v61 =	vor.u32 v46, v42;
	v60 =	vld.idx.msk [tilespmem:v62+s19+$0x0], $0xffff;
	v62 =	vadd.s32 v59, v47  }
0x383: {  	v62 =	vor.u32 v48, v62;
	_ =	sdelay $0x3  }
0x384: {  	[tilespmem:v61+s30+$0x0] =	vst.idx.msk $0xffff, v60  }
0x385: {  	v42 =	vor.u32 v49, v42;
	v60 =	vld.idx.msk [tilespmem:v62+s19+$0x0], $0xffff  }
0x386: {  	v61 =	vor.u32 v51, v59;
	_ =	sdelay $0x3  }
0x387: {  	[tilespmem:v42+s30+$0x0] =	vst.idx.msk $0xffff, v60;
	v42 =	vor.u32 $0x10, v59  }
0x388: {  	[tilespmem:$0x1FFD0] =	vst v59;
	v60 =	vld.idx.msk [tilespmem:v61+s19+$0x0], $0xffff;
	v61 =	vor.u32 s28, v50;
	v59 =	vadd.s32 v2, v42  }
0x389: {  	v62 =	vor.u32 v3, v59;
	_ =	sdelay $0x1  }
0x38a: {  	v63 =	vor.u32 s28, v52  }
0x38b: {  	v59 =	vadd.s32 v63, v5  }
0x38c: {  	v59 =	vand.u32 $0xFFFFFFF8, v59;
	[tilespmem:v61+s30+$0x0] =	vst.idx.msk $0xffff, v60  }
0x38d: {  	v59 =	vor.u32 v4, v59;
	v61 =	vadd.s32 v7, v42;
	v60 =	vld.idx.msk [tilespmem:v62+s19+$0x0], $0xffff  }
0x38e: {  	v61 =	vor.u32 v8, v61;
	_ =	sdelay $0x2  }
0x38f: {  	v62 =	vadd.s32 v63, v9  }
0x390: {  	[tilespmem:v59+s30+$0x0] =	vst.idx.msk $0xffff, v60;
	v59 =	vand.u32 $0xFFFFFFF8, v62  }
0x391: {  	v60 =	vld.idx.msk [tilespmem:v61+s19+$0x0], $0xffff;
	v59 =	vor.u32 v4, v59;
	v61 =	vadd.s32 v10, v42  }
0x392: {  	v61 =	vor.u32 v11, v61;
	_ =	sdelay $0x2  }
0x393: {  	v62 =	vadd.s32 v63, v12  }
0x394: {  	[tilespmem:v59+s30+$0x0] =	vst.idx.msk $0xffff, v60;
	v59 =	vand.u32 $0xFFFFFFF8, v62  }
0x395: {  	v60 =	vld.idx.msk [tilespmem:v61+s19+$0x0], $0xffff;
	v59 =	vor.u32 v4, v59;
	v61 =	vadd.s32 v13, v42  }
0x396: {  	v61 =	vor.u32 v14, v61;
	_ =	sdelay $0x2  }
0x397: {  	v62 =	vadd.s32 v63, v15  }
0x398: {  	[tilespmem:v59+s30+$0x0] =	vst.idx.msk $0xffff, v60;
	v59 =	vand.u32 $0xFFFFFFF8, v62  }
0x399: {  	v60 =	vld.idx.msk [tilespmem:v61+s19+$0x0], $0xffff;
	v59 =	vor.u32 v4, v59;
	v61 =	vadd.s32 v16, v42  }
0x39a: {  	v61 =	vor.u32 v17, v61;
	_ =	sdelay $0x2  }
0x39b: {  	v62 =	vadd.s32 v63, v18  }
0x39c: {  	[tilespmem:v59+s30+$0x0] =	vst.idx.msk $0xffff, v60;
	v59 =	vand.u32 $0xFFFFFFF8, v62  }
0x39d: {  	v60 =	vld.idx.msk [tilespmem:v61+s19+$0x0], $0xffff;
	v59 =	vor.u32 v4, v59;
	v61 =	vadd.s32 v19, v42  }
0x39e: {  	v61 =	vor.u32 v20, v61;
	_ =	sdelay $0x2  }
0x39f: {  	v62 =	vadd.s32 v63, v21  }
0x3a0: {  	[tilespmem:v59+s30+$0x0] =	vst.idx.msk $0xffff, v60;
	v59 =	vand.u32 $0xFFFFFFF8, v62  }
0x3a1: {  	v60 =	vld.idx.msk [tilespmem:v61+s19+$0x0], $0xffff;
	v59 =	vor.u32 v4, v59;
	v61 =	vadd.s32 v22, v42  }
0x3a2: {  	v61 =	vor.u32 v23, v61;
	_ =	sdelay $0x2  }
0x3a3: {  	v62 =	vadd.s32 v63, v24  }
0x3a4: {  	[tilespmem:v59+s30+$0x0] =	vst.idx.msk $0xffff, v60;
	v59 =	vand.u32 $0xFFFFFFF8, v62  }
0x3a5: {  	v60 =	vld.idx.msk [tilespmem:v61+s19+$0x0], $0xffff;
	v59 =	vor.u32 v4, v59;
	v61 =	vadd.s32 v25, v42  }
0x3a6: {  	v61 =	vor.u32 v26, v61;
	_ =	sdelay $0x2  }
0x3a7: {  	v62 =	vadd.s32 v63, v27  }
0x3a8: {  	[tilespmem:v59+s30+$0x0] =	vst.idx.msk $0xffff, v60;
	v59 =	vand.u32 $0xFFFFFFF8, v62  }
0x3a9: {  	v60 =	vld.idx.msk [tilespmem:v61+s19+$0x0], $0xffff;
	v59 =	vor.u32 v4, v59;
	v61 =	vadd.s32 v28, v42  }
0x3aa: {  	v61 =	vor.u32 v29, v61;
	_ =	sdelay $0x2  }
0x3ab: {  	v62 =	vadd.s32 v63, v30  }
0x3ac: {  	[tilespmem:v59+s30+$0x0] =	vst.idx.msk $0xffff, v60;
	v59 =	vand.u32 $0xFFFFFFF8, v62  }
0x3ad: {  	v60 =	vld.idx.msk [tilespmem:v61+s19+$0x0], $0xffff;
	v59 =	vor.u32 v4, v59;
	v61 =	vadd.s32 v31, v42  }
0x3ae: {  	v61 =	vor.u32 v32, v61;
	_ =	sdelay $0x2  }
0x3af: {  	v62 =	vadd.s32 v63, v33  }
0x3b0: {  	[tilespmem:v59+s30+$0x0] =	vst.idx.msk $0xffff, v60;
	v59 =	vand.u32 $0xFFFFFFF8, v62  }
0x3b1: {  	v60 =	vld.idx.msk [tilespmem:v61+s19+$0x0], $0xffff;
	v59 =	vor.u32 v4, v59;
	v61 =	vadd.s32 v34, v42  }
0x3b2: {  	v61 =	vor.u32 v35, v61;
	_ =	sdelay $0x2  }
0x3b3: {  	v62 =	vadd.s32 v63, v36  }
0x3b4: {  	[tilespmem:v59+s30+$0x0] =	vst.idx.msk $0xffff, v60;
	v59 =	vand.u32 $0xFFFFFFF8, v62  }
0x3b5: {  	v60 =	vld.idx.msk [tilespmem:v61+s19+$0x0], $0xffff;
	v59 =	vor.u32 v4, v59;
	v61 =	vadd.s32 v37, v42  }
0x3b6: {  	v61 =	vor.u32 v38, v61;
	_ =	sdelay $0x2  }
0x3b7: {  	v62 =	vadd.s32 v63, v39  }
0x3b8: {  	[tilespmem:v59+s30+$0x0] =	vst.idx.msk $0xffff, v60;
	v59 =	vand.u32 $0xFFFFFFF8, v62  }
0x3b9: {  	v60 =	vld.idx.msk [tilespmem:v61+s19+$0x0], $0xffff;
	v59 =	vor.u32 v4, v59;
	v61 =	vadd.s32 v40, v42  }
0x3ba: {  	v61 =	vor.u32 v41, v61;
	_ =	sdelay $0x2  }
0x3bb: {  	v62 =	vadd.s32 v63, v43  }
0x3bc: {  	[tilespmem:v59+s30+$0x0] =	vst.idx.msk $0xffff, v60;
	v59 =	vand.u32 $0xFFFFFFF8, v62  }
0x3bd: {  	v60 =	vld.idx.msk [tilespmem:v61+s19+$0x0], $0xffff;
	v59 =	vor.u32 v4, v59;
	v61 =	vadd.s32 v44, v42  }
0x3be: {  	v61 =	vor.u32 v45, v61;
	_ =	sdelay $0x2  }
0x3bf: {  	v62 =	vadd.s32 v63, v46  }
0x3c0: {  	[tilespmem:v59+s30+$0x0] =	vst.idx.msk $0xffff, v60;
	v59 =	vand.u32 $0xFFFFFFF8, v62  }
0x3c1: {  	v42 =	vadd.s32 v47, v42;
	v60 =	vld.idx.msk [tilespmem:v61+s19+$0x0], $0xffff;
	v59 =	vor.u32 v4, v59  }
0x3c2: {  	v42 =	vor.u32 v48, v42;
	v61 =	vadd.s32 v63, v49  }
0x3c3: {  	v62 =	vand.u32 $0xFFFFFFF8, v61;
	v61 =	vld [tilespmem:$0x1FFD0];
	_ =	sdelay $0x2  }
0x3c4: {  	[tilespmem:v59+s30+$0x0] =	vst.idx.msk $0xffff, v60  }
0x3c5: {  	v59 =	vor.u32 v4, v62;
	v42 =	vld.idx.msk [tilespmem:v42+s19+$0x0], $0xffff  }
0x3c6: {  	v60 =	vor.u32 v54, v61;
	_ =	sdelay $0x3  }
0x3c7: {  	[tilespmem:v59+s30+$0x0] =	vst.idx.msk $0xffff, v42;
	v42 =	vor.u32 $0x20, v61  }
0x3c8: {  	v59 =	vld.idx.msk [tilespmem:v60+s19+$0x0], $0xffff;
	v60 =	vor.u32 s28, v53;
	v61 =	vadd.s32 v2, v42  }
0x3c9: {  	v61 =	vor.u32 v3, v61;
	_ =	sdelay $0x1  }
0x3ca: {  	v62 =	vor.u32 s28, v55  }
0x3cb: {  	v63 =	vadd.s32 v62, v5  }
0x3cc: {  	[tilespmem:v60+s30+$0x0] =	vst.idx.msk $0xffff, v59;
	v59 =	vand.u32 $0xFFFFFFF8, v63  }
0x3cd: {  	v60 =	vld.idx.msk [tilespmem:v61+s19+$0x0], $0xffff;
	v59 =	vor.u32 v4, v59;
	v61 =	vadd.s32 v7, v42  }
0x3ce: {  	v61 =	vor.u32 v8, v61;
	_ =	sdelay $0x2  }
0x3cf: {  	v63 =	vadd.s32 v62, v9  }
0x3d0: {  	[tilespmem:v59+s30+$0x0] =	vst.idx.msk $0xffff, v60;
	v59 =	vand.u32 $0xFFFFFFF8, v63  }
0x3d1: {  	v60 =	vld.idx.msk [tilespmem:v61+s19+$0x0], $0xffff;
	v59 =	vor.u32 v4, v59;
	v61 =	vadd.s32 v10, v42  }
0x3d2: {  	v61 =	vor.u32 v11, v61;
	_ =	sdelay $0x2  }
0x3d3: {  	v63 =	vadd.s32 v62, v12  }
0x3d4: {  	[tilespmem:v59+s30+$0x0] =	vst.idx.msk $0xffff, v60;
	v59 =	vand.u32 $0xFFFFFFF8, v63  }
0x3d5: {  	v60 =	vld.idx.msk [tilespmem:v61+s19+$0x0], $0xffff;
	v59 =	vor.u32 v4, v59;
	v61 =	vadd.s32 v13, v42  }
0x3d6: {  	v61 =	vor.u32 v14, v61;
	_ =	sdelay $0x2  }
0x3d7: {  	v63 =	vadd.s32 v62, v15  }
0x3d8: {  	[tilespmem:v59+s30+$0x0] =	vst.idx.msk $0xffff, v60;
	v59 =	vand.u32 $0xFFFFFFF8, v63  }
0x3d9: {  	v60 =	vld.idx.msk [tilespmem:v61+s19+$0x0], $0xffff;
	v59 =	vor.u32 v4, v59;
	v61 =	vadd.s32 v16, v42  }
0x3da: {  	v61 =	vor.u32 v17, v61;
	_ =	sdelay $0x2  }
0x3db: {  	v63 =	vadd.s32 v62, v18  }
0x3dc: {  	[tilespmem:v59+s30+$0x0] =	vst.idx.msk $0xffff, v60;
	v59 =	vand.u32 $0xFFFFFFF8, v63  }
0x3dd: {  	v60 =	vld.idx.msk [tilespmem:v61+s19+$0x0], $0xffff;
	v59 =	vor.u32 v4, v59;
	v61 =	vadd.s32 v19, v42  }
0x3de: {  	v61 =	vor.u32 v20, v61;
	_ =	sdelay $0x2  }
0x3df: {  	v63 =	vadd.s32 v62, v21  }
0x3e0: {  	[tilespmem:v59+s30+$0x0] =	vst.idx.msk $0xffff, v60;
	v59 =	vand.u32 $0xFFFFFFF8, v63  }
0x3e1: {  	v60 =	vld.idx.msk [tilespmem:v61+s19+$0x0], $0xffff;
	v59 =	vor.u32 v4, v59;
	v61 =	vadd.s32 v22, v42  }
0x3e2: {  	v61 =	vor.u32 v23, v61;
	_ =	sdelay $0x2  }
0x3e3: {  	v63 =	vadd.s32 v62, v24  }
0x3e4: {  	[tilespmem:v59+s30+$0x0] =	vst.idx.msk $0xffff, v60;
	v59 =	vand.u32 $0xFFFFFFF8, v63  }
0x3e5: {  	v60 =	vld.idx.msk [tilespmem:v61+s19+$0x0], $0xffff;
	v59 =	vor.u32 v4, v59;
	v61 =	vadd.s32 v25, v42  }
0x3e6: {  	v61 =	vor.u32 v26, v61;
	_ =	sdelay $0x2  }
0x3e7: {  	v63 =	vadd.s32 v62, v27  }
0x3e8: {  	[tilespmem:v59+s30+$0x0] =	vst.idx.msk $0xffff, v60;
	v59 =	vand.u32 $0xFFFFFFF8, v63  }
0x3e9: {  	v60 =	vld.idx.msk [tilespmem:v61+s19+$0x0], $0xffff;
	v59 =	vor.u32 v4, v59;
	v61 =	vadd.s32 v28, v42  }
0x3ea: {  	v61 =	vor.u32 v29, v61;
	_ =	sdelay $0x2  }
0x3eb: {  	v63 =	vadd.s32 v62, v30  }
0x3ec: {  	[tilespmem:v59+s30+$0x0] =	vst.idx.msk $0xffff, v60;
	v59 =	vand.u32 $0xFFFFFFF8, v63  }
0x3ed: {  	v60 =	vld.idx.msk [tilespmem:v61+s19+$0x0], $0xffff;
	v59 =	vor.u32 v4, v59;
	v61 =	vadd.s32 v31, v42  }
0x3ee: {  	v61 =	vor.u32 v32, v61;
	_ =	sdelay $0x2  }
0x3ef: {  	v63 =	vadd.s32 v62, v33  }
0x3f0: {  	[tilespmem:v59+s30+$0x0] =	vst.idx.msk $0xffff, v60;
	v59 =	vand.u32 $0xFFFFFFF8, v63  }
0x3f1: {  	v60 =	vld.idx.msk [tilespmem:v61+s19+$0x0], $0xffff;
	v59 =	vor.u32 v4, v59;
	v61 =	vadd.s32 v34, v42  }
0x3f2: {  	v61 =	vor.u32 v35, v61;
	_ =	sdelay $0x2  }
0x3f3: {  	v63 =	vadd.s32 v62, v36  }
0x3f4: {  	[tilespmem:v59+s30+$0x0] =	vst.idx.msk $0xffff, v60;
	v59 =	vand.u32 $0xFFFFFFF8, v63  }
0x3f5: {  	v60 =	vld.idx.msk [tilespmem:v61+s19+$0x0], $0xffff;
	v59 =	vor.u32 v4, v59;
	v61 =	vadd.s32 v37, v42  }
0x3f6: {  	v61 =	vor.u32 v38, v61;
	_ =	sdelay $0x2  }
0x3f7: {  	v63 =	vadd.s32 v62, v39  }
0x3f8: {  	[tilespmem:v59+s30+$0x0] =	vst.idx.msk $0xffff, v60;
	v59 =	vand.u32 $0xFFFFFFF8, v63  }
0x3f9: {  	v60 =	vld.idx.msk [tilespmem:v61+s19+$0x0], $0xffff;
	v59 =	vor.u32 v4, v59;
	v61 =	vadd.s32 v40, v42  }
0x3fa: {  	v61 =	vor.u32 v41, v61;
	_ =	sdelay $0x2  }
0x3fb: {  	v63 =	vadd.s32 v62, v43  }
0x3fc: {  	[tilespmem:v59+s30+$0x0] =	vst.idx.msk $0xffff, v60;
	v59 =	vand.u32 $0xFFFFFFF8, v63  }
0x3fd: {  	v60 =	vld.idx.msk [tilespmem:v61+s19+$0x0], $0xffff;
	v59 =	vor.u32 v4, v59;
	v61 =	vadd.s32 v44, v42  }
0x3fe: {  	v61 =	vor.u32 v45, v61;
	_ =	sdelay $0x2  }
0x3ff: {  	v63 =	vadd.s32 v62, v46  }
0x400: {  	[tilespmem:v59+s30+$0x0] =	vst.idx.msk $0xffff, v60;
	v59 =	vand.u32 $0xFFFFFFF8, v63  }
0x401: {  	v42 =	vadd.s32 v47, v42;
	v60 =	vld.idx.msk [tilespmem:v61+s19+$0x0], $0xffff;
	v59 =	vor.u32 v4, v59  }
0x402: {  	v42 =	vor.u32 v48, v42;
	v61 =	vadd.s32 v62, v49  }
0x403: {  	v63 =	vand.u32 $0xFFFFFFF8, v61;
	v61 =	vld [tilespmem:$0x1FFD0];
	_ =	sdelay $0x2  }
0x404: {  	[tilespmem:v59+s30+$0x0] =	vst.idx.msk $0xffff, v60  }
0x405: {  	v59 =	vor.u32 v4, v63;
	v42 =	vld.idx.msk [tilespmem:v42+s19+$0x0], $0xffff  }
0x406: {  	v60 =	vor.u32 v57, v61;
	_ =	sdelay $0x3  }
0x407: {  	[tilespmem:v59+s30+$0x0] =	vst.idx.msk $0xffff, v42;
	v42 =	vor.u32 $0x30, v61  }
0x408: {  	v59 =	vld.idx.msk [tilespmem:v60+s19+$0x0], $0xffff;
	v60 =	vor.u32 s28, v56;
	v61 =	vadd.s32 v2, v42  }
0x409: {  	v61 =	vor.u32 v3, v61;
	_ =	sdelay $0x1  }
0x40a: {  	v62 =	vor.u32 s28, v58  }
0x40b: {  	v63 =	vadd.s32 v62, v5  }
0x40c: {  	[tilespmem:v60+s30+$0x0] =	vst.idx.msk $0xffff, v59;
	v59 =	vand.u32 $0xFFFFFFF8, v63  }
0x40d: {  	v60 =	vld.idx.msk [tilespmem:v61+s19+$0x0], $0xffff;
	v59 =	vor.u32 v4, v59;
	v61 =	vadd.s32 v7, v42  }
0x40e: {  	v61 =	vor.u32 v8, v61;
	_ =	sdelay $0x2  }
0x40f: {  	v63 =	vadd.s32 v62, v9  }
0x410: {  	[tilespmem:v59+s30+$0x0] =	vst.idx.msk $0xffff, v60;
	v59 =	vand.u32 $0xFFFFFFF8, v63  }
0x411: {  	v60 =	vld.idx.msk [tilespmem:v61+s19+$0x0], $0xffff;
	v59 =	vor.u32 v4, v59;
	v61 =	vadd.s32 v10, v42  }
0x412: {  	v61 =	vor.u32 v11, v61;
	_ =	sdelay $0x2  }
0x413: {  	v63 =	vadd.s32 v62, v12  }
0x414: {  	[tilespmem:v59+s30+$0x0] =	vst.idx.msk $0xffff, v60;
	v59 =	vand.u32 $0xFFFFFFF8, v63  }
0x415: {  	v60 =	vld.idx.msk [tilespmem:v61+s19+$0x0], $0xffff;
	v59 =	vor.u32 v4, v59;
	v61 =	vadd.s32 v13, v42  }
0x416: {  	v61 =	vor.u32 v14, v61;
	_ =	sdelay $0x2  }
0x417: {  	v63 =	vadd.s32 v62, v15  }
0x418: {  	[tilespmem:v59+s30+$0x0] =	vst.idx.msk $0xffff, v60;
	v59 =	vand.u32 $0xFFFFFFF8, v63  }
0x419: {  	v60 =	vld.idx.msk [tilespmem:v61+s19+$0x0], $0xffff;
	v59 =	vor.u32 v4, v59;
	v61 =	vadd.s32 v16, v42  }
0x41a: {  	v61 =	vor.u32 v17, v61;
	_ =	sdelay $0x2  }
0x41b: {  	v63 =	vadd.s32 v62, v18  }
0x41c: {  	[tilespmem:v59+s30+$0x0] =	vst.idx.msk $0xffff, v60;
	v59 =	vand.u32 $0xFFFFFFF8, v63  }
0x41d: {  	v60 =	vld.idx.msk [tilespmem:v61+s19+$0x0], $0xffff;
	v59 =	vor.u32 v4, v59;
	v61 =	vadd.s32 v19, v42  }
0x41e: {  	v61 =	vor.u32 v20, v61;
	_ =	sdelay $0x2  }
0x41f: {  	v63 =	vadd.s32 v62, v21  }
0x420: {  	[tilespmem:v59+s30+$0x0] =	vst.idx.msk $0xffff, v60;
	v59 =	vand.u32 $0xFFFFFFF8, v63  }
0x421: {  	v60 =	vld.idx.msk [tilespmem:v61+s19+$0x0], $0xffff;
	v59 =	vor.u32 v4, v59;
	v61 =	vadd.s32 v22, v42  }
0x422: {  	v61 =	vor.u32 v23, v61;
	_ =	sdelay $0x2  }
0x423: {  	v63 =	vadd.s32 v62, v24  }
0x424: {  	[tilespmem:v59+s30+$0x0] =	vst.idx.msk $0xffff, v60;
	v59 =	vand.u32 $0xFFFFFFF8, v63  }
0x425: {  	v60 =	vld.idx.msk [tilespmem:v61+s19+$0x0], $0xffff;
	v59 =	vor.u32 v4, v59;
	v61 =	vadd.s32 v25, v42  }
0x426: {  	v61 =	vor.u32 v26, v61;
	_ =	sdelay $0x2  }
0x427: {  	v63 =	vadd.s32 v62, v27  }
0x428: {  	[tilespmem:v59+s30+$0x0] =	vst.idx.msk $0xffff, v60;
	v59 =	vand.u32 $0xFFFFFFF8, v63  }
0x429: {  	v60 =	vld.idx.msk [tilespmem:v61+s19+$0x0], $0xffff;
	v59 =	vor.u32 v4, v59;
	v61 =	vadd.s32 v28, v42  }
0x42a: {  	v61 =	vor.u32 v29, v61;
	_ =	sdelay $0x2  }
0x42b: {  	v63 =	vadd.s32 v62, v30  }
0x42c: {  	[tilespmem:v59+s30+$0x0] =	vst.idx.msk $0xffff, v60;
	v59 =	vand.u32 $0xFFFFFFF8, v63  }
0x42d: {  	v60 =	vld.idx.msk [tilespmem:v61+s19+$0x0], $0xffff;
	v59 =	vor.u32 v4, v59;
	v61 =	vadd.s32 v31, v42  }
0x42e: {  	v61 =	vor.u32 v32, v61;
	_ =	sdelay $0x2  }
0x42f: {  	v63 =	vadd.s32 v62, v33  }
0x430: {  	[tilespmem:v59+s30+$0x0] =	vst.idx.msk $0xffff, v60;
	v59 =	vand.u32 $0xFFFFFFF8, v63  }
0x431: {  	v60 =	vld.idx.msk [tilespmem:v61+s19+$0x0], $0xffff;
	v59 =	vor.u32 v4, v59;
	v61 =	vadd.s32 v34, v42  }
0x432: {  	v61 =	vor.u32 v35, v61;
	_ =	sdelay $0x2  }
0x433: {  	v63 =	vadd.s32 v62, v36  }
0x434: {  	[tilespmem:v59+s30+$0x0] =	vst.idx.msk $0xffff, v60;
	v59 =	vand.u32 $0xFFFFFFF8, v63  }
0x435: {  	v60 =	vld.idx.msk [tilespmem:v61+s19+$0x0], $0xffff;
	v59 =	vor.u32 v4, v59;
	v61 =	vadd.s32 v37, v42  }
0x436: {  	v61 =	vor.u32 v38, v61;
	_ =	sdelay $0x2  }
0x437: {  	v63 =	vadd.s32 v62, v39  }
0x438: {  	[tilespmem:v59+s30+$0x0] =	vst.idx.msk $0xffff, v60;
	v59 =	vand.u32 $0xFFFFFFF8, v63  }
0x439: {  	v60 =	vld.idx.msk [tilespmem:v61+s19+$0x0], $0xffff;
	v59 =	vor.u32 v4, v59;
	v61 =	vadd.s32 v40, v42  }
0x43a: {  	v61 =	vor.u32 v41, v61;
	_ =	sdelay $0x2  }
0x43b: {  	v63 =	vadd.s32 v62, v43  }
0x43c: {  	[tilespmem:v59+s30+$0x0] =	vst.idx.msk $0xffff, v60;
	v59 =	vand.u32 $0xFFFFFFF8, v63  }
0x43d: {  	v60 =	vld.idx.msk [tilespmem:v61+s19+$0x0], $0xffff;
	v59 =	vor.u32 v4, v59;
	v61 =	vadd.s32 v44, v42  }
0x43e: {  	v61 =	vor.u32 v45, v61;
	_ =	sdelay $0x2  }
0x43f: {  	v63 =	vadd.s32 v62, v46  }
0x440: {  	[tilespmem:v59+s30+$0x0] =	vst.idx.msk $0xffff, v60;
	v59 =	vand.u32 $0xFFFFFFF8, v63  }
0x441: {  	v42 =	vadd.s32 v47, v42;
	v60 =	vld.idx.msk [tilespmem:v61+s19+$0x0], $0xffff;
	v59 =	vor.u32 v4, v59  }
0x442: {  	v42 =	vor.u32 v48, v42;
	_ =	sdelay $0x3  }
0x443: {  	s25 =	simm.s32 $0x10;
	[tilespmem:v59+s30+$0x0] =	vst.idx.msk $0xffff, v60;
	v59 =	vadd.s32 v62, v49  }
0x444: {  	s24 =	sadd.s32 s5, s24;
	s26 =	simm.s32 $0x20;
	v60 =	vor.u32 s25, v0;
	v61 =	vld.idx.msk [tilespmem:v42+s19+$0x0], $0xffff;
	v62 =	vand.u32 $0xFFFFFFF8, v59  }
.LBB2_5:
0x445: {  	p0 =	sne.s32 s26, $0x70;
	v59 =	vshll.u32 v60, $0x6;
	v42 =	vor.u32 v4, v62  }
0x446: {  	v62 =	vor.u32 v0, v59;
	_ =	sdelay $0x3  }
0x447: {  	[tilespmem:v42+s30+$0x0] =	vst.idx.msk $0xffff, v61  }
0x448: {  	v42 =	vld.idx.msk [tilespmem:v62+s19+$0x0], $0xffff  }
0x449: {  	v61 =	vor.u32 s25, v1;
	v62 =	vadd.s32 v59, v2  }
0x44a: {  	v62 =	vor.u32 v3, v62;
	_ =	sdelay $0x3  }
0x44b: {  	[tilespmem:v61+s30+$0x0] =	vst.idx.msk $0xffff, v42  }
0x44c: {  	v60 =	vand.u32 v6, v60;
	v42 =	vld.idx.msk [tilespmem:v62+s19+$0x0], $0xffff  }
0x44d: {  	v61 =	vor.u32 v5, v60;
	v62 =	vadd.s32 v59, v7  }
0x44e: {  	v62 =	vor.u32 v8, v62;
	_ =	sdelay $0x3  }
0x44f: {  	[tilespmem:v61+s30+$0x0] =	vst.idx.msk $0xffff, v42  }
0x450: {  	v42 =	vld.idx.msk [tilespmem:v62+s19+$0x0], $0xffff  }
0x451: {  	v61 =	vor.u32 v9, v60;
	v62 =	vadd.s32 v59, v10  }
0x452: {  	v62 =	vor.u32 v11, v62;
	_ =	sdelay $0x3  }
0x453: {  	[tilespmem:v61+s30+$0x0] =	vst.idx.msk $0xffff, v42  }
0x454: {  	v42 =	vld.idx.msk [tilespmem:v62+s19+$0x0], $0xffff  }
0x455: {  	v61 =	vor.u32 v12, v60;
	v62 =	vadd.s32 v59, v13  }
0x456: {  	v62 =	vor.u32 v14, v62;
	_ =	sdelay $0x3  }
0x457: {  	[tilespmem:v61+s30+$0x0] =	vst.idx.msk $0xffff, v42  }
0x458: {  	v42 =	vld.idx.msk [tilespmem:v62+s19+$0x0], $0xffff  }
0x459: {  	v61 =	vor.u32 v15, v60;
	v62 =	vadd.s32 v59, v16  }
0x45a: {  	v62 =	vor.u32 v17, v62;
	_ =	sdelay $0x3  }
0x45b: {  	[tilespmem:v61+s30+$0x0] =	vst.idx.msk $0xffff, v42  }
0x45c: {  	v42 =	vld.idx.msk [tilespmem:v62+s19+$0x0], $0xffff  }
0x45d: {  	v61 =	vor.u32 v18, v60;
	v62 =	vadd.s32 v59, v19  }
0x45e: {  	v62 =	vor.u32 v20, v62;
	_ =	sdelay $0x3  }
0x45f: {  	[tilespmem:v61+s30+$0x0] =	vst.idx.msk $0xffff, v42  }
0x460: {  	v42 =	vld.idx.msk [tilespmem:v62+s19+$0x0], $0xffff  }
0x461: {  	v61 =	vor.u32 v21, v60;
	v62 =	vadd.s32 v59, v22  }
0x462: {  	v62 =	vor.u32 v23, v62;
	_ =	sdelay $0x3  }
0x463: {  	[tilespmem:v61+s30+$0x0] =	vst.idx.msk $0xffff, v42  }
0x464: {  	v42 =	vld.idx.msk [tilespmem:v62+s19+$0x0], $0xffff  }
0x465: {  	v61 =	vor.u32 v24, v60;
	v62 =	vadd.s32 v59, v25  }
0x466: {  	v62 =	vor.u32 v26, v62;
	_ =	sdelay $0x3  }
0x467: {  	[tilespmem:v61+s30+$0x0] =	vst.idx.msk $0xffff, v42  }
0x468: {  	v42 =	vld.idx.msk [tilespmem:v62+s19+$0x0], $0xffff  }
0x469: {  	v61 =	vor.u32 v27, v60;
	v62 =	vadd.s32 v59, v28  }
0x46a: {  	v62 =	vor.u32 v29, v62;
	_ =	sdelay $0x3  }
0x46b: {  	[tilespmem:v61+s30+$0x0] =	vst.idx.msk $0xffff, v42  }
0x46c: {  	v42 =	vld.idx.msk [tilespmem:v62+s19+$0x0], $0xffff  }
0x46d: {  	v61 =	vor.u32 v30, v60;
	v62 =	vadd.s32 v59, v31  }
0x46e: {  	v62 =	vor.u32 v32, v62;
	_ =	sdelay $0x3  }
0x46f: {  	[tilespmem:v61+s30+$0x0] =	vst.idx.msk $0xffff, v42  }
0x470: {  	v42 =	vld.idx.msk [tilespmem:v62+s19+$0x0], $0xffff  }
0x471: {  	v61 =	vor.u32 v33, v60;
	v62 =	vadd.s32 v59, v34  }
0x472: {  	v62 =	vor.u32 v35, v62;
	_ =	sdelay $0x3  }
0x473: {  	[tilespmem:v61+s30+$0x0] =	vst.idx.msk $0xffff, v42  }
0x474: {  	v42 =	vld.idx.msk [tilespmem:v62+s19+$0x0], $0xffff  }
0x475: {  	v61 =	vor.u32 v36, v60;
	v62 =	vadd.s32 v59, v37  }
0x476: {  	v62 =	vor.u32 v38, v62;
	_ =	sdelay $0x3  }
0x477: {  	[tilespmem:v61+s30+$0x0] =	vst.idx.msk $0xffff, v42  }
0x478: {  	v42 =	vld.idx.msk [tilespmem:v62+s19+$0x0], $0xffff  }
0x479: {  	v61 =	vor.u32 v39, v60;
	v62 =	vadd.s32 v59, v40  }
0x47a: {  	v62 =	vor.u32 v41, v62;
	_ =	sdelay $0x3  }
0x47b: {  	[tilespmem:v61+s30+$0x0] =	vst.idx.msk $0xffff, v42  }
0x47c: {  	v42 =	vld.idx.msk [tilespmem:v62+s19+$0x0], $0xffff  }
0x47d: {  	v61 =	vor.u32 v43, v60;
	v62 =	vadd.s32 v59, v44  }
0x47e: {  	v62 =	vor.u32 v45, v62;
	_ =	sdelay $0x3  }
0x47f: {  	[tilespmem:v61+s30+$0x0] =	vst.idx.msk $0xffff, v42  }
0x480: {  	v42 =	vld.idx.msk [tilespmem:v62+s19+$0x0], $0xffff  }
0x481: {  	v61 =	vor.u32 v46, v60;
	v62 =	vadd.s32 v59, v47  }
0x482: {  	v62 =	vor.u32 v48, v62;
	_ =	sdelay $0x3  }
0x483: {  	[tilespmem:v61+s30+$0x0] =	vst.idx.msk $0xffff, v42  }
0x484: {  	v42 =	vld.idx.msk [tilespmem:v62+s19+$0x0], $0xffff  }
0x485: {  	v60 =	vor.u32 v49, v60  }
0x486: {  	v61 =	vor.u32 v51, v59;
	_ =	sdelay $0x3  }
0x487: {  	[tilespmem:v60+s30+$0x0] =	vst.idx.msk $0xffff, v42  }
0x488: {  	v60 =	vor.u32 $0x10, v59;
	v42 =	vld.idx.msk [tilespmem:v61+s19+$0x0], $0xffff  }
0x489: {  	v62 =	vor.u32 s25, v50;
	v61 =	vadd.s32 v2, v60  }
0x48a: {  	v63 =	vor.u32 v3, v61;
	_ =	sdelay $0x2  }
0x48b: {  	v61 =	vor.u32 s25, v52  }
0x48c: {  	[tilespmem:v62+s30+$0x0] =	vst.idx.msk $0xffff, v42;
	v42 =	vadd.s32 v61, v5  }
0x48d: {  	v62 =	vld.idx.msk [tilespmem:v63+s19+$0x0], $0xffff;
	v42 =	vand.u32 $0xFFFFFFF8, v42  }
0x48e: {  	v63 =	vadd.s32 v7, v60;
	v42 =	vor.u32 v4, v42  }
0x48f: {  	v63 =	vor.u32 v8, v63;
	_ =	sdelay $0x3  }
0x490: {  	[tilespmem:v42+s30+$0x0] =	vst.idx.msk $0xffff, v62;
	v42 =	vadd.s32 v61, v9  }
0x491: {  	v62 =	vld.idx.msk [tilespmem:v63+s19+$0x0], $0xffff;
	v42 =	vand.u32 $0xFFFFFFF8, v42  }
0x492: {  	v63 =	vadd.s32 v10, v60;
	v42 =	vor.u32 v4, v42  }
0x493: {  	v63 =	vor.u32 v11, v63;
	_ =	sdelay $0x3  }
0x494: {  	[tilespmem:v42+s30+$0x0] =	vst.idx.msk $0xffff, v62;
	v42 =	vadd.s32 v61, v12  }
0x495: {  	v62 =	vld.idx.msk [tilespmem:v63+s19+$0x0], $0xffff;
	v42 =	vand.u32 $0xFFFFFFF8, v42  }
0x496: {  	v63 =	vadd.s32 v13, v60;
	v42 =	vor.u32 v4, v42  }
0x497: {  	v63 =	vor.u32 v14, v63;
	_ =	sdelay $0x3  }
0x498: {  	[tilespmem:v42+s30+$0x0] =	vst.idx.msk $0xffff, v62;
	v42 =	vadd.s32 v61, v15  }
0x499: {  	v62 =	vld.idx.msk [tilespmem:v63+s19+$0x0], $0xffff;
	v42 =	vand.u32 $0xFFFFFFF8, v42  }
0x49a: {  	v63 =	vadd.s32 v16, v60;
	v42 =	vor.u32 v4, v42  }
0x49b: {  	v63 =	vor.u32 v17, v63;
	_ =	sdelay $0x3  }
0x49c: {  	[tilespmem:v42+s30+$0x0] =	vst.idx.msk $0xffff, v62;
	v42 =	vadd.s32 v61, v18  }
0x49d: {  	v62 =	vld.idx.msk [tilespmem:v63+s19+$0x0], $0xffff;
	v42 =	vand.u32 $0xFFFFFFF8, v42  }
0x49e: {  	v63 =	vadd.s32 v19, v60;
	v42 =	vor.u32 v4, v42  }
0x49f: {  	v63 =	vor.u32 v20, v63;
	_ =	sdelay $0x3  }
0x4a0: {  	[tilespmem:v42+s30+$0x0] =	vst.idx.msk $0xffff, v62;
	v42 =	vadd.s32 v61, v21  }
0x4a1: {  	v62 =	vld.idx.msk [tilespmem:v63+s19+$0x0], $0xffff;
	v42 =	vand.u32 $0xFFFFFFF8, v42  }
0x4a2: {  	v63 =	vadd.s32 v22, v60;
	v42 =	vor.u32 v4, v42  }
0x4a3: {  	v63 =	vor.u32 v23, v63;
	_ =	sdelay $0x3  }
0x4a4: {  	[tilespmem:v42+s30+$0x0] =	vst.idx.msk $0xffff, v62;
	v42 =	vadd.s32 v61, v24  }
0x4a5: {  	v62 =	vld.idx.msk [tilespmem:v63+s19+$0x0], $0xffff;
	v42 =	vand.u32 $0xFFFFFFF8, v42  }
0x4a6: {  	v63 =	vadd.s32 v25, v60;
	v42 =	vor.u32 v4, v42  }
0x4a7: {  	v63 =	vor.u32 v26, v63;
	_ =	sdelay $0x3  }
0x4a8: {  	[tilespmem:v42+s30+$0x0] =	vst.idx.msk $0xffff, v62;
	v42 =	vadd.s32 v61, v27  }
0x4a9: {  	v62 =	vld.idx.msk [tilespmem:v63+s19+$0x0], $0xffff;
	v42 =	vand.u32 $0xFFFFFFF8, v42  }
0x4aa: {  	v63 =	vadd.s32 v28, v60;
	v42 =	vor.u32 v4, v42  }
0x4ab: {  	v63 =	vor.u32 v29, v63;
	_ =	sdelay $0x3  }
0x4ac: {  	[tilespmem:v42+s30+$0x0] =	vst.idx.msk $0xffff, v62;
	v42 =	vadd.s32 v61, v30  }
0x4ad: {  	v62 =	vld.idx.msk [tilespmem:v63+s19+$0x0], $0xffff;
	v42 =	vand.u32 $0xFFFFFFF8, v42  }
0x4ae: {  	v63 =	vadd.s32 v31, v60;
	v42 =	vor.u32 v4, v42  }
0x4af: {  	v63 =	vor.u32 v32, v63;
	_ =	sdelay $0x3  }
0x4b0: {  	[tilespmem:v42+s30+$0x0] =	vst.idx.msk $0xffff, v62;
	v42 =	vadd.s32 v61, v33  }
0x4b1: {  	v62 =	vld.idx.msk [tilespmem:v63+s19+$0x0], $0xffff;
	v42 =	vand.u32 $0xFFFFFFF8, v42  }
0x4b2: {  	v63 =	vadd.s32 v34, v60;
	v42 =	vor.u32 v4, v42  }
0x4b3: {  	v63 =	vor.u32 v35, v63;
	_ =	sdelay $0x3  }
0x4b4: {  	[tilespmem:v42+s30+$0x0] =	vst.idx.msk $0xffff, v62;
	v42 =	vadd.s32 v61, v36  }
0x4b5: {  	v62 =	vld.idx.msk [tilespmem:v63+s19+$0x0], $0xffff;
	v42 =	vand.u32 $0xFFFFFFF8, v42  }
0x4b6: {  	v63 =	vadd.s32 v37, v60;
	v42 =	vor.u32 v4, v42  }
0x4b7: {  	v63 =	vor.u32 v38, v63;
	_ =	sdelay $0x3  }
0x4b8: {  	[tilespmem:v42+s30+$0x0] =	vst.idx.msk $0xffff, v62;
	v42 =	vadd.s32 v61, v39  }
0x4b9: {  	v62 =	vld.idx.msk [tilespmem:v63+s19+$0x0], $0xffff;
	v42 =	vand.u32 $0xFFFFFFF8, v42  }
0x4ba: {  	v63 =	vadd.s32 v40, v60;
	v42 =	vor.u32 v4, v42  }
0x4bb: {  	v63 =	vor.u32 v41, v63;
	_ =	sdelay $0x3  }
0x4bc: {  	[tilespmem:v42+s30+$0x0] =	vst.idx.msk $0xffff, v62;
	v42 =	vadd.s32 v61, v43  }
0x4bd: {  	v62 =	vld.idx.msk [tilespmem:v63+s19+$0x0], $0xffff;
	v42 =	vand.u32 $0xFFFFFFF8, v42  }
0x4be: {  	v63 =	vadd.s32 v44, v60;
	v42 =	vor.u32 v4, v42  }
0x4bf: {  	v63 =	vor.u32 v45, v63;
	_ =	sdelay $0x3  }
0x4c0: {  	[tilespmem:v42+s30+$0x0] =	vst.idx.msk $0xffff, v62;
	v42 =	vadd.s32 v61, v46  }
0x4c1: {  	v62 =	vld.idx.msk [tilespmem:v63+s19+$0x0], $0xffff;
	v42 =	vand.u32 $0xFFFFFFF8, v42  }
0x4c2: {  	v60 =	vadd.s32 v47, v60;
	v42 =	vor.u32 v4, v42  }
0x4c3: {  	v60 =	vor.u32 v48, v60;
	_ =	sdelay $0x3  }
0x4c4: {  	[tilespmem:v42+s30+$0x0] =	vst.idx.msk $0xffff, v62;
	v42 =	vadd.s32 v61, v49  }
0x4c5: {  	v60 =	vld.idx.msk [tilespmem:v60+s19+$0x0], $0xffff;
	v42 =	vand.u32 $0xFFFFFFF8, v42  }
0x4c6: {  	v42 =	vor.u32 v4, v42  }
0x4c7: {  	v61 =	vor.u32 v54, v59;
	_ =	sdelay $0x3  }
0x4c8: {  	[tilespmem:v42+s30+$0x0] =	vst.idx.msk $0xffff, v60  }
0x4c9: {  	v60 =	vor.u32 $0x20, v59;
	v42 =	vld.idx.msk [tilespmem:v61+s19+$0x0], $0xffff  }
0x4ca: {  	v62 =	vor.u32 s25, v53;
	v61 =	vadd.s32 v2, v60  }
0x4cb: {  	v63 =	vor.u32 v3, v61;
	_ =	sdelay $0x2  }
0x4cc: {  	v61 =	vor.u32 s25, v55  }
0x4cd: {  	[tilespmem:v62+s30+$0x0] =	vst.idx.msk $0xffff, v42;
	v42 =	vadd.s32 v61, v5  }
0x4ce: {  	v62 =	vld.idx.msk [tilespmem:v63+s19+$0x0], $0xffff;
	v42 =	vand.u32 $0xFFFFFFF8, v42  }
0x4cf: {  	v63 =	vadd.s32 v7, v60;
	v42 =	vor.u32 v4, v42  }
0x4d0: {  	v63 =	vor.u32 v8, v63;
	_ =	sdelay $0x3  }
0x4d1: {  	[tilespmem:v42+s30+$0x0] =	vst.idx.msk $0xffff, v62;
	v42 =	vadd.s32 v61, v9  }
0x4d2: {  	v62 =	vld.idx.msk [tilespmem:v63+s19+$0x0], $0xffff;
	v42 =	vand.u32 $0xFFFFFFF8, v42  }
0x4d3: {  	v63 =	vadd.s32 v10, v60;
	v42 =	vor.u32 v4, v42  }
0x4d4: {  	v63 =	vor.u32 v11, v63;
	_ =	sdelay $0x3  }
0x4d5: {  	[tilespmem:v42+s30+$0x0] =	vst.idx.msk $0xffff, v62;
	v42 =	vadd.s32 v61, v12  }
0x4d6: {  	v62 =	vld.idx.msk [tilespmem:v63+s19+$0x0], $0xffff;
	v42 =	vand.u32 $0xFFFFFFF8, v42  }
0x4d7: {  	v63 =	vadd.s32 v13, v60;
	v42 =	vor.u32 v4, v42  }
0x4d8: {  	v63 =	vor.u32 v14, v63;
	_ =	sdelay $0x3  }
0x4d9: {  	[tilespmem:v42+s30+$0x0] =	vst.idx.msk $0xffff, v62;
	v42 =	vadd.s32 v61, v15  }
0x4da: {  	v62 =	vld.idx.msk [tilespmem:v63+s19+$0x0], $0xffff;
	v42 =	vand.u32 $0xFFFFFFF8, v42  }
0x4db: {  	v63 =	vadd.s32 v16, v60;
	v42 =	vor.u32 v4, v42  }
0x4dc: {  	v63 =	vor.u32 v17, v63;
	_ =	sdelay $0x3  }
0x4dd: {  	[tilespmem:v42+s30+$0x0] =	vst.idx.msk $0xffff, v62;
	v42 =	vadd.s32 v61, v18  }
0x4de: {  	v62 =	vld.idx.msk [tilespmem:v63+s19+$0x0], $0xffff;
	v42 =	vand.u32 $0xFFFFFFF8, v42  }
0x4df: {  	v63 =	vadd.s32 v19, v60;
	v42 =	vor.u32 v4, v42  }
0x4e0: {  	v63 =	vor.u32 v20, v63;
	_ =	sdelay $0x3  }
0x4e1: {  	[tilespmem:v42+s30+$0x0] =	vst.idx.msk $0xffff, v62;
	v42 =	vadd.s32 v61, v21  }
0x4e2: {  	v62 =	vld.idx.msk [tilespmem:v63+s19+$0x0], $0xffff;
	v42 =	vand.u32 $0xFFFFFFF8, v42  }
0x4e3: {  	v63 =	vadd.s32 v22, v60;
	v42 =	vor.u32 v4, v42  }
0x4e4: {  	v63 =	vor.u32 v23, v63;
	_ =	sdelay $0x3  }
0x4e5: {  	[tilespmem:v42+s30+$0x0] =	vst.idx.msk $0xffff, v62;
	v42 =	vadd.s32 v61, v24  }
0x4e6: {  	v62 =	vld.idx.msk [tilespmem:v63+s19+$0x0], $0xffff;
	v42 =	vand.u32 $0xFFFFFFF8, v42  }
0x4e7: {  	v63 =	vadd.s32 v25, v60;
	v42 =	vor.u32 v4, v42  }
0x4e8: {  	v63 =	vor.u32 v26, v63;
	_ =	sdelay $0x3  }
0x4e9: {  	[tilespmem:v42+s30+$0x0] =	vst.idx.msk $0xffff, v62;
	v42 =	vadd.s32 v61, v27  }
0x4ea: {  	v62 =	vld.idx.msk [tilespmem:v63+s19+$0x0], $0xffff;
	v42 =	vand.u32 $0xFFFFFFF8, v42  }
0x4eb: {  	v63 =	vadd.s32 v28, v60;
	v42 =	vor.u32 v4, v42  }
0x4ec: {  	v63 =	vor.u32 v29, v63;
	_ =	sdelay $0x3  }
0x4ed: {  	[tilespmem:v42+s30+$0x0] =	vst.idx.msk $0xffff, v62;
	v42 =	vadd.s32 v61, v30  }
0x4ee: {  	v62 =	vld.idx.msk [tilespmem:v63+s19+$0x0], $0xffff;
	v42 =	vand.u32 $0xFFFFFFF8, v42  }
0x4ef: {  	v63 =	vadd.s32 v31, v60;
	v42 =	vor.u32 v4, v42  }
0x4f0: {  	v63 =	vor.u32 v32, v63;
	_ =	sdelay $0x3  }
0x4f1: {  	[tilespmem:v42+s30+$0x0] =	vst.idx.msk $0xffff, v62;
	v42 =	vadd.s32 v61, v33  }
0x4f2: {  	v62 =	vld.idx.msk [tilespmem:v63+s19+$0x0], $0xffff;
	v42 =	vand.u32 $0xFFFFFFF8, v42  }
0x4f3: {  	v63 =	vadd.s32 v34, v60;
	v42 =	vor.u32 v4, v42  }
0x4f4: {  	v63 =	vor.u32 v35, v63;
	_ =	sdelay $0x3  }
0x4f5: {  	[tilespmem:v42+s30+$0x0] =	vst.idx.msk $0xffff, v62;
	v42 =	vadd.s32 v61, v36  }
0x4f6: {  	v62 =	vld.idx.msk [tilespmem:v63+s19+$0x0], $0xffff;
	v42 =	vand.u32 $0xFFFFFFF8, v42  }
0x4f7: {  	v63 =	vadd.s32 v37, v60;
	v42 =	vor.u32 v4, v42  }
0x4f8: {  	v63 =	vor.u32 v38, v63;
	_ =	sdelay $0x3  }
0x4f9: {  	[tilespmem:v42+s30+$0x0] =	vst.idx.msk $0xffff, v62;
	v42 =	vadd.s32 v61, v39  }
0x4fa: {  	v62 =	vld.idx.msk [tilespmem:v63+s19+$0x0], $0xffff;
	v42 =	vand.u32 $0xFFFFFFF8, v42  }
0x4fb: {  	v63 =	vadd.s32 v40, v60;
	v42 =	vor.u32 v4, v42  }
0x4fc: {  	v63 =	vor.u32 v41, v63;
	_ =	sdelay $0x3  }
0x4fd: {  	[tilespmem:v42+s30+$0x0] =	vst.idx.msk $0xffff, v62;
	v42 =	vadd.s32 v61, v43  }
0x4fe: {  	v62 =	vld.idx.msk [tilespmem:v63+s19+$0x0], $0xffff;
	v42 =	vand.u32 $0xFFFFFFF8, v42  }
0x4ff: {  	v63 =	vadd.s32 v44, v60;
	v42 =	vor.u32 v4, v42  }
0x500: {  	v63 =	vor.u32 v45, v63;
	_ =	sdelay $0x3  }
0x501: {  	[tilespmem:v42+s30+$0x0] =	vst.idx.msk $0xffff, v62;
	v42 =	vadd.s32 v61, v46  }
0x502: {  	v62 =	vld.idx.msk [tilespmem:v63+s19+$0x0], $0xffff;
	v42 =	vand.u32 $0xFFFFFFF8, v42  }
0x503: {  	v60 =	vadd.s32 v47, v60;
	v42 =	vor.u32 v4, v42  }
0x504: {  	v60 =	vor.u32 v48, v60;
	_ =	sdelay $0x3  }
0x505: {  	[tilespmem:v42+s30+$0x0] =	vst.idx.msk $0xffff, v62;
	v42 =	vadd.s32 v61, v49  }
0x506: {  	v60 =	vld.idx.msk [tilespmem:v60+s19+$0x0], $0xffff;
	v42 =	vand.u32 $0xFFFFFFF8, v42  }
0x507: {  	v42 =	vor.u32 v4, v42  }
0x508: {  	v61 =	vor.u32 v57, v59;
	_ =	sdelay $0x3  }
0x509: {  	[tilespmem:v42+s30+$0x0] =	vst.idx.msk $0xffff, v60  }
0x50a: {  	v59 =	vor.u32 $0x30, v59;
	v42 =	vld.idx.msk [tilespmem:v61+s19+$0x0], $0xffff  }
0x50b: {  	v60 =	vadd.s32 v2, v59;
	v61 =	vor.u32 s25, v56  }
0x50c: {  	v62 =	vor.u32 v3, v60;
	_ =	sdelay $0x2  }
0x50d: {  	v60 =	vor.u32 s25, v58;
	s25 =	smov.u32 s26  }
0x50e: {  	[tilespmem:v61+s30+$0x0] =	vst.idx.msk $0xffff, v42;
	v42 =	vadd.s32 v60, v5  }
0x50f: {  	v61 =	vld.idx.msk [tilespmem:v62+s19+$0x0], $0xffff;
	v42 =	vand.u32 $0xFFFFFFF8, v42  }
0x510: {  	v62 =	vadd.s32 v7, v59;
	v42 =	vor.u32 v4, v42  }
0x511: {  	v62 =	vor.u32 v8, v62;
	_ =	sdelay $0x3  }
0x512: {  	[tilespmem:v42+s30+$0x0] =	vst.idx.msk $0xffff, v61;
	v42 =	vadd.s32 v60, v9  }
0x513: {  	v61 =	vld.idx.msk [tilespmem:v62+s19+$0x0], $0xffff;
	v42 =	vand.u32 $0xFFFFFFF8, v42  }
0x514: {  	v62 =	vadd.s32 v10, v59;
	v42 =	vor.u32 v4, v42  }
0x515: {  	v62 =	vor.u32 v11, v62;
	_ =	sdelay $0x3  }
0x516: {  	[tilespmem:v42+s30+$0x0] =	vst.idx.msk $0xffff, v61;
	v42 =	vadd.s32 v60, v12  }
0x517: {  	v61 =	vld.idx.msk [tilespmem:v62+s19+$0x0], $0xffff;
	v42 =	vand.u32 $0xFFFFFFF8, v42  }
0x518: {  	v62 =	vadd.s32 v13, v59;
	v42 =	vor.u32 v4, v42  }
0x519: {  	v62 =	vor.u32 v14, v62;
	_ =	sdelay $0x3  }
0x51a: {  	[tilespmem:v42+s30+$0x0] =	vst.idx.msk $0xffff, v61;
	v42 =	vadd.s32 v60, v15  }
0x51b: {  	v61 =	vld.idx.msk [tilespmem:v62+s19+$0x0], $0xffff;
	v42 =	vand.u32 $0xFFFFFFF8, v42  }
0x51c: {  	v62 =	vadd.s32 v16, v59;
	v42 =	vor.u32 v4, v42  }
0x51d: {  	v62 =	vor.u32 v17, v62;
	_ =	sdelay $0x3  }
0x51e: {  	[tilespmem:v42+s30+$0x0] =	vst.idx.msk $0xffff, v61;
	v42 =	vadd.s32 v60, v18  }
0x51f: {  	v61 =	vld.idx.msk [tilespmem:v62+s19+$0x0], $0xffff;
	v42 =	vand.u32 $0xFFFFFFF8, v42  }
0x520: {  	v62 =	vadd.s32 v19, v59;
	v42 =	vor.u32 v4, v42  }
0x521: {  	v62 =	vor.u32 v20, v62;
	_ =	sdelay $0x3  }
0x522: {  	[tilespmem:v42+s30+$0x0] =	vst.idx.msk $0xffff, v61;
	v42 =	vadd.s32 v60, v21  }
0x523: {  	v61 =	vld.idx.msk [tilespmem:v62+s19+$0x0], $0xffff;
	v42 =	vand.u32 $0xFFFFFFF8, v42  }
0x524: {  	v62 =	vadd.s32 v22, v59;
	v42 =	vor.u32 v4, v42  }
0x525: {  	v62 =	vor.u32 v23, v62;
	_ =	sdelay $0x3  }
0x526: {  	[tilespmem:v42+s30+$0x0] =	vst.idx.msk $0xffff, v61;
	v42 =	vadd.s32 v60, v24  }
0x527: {  	v61 =	vld.idx.msk [tilespmem:v62+s19+$0x0], $0xffff;
	v42 =	vand.u32 $0xFFFFFFF8, v42  }
0x528: {  	v62 =	vadd.s32 v25, v59;
	v42 =	vor.u32 v4, v42  }
0x529: {  	v62 =	vor.u32 v26, v62;
	_ =	sdelay $0x3  }
0x52a: {  	[tilespmem:v42+s30+$0x0] =	vst.idx.msk $0xffff, v61;
	v42 =	vadd.s32 v60, v27  }
0x52b: {  	v61 =	vld.idx.msk [tilespmem:v62+s19+$0x0], $0xffff;
	v42 =	vand.u32 $0xFFFFFFF8, v42  }
0x52c: {  	v62 =	vadd.s32 v28, v59;
	v42 =	vor.u32 v4, v42  }
0x52d: {  	v62 =	vor.u32 v29, v62;
	_ =	sdelay $0x3  }
0x52e: {  	[tilespmem:v42+s30+$0x0] =	vst.idx.msk $0xffff, v61;
	v42 =	vadd.s32 v60, v30  }
0x52f: {  	v61 =	vld.idx.msk [tilespmem:v62+s19+$0x0], $0xffff;
	v42 =	vand.u32 $0xFFFFFFF8, v42  }
0x530: {  	v62 =	vadd.s32 v31, v59;
	v42 =	vor.u32 v4, v42  }
0x531: {  	v62 =	vor.u32 v32, v62;
	_ =	sdelay $0x3  }
0x532: {  	[tilespmem:v42+s30+$0x0] =	vst.idx.msk $0xffff, v61;
	v42 =	vadd.s32 v60, v33  }
0x533: {  	v61 =	vld.idx.msk [tilespmem:v62+s19+$0x0], $0xffff;
	v42 =	vand.u32 $0xFFFFFFF8, v42  }
0x534: {  	v62 =	vadd.s32 v34, v59;
	v42 =	vor.u32 v4, v42  }
0x535: {  	v62 =	vor.u32 v35, v62;
	_ =	sdelay $0x3  }
0x536: {  	[tilespmem:v42+s30+$0x0] =	vst.idx.msk $0xffff, v61;
	v42 =	vadd.s32 v60, v36  }
0x537: {  	v61 =	vld.idx.msk [tilespmem:v62+s19+$0x0], $0xffff;
	v42 =	vand.u32 $0xFFFFFFF8, v42  }
0x538: {  	v62 =	vadd.s32 v37, v59;
	v42 =	vor.u32 v4, v42  }
0x539: {  	v62 =	vor.u32 v38, v62;
	_ =	sdelay $0x3  }
0x53a: {  	[tilespmem:v42+s30+$0x0] =	vst.idx.msk $0xffff, v61;
	v42 =	vadd.s32 v60, v39  }
0x53b: {  	v61 =	vld.idx.msk [tilespmem:v62+s19+$0x0], $0xffff;
	v42 =	vand.u32 $0xFFFFFFF8, v42  }
0x53c: {  	v62 =	vadd.s32 v40, v59;
	v42 =	vor.u32 v4, v42  }
0x53d: {  	v62 =	vor.u32 v41, v62;
	_ =	sdelay $0x3  }
0x53e: {  	[tilespmem:v42+s30+$0x0] =	vst.idx.msk $0xffff, v61;
	v42 =	vadd.s32 v60, v43  }
0x53f: {  	v61 =	vld.idx.msk [tilespmem:v62+s19+$0x0], $0xffff;
	v42 =	vand.u32 $0xFFFFFFF8, v42  }
0x540: {  	v62 =	vadd.s32 v44, v59;
	v42 =	vor.u32 v4, v42  }
0x541: {  	v62 =	vor.u32 v45, v62;
	_ =	sdelay $0x3  }
0x542: {  	[tilespmem:v42+s30+$0x0] =	vst.idx.msk $0xffff, v61;
	v42 =	vadd.s32 v60, v46  }
0x543: {  	v61 =	vld.idx.msk [tilespmem:v62+s19+$0x0], $0xffff;
	v42 =	vand.u32 $0xFFFFFFF8, v42  }
0x544: {  	v59 =	vadd.s32 v47, v59;
	v42 =	vor.u32 v4, v42  }
0x545: {  	v59 =	vor.u32 v48, v59  }
.Ltmp1:
0x546: {  	(pc) =	sbr.rel @p0 .LBB2_5-.Ltmp1, $3  }
0x547: {  	_ =	sdelay $0x1  }
0x548: {  	[tilespmem:v42+s30+$0x0] =	vst.idx.msk $0xffff, v61;
	v42 =	vadd.s32 v60, v49  }
0x549: {  	s26 =	sadd.s32 $0x10, s26;
	v60 =	vor.u32 s25, v0;
	v61 =	vld.idx.msk [tilespmem:v59+s19+$0x0], $0xffff;
	v62 =	vand.u32 $0xFFFFFFF8, v42  }
0x54a: {  	v59 =	vshll.u32 v60, $0x6;
	v42 =	vor.u32 v4, v62  }
0x54b: {  	v62 =	vor.u32 v0, v59;
	_ =	sdelay $0x3  }
0x54c: {  	[tilespmem:v42+s30+$0x0] =	vst.idx.msk $0xffff, v61  }
0x54d: {  	v61 =	vor.u32 s25, v1;
	v42 =	vld.idx.msk [tilespmem:v62+s19+$0x0], $0xffff;
	v62 =	vadd.s32 v59, v2  }
0x54e: {  	v62 =	vor.u32 v3, v62;
	_ =	sdelay $0x3  }
0x54f: {  	[tilespmem:v61+s30+$0x0] =	vst.idx.msk $0xffff, v42;
	v42 =	vand.u32 v6, v60  }
0x550: {  	v60 =	vld.idx.msk [tilespmem:v62+s19+$0x0], $0xffff;
	v61 =	vor.u32 v5, v42;
	v62 =	vadd.s32 v59, v7  }
0x551: {  	v62 =	vor.u32 v8, v62;
	_ =	sdelay $0x3  }
0x552: {  	[tilespmem:v61+s30+$0x0] =	vst.idx.msk $0xffff, v60  }
0x553: {  	v61 =	vor.u32 v9, v42;
	v60 =	vld.idx.msk [tilespmem:v62+s19+$0x0], $0xffff;
	v62 =	vadd.s32 v59, v10  }
0x554: {  	v62 =	vor.u32 v11, v62;
	_ =	sdelay $0x3  }
0x555: {  	[tilespmem:v61+s30+$0x0] =	vst.idx.msk $0xffff, v60  }
0x556: {  	v61 =	vor.u32 v12, v42;
	v60 =	vld.idx.msk [tilespmem:v62+s19+$0x0], $0xffff;
	v62 =	vadd.s32 v59, v13  }
0x557: {  	v62 =	vor.u32 v14, v62;
	_ =	sdelay $0x3  }
0x558: {  	[tilespmem:v61+s30+$0x0] =	vst.idx.msk $0xffff, v60  }
0x559: {  	v61 =	vor.u32 v15, v42;
	v60 =	vld.idx.msk [tilespmem:v62+s19+$0x0], $0xffff;
	v62 =	vadd.s32 v59, v16  }
0x55a: {  	v62 =	vor.u32 v17, v62;
	_ =	sdelay $0x3  }
0x55b: {  	[tilespmem:v61+s30+$0x0] =	vst.idx.msk $0xffff, v60  }
0x55c: {  	v61 =	vor.u32 v18, v42;
	v60 =	vld.idx.msk [tilespmem:v62+s19+$0x0], $0xffff;
	v62 =	vadd.s32 v59, v19  }
0x55d: {  	v62 =	vor.u32 v20, v62;
	_ =	sdelay $0x3  }
0x55e: {  	[tilespmem:v61+s30+$0x0] =	vst.idx.msk $0xffff, v60  }
0x55f: {  	v61 =	vor.u32 v21, v42;
	v60 =	vld.idx.msk [tilespmem:v62+s19+$0x0], $0xffff;
	v62 =	vadd.s32 v59, v22  }
0x560: {  	v62 =	vor.u32 v23, v62;
	_ =	sdelay $0x3  }
0x561: {  	[tilespmem:v61+s30+$0x0] =	vst.idx.msk $0xffff, v60  }
0x562: {  	v61 =	vor.u32 v24, v42;
	v60 =	vld.idx.msk [tilespmem:v62+s19+$0x0], $0xffff;
	v62 =	vadd.s32 v59, v25  }
0x563: {  	v62 =	vor.u32 v26, v62;
	_ =	sdelay $0x3  }
0x564: {  	[tilespmem:v61+s30+$0x0] =	vst.idx.msk $0xffff, v60  }
0x565: {  	v61 =	vor.u32 v27, v42;
	v60 =	vld.idx.msk [tilespmem:v62+s19+$0x0], $0xffff;
	v62 =	vadd.s32 v59, v28  }
0x566: {  	v62 =	vor.u32 v29, v62;
	_ =	sdelay $0x3  }
0x567: {  	[tilespmem:v61+s30+$0x0] =	vst.idx.msk $0xffff, v60  }
0x568: {  	v61 =	vor.u32 v30, v42;
	v60 =	vld.idx.msk [tilespmem:v62+s19+$0x0], $0xffff;
	v62 =	vadd.s32 v59, v31  }
0x569: {  	v62 =	vor.u32 v32, v62;
	_ =	sdelay $0x3  }
0x56a: {  	[tilespmem:v61+s30+$0x0] =	vst.idx.msk $0xffff, v60  }
0x56b: {  	v61 =	vor.u32 v33, v42;
	v60 =	vld.idx.msk [tilespmem:v62+s19+$0x0], $0xffff;
	v62 =	vadd.s32 v59, v34  }
0x56c: {  	v62 =	vor.u32 v35, v62;
	_ =	sdelay $0x3  }
0x56d: {  	[tilespmem:v61+s30+$0x0] =	vst.idx.msk $0xffff, v60  }
0x56e: {  	v61 =	vor.u32 v36, v42;
	v60 =	vld.idx.msk [tilespmem:v62+s19+$0x0], $0xffff;
	v62 =	vadd.s32 v59, v37  }
0x56f: {  	v62 =	vor.u32 v38, v62;
	_ =	sdelay $0x3  }
0x570: {  	[tilespmem:v61+s30+$0x0] =	vst.idx.msk $0xffff, v60  }
0x571: {  	v61 =	vor.u32 v39, v42;
	v60 =	vld.idx.msk [tilespmem:v62+s19+$0x0], $0xffff;
	v62 =	vadd.s32 v59, v40  }
0x572: {  	v62 =	vor.u32 v41, v62;
	_ =	sdelay $0x3  }
0x573: {  	[tilespmem:v61+s30+$0x0] =	vst.idx.msk $0xffff, v60  }
0x574: {  	v61 =	vor.u32 v43, v42;
	v60 =	vld.idx.msk [tilespmem:v62+s19+$0x0], $0xffff;
	v62 =	vadd.s32 v59, v44  }
0x575: {  	v62 =	vor.u32 v45, v62;
	_ =	sdelay $0x3  }
0x576: {  	[tilespmem:v61+s30+$0x0] =	vst.idx.msk $0xffff, v60  }
0x577: {  	v61 =	vor.u32 v46, v42;
	v60 =	vld.idx.msk [tilespmem:v62+s19+$0x0], $0xffff;
	v62 =	vadd.s32 v59, v47  }
0x578: {  	v62 =	vor.u32 v48, v62;
	_ =	sdelay $0x3  }
0x579: {  	[tilespmem:v61+s30+$0x0] =	vst.idx.msk $0xffff, v60  }
0x57a: {  	v42 =	vor.u32 v49, v42;
	v60 =	vld.idx.msk [tilespmem:v62+s19+$0x0], $0xffff  }
0x57b: {  	v51 =	vor.u32 v51, v59;
	_ =	sdelay $0x3  }
0x57c: {  	[tilespmem:v42+s30+$0x0] =	vst.idx.msk $0xffff, v60;
	v42 =	vor.u32 $0x10, v59  }
0x57d: {  	v50 =	vor.u32 s25, v50;
	v51 =	vld.idx.msk [tilespmem:v51+s19+$0x0], $0xffff;
	v60 =	vadd.s32 v2, v42  }
0x57e: {  	v60 =	vor.u32 v3, v60;
	_ =	sdelay $0x1  }
0x57f: {  	v52 =	vor.u32 s25, v52  }
0x580: {  	v61 =	vadd.s32 v52, v5  }
0x581: {  	v62 =	vand.u32 $0xFFFFFFF8, v61;
	[tilespmem:v50+s30+$0x0] =	vst.idx.msk $0xffff, v51  }
0x582: {  	v50 =	vor.u32 v4, v62;
	v51 =	vld.idx.msk [tilespmem:v60+s19+$0x0], $0xffff;
	v60 =	vadd.s32 v7, v42  }
0x583: {  	v60 =	vor.u32 v8, v60;
	_ =	sdelay $0x2  }
0x584: {  	v61 =	vadd.s32 v52, v9  }
0x585: {  	v63 =	vand.u32 $0xFFFFFFF8, v61;
	[tilespmem:v50+s30+$0x0] =	vst.idx.msk $0xffff, v51  }
0x586: {  	v50 =	vor.u32 v4, v63;
	v51 =	vld.idx.msk [tilespmem:v60+s19+$0x0], $0xffff;
	v60 =	vadd.s32 v10, v42  }
0x587: {  	v60 =	vor.u32 v11, v60;
	_ =	sdelay $0x2  }
0x588: {  	v61 =	vadd.s32 v52, v12  }
0x589: {  	v61 =	vand.u32 $0xFFFFFFF8, v61;
	[tilespmem:v50+s30+$0x0] =	vst.idx.msk $0xffff, v51  }
0x58a: {  	v50 =	vor.u32 v4, v61;
	v51 =	vld.idx.msk [tilespmem:v60+s19+$0x0], $0xffff;
	v60 =	vadd.s32 v13, v42  }
0x58b: {  	v60 =	vor.u32 v14, v60;
	_ =	sdelay $0x2  }
0x58c: {  	v61 =	vadd.s32 v52, v15  }
0x58d: {  	v62 =	vand.u32 $0xFFFFFFF8, v61;
	[tilespmem:v50+s30+$0x0] =	vst.idx.msk $0xffff, v51  }
0x58e: {  	v50 =	vor.u32 v4, v62;
	v51 =	vld.idx.msk [tilespmem:v60+s19+$0x0], $0xffff;
	v60 =	vadd.s32 v16, v42  }
0x58f: {  	v60 =	vor.u32 v17, v60;
	_ =	sdelay $0x2  }
0x590: {  	v61 =	vadd.s32 v52, v18  }
0x591: {  	v63 =	vand.u32 $0xFFFFFFF8, v61;
	[tilespmem:v50+s30+$0x0] =	vst.idx.msk $0xffff, v51  }
0x592: {  	v50 =	vor.u32 v4, v63;
	v51 =	vld.idx.msk [tilespmem:v60+s19+$0x0], $0xffff;
	v60 =	vadd.s32 v19, v42  }
0x593: {  	v60 =	vor.u32 v20, v60;
	_ =	sdelay $0x2  }
0x594: {  	v61 =	vadd.s32 v52, v21  }
0x595: {  	v61 =	vand.u32 $0xFFFFFFF8, v61;
	[tilespmem:v50+s30+$0x0] =	vst.idx.msk $0xffff, v51  }
0x596: {  	v50 =	vor.u32 v4, v61;
	v51 =	vld.idx.msk [tilespmem:v60+s19+$0x0], $0xffff;
	v60 =	vadd.s32 v22, v42  }
0x597: {  	v60 =	vor.u32 v23, v60;
	_ =	sdelay $0x2  }
0x598: {  	v61 =	vadd.s32 v52, v24  }
0x599: {  	v62 =	vand.u32 $0xFFFFFFF8, v61;
	[tilespmem:v50+s30+$0x0] =	vst.idx.msk $0xffff, v51  }
0x59a: {  	v50 =	vor.u32 v4, v62;
	v51 =	vld.idx.msk [tilespmem:v60+s19+$0x0], $0xffff;
	v60 =	vadd.s32 v25, v42  }
0x59b: {  	v60 =	vor.u32 v26, v60;
	_ =	sdelay $0x2  }
0x59c: {  	v61 =	vadd.s32 v52, v27  }
0x59d: {  	v63 =	vand.u32 $0xFFFFFFF8, v61;
	[tilespmem:v50+s30+$0x0] =	vst.idx.msk $0xffff, v51  }
0x59e: {  	v50 =	vor.u32 v4, v63;
	v51 =	vld.idx.msk [tilespmem:v60+s19+$0x0], $0xffff;
	v60 =	vadd.s32 v28, v42  }
0x59f: {  	v60 =	vor.u32 v29, v60;
	_ =	sdelay $0x2  }
0x5a0: {  	v61 =	vadd.s32 v52, v30  }
0x5a1: {  	v61 =	vand.u32 $0xFFFFFFF8, v61;
	[tilespmem:v50+s30+$0x0] =	vst.idx.msk $0xffff, v51  }
0x5a2: {  	v50 =	vor.u32 v4, v61;
	v51 =	vld.idx.msk [tilespmem:v60+s19+$0x0], $0xffff;
	v60 =	vadd.s32 v31, v42  }
0x5a3: {  	v60 =	vor.u32 v32, v60;
	_ =	sdelay $0x2  }
0x5a4: {  	v61 =	vadd.s32 v52, v33  }
0x5a5: {  	v62 =	vand.u32 $0xFFFFFFF8, v61;
	[tilespmem:v50+s30+$0x0] =	vst.idx.msk $0xffff, v51  }
0x5a6: {  	v50 =	vor.u32 v4, v62;
	v51 =	vld.idx.msk [tilespmem:v60+s19+$0x0], $0xffff;
	v60 =	vadd.s32 v34, v42  }
0x5a7: {  	v60 =	vor.u32 v35, v60;
	_ =	sdelay $0x2  }
0x5a8: {  	v61 =	vadd.s32 v52, v36  }
0x5a9: {  	v63 =	vand.u32 $0xFFFFFFF8, v61;
	[tilespmem:v50+s30+$0x0] =	vst.idx.msk $0xffff, v51  }
0x5aa: {  	v50 =	vor.u32 v4, v63;
	v51 =	vld.idx.msk [tilespmem:v60+s19+$0x0], $0xffff;
	v60 =	vadd.s32 v37, v42  }
0x5ab: {  	v60 =	vor.u32 v38, v60;
	_ =	sdelay $0x2  }
0x5ac: {  	v61 =	vadd.s32 v52, v39  }
0x5ad: {  	v61 =	vand.u32 $0xFFFFFFF8, v61;
	[tilespmem:v50+s30+$0x0] =	vst.idx.msk $0xffff, v51  }
0x5ae: {  	v50 =	vor.u32 v4, v61;
	v51 =	vld.idx.msk [tilespmem:v60+s19+$0x0], $0xffff;
	v60 =	vadd.s32 v40, v42  }
0x5af: {  	v60 =	vor.u32 v41, v60;
	_ =	sdelay $0x2  }
0x5b0: {  	v61 =	vadd.s32 v52, v43  }
0x5b1: {  	v62 =	vand.u32 $0xFFFFFFF8, v61;
	[tilespmem:v50+s30+$0x0] =	vst.idx.msk $0xffff, v51  }
0x5b2: {  	v50 =	vor.u32 v4, v62;
	v51 =	vld.idx.msk [tilespmem:v60+s19+$0x0], $0xffff;
	v60 =	vadd.s32 v44, v42  }
0x5b3: {  	v60 =	vor.u32 v45, v60;
	_ =	sdelay $0x2  }
0x5b4: {  	v61 =	vadd.s32 v52, v46  }
0x5b5: {  	v63 =	vand.u32 $0xFFFFFFF8, v61;
	[tilespmem:v50+s30+$0x0] =	vst.idx.msk $0xffff, v51  }
0x5b6: {  	v42 =	vadd.s32 v47, v42;
	v50 =	vor.u32 v4, v63;
	v51 =	vld.idx.msk [tilespmem:v60+s19+$0x0], $0xffff  }
0x5b7: {  	v42 =	vor.u32 v48, v42;
	_ =	sdelay $0x2  }
0x5b8: {  	v52 =	vadd.s32 v52, v49  }
0x5b9: {  	v60 =	vand.u32 $0xFFFFFFF8, v52;
	[tilespmem:v50+s30+$0x0] =	vst.idx.msk $0xffff, v51  }
0x5ba: {  	v50 =	vor.u32 v4, v60;
	v42 =	vld.idx.msk [tilespmem:v42+s19+$0x0], $0xffff  }
0x5bb: {  	v61 =	vor.u32 v54, v59;
	_ =	sdelay $0x3  }
0x5bc: {  	[tilespmem:v50+s30+$0x0] =	vst.idx.msk $0xffff, v42;
	v42 =	vor.u32 $0x20, v59  }
0x5bd: {  	v62 =	vor.u32 s25, v53;
	v50 =	vld.idx.msk [tilespmem:v61+s19+$0x0], $0xffff;
	v63 =	vadd.s32 v2, v42  }
0x5be: {  	v52 =	vor.u32 v3, v63;
	_ =	sdelay $0x1  }
0x5bf: {  	v53 =	vor.u32 s25, v55  }
0x5c0: {  	v60 =	vadd.s32 v53, v5  }
0x5c1: {  	v61 =	vand.u32 $0xFFFFFFF8, v60;
	[tilespmem:v62+s30+$0x0] =	vst.idx.msk $0xffff, v50  }
0x5c2: {  	v50 =	vor.u32 v4, v61;
	v62 =	vadd.s32 v7, v42;
	v51 =	vld.idx.msk [tilespmem:v52+s19+$0x0], $0xffff  }
0x5c3: {  	v52 =	vor.u32 v8, v62;
	_ =	sdelay $0x2  }
0x5c4: {  	v63 =	vadd.s32 v53, v9  }
0x5c5: {  	v55 =	vand.u32 $0xFFFFFFF8, v63;
	[tilespmem:v50+s30+$0x0] =	vst.idx.msk $0xffff, v51  }
0x5c6: {  	v60 =	vadd.s32 v10, v42;
	v50 =	vor.u32 v4, v55;
	v51 =	vld.idx.msk [tilespmem:v52+s19+$0x0], $0xffff  }
0x5c7: {  	v52 =	vor.u32 v11, v60;
	_ =	sdelay $0x2  }
0x5c8: {  	v61 =	vadd.s32 v53, v12  }
0x5c9: {  	v62 =	vand.u32 $0xFFFFFFF8, v61;
	[tilespmem:v50+s30+$0x0] =	vst.idx.msk $0xffff, v51  }
0x5ca: {  	v63 =	vadd.s32 v13, v42;
	v50 =	vor.u32 v4, v62;
	v51 =	vld.idx.msk [tilespmem:v52+s19+$0x0], $0xffff  }
0x5cb: {  	v52 =	vor.u32 v14, v63;
	_ =	sdelay $0x2  }
0x5cc: {  	v60 =	vadd.s32 v53, v15  }
0x5cd: {  	v61 =	vand.u32 $0xFFFFFFF8, v60;
	[tilespmem:v50+s30+$0x0] =	vst.idx.msk $0xffff, v51  }
0x5ce: {  	v62 =	vadd.s32 v16, v42;
	v50 =	vor.u32 v4, v61;
	v51 =	vld.idx.msk [tilespmem:v52+s19+$0x0], $0xffff  }
0x5cf: {  	v52 =	vor.u32 v17, v62;
	_ =	sdelay $0x2  }
0x5d0: {  	v63 =	vadd.s32 v53, v18  }
0x5d1: {  	v55 =	vand.u32 $0xFFFFFFF8, v63;
	[tilespmem:v50+s30+$0x0] =	vst.idx.msk $0xffff, v51  }
0x5d2: {  	v60 =	vadd.s32 v19, v42;
	v50 =	vor.u32 v4, v55;
	v51 =	vld.idx.msk [tilespmem:v52+s19+$0x0], $0xffff  }
0x5d3: {  	v52 =	vor.u32 v20, v60;
	_ =	sdelay $0x2  }
0x5d4: {  	v61 =	vadd.s32 v53, v21  }
0x5d5: {  	v62 =	vand.u32 $0xFFFFFFF8, v61;
	[tilespmem:v50+s30+$0x0] =	vst.idx.msk $0xffff, v51  }
0x5d6: {  	v63 =	vadd.s32 v22, v42;
	v50 =	vor.u32 v4, v62;
	v51 =	vld.idx.msk [tilespmem:v52+s19+$0x0], $0xffff  }
0x5d7: {  	v52 =	vor.u32 v23, v63;
	_ =	sdelay $0x2  }
0x5d8: {  	v60 =	vadd.s32 v53, v24  }
0x5d9: {  	v61 =	vand.u32 $0xFFFFFFF8, v60;
	[tilespmem:v50+s30+$0x0] =	vst.idx.msk $0xffff, v51  }
0x5da: {  	v62 =	vadd.s32 v25, v42;
	v50 =	vor.u32 v4, v61;
	v51 =	vld.idx.msk [tilespmem:v52+s19+$0x0], $0xffff  }
0x5db: {  	v52 =	vor.u32 v26, v62;
	_ =	sdelay $0x2  }
0x5dc: {  	v63 =	vadd.s32 v53, v27  }
0x5dd: {  	v55 =	vand.u32 $0xFFFFFFF8, v63;
	[tilespmem:v50+s30+$0x0] =	vst.idx.msk $0xffff, v51  }
0x5de: {  	v60 =	vadd.s32 v28, v42;
	v50 =	vor.u32 v4, v55;
	v51 =	vld.idx.msk [tilespmem:v52+s19+$0x0], $0xffff  }
0x5df: {  	v52 =	vor.u32 v29, v60;
	_ =	sdelay $0x2  }
0x5e0: {  	v61 =	vadd.s32 v53, v30  }
0x5e1: {  	v62 =	vand.u32 $0xFFFFFFF8, v61;
	[tilespmem:v50+s30+$0x0] =	vst.idx.msk $0xffff, v51  }
0x5e2: {  	v63 =	vadd.s32 v31, v42;
	v50 =	vor.u32 v4, v62;
	v51 =	vld.idx.msk [tilespmem:v52+s19+$0x0], $0xffff  }
0x5e3: {  	v52 =	vor.u32 v32, v63;
	_ =	sdelay $0x2  }
0x5e4: {  	v60 =	vadd.s32 v53, v33  }
0x5e5: {  	v61 =	vand.u32 $0xFFFFFFF8, v60;
	[tilespmem:v50+s30+$0x0] =	vst.idx.msk $0xffff, v51  }
0x5e6: {  	v62 =	vadd.s32 v34, v42;
	v50 =	vor.u32 v4, v61;
	v51 =	vld.idx.msk [tilespmem:v52+s19+$0x0], $0xffff  }
0x5e7: {  	v52 =	vor.u32 v35, v62;
	_ =	sdelay $0x2  }
0x5e8: {  	v63 =	vadd.s32 v53, v36  }
0x5e9: {  	v55 =	vand.u32 $0xFFFFFFF8, v63;
	[tilespmem:v50+s30+$0x0] =	vst.idx.msk $0xffff, v51  }
0x5ea: {  	v60 =	vadd.s32 v37, v42;
	v50 =	vor.u32 v4, v55;
	v51 =	vld.idx.msk [tilespmem:v52+s19+$0x0], $0xffff  }
0x5eb: {  	v52 =	vor.u32 v38, v60;
	_ =	sdelay $0x2  }
0x5ec: {  	v61 =	vadd.s32 v53, v39  }
0x5ed: {  	v62 =	vand.u32 $0xFFFFFFF8, v61;
	[tilespmem:v50+s30+$0x0] =	vst.idx.msk $0xffff, v51  }
0x5ee: {  	v63 =	vadd.s32 v40, v42;
	v50 =	vor.u32 v4, v62;
	v51 =	vld.idx.msk [tilespmem:v52+s19+$0x0], $0xffff  }
0x5ef: {  	v52 =	vor.u32 v41, v63;
	_ =	sdelay $0x2  }
0x5f0: {  	v60 =	vadd.s32 v53, v43  }
0x5f1: {  	v61 =	vand.u32 $0xFFFFFFF8, v60;
	[tilespmem:v50+s30+$0x0] =	vst.idx.msk $0xffff, v51  }
0x5f2: {  	v62 =	vadd.s32 v44, v42;
	v50 =	vor.u32 v4, v61;
	v51 =	vld.idx.msk [tilespmem:v52+s19+$0x0], $0xffff  }
0x5f3: {  	v52 =	vor.u32 v45, v62;
	_ =	sdelay $0x2  }
0x5f4: {  	v63 =	vadd.s32 v53, v46  }
0x5f5: {  	v55 =	vand.u32 $0xFFFFFFF8, v63;
	[tilespmem:v50+s30+$0x0] =	vst.idx.msk $0xffff, v51  }
0x5f6: {  	v42 =	vadd.s32 v47, v42;
	v50 =	vor.u32 v4, v55;
	v51 =	vld.idx.msk [tilespmem:v52+s19+$0x0], $0xffff  }
0x5f7: {  	v42 =	vor.u32 v48, v42;
	_ =	sdelay $0x2  }
0x5f8: {  	v60 =	vadd.s32 v53, v49  }
0x5f9: {  	v61 =	vand.u32 $0xFFFFFFF8, v60;
	[tilespmem:v50+s30+$0x0] =	vst.idx.msk $0xffff, v51  }
0x5fa: {  	v50 =	vor.u32 v4, v61;
	v42 =	vld.idx.msk [tilespmem:v42+s19+$0x0], $0xffff  }
0x5fb: {  	v62 =	vor.u32 v57, v59;
	_ =	sdelay $0x3  }
0x5fc: {  	[tilespmem:v50+s30+$0x0] =	vst.idx.msk $0xffff, v42;
	v42 =	vor.u32 $0x30, v59  }
0x5fd: {  	v63 =	vor.u32 s25, v56;
	v50 =	vld.idx.msk [tilespmem:v62+s19+$0x0], $0xffff;
	v56 =	vadd.s32 v2, v42  }
0x5fe: {  	v52 =	vor.u32 v3, v56;
	_ =	sdelay $0x1  }
0x5ff: {  	v53 =	vor.u32 s25, v58  }
0x600: {  	v57 =	vadd.s32 v53, v5  }
0x601: {  	v58 =	vand.u32 $0xFFFFFFF8, v57;
	[tilespmem:v63+s30+$0x0] =	vst.idx.msk $0xffff, v50  }
0x602: {  	v59 =	vadd.s32 v7, v42;
	v50 =	vor.u32 v4, v58;
	v51 =	vld.idx.msk [tilespmem:v52+s19+$0x0], $0xffff  }
0x603: {  	v52 =	vor.u32 v8, v59;
	_ =	sdelay $0x2  }
0x604: {  	v60 =	vadd.s32 v53, v9  }
0x605: {  	v61 =	vand.u32 $0xFFFFFFF8, v60;
	[tilespmem:v50+s30+$0x0] =	vst.idx.msk $0xffff, v51  }
0x606: {  	v62 =	vadd.s32 v10, v42;
	v50 =	vor.u32 v4, v61;
	v51 =	vld.idx.msk [tilespmem:v52+s19+$0x0], $0xffff  }
0x607: {  	v52 =	vor.u32 v11, v62;
	_ =	sdelay $0x2  }
0x608: {  	v63 =	vadd.s32 v53, v12  }
0x609: {  	v55 =	vand.u32 $0xFFFFFFF8, v63;
	[tilespmem:v50+s30+$0x0] =	vst.idx.msk $0xffff, v51  }
0x60a: {  	v56 =	vadd.s32 v13, v42;
	v50 =	vor.u32 v4, v55;
	v51 =	vld.idx.msk [tilespmem:v52+s19+$0x0], $0xffff  }
0x60b: {  	v52 =	vor.u32 v14, v56;
	_ =	sdelay $0x2  }
0x60c: {  	v57 =	vadd.s32 v53, v15  }
0x60d: {  	v58 =	vand.u32 $0xFFFFFFF8, v57;
	[tilespmem:v50+s30+$0x0] =	vst.idx.msk $0xffff, v51  }
0x60e: {  	v59 =	vadd.s32 v16, v42;
	v50 =	vor.u32 v4, v58;
	v51 =	vld.idx.msk [tilespmem:v52+s19+$0x0], $0xffff  }
0x60f: {  	v52 =	vor.u32 v17, v59;
	_ =	sdelay $0x2  }
0x610: {  	v60 =	vadd.s32 v53, v18  }
0x611: {  	v61 =	vand.u32 $0xFFFFFFF8, v60;
	[tilespmem:v50+s30+$0x0] =	vst.idx.msk $0xffff, v51  }
0x612: {  	v62 =	vadd.s32 v19, v42;
	v50 =	vor.u32 v4, v61;
	v51 =	vld.idx.msk [tilespmem:v52+s19+$0x0], $0xffff  }
0x613: {  	v52 =	vor.u32 v20, v62;
	_ =	sdelay $0x2  }
0x614: {  	v63 =	vadd.s32 v53, v21  }
0x615: {  	v55 =	vand.u32 $0xFFFFFFF8, v63;
	[tilespmem:v50+s30+$0x0] =	vst.idx.msk $0xffff, v51  }
0x616: {  	v56 =	vadd.s32 v22, v42;
	v50 =	vor.u32 v4, v55;
	v51 =	vld.idx.msk [tilespmem:v52+s19+$0x0], $0xffff  }
0x617: {  	v52 =	vor.u32 v23, v56;
	_ =	sdelay $0x2  }
0x618: {  	v57 =	vadd.s32 v53, v24  }
0x619: {  	v58 =	vand.u32 $0xFFFFFFF8, v57;
	[tilespmem:v50+s30+$0x0] =	vst.idx.msk $0xffff, v51  }
0x61a: {  	v59 =	vadd.s32 v25, v42;
	v50 =	vor.u32 v4, v58;
	v51 =	vld.idx.msk [tilespmem:v52+s19+$0x0], $0xffff  }
0x61b: {  	v52 =	vor.u32 v26, v59;
	_ =	sdelay $0x2  }
0x61c: {  	v60 =	vadd.s32 v53, v27  }
0x61d: {  	v61 =	vand.u32 $0xFFFFFFF8, v60;
	[tilespmem:v50+s30+$0x0] =	vst.idx.msk $0xffff, v51  }
0x61e: {  	v62 =	vadd.s32 v28, v42;
	v50 =	vor.u32 v4, v61;
	v51 =	vld.idx.msk [tilespmem:v52+s19+$0x0], $0xffff  }
0x61f: {  	v52 =	vor.u32 v29, v62;
	_ =	sdelay $0x2  }
0x620: {  	v63 =	vadd.s32 v53, v30  }
0x621: {  	v55 =	vand.u32 $0xFFFFFFF8, v63;
	[tilespmem:v50+s30+$0x0] =	vst.idx.msk $0xffff, v51  }
0x622: {  	v56 =	vadd.s32 v31, v42;
	v50 =	vor.u32 v4, v55;
	v51 =	vld.idx.msk [tilespmem:v52+s19+$0x0], $0xffff  }
0x623: {  	v52 =	vor.u32 v32, v56;
	_ =	sdelay $0x2  }
0x624: {  	v57 =	vadd.s32 v53, v33  }
0x625: {  	v58 =	vand.u32 $0xFFFFFFF8, v57;
	[tilespmem:v50+s30+$0x0] =	vst.idx.msk $0xffff, v51  }
0x626: {  	v59 =	vadd.s32 v34, v42;
	v50 =	vor.u32 v4, v58;
	v51 =	vld.idx.msk [tilespmem:v52+s19+$0x0], $0xffff  }
0x627: {  	v52 =	vor.u32 v35, v59;
	_ =	sdelay $0x2  }
0x628: {  	v60 =	vadd.s32 v53, v36  }
0x629: {  	v61 =	vand.u32 $0xFFFFFFF8, v60;
	[tilespmem:v50+s30+$0x0] =	vst.idx.msk $0xffff, v51  }
0x62a: {  	v62 =	vadd.s32 v37, v42;
	v50 =	vor.u32 v4, v61;
	v51 =	vld.idx.msk [tilespmem:v52+s19+$0x0], $0xffff  }
0x62b: {  	v52 =	vor.u32 v38, v62;
	_ =	sdelay $0x2  }
0x62c: {  	v63 =	vadd.s32 v53, v39  }
0x62d: {  	v56 =	vand.u32 $0xFFFFFFF8, v63;
	[tilespmem:v50+s30+$0x0] =	vst.idx.msk $0xffff, v51  }
0x62e: {  	v57 =	vadd.s32 v40, v42;
	v50 =	vor.u32 v4, v56;
	v51 =	vld.idx.msk [tilespmem:v52+s19+$0x0], $0xffff  }
0x62f: {  	v52 =	vor.u32 v41, v57;
	_ =	sdelay $0x2  }
0x630: {  	v58 =	vadd.s32 v53, v43  }
0x631: {  	v59 =	vand.u32 $0xFFFFFFF8, v58;
	[tilespmem:v50+s30+$0x0] =	vst.idx.msk $0xffff, v51  }
0x632: {  	v60 =	vadd.s32 v44, v42;
	v50 =	vor.u32 v4, v59;
	v51 =	vld.idx.msk [tilespmem:v52+s19+$0x0], $0xffff  }
0x633: {  	v52 =	vor.u32 v45, v60;
	_ =	sdelay $0x2  }
0x634: {  	v61 =	vadd.s32 v53, v46  }
0x635: {  	v62 =	vand.u32 $0xFFFFFFF8, v61;
	[tilespmem:v50+s30+$0x0] =	vst.idx.msk $0xffff, v51  }
0x636: {  	v42 =	vadd.s32 v47, v42;
	v50 =	vor.u32 v4, v62;
	v51 =	vld.idx.msk [tilespmem:v52+s19+$0x0], $0xffff  }
0x637: {  	v42 =	vor.u32 v48, v42;
	_ =	sdelay $0x2  }
0x638: {  	v63 =	vadd.s32 v53, v49  }
0x639: {  	v49 =	vand.u32 $0xFFFFFFF8, v63;
	[tilespmem:v50+s30+$0x0] =	vst.idx.msk $0xffff, v51  }
0x63a: {  	v49 =	vor.u32 v4, v49;
	v42 =	vld.idx.msk [tilespmem:v42+s19+$0x0], $0xffff;
	_ =	sdelay $0x1  }
0x63b: {  	s26 =	sshll.u32 s24, $0xA;
	s28 =	sshll.u32 s24, $0x7  }
0x63c: {  	s24 =	sand.u32 $0x3F80, s28;
	s25 =	sand.u32 $0xFFE0000, s26  }
0x63d: {  	s24 =	sor.u32 s24, s25  }
0x63e: {  	s25 =	sadd.s32 s2, s24;
	[tilespmem:v49+s30+$0x0] =	vst.idx.msk $0xffff, v42  }
0x63f: {  	[hbm4b:s25+s3] =	stream.linear.scatter [tilespmem:s30], [sflag:$0x4], $0x400, $0x38;
	[tilespmem:$0xE400] =	vst v63  }
0x640: {  	s26 =	sadd.s32 s24, s7  }
0x641: {  	[hbm4b:s26+s3] =	stream.linear.scatter [tilespmem:s31], [sflag:$0x4], $0x400, $0x38;
	[tilespmem:$0xE400] =	vst v63  }
0x642: {  	s28 =	sadd.s32 s24, s8  }
0x643: {  	[hbm4b:s28+s3] =	stream.linear.scatter [tilespmem:s1], [sflag:$0x4], $0x400, $0x38;
	[tilespmem:$0xE400] =	vst v63  }
0x644: {  	s26 =	sadd.s32 s24, s9  }
0x645: {  	[hbm4b:s26+s3] =	stream.linear.scatter [tilespmem:s0], [sflag:$0x4], $0x400, $0x38;
	[tilespmem:$0xE400] =	vst v63  }
0x646: {  	s23 =	sadd.s32 $0x1, s23;
	s28 =	sadd.s32 s24, s10  }
0x647: {  	[hbm4b:s28+s3] =	stream.linear.scatter [tilespmem:s6], [sflag:$0x4], $0x400, $0x38;
	[tilespmem:$0xE400] =	vst v63  }
0x648: {  	p0 =	sne.s32 s23, $0x64;
	s26 =	sadd.s32 s24, s11  }
0x649: {  	[hbm4b:s26+s3] =	stream.linear.scatter [tilespmem:s14], [sflag:$0x4], $0x400, $0x38;
	[tilespmem:$0xE400] =	vst v63  }
.Ltmp2:
0x64a: {  	_ = 	snop;
	(pc) =	sbr.rel @p0 .LBB2_2-.Ltmp2, $4  }
0x64b: {  	s28 =	sadd.s32 s24, s12  }
0x64c: {  	[hbm4b:s28+s3] =	stream.linear.scatter [tilespmem:s15], [sflag:$0x4], $0x400, $0x38;
	[tilespmem:$0xE400] =	vst v63  }
0x64d: {  	s24 =	sadd.s32 s24, s13  }
0x64e: {  	[hbm4b:s24+s3] =	stream.linear.scatter [tilespmem:s21], [sflag:$0x4], $0x400, $0x38;
	[tilespmem:$0xE400] =	vst v63  }
0x64f: {  	s23 =	simm.s32 $0x3  }
0x650: {  	_ =	swait.ge [sflag:s23], $0x400  }
0x651: {  	[sflag:s23] =	ssyncset.done $0x0  }
0x652: {  	[sflag:s23] =	ssyncadd.s32 $0xFFFFFC00  }
0x653: {  	_ =	swait.ge [sflag:s23], $0x400  }
0x654: {  	[sflag:s23] =	ssyncset.done $0x0  }
0x655: {  	[sflag:s23] =	ssyncadd.s32 $0xFFFFFC00  }
0x656: {  	_ =	swait.ge [sflag:s23], $0x400  }
0x657: {  	[sflag:s23] =	ssyncset.done $0x0  }
0x658: {  	[sflag:s23] =	ssyncadd.s32 $0xFFFFFC00  }
0x659: {  	_ =	swait.ge [sflag:s23], $0x400  }
0x65a: {  	[sflag:s23] =	ssyncset.done $0x0  }
0x65b: {  	[sflag:s23] =	ssyncadd.s32 $0xFFFFFC00  }
0x65c: {  	_ =	swait.ge [sflag:s23], $0x400  }
0x65d: {  	[sflag:s23] =	ssyncset.done $0x0  }
0x65e: {  	[sflag:s23] =	ssyncadd.s32 $0xFFFFFC00  }
0x65f: {  	_ =	swait.ge [sflag:s23], $0x400  }
0x660: {  	[sflag:s23] =	ssyncset.done $0x0  }
0x661: {  	[sflag:s23] =	ssyncadd.s32 $0xFFFFFC00  }
0x662: {  	_ =	swait.ge [sflag:s23], $0x400  }
0x663: {  	[sflag:s23] =	ssyncset.done $0x0  }
0x664: {  	[sflag:s23] =	ssyncadd.s32 $0xFFFFFC00  }
0x665: {  	_ =	swait.ge [sflag:s23], $0x400  }
0x666: {  	[sflag:s23] =	ssyncset.done $0x0  }
0x667: {  	[sflag:s23] =	ssyncadd.s32 $0xFFFFFC00  }
0x668: {  	_ =	swait.ge [sflag:s22], $0x400  }
0x669: {  	[sflag:s22] =	ssyncset.done $0x0  }
0x66a: {  	[sflag:s22] =	ssyncadd.s32 $0xFFFFFC00  }
0x66b: {  	_ =	swait.ge [sflag:s22], $0x400  }
0x66c: {  	[sflag:s22] =	ssyncset.done $0x0  }
0x66d: {  	[sflag:s22] =	ssyncadd.s32 $0xFFFFFC00  }
0x66e: {  	_ =	swait.ge [sflag:s22], $0x400  }
0x66f: {  	[sflag:s22] =	ssyncset.done $0x0  }
0x670: {  	[sflag:s22] =	ssyncadd.s32 $0xFFFFFC00  }
0x671: {  	_ =	swait.ge [sflag:s22], $0x400  }
0x672: {  	[sflag:s22] =	ssyncset.done $0x0  }
0x673: {  	[sflag:s22] =	ssyncadd.s32 $0xFFFFFC00  }
0x674: {  	_ =	swait.ge [sflag:s22], $0x400  }
0x675: {  	[sflag:s22] =	ssyncset.done $0x0  }
0x676: {  	[sflag:s22] =	ssyncadd.s32 $0xFFFFFC00  }
0x677: {  	_ =	swait.ge [sflag:s22], $0x400  }
0x678: {  	[sflag:s22] =	ssyncset.done $0x0  }
0x679: {  	[sflag:s22] =	ssyncadd.s32 $0xFFFFFC00  }
0x67a: {  	_ =	swait.ge [sflag:s22], $0x400  }
0x67b: {  	[sflag:s22] =	ssyncset.done $0x0  }
0x67c: {  	[sflag:s22] =	ssyncadd.s32 $0xFFFFFC00  }
0x67d: {  	_ =	swait.ge [sflag:s22], $0x400  }
0x67e: {  	s24 =	rddreg [dreg:$0x5]  }
0x67f: {  	s28 =	rddreg [dreg:$0x4];
	s24 =	sadd.s32 $0x1, s24  }
0x680: {  	p0 =	sne.s32 s24, s28  }
.Ltmp3:
0x681: {  	_ = 	snop;
	(pc) =	sbr.rel @p0 .LBB2_1-.Ltmp3, $3  }
0x682: {  	_ =	sdelay $0x1  }
0x683: {  	[sflag:s22] =	ssyncset.done $0x0  }
0x684: {  	[sflag:s22] =	ssyncadd.s32 $0xFFFFFC00  }
0x685: {  	_ =	sfence.sel $0x180000  }
0x686: {  	[bflag:$0x0] =	sbarrier.arrive $0xFFFF  }
0x687: {  	_ =	strace $0x90000047  }
0x688: {  	s0 =	stileid.u32;
	[bflag:$0x2] =	sbarrier.arrive $0xFFFF  }
0x689: {  	p0 =	sne.s32 s0, $0x0;
	s0 =	rddreg [dreg:$0x2]  }
0x68a: {  	s0 =	sadd.s32 @!p0 $0x100000, s0  }
0x68b: {  	[sflag:s0] =	ssyncadd.tile.s32 @!p0 $0x1;
	_ =	shalt  }
.Lfunc_end2:
_tile_overlayer_lowered:
.L_overlay_start_2:
0x68c: {  	(tag) =	ssettag $0x2  }
0x68d: {  	s0 =	rddreg [dreg:$0x0];
	s2 =	stileid.u32  }
0x68e: {  	s1 =	rddreg [dreg:$0x1];
	p0 =	sne.s32 s2, $0x0  }
0x68f: {  	s3 =	rddreg [dreg:$0x2];
	[bflag:$0x3] =	sbarrier.arrive $0xFFFF;
	s2 =	simm.s32 @!p0 $0x1C05  }
0x690: {  	[timem:s3], [sflag:s2] =	dma.local @!p0 [hbm:s0], s1  }
0x691: {  	s0 =	simm.s32 @!p0 $0x5  }
0x692: {  	_ =	swait.ge @!p0 [sflag:s0], s1  }
0x693: {  	s1 =	ssub.s32 @!p0 $0x0, s1;
	[sflag:s0] =	ssyncset.done @!p0 $0x0  }
0x694: {  	[sflag:s0] =	ssyncadd.s32 @!p0 s1  }
0x695: {  	[bflag:$0x3] =	sbarrier.arrive $0xFFFF  }
0x696: {  	_ =	shalt  }

</sc_bundles>
